<compile_context>
chip_gen: v7x
topology: tpu7x:2x2x1
jax: 0.10.2.dev20260603
libtpu: 0.0.44.dev20260713+nightly
codegen_flags: <defaults>
</compile_context>

<pallas_src>
import functools

import jax
import jax.numpy as jnp
from jax import lax
from jax.experimental import pallas as pl
from jax.experimental.pallas import tpu as pltpu
from jax.experimental.pallas import tpu_sc as plsc

NC = 2
NS = 16
L = 16
BATCH = 16


@functools.lru_cache(maxsize=None)
def _edge_pass(V, F, E):
    R = E // 128
    CH = 12
    NW = NC * NS
    full_chunks = R // CH
    tail_rows = R % CH
    per = full_chunks // NW
    rem = full_chunks % NW

    span = ((F + NS - 1) // NS + 7) // 8 * 8
    last = F - (NS - 1) * span
    ZB = 1024
    z_full, z_tail = span // ZB, span % ZB
    zl_full, zl_tail = last // ZB, last % ZB

    mesh = plsc.VectorSubcoreMesh(core_axis_name="c", subcore_axis_name="s")

    NBUF = 3

    @functools.partial(
        pl.kernel,
        out_type=(jax.ShapeDtypeStruct((F,), jnp.float32),
                  jax.ShapeDtypeStruct((F,), jnp.float32)),
        mesh=mesh,
        scratch_types=(
            [pltpu.VMEM((V,), jnp.float32)]
            + [pltpu.VMEM((2, CH * 128), jnp.int32)] * NBUF
            + [pltpu.VMEM((CH * 128,), jnp.float32)] * NBUF
            + [pltpu.VMEM((CH * 128,), jnp.float32)] * NBUF
            + [pltpu.VMEM((ZB,), jnp.float32)]
            + [pltpu.VMEM_SHARED((F,), jnp.float32)]
            + [pltpu.SemaphoreType.DMA] * NBUF
            + [pltpu.SemaphoreType.DMA] * NBUF
            + [pltpu.SemaphoreType.DMA]
        ),
        compiler_params=pltpu.CompilerParams(needs_layout_passes=False),
    )
    def k(vp_h, gm_h, ef_h, out0_h, out1_h, vp_v,
          gmb0, gmb1, gmb2, ef0, ef1, ef2, ev0, ev1, ev2,
          zb_v, acc_s, isem0, isem1, isem2, ssem0, ssem1, ssem2,
          vp_sem):
        gm_b = (gmb0, gmb1, gmb2)
        ef_b = (ef0, ef1, ef2)
        ev_b = (ev0, ev1, ev2)
        isem = (isem0, isem1, isem2)
        ssem = (ssem0, ssem1, ssem2)

        cid = lax.axis_index("c")
        sid = lax.axis_index("s")
        wid = sid * NC + cid

        nch = per + jnp.where(wid < rem, 1, 0)
        ch0 = wid * per + jnp.minimum(wid, rem)

        CW = CH * 128

        def issue_inputs(g, b):
            e0 = (ch0 + g) * CW
            pltpu.async_copy(gm_h.at[:, pl.ds(e0, CW)], gm_b[b], isem[b])
            pltpu.async_copy(ef_h.at[pl.ds(e0, CW)], ef_b[b], isem[b])

        def drain_inputs(b):
            pltpu.make_async_copy(gm_h.at[:, pl.ds(0, CW)], gm_b[b],
                                  isem[b]).wait()
            pltpu.make_async_copy(ef_h.at[pl.ds(0, CW)], ef_b[b],
                                  isem[b]).wait()

        def drain_scatter(b):
            pltpu.make_async_copy(ef_h.at[pl.ds(0, CW)], ev_b[b],
                                  ssem[b]).wait()

        issue_inputs(0, 0)
        vp_d = pltpu.async_copy(vp_h, vp_v, vp_sem)

        def zb_body(i, _):
            zb_v[pl.ds(i * L, L)] = jnp.zeros((L,), jnp.float32)
            return 0
        lax.fori_loop(0, ZB // L, zb_body, 0)

        base = sid * span

        def z_body(j, _):
            pltpu.sync_copy(zb_v, acc_s.at[pl.ds(base + j * ZB, ZB)])
            return 0
        nfull_z = jnp.where(sid == NS - 1, zl_full, z_full)
        lax.fori_loop(0, nfull_z, z_body, 0)
        if z_tail:
            @pl.when(sid != NS - 1)
            def _():
                pltpu.sync_copy(zb_v.at[pl.ds(0, z_tail)],
                                acc_s.at[pl.ds(base + z_full * ZB, z_tail)])
        if zl_tail:
            @pl.when(sid == NS - 1)
            def _():
                pltpu.sync_copy(zb_v.at[pl.ds(0, zl_tail)],
                                acc_s.at[pl.ds(base + zl_full * ZB, zl_tail)])

        vp_d.wait()
        plsc.subcore_barrier()

        def compute_vectors(b, nvec_valid):
            def vec(i, _):
                idx = gm_b[b][0, pl.ds(i * L, L)]
                vv = plsc.load_gather(vp_v, [idx])
                e = ef_b[b][pl.ds(i * L, L)]
                t = e * vv + (1.0 - e) * 0.5
                ev = jnp.where(t > 0.5, 1.0, 0.0)
                if nvec_valid is not None:
                    ev = ev * (i < nvec_valid).astype(jnp.float32)
                ev_b[b][pl.ds(i * L, L)] = ev
                return 0
            lax.fori_loop(0, CH * 8, vec, 0)

        def scatter_rows(b):
            for r in range(CH):
                pltpu.async_copy(
                    ev_b[b].at[pl.ds(r * 128, 128)],
                    acc_s.at[gm_b[b].at[1, pl.ds(r * 128, 128)]],
                    ssem[b], add=True)

        def chunk(g, _):
            for X in range(NBUF):
                @pl.when(g % NBUF == X)
                def _(X=X):
                    bn = (X + 1) % NBUF

                    @pl.when(g >= 2)
                    def _():
                        drain_scatter(bn)

                    @pl.when(g + 1 < nch)
                    def _():
                        issue_inputs(g + 1, bn)

                    drain_inputs(X)
                    compute_vectors(X, None)
                    scatter_rows(X)
            return 0
        lax.fori_loop(0, nch, chunk, 0)

        if rem > 0:
            @pl.when(wid < rem)
            def _():
                drain_scatter((per - 1) % NBUF)
                drain_scatter(per % NBUF)

        @pl.when(wid >= rem)
        def _():
            drain_scatter((per - 2) % NBUF)
            drain_scatter((per - 1) % NBUF)

        if tail_rows:
            @pl.when(wid == NW - 1)
            def _():
                e0 = full_chunks * CW
                tw = tail_rows * 128
                pltpu.sync_copy(gm_h.at[:, pl.ds(e0, tw)],
                                gm_b[0].at[:, pl.ds(0, tw)])
                pltpu.sync_copy(ef_h.at[pl.ds(e0, tw)],
                                ef_b[0].at[pl.ds(0, tw)])
                compute_vectors(0, tail_rows * 8)
                scatter_rows(0)
                drain_scatter(0)

        plsc.subcore_barrier()

        for c, out_h in ((0, out0_h), (1, out1_h)):
            @pl.when(cid == c)
            def _(out_h=out_h):
                def wb(j, _):
                    off = base + j * ZB
                    pltpu.sync_copy(acc_s.at[pl.ds(off, ZB)], zb_v)
                    pltpu.sync_copy(zb_v, out_h.at[pl.ds(off, ZB)])
                    return 0
                lax.fori_loop(0, nfull_z, wb, 0)
                if z_tail:
                    @pl.when(sid != NS - 1)
                    def _():
                        off = base + z_full * ZB
                        pltpu.sync_copy(acc_s.at[pl.ds(off, z_tail)],
                                        zb_v.at[pl.ds(0, z_tail)])
                        pltpu.sync_copy(zb_v.at[pl.ds(0, z_tail)],
                                        out_h.at[pl.ds(off, z_tail)])
                if zl_tail:
                    @pl.when(sid == NS - 1)
                    def _():
                        off = base + zl_full * ZB
                        pltpu.sync_copy(acc_s.at[pl.ds(off, zl_tail)],
                                        zb_v.at[pl.ds(0, zl_tail)])
                        pltpu.sync_copy(zb_v.at[pl.ds(0, zl_tail)],
                                        out_h.at[pl.ds(off, zl_tail)])

    return k


@functools.lru_cache(maxsize=None)
def _finalize(V, F):
    span = ((F + NS - 1) // NS + 7) // 8 * 8
    last = F - (NS - 1) * span

    mesh = plsc.VectorSubcoreMesh(core_axis_name="c", subcore_axis_name="s",
                                  num_cores=1)

    @functools.partial(
        pl.kernel,
        out_type=(jax.ShapeDtypeStruct((F,), jnp.float32),
                  jax.ShapeDtypeStruct((BATCH,), jnp.float32),
                  jax.ShapeDtypeStruct((BATCH,), jnp.float32)),
        mesh=mesh,
        scratch_types=[
            pltpu.VMEM((span,), jnp.float32),
            pltpu.VMEM((span,), jnp.float32),
            pltpu.VMEM((span,), jnp.int32),
            pltpu.VMEM((span,), jnp.float32),
            pltpu.VMEM((2, BATCH, L), jnp.float32),
            pltpu.VMEM((2 * BATCH,), jnp.float32),
            pltpu.VMEM((NS * 2 * BATCH,), jnp.float32),
            pltpu.VMEM((L,), jnp.int32),
            pltpu.VMEM_SHARED((NS * 2 * BATCH,), jnp.float32),
        ],
        compiler_params=pltpu.CompilerParams(needs_layout_passes=False),
    )
    def k(part0_h, part1_h, bfm_h, bvm_h, cv_h, sat_h, dif_h,
          p0_v, p1_v, bf_v, cv_v, acc_v, st_v, red_v, bv_v, sh_s):
        sid = lax.axis_index("s")
        base = sid * span

        @pl.when(sid != NS - 1)
        def _():
            pltpu.sync_copy(part0_h.at[pl.ds(base, span)], p0_v)
            pltpu.sync_copy(part1_h.at[pl.ds(base, span)], p1_v)
            pltpu.sync_copy(bfm_h.at[pl.ds(base, span)], bf_v)

        @pl.when(sid == NS - 1)
        def _():
            pltpu.sync_copy(part0_h.at[pl.ds(base, last)],
                            p0_v.at[pl.ds(0, last)])
            pltpu.sync_copy(part1_h.at[pl.ds(base, last)],
                            p1_v.at[pl.ds(0, last)])
            pltpu.sync_copy(bfm_h.at[pl.ds(base, last)],
                            bf_v.at[pl.ds(0, last)])

        for a in range(2):
            for b in range(BATCH):
                acc_v[a, b, pl.ds(0, L)] = jnp.zeros((L,), jnp.float32)

        nvec = jnp.where(sid == NS - 1, last // L, span // L)

        def vec(i, _):
            s = p0_v[pl.ds(i * L, L)] + p1_v[pl.ds(i * L, L)]
            cv = jnp.where(s > 0.0, 1.0, 0.0)
            cv_v[pl.ds(i * L, L)] = cv
            bf = bf_v[pl.ds(i * L, L)]
            for b in range(BATCH):
                mf = jnp.where(bf == b, 1.0, 0.0)
                plsc.addupdate(acc_v.at[0, b], mf * cv)
                plsc.addupdate(acc_v.at[1, b], mf)
            return 0
        lax.fori_loop(0, nvec, vec, 0)

        lanes = lax.iota(jnp.int32, L)
        for a in range(2):
            packed = jnp.zeros((L,), jnp.float32)
            for b in range(BATCH):
                s = jnp.sum(acc_v[a, b, pl.ds(0, L)])
                packed = jnp.where(lanes == b, s, packed)
            st_v[pl.ds(a * BATCH, BATCH)] = packed

        pltpu.sync_copy(st_v, sh_s.at[pl.ds(sid * 2 * BATCH, 2 * BATCH)])
        plsc.subcore_barrier()

        @pl.when(sid != NS - 1)
        def _():
            pltpu.sync_copy(cv_v, cv_h.at[pl.ds(base, span)])

        @pl.when(sid == NS - 1)
        def _():
            pltpu.sync_copy(cv_v.at[pl.ds(0, last)], cv_h.at[pl.ds(base, last)])

        @pl.when(sid == 0)
        def _():
            pltpu.sync_copy(sh_s, red_v)
            sums = jnp.zeros((L,), jnp.float32)
            cnts = jnp.zeros((L,), jnp.float32)
            for t in range(NS):
                sums = sums + red_v[pl.ds(t * 2 * BATCH, BATCH)]
                cnts = cnts + red_v[pl.ds(t * 2 * BATCH + BATCH, BATCH)]
            pltpu.sync_copy(bvm_h.at[pl.ds(V - L, L)], bv_v)
            mx = jnp.max(bv_v[pl.ds(0, L)])
            bs = ((mx + 1) // BATCH).astype(jnp.float32)
            max_sat = bs * cnts
            sat = jnp.where(max_sat == sums, 1.0, 0.0)
            dif = max_sat - sums
            st_v[pl.ds(0, BATCH)] = sat
            st_v[pl.ds(BATCH, BATCH)] = dif
            pltpu.sync_copy(st_v.at[pl.ds(0, BATCH)], sat_h)
            pltpu.sync_copy(st_v.at[pl.ds(BATCH, BATCH)], dif_h)

    return k


def kernel(variable_prediction, graph_map, batch_variable_map,
           batch_function_map, edge_feature):
    V = variable_prediction.shape[0]
    E = graph_map.shape[1]
    F = batch_function_map.shape[0]

    vp = variable_prediction[:, 0]
    ef1 = edge_feature[:, 0]

    partial0, partial1 = _edge_pass(V, F, E)(vp, graph_map, ef1)
    cv, sat, dif = _finalize(V, F)(partial0, partial1, batch_function_map,
                                   batch_variable_map)
    return ((sat[:, None], dif[:, None], graph_map, cv[:, None]), None)

# --- scband reference (transcript-rebuilt; emitter-appended) ---
"""Pipeline reference for scband-sat-cnfevaluator-73761768341585 (READ-ONLY COPY).

The authoritative reference and input builder live on the scoring server;
editing this copy changes nothing except your own understanding.
"""

import jax, jax.numpy as jnp
import numpy as np


def setup_inputs(seed: int = 0) -> dict:
    key = jax.random.key(seed)
    V = 100000   # variables
    F = 100000   # clauses (functions)
    E = 3200000  # literal occurrences (edges)
    B = 16       # batch of CNF instances
    k1, k2, k3, k4, k5, k6 = jax.random.split(key, 6)
    variable_prediction = jax.random.uniform(k1, (V, 1), dtype=jnp.float32)
    var_idx = jax.random.randint(k2, (E,), 0, V, dtype=jnp.int32)
    fun_idx = jax.random.randint(k3, (E,), 0, F, dtype=jnp.int32)
    graph_map = jnp.stack([var_idx, fun_idx], axis=0)
    batch_variable_map = jnp.sort(jax.random.randint(k4, (V,), 0, B, dtype=jnp.int32))
    batch_function_map = jnp.sort(jax.random.randint(k5, (F,), 0, B, dtype=jnp.int32))
    edge_feature = jax.random.uniform(k6, (E, 1), dtype=jnp.float32)
    return {
        "variable_prediction": variable_prediction,
        "graph_map": graph_map,
        "batch_variable_map": batch_variable_map,
        "batch_function_map": batch_function_map,
        "edge_feature": edge_feature,
    }


def reference(variable_prediction, graph_map, batch_variable_map, batch_function_map, edge_feature):
    # vf_mask=None path of SatCNFEvaluator.forward
    F = batch_function_map.shape[0]
    # batch size as in compute_batch_mask: always 16 for inputs from setup_inputs
    B = 16
    b_scale = ((batch_variable_map.max() + 1) // B).astype(jnp.float32)

    ef = edge_feature[:, 0]
    # signed_variable_mask_transpose @ variable_prediction == per-edge gather scaled by edge_feature
    edge_values = ef * variable_prediction[graph_map[0], 0]
    edge_values = edge_values + (1.0 - ef) / 2.0
    edge_values = (edge_values > 0.5).astype(jnp.float32)

    # function_mask @ edge_values == scatter-add (segment_sum) of edges onto clauses
    clause_values = jax.ops.segment_sum(edge_values, graph_map[1], num_segments=F)
    clause_values = (clause_values > 0).astype(jnp.float32)[:, None]

    # b_function_mask_transpose @ all_ones == clause counts per batch element
    all_ones = jnp.ones((F,), dtype=jnp.float32) * b_scale
    max_sat = jax.ops.segment_sum(all_ones, batch_function_map, num_segments=B)[:, None]
    # b_function_mask_transpose @ clause_values == satisfied-clause counts per batch element
    batch_values = jax.ops.segment_sum(clause_values[:, 0], batch_function_map, num_segments=B)[:, None]

    sat_flag = (max_sat == batch_values).astype(jnp.float32)
    return ((sat_flag, max_sat - batch_values, graph_map, clause_values), None)

if __name__ == "__main__":
    import jax
    _d = setup_inputs()
    print(jax.jit(kernel)(*tuple(_d.values())))

</pallas_src>

<mosaic_0001>
#map = affine_map<(d0, d1) -> (0)>
#map1 = affine_map<(d0, d1) -> (0, 0)>
module attributes {stable_mosaic.version = 14 : i64} {
  func.func @k(%arg0: i32, %arg1: i32, %arg2: memref<100000xf32, #tpu.memory_space<hbm>>, %arg3: memref<2x3200000xi32, #tpu.memory_space<hbm>>, %arg4: memref<3200000xf32, #tpu.memory_space<hbm>>, %arg5: memref<100000xf32, #tpu.memory_space<hbm>>, %arg6: memref<100000xf32, #tpu.memory_space<hbm>>, %arg7: memref<100000xf32, #tpu.memory_space<vmem>>, %arg8: memref<2x1536xi32, #tpu.memory_space<vmem>>, %arg9: memref<2x1536xi32, #tpu.memory_space<vmem>>, %arg10: memref<2x1536xi32, #tpu.memory_space<vmem>>, %arg11: memref<1536xf32, #tpu.memory_space<vmem>>, %arg12: memref<1536xf32, #tpu.memory_space<vmem>>, %arg13: memref<1536xf32, #tpu.memory_space<vmem>>, %arg14: memref<1536xf32, #tpu.memory_space<vmem>>, %arg15: memref<1536xf32, #tpu.memory_space<vmem>>, %arg16: memref<1536xf32, #tpu.memory_space<vmem>>, %arg17: memref<1024xf32, #tpu.memory_space<vmem>>, %arg18: memref<100000xf32, #tpu.memory_space<vmem_shared>>, %arg19: memref<!tpu.dma_semaphore, #tpu.memory_space<semaphore_mem>>, %arg20: memref<!tpu.dma_semaphore, #tpu.memory_space<semaphore_mem>>, %arg21: memref<!tpu.dma_semaphore, #tpu.memory_space<semaphore_mem>>, %arg22: memref<!tpu.dma_semaphore, #tpu.memory_space<semaphore_mem>>, %arg23: memref<!tpu.dma_semaphore, #tpu.memory_space<semaphore_mem>>, %arg24: memref<!tpu.dma_semaphore, #tpu.memory_space<semaphore_mem>>, %arg25: memref<!tpu.dma_semaphore, #tpu.memory_space<semaphore_mem>>) attributes {dimension_semantics = [#tpu.dimension_semantics<core_parallel>, #tpu.dimension_semantics<subcore_parallel>], iteration_bounds = array<i64: 2, 16>, scalar_prefetch = 0 : i64, scratch_operands = 19 : i64, tpu.core_type = #tpu.core_type<sc_vector_subcore>, window_params = [{transform_indices = #map}, {transform_indices = #map1}, {transform_indices = #map}, {transform_indices = #map}, {transform_indices = #map}]} {
    %mul3A = arith.constant 2 : i32
    %mul3A_0 = arith.muli %arg1, %mul3A : i32
    %add3A = arith.addi %mul3A_0, %arg0 : i32
    %lt3A = arith.constant 3 : i32
    %lt3A_1 = arith.cmpi slt, %add3A, %lt3A : i32
    %jit3A = arith.constant 1 : i32
    %jit3A_2 = arith.constant 0 : i32
    %select_n3A = arith.select %lt3A_1, %jit3A, %jit3A_2 : i32
    %add3A_3 = arith.constant 65 : i32
    %add3A_4 = arith.addi %add3A_3, %select_n3A : i32
    %mul3A_5 = arith.constant 65 : i32
    %mul3A_6 = arith.muli %add3A, %mul3A_5 : i32
    %min3A = arith.constant 3 : i32
    %min3A_7 = arith.minsi %add3A, %min3A : i32
    %add3A_8 = arith.addi %mul3A_6, %min3A_7 : i32
    %add3A_9 = arith.constant 0 : i32
    %add3A_10 = arith.addi %add3A_8, %add3A_9 : i32
    %mul3A_11 = arith.constant 1536 : i32
    %mul3A_12 = arith.muli %add3A_10, %mul3A_11 : i32
    %dma_start3A = arith.constant 0 : i32
    %dma_start3A_13 = tpu.memref_slice %arg3[%dma_start3A, %mul3A_12] : memref<2x3200000xi32, #tpu.memory_space<hbm>> -> memref<2x1536xi32, #tpu.memory_space<hbm>>
    %dma_start3A_14 = arith.constant 0 : i32
    %dma_start3A_15 = tpu.memref_slice %arg3[%dma_start3A_14, %mul3A_12] : memref<2x3200000xi32, #tpu.memory_space<hbm>> -> memref<2x1536xi32, #tpu.memory_space<hbm>>
    tpu.enqueue_dma source(%dma_start3A_15 : memref<2x1536xi32, #tpu.memory_space<hbm>>) target(%arg8 : memref<2x1536xi32, #tpu.memory_space<vmem>>) target_semaphore(%arg19 : memref<!tpu.dma_semaphore, #tpu.memory_space<semaphore_mem>>)
    %dma_start3A_16 = tpu.memref_slice %arg4[%mul3A_12] : memref<3200000xf32, #tpu.memory_space<hbm>> -> memref<1536xf32, #tpu.memory_space<hbm>>
    %dma_start3A_17 = tpu.memref_slice %arg4[%mul3A_12] : memref<3200000xf32, #tpu.memory_space<hbm>> -> memref<1536xf32, #tpu.memory_space<hbm>>
    tpu.enqueue_dma source(%dma_start3A_17 : memref<1536xf32, #tpu.memory_space<hbm>>) target(%arg11 : memref<1536xf32, #tpu.memory_space<vmem>>) target_semaphore(%arg19 : memref<!tpu.dma_semaphore, #tpu.memory_space<semaphore_mem>>)
    tpu.enqueue_dma source(%arg2 : memref<100000xf32, #tpu.memory_space<hbm>>) target(%arg7 : memref<100000xf32, #tpu.memory_space<vmem>>) target_semaphore(%arg25 : memref<!tpu.dma_semaphore, #tpu.memory_space<semaphore_mem>>)
    %scan3A = arith.constant 0 : i32
    %scan3A_18 = arith.constant 0 : i32
    %scan3A_19 = arith.constant 64 : i32
    %scan3A_20 = arith.addi %scan3A_18, %scan3A_19 : i32
    %scan3A_21 = arith.constant 1 : i32
    %scan3A_22 = scf.for %scan3A_85 = %scan3A_18 to %scan3A_20 step %scan3A_21 iter_args(%scan3A_86 = %scan3A) -> (i32)  : i32 {
      %broadcast_in_dim3A = arith.constant 0.000000e+00 : f32
      %broadcast_in_dim3A_87 = vector.broadcast %broadcast_in_dim3A : f32 to vector<16xf32>
      %mul3A_88 = arith.constant 16 : i32
      %mul3A_89 = arith.muli %scan3A_85, %mul3A_88 : i32
      %swap3A = arith.index_cast %mul3A_89 : i32 to index
      %swap3A_90 = tpu.vector_load %arg17[%swap3A] {strides = array<i32>} : memref<1024xf32, #tpu.memory_space<vmem>>, vector<16xf32>,
      tpu.vector_store %arg17[%swap3A], %broadcast_in_dim3A_87 {strides = array<i32>} : memref<1024xf32, #tpu.memory_space<vmem>>, vector<16xf32>,
      %scan3A_91 = arith.constant 0 : i32
      scf.yield %scan3A_91 : i32
    }
    %scan3A_23 = arith.constant 64 : i32
    %mul3A_24 = arith.constant 6256 : i32
    %mul3A_25 = arith.muli %arg1, %mul3A_24 : i32
    %eq3A = arith.constant 15 : i32
    %eq3A_26 = arith.cmpi eq, %arg1, %eq3A : i32
    %jit3A_27 = arith.constant 6 : i32
    %jit3A_28 = arith.constant 6 : i32
    %select_n3A_29 = arith.select %eq3A_26, %jit3A_27, %jit3A_28 : i32
    %while3A = arith.constant 0 : i32
    %while3A_30 = arith.constant 0 : i32
    %while3A_31 = arith.subi %select_n3A_29, %while3A : i32
    %while3A_32 = arith.addi %while3A, %while3A_31 : i32
    %while3A_33 = arith.constant 1 : i32
    %while3A_34 = arith.divsi %while3A_31, %while3A_33 : i32
    %while3A_35 = arith.muli %while3A_34, %while3A_33 : i32
    %while3A_36 = arith.addi %while3A, %while3A_35 : i32
    %while3A_37 = arith.constant 1 : i32
    %while3A_38 = scf.for %while3A_85 = %while3A to %while3A_36 step %while3A_37 iter_args(%while3A_86 = %while3A_30) -> (i32)  : i32 {
      %mul3A_87 = arith.constant 1024 : i32
      %mul3A_88 = arith.muli %while3A_85, %mul3A_87 : i32
      %add3A_89 = arith.addi %mul3A_25, %mul3A_88 : i32
      "tpu.region"() ({
        %run_scoped3A = tpu.sem_alloc : memref<!tpu.dma_semaphore, #tpu.memory_space<semaphore_mem>>
        %dma_start3A_91 = tpu.memref_slice %arg18[%add3A_89] : memref<100000xf32, #tpu.memory_space<vmem_shared>> -> memref<1024xf32, #tpu.memory_space<vmem_shared>>
        %dma_start3A_92 = tpu.memref_slice %arg18[%add3A_89] : memref<100000xf32, #tpu.memory_space<vmem_shared>> -> memref<1024xf32, #tpu.memory_space<vmem_shared>>
        tpu.enqueue_dma source(%arg17 : memref<1024xf32, #tpu.memory_space<vmem>>) target(%dma_start3A_92 : memref<1024xf32, #tpu.memory_space<vmem_shared>>) target_semaphore(%run_scoped3A : memref<!tpu.dma_semaphore, #tpu.memory_space<semaphore_mem>>)
        %dma_wait3A = tpu.memref_slice %arg18[%add3A_89] : memref<100000xf32, #tpu.memory_space<vmem_shared>> -> memref<1024xf32, #tpu.memory_space<vmem_shared>>
        %dma_wait3A_93 = tpu.memref_slice %arg18[%add3A_89] : memref<100000xf32, #tpu.memory_space<vmem_shared>> -> memref<1024xf32, #tpu.memory_space<vmem_shared>>
        tpu.wait_dma2 semaphore(%run_scoped3A : memref<!tpu.dma_semaphore, #tpu.memory_space<semaphore_mem>>) src(%arg17 : memref<1024xf32, #tpu.memory_space<vmem>>) dst(%dma_wait3A_93 : memref<1024xf32, #tpu.memory_space<vmem_shared>>)
        tpu.yield
      }) : () -> ()
      %while3A_90 = arith.constant 0 : i32
      scf.yield %while3A_90 : i32
    }
    %while3A_39 = arith.constant 1 : i32
    %while3A_40 = scf.for %while3A_85 = %while3A_36 to %while3A_32 step %while3A_39 iter_args(%while3A_86 = %while3A_38) -> (i32)  : i32 {
      %mul3A_87 = arith.constant 1024 : i32
      %mul3A_88 = arith.muli %while3A_85, %mul3A_87 : i32
      %add3A_89 = arith.addi %mul3A_25, %mul3A_88 : i32
      "tpu.region"() ({
        %run_scoped3A = tpu.sem_alloc : memref<!tpu.dma_semaphore, #tpu.memory_space<semaphore_mem>>
        %dma_start3A_91 = tpu.memref_slice %arg18[%add3A_89] : memref<100000xf32, #tpu.memory_space<vmem_shared>> -> memref<1024xf32, #tpu.memory_space<vmem_shared>>
        %dma_start3A_92 = tpu.memref_slice %arg18[%add3A_89] : memref<100000xf32, #tpu.memory_space<vmem_shared>> -> memref<1024xf32, #tpu.memory_space<vmem_shared>>
        tpu.enqueue_dma source(%arg17 : memref<1024xf32, #tpu.memory_space<vmem>>) target(%dma_start3A_92 : memref<1024xf32, #tpu.memory_space<vmem_shared>>) target_semaphore(%run_scoped3A : memref<!tpu.dma_semaphore, #tpu.memory_space<semaphore_mem>>)
        %dma_wait3A = tpu.memref_slice %arg18[%add3A_89] : memref<100000xf32, #tpu.memory_space<vmem_shared>> -> memref<1024xf32, #tpu.memory_space<vmem_shared>>
        %dma_wait3A_93 = tpu.memref_slice %arg18[%add3A_89] : memref<100000xf32, #tpu.memory_space<vmem_shared>> -> memref<1024xf32, #tpu.memory_space<vmem_shared>>
        tpu.wait_dma2 semaphore(%run_scoped3A : memref<!tpu.dma_semaphore, #tpu.memory_space<semaphore_mem>>) src(%arg17 : memref<1024xf32, #tpu.memory_space<vmem>>) dst(%dma_wait3A_93 : memref<1024xf32, #tpu.memory_space<vmem_shared>>)
        tpu.yield
      }) : () -> ()
      %while3A_90 = arith.constant 0 : i32
      scf.yield %while3A_90 : i32
    }
    %ne3A = arith.constant 15 : i32
    %ne3A_41 = arith.cmpi ne, %arg1, %ne3A : i32
    %convert_element_type3A = arith.extui %ne3A_41 : i1 to i32
    %cond3A = arith.constant 0 : i32
    %cond3A_42 = arith.cmpi ne, %convert_element_type3A, %cond3A : i32
    scf.if %cond3A_42 {
      %add3A_85 = arith.constant 6144 : i32
      %add3A_86 = arith.addi %mul3A_25, %add3A_85 : i32
      "tpu.region"() ({
        %run_scoped3A = tpu.sem_alloc : memref<!tpu.dma_semaphore, #tpu.memory_space<semaphore_mem>>
        %dma_start3A_87 = arith.constant 0 : i32
        %dma_start3A_88 = tpu.memref_slice %arg17[%dma_start3A_87] : memref<1024xf32, #tpu.memory_space<vmem>> -> memref<112xf32, #tpu.memory_space<vmem>>
        %dma_start3A_89 = tpu.memref_slice %arg18[%add3A_86] : memref<100000xf32, #tpu.memory_space<vmem_shared>> -> memref<112xf32, #tpu.memory_space<vmem_shared>>
        %dma_start3A_90 = tpu.memref_slice %arg18[%add3A_86] : memref<100000xf32, #tpu.memory_space<vmem_shared>> -> memref<112xf32, #tpu.memory_space<vmem_shared>>
        %dma_start3A_91 = arith.constant 0 : i32
        %dma_start3A_92 = tpu.memref_slice %arg17[%dma_start3A_91] : memref<1024xf32, #tpu.memory_space<vmem>> -> memref<112xf32, #tpu.memory_space<vmem>>
        tpu.enqueue_dma source(%dma_start3A_92 : memref<112xf32, #tpu.memory_space<vmem>>) target(%dma_start3A_90 : memref<112xf32, #tpu.memory_space<vmem_shared>>) target_semaphore(%run_scoped3A : memref<!tpu.dma_semaphore, #tpu.memory_space<semaphore_mem>>)
        %dma_wait3A = arith.constant 0 : i32
        %dma_wait3A_93 = tpu.memref_slice %arg17[%dma_wait3A] : memref<1024xf32, #tpu.memory_space<vmem>> -> memref<112xf32, #tpu.memory_space<vmem>>
        %dma_wait3A_94 = tpu.memref_slice %arg18[%add3A_86] : memref<100000xf32, #tpu.memory_space<vmem_shared>> -> memref<112xf32, #tpu.memory_space<vmem_shared>>
        %dma_wait3A_95 = tpu.memref_slice %arg18[%add3A_86] : memref<100000xf32, #tpu.memory_space<vmem_shared>> -> memref<112xf32, #tpu.memory_space<vmem_shared>>
        %dma_wait3A_96 = arith.constant 0 : i32
        %dma_wait3A_97 = tpu.memref_slice %arg17[%dma_wait3A_96] : memref<1024xf32, #tpu.memory_space<vmem>> -> memref<112xf32, #tpu.memory_space<vmem>>
        tpu.wait_dma2 semaphore(%run_scoped3A : memref<!tpu.dma_semaphore, #tpu.memory_space<semaphore_mem>>) src(%dma_wait3A_97 : memref<112xf32, #tpu.memory_space<vmem>>) dst(%dma_wait3A_95 : memref<112xf32, #tpu.memory_space<vmem_shared>>)
        tpu.yield
      }) : () -> ()
    } else {
    }
    %eq3A_43 = arith.constant 15 : i32
    %eq3A_44 = arith.cmpi eq, %arg1, %eq3A_43 : i32
    %convert_element_type3A_45 = arith.extui %eq3A_44 : i1 to i32
    %cond3A_46 = arith.constant 0 : i32
    %cond3A_47 = arith.cmpi ne, %convert_element_type3A_45, %cond3A_46 : i32
    scf.if %cond3A_47 {
      %add3A_85 = arith.constant 6144 : i32
      %add3A_86 = arith.addi %mul3A_25, %add3A_85 : i32
      "tpu.region"() ({
        %run_scoped3A = tpu.sem_alloc : memref<!tpu.dma_semaphore, #tpu.memory_space<semaphore_mem>>
        %dma_start3A_87 = arith.constant 0 : i32
        %dma_start3A_88 = tpu.memref_slice %arg17[%dma_start3A_87] : memref<1024xf32, #tpu.memory_space<vmem>> -> memref<16xf32, #tpu.memory_space<vmem>>
        %dma_start3A_89 = tpu.memref_slice %arg18[%add3A_86] : memref<100000xf32, #tpu.memory_space<vmem_shared>> -> memref<16xf32, #tpu.memory_space<vmem_shared>>
        %dma_start3A_90 = tpu.memref_slice %arg18[%add3A_86] : memref<100000xf32, #tpu.memory_space<vmem_shared>> -> memref<16xf32, #tpu.memory_space<vmem_shared>>
        %dma_start3A_91 = arith.constant 0 : i32
        %dma_start3A_92 = tpu.memref_slice %arg17[%dma_start3A_91] : memref<1024xf32, #tpu.memory_space<vmem>> -> memref<16xf32, #tpu.memory_space<vmem>>
        tpu.enqueue_dma source(%dma_start3A_92 : memref<16xf32, #tpu.memory_space<vmem>>) target(%dma_start3A_90 : memref<16xf32, #tpu.memory_space<vmem_shared>>) target_semaphore(%run_scoped3A : memref<!tpu.dma_semaphore, #tpu.memory_space<semaphore_mem>>)
        %dma_wait3A = arith.constant 0 : i32
        %dma_wait3A_93 = tpu.memref_slice %arg17[%dma_wait3A] : memref<1024xf32, #tpu.memory_space<vmem>> -> memref<16xf32, #tpu.memory_space<vmem>>
        %dma_wait3A_94 = tpu.memref_slice %arg18[%add3A_86] : memref<100000xf32, #tpu.memory_space<vmem_shared>> -> memref<16xf32, #tpu.memory_space<vmem_shared>>
        %dma_wait3A_95 = tpu.memref_slice %arg18[%add3A_86] : memref<100000xf32, #tpu.memory_space<vmem_shared>> -> memref<16xf32, #tpu.memory_space<vmem_shared>>
        %dma_wait3A_96 = arith.constant 0 : i32
        %dma_wait3A_97 = tpu.memref_slice %arg17[%dma_wait3A_96] : memref<1024xf32, #tpu.memory_space<vmem>> -> memref<16xf32, #tpu.memory_space<vmem>>
        tpu.wait_dma2 semaphore(%run_scoped3A : memref<!tpu.dma_semaphore, #tpu.memory_space<semaphore_mem>>) src(%dma_wait3A_97 : memref<16xf32, #tpu.memory_space<vmem>>) dst(%dma_wait3A_95 : memref<16xf32, #tpu.memory_space<vmem_shared>>)
        tpu.yield
      }) : () -> ()
    } else {
    }
    tpu.wait_dma2 semaphore(%arg25 : memref<!tpu.dma_semaphore, #tpu.memory_space<semaphore_mem>>) src(%arg2 : memref<100000xf32, #tpu.memory_space<hbm>>) dst(%arg7 : memref<100000xf32, #tpu.memory_space<vmem>>)
    %barrier3A = arith.constant 0 : index
    tpu.barrier barrier_id(%barrier3A)
    %while3A_48 = arith.constant 0 : i32
    %while3A_49 = arith.constant 0 : i32
    %while3A_50 = arith.subi %add3A_4, %while3A_48 : i32
    %while3A_51 = arith.addi %while3A_48, %while3A_50 : i32
    %while3A_52 = arith.constant 1 : i32
    %while3A_53 = arith.divsi %while3A_50, %while3A_52 : i32
    %while3A_54 = arith.muli %while3A_53, %while3A_52 : i32
    %while3A_55 = arith.addi %while3A_48, %while3A_54 : i32
    %while3A_56 = arith.constant 1 : i32
    %while3A_57 = scf.for %while3A_85 = %while3A_48 to %while3A_55 step %while3A_56 iter_args(%while3A_86 = %while3A_49) -> (i32)  : i32 {
      %jit3A_87 = arith.constant 3 : i32
      %eq3A_88 = arith.constant 0 : i32
      %eq3A_89 = arith.cmpi eq, %jit3A_87, %eq3A_88 : i32
      %jit3A_90 = arith.constant 1 : i32
      %select_n3A_91 = arith.select %eq3A_89, %jit3A_90, %jit3A_87 : i32
      %rem3A = arith.remsi %while3A_85, %select_n3A_91 : i32
      %ne3A_92 = arith.constant 0 : i32
      %ne3A_93 = arith.cmpi ne, %rem3A, %ne3A_92 : i32
      %lt3A_94 = arith.constant 0 : i32
      %lt3A_95 = arith.cmpi slt, %rem3A, %lt3A_94 : i32
      %lt3A_96 = arith.constant 0 : i32
      %lt3A_97 = arith.cmpi slt, %select_n3A_91, %lt3A_96 : i32
      %ne3A_98 = arith.xori %lt3A_95, %lt3A_97 : i1
      %and3A = arith.andi %ne3A_98, %ne3A_93 : i1
      %add3A_99 = arith.addi %rem3A, %select_n3A_91 : i32
      %select_n3A_100 = arith.select %and3A, %add3A_99, %rem3A : i32
      %eq3A_101 = arith.constant 0 : i32
      %eq3A_102 = arith.cmpi eq, %select_n3A_100, %eq3A_101 : i32
      %convert_element_type3A_103 = arith.extui %eq3A_102 : i1 to i32
      %cond3A_104 = arith.constant 0 : i32
      %cond3A_105 = arith.cmpi ne, %convert_element_type3A_103, %cond3A_104 : i32
      scf.if %cond3A_105 {
        %ge3A_149 = arith.constant 2 : i32
        %ge3A_150 = arith.cmpi sge, %while3A_85, %ge3A_149 : i32
        %convert_element_type3A_151 = arith.extui %ge3A_150 : i1 to i32
        %cond3A_152 = arith.constant 0 : i32
        %cond3A_153 = arith.cmpi ne, %convert_element_type3A_151, %cond3A_152 : i32
        scf.if %cond3A_153 {
          %dma_wait3A_272 = arith.constant 0 : i32
          %dma_wait3A_273 = tpu.memref_slice %arg4[%dma_wait3A_272] : memref<3200000xf32, #tpu.memory_space<hbm>> -> memref<1536xf32, #tpu.memory_space<hbm>>
          %dma_wait3A_274 = arith.constant 0 : i32
          %dma_wait3A_275 = tpu.memref_slice %arg4[%dma_wait3A_274] : memref<3200000xf32, #tpu.memory_space<hbm>> -> memref<1536xf32, #tpu.memory_space<hbm>>
          tpu.wait_dma2 semaphore(%arg23 : memref<!tpu.dma_semaphore, #tpu.memory_space<semaphore_mem>>) src(%dma_wait3A_275 : memref<1536xf32, #tpu.memory_space<hbm>>) dst(%arg15 : memref<1536xf32, #tpu.memory_space<vmem>>)
        } else {
        }
        %add3A_154 = arith.constant 1 : i32
        %add3A_155 = arith.addi %while3A_85, %add3A_154 : i32
        %lt3A_156 = arith.cmpi slt, %add3A_155, %add3A_4 : i32
        %convert_element_type3A_157 = arith.extui %lt3A_156 : i1 to i32
        %cond3A_158 = arith.constant 0 : i32
        %cond3A_159 = arith.cmpi ne, %convert_element_type3A_157, %cond3A_158 : i32
        scf.if %cond3A_159 {
          %add3A_272 = arith.constant 1 : i32
          %add3A_273 = arith.addi %while3A_85, %add3A_272 : i32
          %add3A_274 = arith.addi %add3A_8, %add3A_273 : i32
          %mul3A_275 = arith.constant 1536 : i32
          %mul3A_276 = arith.muli %add3A_274, %mul3A_275 : i32
          %dma_start3A_277 = arith.constant 0 : i32
          %dma_start3A_278 = tpu.memref_slice %arg3[%dma_start3A_277, %mul3A_276] : memref<2x3200000xi32, #tpu.memory_space<hbm>> -> memref<2x1536xi32, #tpu.memory_space<hbm>>
          %dma_start3A_279 = arith.constant 0 : i32
          %dma_start3A_280 = tpu.memref_slice %arg3[%dma_start3A_279, %mul3A_276] : memref<2x3200000xi32, #tpu.memory_space<hbm>> -> memref<2x1536xi32, #tpu.memory_space<hbm>>
          tpu.enqueue_dma source(%dma_start3A_280 : memref<2x1536xi32, #tpu.memory_space<hbm>>) target(%arg9 : memref<2x1536xi32, #tpu.memory_space<vmem>>) target_semaphore(%arg20 : memref<!tpu.dma_semaphore, #tpu.memory_space<semaphore_mem>>)
          %dma_start3A_281 = tpu.memref_slice %arg4[%mul3A_276] : memref<3200000xf32, #tpu.memory_space<hbm>> -> memref<1536xf32, #tpu.memory_space<hbm>>
          %dma_start3A_282 = tpu.memref_slice %arg4[%mul3A_276] : memref<3200000xf32, #tpu.memory_space<hbm>> -> memref<1536xf32, #tpu.memory_space<hbm>>
          tpu.enqueue_dma source(%dma_start3A_282 : memref<1536xf32, #tpu.memory_space<hbm>>) target(%arg12 : memref<1536xf32, #tpu.memory_space<vmem>>) target_semaphore(%arg20 : memref<!tpu.dma_semaphore, #tpu.memory_space<semaphore_mem>>)
        } else {
        }
        %dma_wait3A = arith.constant 0 : i32
        %dma_wait3A_160 = arith.constant 0 : i32
        %dma_wait3A_161 = tpu.memref_slice %arg3[%dma_wait3A, %dma_wait3A_160] : memref<2x3200000xi32, #tpu.memory_space<hbm>> -> memref<2x1536xi32, #tpu.memory_space<hbm>>
        %dma_wait3A_162 = arith.constant 0 : i32
        %dma_wait3A_163 = arith.constant 0 : i32
        %dma_wait3A_164 = tpu.memref_slice %arg3[%dma_wait3A_162, %dma_wait3A_163] : memref<2x3200000xi32, #tpu.memory_space<hbm>> -> memref<2x1536xi32, #tpu.memory_space<hbm>>
        tpu.wait_dma2 semaphore(%arg19 : memref<!tpu.dma_semaphore, #tpu.memory_space<semaphore_mem>>) src(%dma_wait3A_164 : memref<2x1536xi32, #tpu.memory_space<hbm>>) dst(%arg8 : memref<2x1536xi32, #tpu.memory_space<vmem>>)
        %dma_wait3A_165 = arith.constant 0 : i32
        %dma_wait3A_166 = tpu.memref_slice %arg4[%dma_wait3A_165] : memref<3200000xf32, #tpu.memory_space<hbm>> -> memref<1536xf32, #tpu.memory_space<hbm>>
        %dma_wait3A_167 = arith.constant 0 : i32
        %dma_wait3A_168 = tpu.memref_slice %arg4[%dma_wait3A_167] : memref<3200000xf32, #tpu.memory_space<hbm>> -> memref<1536xf32, #tpu.memory_space<hbm>>
        tpu.wait_dma2 semaphore(%arg19 : memref<!tpu.dma_semaphore, #tpu.memory_space<semaphore_mem>>) src(%dma_wait3A_168 : memref<1536xf32, #tpu.memory_space<hbm>>) dst(%arg11 : memref<1536xf32, #tpu.memory_space<vmem>>)
        %scan3A_169 = arith.constant 0 : i32
        %scan3A_170 = arith.constant 0 : i32
        %scan3A_171 = arith.constant 96 : i32
        %scan3A_172 = arith.addi %scan3A_170, %scan3A_171 : i32
        %scan3A_173 = arith.constant 1 : i32
        %scan3A_174 = scf.for %scan3A_272 = %scan3A_170 to %scan3A_172 step %scan3A_173 iter_args(%scan3A_273 = %scan3A_169) -> (i32)  : i32 {
          %mul3A_274 = arith.constant 16 : i32
          %mul3A_275 = arith.muli %scan3A_272, %mul3A_274 : i32
          %get3A = arith.constant 0 : i32
          %get3A_276 = arith.index_cast %get3A : i32 to index
          %get3A_277 = arith.index_cast %mul3A_275 : i32 to index
          %get3A_278 = tpu.vector_load %arg8[%get3A_276, %get3A_277] {strides = array<i32>} : memref<2x1536xi32, #tpu.memory_space<vmem>>, vector<16xi32>,
          %gather3A = tpu.vector_load_idx %arg7[%get3A_278] : memref<100000xf32, #tpu.memory_space<vmem>>[vector<16xi32>], vector<16xf32>,
          %mul3A_279 = arith.constant 16 : i32
          %mul3A_280 = arith.muli %scan3A_272, %mul3A_279 : i32
          %get3A_281 = arith.index_cast %mul3A_280 : i32 to index
          %get3A_282 = tpu.vector_load %arg11[%get3A_281] {strides = array<i32>} : memref<1536xf32, #tpu.memory_space<vmem>>, vector<16xf32>,
          %mul3A_283 = arith.mulf %get3A_282, %gather3A : vector<16xf32>
          %sub3A = arith.constant 1.000000e+00 : f32
          %sub3A_284 = vector.broadcast %sub3A : f32 to vector<16xf32>
          %sub3A_285 = arith.subf %sub3A_284, %get3A_282 : vector<16xf32>
          %mul3A_286 = arith.constant 5.000000e-01 : f32
          %mul3A_287 = vector.broadcast %mul3A_286 : f32 to vector<16xf32>
          %mul3A_288 = arith.mulf %sub3A_285, %mul3A_287 : vector<16xf32>
          %add3A_289 = arith.addf %mul3A_283, %mul3A_288 : vector<16xf32>
          %gt3A = arith.constant 5.000000e-01 : f32
          %gt3A_290 = vector.broadcast %gt3A : f32 to vector<16xf32>
          %gt3A_291 = arith.cmpf ogt, %add3A_289, %gt3A_290 : vector<16xf32>
          %jit3A_292 = arith.constant 1.000000e+00 : f32
          %jit3A_293 = arith.constant 0.000000e+00 : f32
          %broadcast_in_dim3A = vector.broadcast %jit3A_292 : f32 to vector<16xf32>
          %broadcast_in_dim3A_294 = vector.broadcast %jit3A_293 : f32 to vector<16xf32>
          %select_n3A_295 = arith.select %gt3A_291, %broadcast_in_dim3A, %broadcast_in_dim3A_294 : vector<16xi1>, vector<16xf32>
          %mul3A_296 = arith.constant 16 : i32
          %mul3A_297 = arith.muli %scan3A_272, %mul3A_296 : i32
          %swap3A = arith.index_cast %mul3A_297 : i32 to index
          %swap3A_298 = tpu.vector_load %arg14[%swap3A] {strides = array<i32>} : memref<1536xf32, #tpu.memory_space<vmem>>, vector<16xf32>,
          tpu.vector_store %arg14[%swap3A], %select_n3A_295 {strides = array<i32>} : memref<1536xf32, #tpu.memory_space<vmem>>, vector<16xf32>,
          %scan3A_299 = arith.constant 0 : i32
          scf.yield %scan3A_299 : i32
        }
        %scan3A_175 = arith.constant 96 : i32
        %dma_start3A_176 = arith.constant 1 : i32
        %dma_start3A_177 = arith.constant 0 : i32
        %dma_start3A_178 = tpu.memref_slice %arg14[%dma_start3A_177] : memref<1536xf32, #tpu.memory_space<vmem>> -> memref<128xf32, #tpu.memory_space<vmem>>
        %dma_start3A_179 = arith.constant 0 : i32
        %dma_start3A_180 = tpu.memref_slice %arg8[%dma_start3A_176, %dma_start3A_179] : memref<2x1536xi32, #tpu.memory_space<vmem>> -> memref<1x128xi32, #tpu.memory_space<vmem>>
        %dma_start3A_181 = tpu.memref_squeeze %dma_start3A_180 : memref<1x128xi32, #tpu.memory_space<vmem>> -> memref<128xi32, #tpu.memory_space<vmem>>
        %dma_start3A_182 = arith.constant 0 : i32
        %dma_start3A_183 = tpu.memref_slice %arg18[%dma_start3A_182] : memref<100000xf32, #tpu.memory_space<vmem_shared>> -> memref<100000xf32, #tpu.memory_space<vmem_shared>>
        tpu.enqueue_indirect_dma source(%dma_start3A_178 : memref<128xf32, #tpu.memory_space<vmem>>) target(%dma_start3A_183 : memref<100000xf32, #tpu.memory_space<vmem_shared>>) offsets(%dma_start3A_181 : memref<128xi32, #tpu.memory_space<vmem>>) semaphore(%arg22 : memref<!tpu.dma_semaphore, #tpu.memory_space<semaphore_mem>>) {add = true}
        %dma_start3A_184 = arith.constant 1 : i32
        %dma_start3A_185 = arith.constant 128 : i32
        %dma_start3A_186 = tpu.memref_slice %arg14[%dma_start3A_185] : memref<1536xf32, #tpu.memory_space<vmem>> -> memref<128xf32, #tpu.memory_space<vmem>>
        %dma_start3A_187 = arith.constant 128 : i32
        %dma_start3A_188 = tpu.memref_slice %arg8[%dma_start3A_184, %dma_start3A_187] : memref<2x1536xi32, #tpu.memory_space<vmem>> -> memref<1x128xi32, #tpu.memory_space<vmem>>
        %dma_start3A_189 = tpu.memref_squeeze %dma_start3A_188 : memref<1x128xi32, #tpu.memory_space<vmem>> -> memref<128xi32, #tpu.memory_space<vmem>>
        %dma_start3A_190 = arith.constant 0 : i32
        %dma_start3A_191 = tpu.memref_slice %arg18[%dma_start3A_190] : memref<100000xf32, #tpu.memory_space<vmem_shared>> -> memref<100000xf32, #tpu.memory_space<vmem_shared>>
        tpu.enqueue_indirect_dma source(%dma_start3A_186 : memref<128xf32, #tpu.memory_space<vmem>>) target(%dma_start3A_191 : memref<100000xf32, #tpu.memory_space<vmem_shared>>) offsets(%dma_start3A_189 : memref<128xi32, #tpu.memory_space<vmem>>) semaphore(%arg22 : memref<!tpu.dma_semaphore, #tpu.memory_space<semaphore_mem>>) {add = true}
        %dma_start3A_192 = arith.constant 1 : i32
        %dma_start3A_193 = arith.constant 256 : i32
        %dma_start3A_194 = tpu.memref_slice %arg14[%dma_start3A_193] : memref<1536xf32, #tpu.memory_space<vmem>> -> memref<128xf32, #tpu.memory_space<vmem>>
        %dma_start3A_195 = arith.constant 256 : i32
        %dma_start3A_196 = tpu.memref_slice %arg8[%dma_start3A_192, %dma_start3A_195] : memref<2x1536xi32, #tpu.memory_space<vmem>> -> memref<1x128xi32, #tpu.memory_space<vmem>>
        %dma_start3A_197 = tpu.memref_squeeze %dma_start3A_196 : memref<1x128xi32, #tpu.memory_space<vmem>> -> memref<128xi32, #tpu.memory_space<vmem>>
        %dma_start3A_198 = arith.constant 0 : i32
        %dma_start3A_199 = tpu.memref_slice %arg18[%dma_start3A_198] : memref<100000xf32, #tpu.memory_space<vmem_shared>> -> memref<100000xf32, #tpu.memory_space<vmem_shared>>
        tpu.enqueue_indirect_dma source(%dma_start3A_194 : memref<128xf32, #tpu.memory_space<vmem>>) target(%dma_start3A_199 : memref<100000xf32, #tpu.memory_space<vmem_shared>>) offsets(%dma_start3A_197 : memref<128xi32, #tpu.memory_space<vmem>>) semaphore(%arg22 : memref<!tpu.dma_semaphore, #tpu.memory_space<semaphore_mem>>) {add = true}
        %dma_start3A_200 = arith.constant 1 : i32
        %dma_start3A_201 = arith.constant 384 : i32
        %dma_start3A_202 = tpu.memref_slice %arg14[%dma_start3A_201] : memref<1536xf32, #tpu.memory_space<vmem>> -> memref<128xf32, #tpu.memory_space<vmem>>
        %dma_start3A_203 = arith.constant 384 : i32
        %dma_start3A_204 = tpu.memref_slice %arg8[%dma_start3A_200, %dma_start3A_203] : memref<2x1536xi32, #tpu.memory_space<vmem>> -> memref<1x128xi32, #tpu.memory_space<vmem>>
        %dma_start3A_205 = tpu.memref_squeeze %dma_start3A_204 : memref<1x128xi32, #tpu.memory_space<vmem>> -> memref<128xi32, #tpu.memory_space<vmem>>
        %dma_start3A_206 = arith.constant 0 : i32
        %dma_start3A_207 = tpu.memref_slice %arg18[%dma_start3A_206] : memref<100000xf32, #tpu.memory_space<vmem_shared>> -> memref<100000xf32, #tpu.memory_space<vmem_shared>>
        tpu.enqueue_indirect_dma source(%dma_start3A_202 : memref<128xf32, #tpu.memory_space<vmem>>) target(%dma_start3A_207 : memref<100000xf32, #tpu.memory_space<vmem_shared>>) offsets(%dma_start3A_205 : memref<128xi32, #tpu.memory_space<vmem>>) semaphore(%arg22 : memref<!tpu.dma_semaphore, #tpu.memory_space<semaphore_mem>>) {add = true}
        %dma_start3A_208 = arith.constant 1 : i32
        %dma_start3A_209 = arith.constant 512 : i32
        %dma_start3A_210 = tpu.memref_slice %arg14[%dma_start3A_209] : memref<1536xf32, #tpu.memory_space<vmem>> -> memref<128xf32, #tpu.memory_space<vmem>>
        %dma_start3A_211 = arith.constant 512 : i32
        %dma_start3A_212 = tpu.memref_slice %arg8[%dma_start3A_208, %dma_start3A_211] : memref<2x1536xi32, #tpu.memory_space<vmem>> -> memref<1x128xi32, #tpu.memory_space<vmem>>
        %dma_start3A_213 = tpu.memref_squeeze %dma_start3A_212 : memref<1x128xi32, #tpu.memory_space<vmem>> -> memref<128xi32, #tpu.memory_space<vmem>>
        %dma_start3A_214 = arith.constant 0 : i32
        %dma_start3A_215 = tpu.memref_slice %arg18[%dma_start3A_214] : memref<100000xf32, #tpu.memory_space<vmem_shared>> -> memref<100000xf32, #tpu.memory_space<vmem_shared>>
        tpu.enqueue_indirect_dma source(%dma_start3A_210 : memref<128xf32, #tpu.memory_space<vmem>>) target(%dma_start3A_215 : memref<100000xf32, #tpu.memory_space<vmem_shared>>) offsets(%dma_start3A_213 : memref<128xi32, #tpu.memory_space<vmem>>) semaphore(%arg22 : memref<!tpu.dma_semaphore, #tpu.memory_space<semaphore_mem>>) {add = true}
        %dma_start3A_216 = arith.constant 1 : i32
        %dma_start3A_217 = arith.constant 640 : i32
        %dma_start3A_218 = tpu.memref_slice %arg14[%dma_start3A_217] : memref<1536xf32, #tpu.memory_space<vmem>> -> memref<128xf32, #tpu.memory_space<vmem>>
        %dma_start3A_219 = arith.constant 640 : i32
        %dma_start3A_220 = tpu.memref_slice %arg8[%dma_start3A_216, %dma_start3A_219] : memref<2x1536xi32, #tpu.memory_space<vmem>> -> memref<1x128xi32, #tpu.memory_space<vmem>>
        %dma_start3A_221 = tpu.memref_squeeze %dma_start3A_220 : memref<1x128xi32, #tpu.memory_space<vmem>> -> memref<128xi32, #tpu.memory_space<vmem>>
        %dma_start3A_222 = arith.constant 0 : i32
        %dma_start3A_223 = tpu.memref_slice %arg18[%dma_start3A_222] : memref<100000xf32, #tpu.memory_space<vmem_shared>> -> memref<100000xf32, #tpu.memory_space<vmem_shared>>
        tpu.enqueue_indirect_dma source(%dma_start3A_218 : memref<128xf32, #tpu.memory_space<vmem>>) target(%dma_start3A_223 : memref<100000xf32, #tpu.memory_space<vmem_shared>>) offsets(%dma_start3A_221 : memref<128xi32, #tpu.memory_space<vmem>>) semaphore(%arg22 : memref<!tpu.dma_semaphore, #tpu.memory_space<semaphore_mem>>) {add = true}
        %dma_start3A_224 = arith.constant 1 : i32
        %dma_start3A_225 = arith.constant 768 : i32
        %dma_start3A_226 = tpu.memref_slice %arg14[%dma_start3A_225] : memref<1536xf32, #tpu.memory_space<vmem>> -> memref<128xf32, #tpu.memory_space<vmem>>
        %dma_start3A_227 = arith.constant 768 : i32
        %dma_start3A_228 = tpu.memref_slice %arg8[%dma_start3A_224, %dma_start3A_227] : memref<2x1536xi32, #tpu.memory_space<vmem>> -> memref<1x128xi32, #tpu.memory_space<vmem>>
        %dma_start3A_229 = tpu.memref_squeeze %dma_start3A_228 : memref<1x128xi32, #tpu.memory_space<vmem>> -> memref<128xi32, #tpu.memory_space<vmem>>
        %dma_start3A_230 = arith.constant 0 : i32
        %dma_start3A_231 = tpu.memref_slice %arg18[%dma_start3A_230] : memref<100000xf32, #tpu.memory_space<vmem_shared>> -> memref<100000xf32, #tpu.memory_space<vmem_shared>>
        tpu.enqueue_indirect_dma source(%dma_start3A_226 : memref<128xf32, #tpu.memory_space<vmem>>) target(%dma_start3A_231 : memref<100000xf32, #tpu.memory_space<vmem_shared>>) offsets(%dma_start3A_229 : memref<128xi32, #tpu.memory_space<vmem>>) semaphore(%arg22 : memref<!tpu.dma_semaphore, #tpu.memory_space<semaphore_mem>>) {add = true}
        %dma_start3A_232 = arith.constant 1 : i32
        %dma_start3A_233 = arith.constant 896 : i32
        %dma_start3A_234 = tpu.memref_slice %arg14[%dma_start3A_233] : memref<1536xf32, #tpu.memory_space<vmem>> -> memref<128xf32, #tpu.memory_space<vmem>>
        %dma_start3A_235 = arith.constant 896 : i32
        %dma_start3A_236 = tpu.memref_slice %arg8[%dma_start3A_232, %dma_start3A_235] : memref<2x1536xi32, #tpu.memory_space<vmem>> -> memref<1x128xi32, #tpu.memory_space<vmem>>
        %dma_start3A_237 = tpu.memref_squeeze %dma_start3A_236 : memref<1x128xi32, #tpu.memory_space<vmem>> -> memref<128xi32, #tpu.memory_space<vmem>>
        %dma_start3A_238 = arith.constant 0 : i32
        %dma_start3A_239 = tpu.memref_slice %arg18[%dma_start3A_238] : memref<100000xf32, #tpu.memory_space<vmem_shared>> -> memref<100000xf32, #tpu.memory_space<vmem_shared>>
        tpu.enqueue_indirect_dma source(%dma_start3A_234 : memref<128xf32, #tpu.memory_space<vmem>>) target(%dma_start3A_239 : memref<100000xf32, #tpu.memory_space<vmem_shared>>) offsets(%dma_start3A_237 : memref<128xi32, #tpu.memory_space<vmem>>) semaphore(%arg22 : memref<!tpu.dma_semaphore, #tpu.memory_space<semaphore_mem>>) {add = true}
        %dma_start3A_240 = arith.constant 1 : i32
        %dma_start3A_241 = arith.constant 1024 : i32
        %dma_start3A_242 = tpu.memref_slice %arg14[%dma_start3A_241] : memref<1536xf32, #tpu.memory_space<vmem>> -> memref<128xf32, #tpu.memory_space<vmem>>
        %dma_start3A_243 = arith.constant 1024 : i32
        %dma_start3A_244 = tpu.memref_slice %arg8[%dma_start3A_240, %dma_start3A_243] : memref<2x1536xi32, #tpu.memory_space<vmem>> -> memref<1x128xi32, #tpu.memory_space<vmem>>
        %dma_start3A_245 = tpu.memref_squeeze %dma_start3A_244 : memref<1x128xi32, #tpu.memory_space<vmem>> -> memref<128xi32, #tpu.memory_space<vmem>>
        %dma_start3A_246 = arith.constant 0 : i32
        %dma_start3A_247 = tpu.memref_slice %arg18[%dma_start3A_246] : memref<100000xf32, #tpu.memory_space<vmem_shared>> -> memref<100000xf32, #tpu.memory_space<vmem_shared>>
        tpu.enqueue_indirect_dma source(%dma_start3A_242 : memref<128xf32, #tpu.memory_space<vmem>>) target(%dma_start3A_247 : memref<100000xf32, #tpu.memory_space<vmem_shared>>) offsets(%dma_start3A_245 : memref<128xi32, #tpu.memory_space<vmem>>) semaphore(%arg22 : memref<!tpu.dma_semaphore, #tpu.memory_space<semaphore_mem>>) {add = true}
        %dma_start3A_248 = arith.constant 1 : i32
        %dma_start3A_249 = arith.constant 1152 : i32
        %dma_start3A_250 = tpu.memref_slice %arg14[%dma_start3A_249] : memref<1536xf32, #tpu.memory_space<vmem>> -> memref<128xf32, #tpu.memory_space<vmem>>
        %dma_start3A_251 = arith.constant 1152 : i32
        %dma_start3A_252 = tpu.memref_slice %arg8[%dma_start3A_248, %dma_start3A_251] : memref<2x1536xi32, #tpu.memory_space<vmem>> -> memref<1x128xi32, #tpu.memory_space<vmem>>
        %dma_start3A_253 = tpu.memref_squeeze %dma_start3A_252 : memref<1x128xi32, #tpu.memory_space<vmem>> -> memref<128xi32, #tpu.memory_space<vmem>>
        %dma_start3A_254 = arith.constant 0 : i32
        %dma_start3A_255 = tpu.memref_slice %arg18[%dma_start3A_254] : memref<100000xf32, #tpu.memory_space<vmem_shared>> -> memref<100000xf32, #tpu.memory_space<vmem_shared>>
        tpu.enqueue_indirect_dma source(%dma_start3A_250 : memref<128xf32, #tpu.memory_space<vmem>>) target(%dma_start3A_255 : memref<100000xf32, #tpu.memory_space<vmem_shared>>) offsets(%dma_start3A_253 : memref<128xi32, #tpu.memory_space<vmem>>) semaphore(%arg22 : memref<!tpu.dma_semaphore, #tpu.memory_space<semaphore_mem>>) {add = true}
        %dma_start3A_256 = arith.constant 1 : i32
        %dma_start3A_257 = arith.constant 1280 : i32
        %dma_start3A_258 = tpu.memref_slice %arg14[%dma_start3A_257] : memref<1536xf32, #tpu.memory_space<vmem>> -> memref<128xf32, #tpu.memory_space<vmem>>
        %dma_start3A_259 = arith.constant 1280 : i32
        %dma_start3A_260 = tpu.memref_slice %arg8[%dma_start3A_256, %dma_start3A_259] : memref<2x1536xi32, #tpu.memory_space<vmem>> -> memref<1x128xi32, #tpu.memory_space<vmem>>
        %dma_start3A_261 = tpu.memref_squeeze %dma_start3A_260 : memref<1x128xi32, #tpu.memory_space<vmem>> -> memref<128xi32, #tpu.memory_space<vmem>>
        %dma_start3A_262 = arith.constant 0 : i32
        %dma_start3A_263 = tpu.memref_slice %arg18[%dma_start3A_262] : memref<100000xf32, #tpu.memory_space<vmem_shared>> -> memref<100000xf32, #tpu.memory_space<vmem_shared>>
        tpu.enqueue_indirect_dma source(%dma_start3A_258 : memref<128xf32, #tpu.memory_space<vmem>>) target(%dma_start3A_263 : memref<100000xf32, #tpu.memory_space<vmem_shared>>) offsets(%dma_start3A_261 : memref<128xi32, #tpu.memory_space<vmem>>) semaphore(%arg22 : memref<!tpu.dma_semaphore, #tpu.memory_space<semaphore_mem>>) {add = true}
        %dma_start3A_264 = arith.constant 1 : i32
        %dma_start3A_265 = arith.constant 1408 : i32
        %dma_start3A_266 = tpu.memref_slice %arg14[%dma_start3A_265] : memref<1536xf32, #tpu.memory_space<vmem>> -> memref<128xf32, #tpu.memory_space<vmem>>
        %dma_start3A_267 = arith.constant 1408 : i32
        %dma_start3A_268 = tpu.memref_slice %arg8[%dma_start3A_264, %dma_start3A_267] : memref<2x1536xi32, #tpu.memory_space<vmem>> -> memref<1x128xi32, #tpu.memory_space<vmem>>
        %dma_start3A_269 = tpu.memref_squeeze %dma_start3A_268 : memref<1x128xi32, #tpu.memory_space<vmem>> -> memref<128xi32, #tpu.memory_space<vmem>>
        %dma_start3A_270 = arith.constant 0 : i32
        %dma_start3A_271 = tpu.memref_slice %arg18[%dma_start3A_270] : memref<100000xf32, #tpu.memory_space<vmem_shared>> -> memref<100000xf32, #tpu.memory_space<vmem_shared>>
        tpu.enqueue_indirect_dma source(%dma_start3A_266 : memref<128xf32, #tpu.memory_space<vmem>>) target(%dma_start3A_271 : memref<100000xf32, #tpu.memory_space<vmem_shared>>) offsets(%dma_start3A_269 : memref<128xi32, #tpu.memory_space<vmem>>) semaphore(%arg22 : memref<!tpu.dma_semaphore, #tpu.memory_space<semaphore_mem>>) {add = true}
      } else {
      }
      %jit3A_106 = arith.constant 3 : i32
      %eq3A_107 = arith.constant 0 : i32
      %eq3A_108 = arith.cmpi eq, %jit3A_106, %eq3A_107 : i32
      %jit3A_109 = arith.constant 1 : i32
      %select_n3A_110 = arith.select %eq3A_108, %jit3A_109, %jit3A_106 : i32
      %rem3A_111 = arith.remsi %while3A_85, %select_n3A_110 : i32
      %ne3A_112 = arith.constant 0 : i32
      %ne3A_113 = arith.cmpi ne, %rem3A_111, %ne3A_112 : i32
      %lt3A_114 = arith.constant 0 : i32
      %lt3A_115 = arith.cmpi slt, %rem3A_111, %lt3A_114 : i32
      %lt3A_116 = arith.constant 0 : i32
      %lt3A_117 = arith.cmpi slt, %select_n3A_110, %lt3A_116 : i32
      %ne3A_118 = arith.xori %lt3A_115, %lt3A_117 : i1
      %and3A_119 = arith.andi %ne3A_118, %ne3A_113 : i1
      %add3A_120 = arith.addi %rem3A_111, %select_n3A_110 : i32
      %select_n3A_121 = arith.select %and3A_119, %add3A_120, %rem3A_111 : i32
      %eq3A_122 = arith.constant 1 : i32
      %eq3A_123 = arith.cmpi eq, %select_n3A_121, %eq3A_122 : i32
      %convert_element_type3A_124 = arith.extui %eq3A_123 : i1 to i32
      %cond3A_125 = arith.constant 0 : i32
      %cond3A_126 = arith.cmpi ne, %convert_element_type3A_124, %cond3A_125 : i32
      scf.if %cond3A_126 {
        %ge3A_149 = arith.constant 2 : i32
        %ge3A_150 = arith.cmpi sge, %while3A_85, %ge3A_149 : i32
        %convert_element_type3A_151 = arith.extui %ge3A_150 : i1 to i32
        %cond3A_152 = arith.constant 0 : i32
        %cond3A_153 = arith.cmpi ne, %convert_element_type3A_151, %cond3A_152 : i32
        scf.if %cond3A_153 {
          %dma_wait3A_272 = arith.constant 0 : i32
          %dma_wait3A_273 = tpu.memref_slice %arg4[%dma_wait3A_272] : memref<3200000xf32, #tpu.memory_space<hbm>> -> memref<1536xf32, #tpu.memory_space<hbm>>
          %dma_wait3A_274 = arith.constant 0 : i32
          %dma_wait3A_275 = tpu.memref_slice %arg4[%dma_wait3A_274] : memref<3200000xf32, #tpu.memory_space<hbm>> -> memref<1536xf32, #tpu.memory_space<hbm>>
          tpu.wait_dma2 semaphore(%arg24 : memref<!tpu.dma_semaphore, #tpu.memory_space<semaphore_mem>>) src(%dma_wait3A_275 : memref<1536xf32, #tpu.memory_space<hbm>>) dst(%arg16 : memref<1536xf32, #tpu.memory_space<vmem>>)
        } else {
        }
        %add3A_154 = arith.constant 1 : i32
        %add3A_155 = arith.addi %while3A_85, %add3A_154 : i32
        %lt3A_156 = arith.cmpi slt, %add3A_155, %add3A_4 : i32
        %convert_element_type3A_157 = arith.extui %lt3A_156 : i1 to i32
        %cond3A_158 = arith.constant 0 : i32
        %cond3A_159 = arith.cmpi ne, %convert_element_type3A_157, %cond3A_158 : i32
        scf.if %cond3A_159 {
          %add3A_272 = arith.constant 1 : i32
          %add3A_273 = arith.addi %while3A_85, %add3A_272 : i32
          %add3A_274 = arith.addi %add3A_8, %add3A_273 : i32
          %mul3A_275 = arith.constant 1536 : i32
          %mul3A_276 = arith.muli %add3A_274, %mul3A_275 : i32
          %dma_start3A_277 = arith.constant 0 : i32
          %dma_start3A_278 = tpu.memref_slice %arg3[%dma_start3A_277, %mul3A_276] : memref<2x3200000xi32, #tpu.memory_space<hbm>> -> memref<2x1536xi32, #tpu.memory_space<hbm>>
          %dma_start3A_279 = arith.constant 0 : i32
          %dma_start3A_280 = tpu.memref_slice %arg3[%dma_start3A_279, %mul3A_276] : memref<2x3200000xi32, #tpu.memory_space<hbm>> -> memref<2x1536xi32, #tpu.memory_space<hbm>>
          tpu.enqueue_dma source(%dma_start3A_280 : memref<2x1536xi32, #tpu.memory_space<hbm>>) target(%arg10 : memref<2x1536xi32, #tpu.memory_space<vmem>>) target_semaphore(%arg21 : memref<!tpu.dma_semaphore, #tpu.memory_space<semaphore_mem>>)
          %dma_start3A_281 = tpu.memref_slice %arg4[%mul3A_276] : memref<3200000xf32, #tpu.memory_space<hbm>> -> memref<1536xf32, #tpu.memory_space<hbm>>
          %dma_start3A_282 = tpu.memref_slice %arg4[%mul3A_276] : memref<3200000xf32, #tpu.memory_space<hbm>> -> memref<1536xf32, #tpu.memory_space<hbm>>
          tpu.enqueue_dma source(%dma_start3A_282 : memref<1536xf32, #tpu.memory_space<hbm>>) target(%arg13 : memref<1536xf32, #tpu.memory_space<vmem>>) target_semaphore(%arg21 : memref<!tpu.dma_semaphore, #tpu.memory_space<semaphore_mem>>)
        } else {
        }
        %dma_wait3A = arith.constant 0 : i32
        %dma_wait3A_160 = arith.constant 0 : i32
        %dma_wait3A_161 = tpu.memref_slice %arg3[%dma_wait3A, %dma_wait3A_160] : memref<2x3200000xi32, #tpu.memory_space<hbm>> -> memref<2x1536xi32, #tpu.memory_space<hbm>>
        %dma_wait3A_162 = arith.constant 0 : i32
        %dma_wait3A_163 = arith.constant 0 : i32
        %dma_wait3A_164 = tpu.memref_slice %arg3[%dma_wait3A_162, %dma_wait3A_163] : memref<2x3200000xi32, #tpu.memory_space<hbm>> -> memref<2x1536xi32, #tpu.memory_space<hbm>>
        tpu.wait_dma2 semaphore(%arg20 : memref<!tpu.dma_semaphore, #tpu.memory_space<semaphore_mem>>) src(%dma_wait3A_164 : memref<2x1536xi32, #tpu.memory_space<hbm>>) dst(%arg9 : memref<2x1536xi32, #tpu.memory_space<vmem>>)
        %dma_wait3A_165 = arith.constant 0 : i32
        %dma_wait3A_166 = tpu.memref_slice %arg4[%dma_wait3A_165] : memref<3200000xf32, #tpu.memory_space<hbm>> -> memref<1536xf32, #tpu.memory_space<hbm>>
        %dma_wait3A_167 = arith.constant 0 : i32
        %dma_wait3A_168 = tpu.memref_slice %arg4[%dma_wait3A_167] : memref<3200000xf32, #tpu.memory_space<hbm>> -> memref<1536xf32, #tpu.memory_space<hbm>>
        tpu.wait_dma2 semaphore(%arg20 : memref<!tpu.dma_semaphore, #tpu.memory_space<semaphore_mem>>) src(%dma_wait3A_168 : memref<1536xf32, #tpu.memory_space<hbm>>) dst(%arg12 : memref<1536xf32, #tpu.memory_space<vmem>>)
        %scan3A_169 = arith.constant 0 : i32
        %scan3A_170 = arith.constant 0 : i32
        %scan3A_171 = arith.constant 96 : i32
        %scan3A_172 = arith.addi %scan3A_170, %scan3A_171 : i32
        %scan3A_173 = arith.constant 1 : i32
        %scan3A_174 = scf.for %scan3A_272 = %scan3A_170 to %scan3A_172 step %scan3A_173 iter_args(%scan3A_273 = %scan3A_169) -> (i32)  : i32 {
          %mul3A_274 = arith.constant 16 : i32
          %mul3A_275 = arith.muli %scan3A_272, %mul3A_274 : i32
          %get3A = arith.constant 0 : i32
          %get3A_276 = arith.index_cast %get3A : i32 to index
          %get3A_277 = arith.index_cast %mul3A_275 : i32 to index
          %get3A_278 = tpu.vector_load %arg9[%get3A_276, %get3A_277] {strides = array<i32>} : memref<2x1536xi32, #tpu.memory_space<vmem>>, vector<16xi32>,
          %gather3A = tpu.vector_load_idx %arg7[%get3A_278] : memref<100000xf32, #tpu.memory_space<vmem>>[vector<16xi32>], vector<16xf32>,
          %mul3A_279 = arith.constant 16 : i32
          %mul3A_280 = arith.muli %scan3A_272, %mul3A_279 : i32
          %get3A_281 = arith.index_cast %mul3A_280 : i32 to index
          %get3A_282 = tpu.vector_load %arg12[%get3A_281] {strides = array<i32>} : memref<1536xf32, #tpu.memory_space<vmem>>, vector<16xf32>,
          %mul3A_283 = arith.mulf %get3A_282, %gather3A : vector<16xf32>
          %sub3A = arith.constant 1.000000e+00 : f32
          %sub3A_284 = vector.broadcast %sub3A : f32 to vector<16xf32>
          %sub3A_285 = arith.subf %sub3A_284, %get3A_282 : vector<16xf32>
          %mul3A_286 = arith.constant 5.000000e-01 : f32
          %mul3A_287 = vector.broadcast %mul3A_286 : f32 to vector<16xf32>
          %mul3A_288 = arith.mulf %sub3A_285, %mul3A_287 : vector<16xf32>
          %add3A_289 = arith.addf %mul3A_283, %mul3A_288 : vector<16xf32>
          %gt3A = arith.constant 5.000000e-01 : f32
          %gt3A_290 = vector.broadcast %gt3A : f32 to vector<16xf32>
          %gt3A_291 = arith.cmpf ogt, %add3A_289, %gt3A_290 : vector<16xf32>
          %jit3A_292 = arith.constant 1.000000e+00 : f32
          %jit3A_293 = arith.constant 0.000000e+00 : f32
          %broadcast_in_dim3A = vector.broadcast %jit3A_292 : f32 to vector<16xf32>
          %broadcast_in_dim3A_294 = vector.broadcast %jit3A_293 : f32 to vector<16xf32>
          %select_n3A_295 = arith.select %gt3A_291, %broadcast_in_dim3A, %broadcast_in_dim3A_294 : vector<16xi1>, vector<16xf32>
          %mul3A_296 = arith.constant 16 : i32
          %mul3A_297 = arith.muli %scan3A_272, %mul3A_296 : i32
          %swap3A = arith.index_cast %mul3A_297 : i32 to index
          %swap3A_298 = tpu.vector_load %arg15[%swap3A] {strides = array<i32>} : memref<1536xf32, #tpu.memory_space<vmem>>, vector<16xf32>,
          tpu.vector_store %arg15[%swap3A], %select_n3A_295 {strides = array<i32>} : memref<1536xf32, #tpu.memory_space<vmem>>, vector<16xf32>,
          %scan3A_299 = arith.constant 0 : i32
          scf.yield %scan3A_299 : i32
        }
        %scan3A_175 = arith.constant 96 : i32
        %dma_start3A_176 = arith.constant 1 : i32
        %dma_start3A_177 = arith.constant 0 : i32
        %dma_start3A_178 = tpu.memref_slice %arg15[%dma_start3A_177] : memref<1536xf32, #tpu.memory_space<vmem>> -> memref<128xf32, #tpu.memory_space<vmem>>
        %dma_start3A_179 = arith.constant 0 : i32
        %dma_start3A_180 = tpu.memref_slice %arg9[%dma_start3A_176, %dma_start3A_179] : memref<2x1536xi32, #tpu.memory_space<vmem>> -> memref<1x128xi32, #tpu.memory_space<vmem>>
        %dma_start3A_181 = tpu.memref_squeeze %dma_start3A_180 : memref<1x128xi32, #tpu.memory_space<vmem>> -> memref<128xi32, #tpu.memory_space<vmem>>
        %dma_start3A_182 = arith.constant 0 : i32
        %dma_start3A_183 = tpu.memref_slice %arg18[%dma_start3A_182] : memref<100000xf32, #tpu.memory_space<vmem_shared>> -> memref<100000xf32, #tpu.memory_space<vmem_shared>>
        tpu.enqueue_indirect_dma source(%dma_start3A_178 : memref<128xf32, #tpu.memory_space<vmem>>) target(%dma_start3A_183 : memref<100000xf32, #tpu.memory_space<vmem_shared>>) offsets(%dma_start3A_181 : memref<128xi32, #tpu.memory_space<vmem>>) semaphore(%arg23 : memref<!tpu.dma_semaphore, #tpu.memory_space<semaphore_mem>>) {add = true}
        %dma_start3A_184 = arith.constant 1 : i32
        %dma_start3A_185 = arith.constant 128 : i32
        %dma_start3A_186 = tpu.memref_slice %arg15[%dma_start3A_185] : memref<1536xf32, #tpu.memory_space<vmem>> -> memref<128xf32, #tpu.memory_space<vmem>>
        %dma_start3A_187 = arith.constant 128 : i32
        %dma_start3A_188 = tpu.memref_slice %arg9[%dma_start3A_184, %dma_start3A_187] : memref<2x1536xi32, #tpu.memory_space<vmem>> -> memref<1x128xi32, #tpu.memory_space<vmem>>
        %dma_start3A_189 = tpu.memref_squeeze %dma_start3A_188 : memref<1x128xi32, #tpu.memory_space<vmem>> -> memref<128xi32, #tpu.memory_space<vmem>>
        %dma_start3A_190 = arith.constant 0 : i32
        %dma_start3A_191 = tpu.memref_slice %arg18[%dma_start3A_190] : memref<100000xf32, #tpu.memory_space<vmem_shared>> -> memref<100000xf32, #tpu.memory_space<vmem_shared>>
        tpu.enqueue_indirect_dma source(%dma_start3A_186 : memref<128xf32, #tpu.memory_space<vmem>>) target(%dma_start3A_191 : memref<100000xf32, #tpu.memory_space<vmem_shared>>) offsets(%dma_start3A_189 : memref<128xi32, #tpu.memory_space<vmem>>) semaphore(%arg23 : memref<!tpu.dma_semaphore, #tpu.memory_space<semaphore_mem>>) {add = true}
        %dma_start3A_192 = arith.constant 1 : i32
        %dma_start3A_193 = arith.constant 256 : i32
        %dma_start3A_194 = tpu.memref_slice %arg15[%dma_start3A_193] : memref<1536xf32, #tpu.memory_space<vmem>> -> memref<128xf32, #tpu.memory_space<vmem>>
        %dma_start3A_195 = arith.constant 256 : i32
        %dma_start3A_196 = tpu.memref_slice %arg9[%dma_start3A_192, %dma_start3A_195] : memref<2x1536xi32, #tpu.memory_space<vmem>> -> memref<1x128xi32, #tpu.memory_space<vmem>>
        %dma_start3A_197 = tpu.memref_squeeze %dma_start3A_196 : memref<1x128xi32, #tpu.memory_space<vmem>> -> memref<128xi32, #tpu.memory_space<vmem>>
        %dma_start3A_198 = arith.constant 0 : i32
        %dma_start3A_199 = tpu.memref_slice %arg18[%dma_start3A_198] : memref<100000xf32, #tpu.memory_space<vmem_shared>> -> memref<100000xf32, #tpu.memory_space<vmem_shared>>
        tpu.enqueue_indirect_dma source(%dma_start3A_194 : memref<128xf32, #tpu.memory_space<vmem>>) target(%dma_start3A_199 : memref<100000xf32, #tpu.memory_space<vmem_shared>>) offsets(%dma_start3A_197 : memref<128xi32, #tpu.memory_space<vmem>>) semaphore(%arg23 : memref<!tpu.dma_semaphore, #tpu.memory_space<semaphore_mem>>) {add = true}
        %dma_start3A_200 = arith.constant 1 : i32
        %dma_start3A_201 = arith.constant 384 : i32
        %dma_start3A_202 = tpu.memref_slice %arg15[%dma_start3A_201] : memref<1536xf32, #tpu.memory_space<vmem>> -> memref<128xf32, #tpu.memory_space<vmem>>
        %dma_start3A_203 = arith.constant 384 : i32
        %dma_start3A_204 = tpu.memref_slice %arg9[%dma_start3A_200, %dma_start3A_203] : memref<2x1536xi32, #tpu.memory_space<vmem>> -> memref<1x128xi32, #tpu.memory_space<vmem>>
        %dma_start3A_205 = tpu.memref_squeeze %dma_start3A_204 : memref<1x128xi32, #tpu.memory_space<vmem>> -> memref<128xi32, #tpu.memory_space<vmem>>
        %dma_start3A_206 = arith.constant 0 : i32
        %dma_start3A_207 = tpu.memref_slice %arg18[%dma_start3A_206] : memref<100000xf32, #tpu.memory_space<vmem_shared>> -> memref<100000xf32, #tpu.memory_space<vmem_shared>>
        tpu.enqueue_indirect_dma source(%dma_start3A_202 : memref<128xf32, #tpu.memory_space<vmem>>) target(%dma_start3A_207 : memref<100000xf32, #tpu.memory_space<vmem_shared>>) offsets(%dma_start3A_205 : memref<128xi32, #tpu.memory_space<vmem>>) semaphore(%arg23 : memref<!tpu.dma_semaphore, #tpu.memory_space<semaphore_mem>>) {add = true}
        %dma_start3A_208 = arith.constant 1 : i32
        %dma_start3A_209 = arith.constant 512 : i32
        %dma_start3A_210 = tpu.memref_slice %arg15[%dma_start3A_209] : memref<1536xf32, #tpu.memory_space<vmem>> -> memref<128xf32, #tpu.memory_space<vmem>>
        %dma_start3A_211 = arith.constant 512 : i32
        %dma_start3A_212 = tpu.memref_slice %arg9[%dma_start3A_208, %dma_start3A_211] : memref<2x1536xi32, #tpu.memory_space<vmem>> -> memref<1x128xi32, #tpu.memory_space<vmem>>
        %dma_start3A_213 = tpu.memref_squeeze %dma_start3A_212 : memref<1x128xi32, #tpu.memory_space<vmem>> -> memref<128xi32, #tpu.memory_space<vmem>>
        %dma_start3A_214 = arith.constant 0 : i32
        %dma_start3A_215 = tpu.memref_slice %arg18[%dma_start3A_214] : memref<100000xf32, #tpu.memory_space<vmem_shared>> -> memref<100000xf32, #tpu.memory_space<vmem_shared>>
        tpu.enqueue_indirect_dma source(%dma_start3A_210 : memref<128xf32, #tpu.memory_space<vmem>>) target(%dma_start3A_215 : memref<100000xf32, #tpu.memory_space<vmem_shared>>) offsets(%dma_start3A_213 : memref<128xi32, #tpu.memory_space<vmem>>) semaphore(%arg23 : memref<!tpu.dma_semaphore, #tpu.memory_space<semaphore_mem>>) {add = true}
        %dma_start3A_216 = arith.constant 1 : i32
        %dma_start3A_217 = arith.constant 640 : i32
        %dma_start3A_218 = tpu.memref_slice %arg15[%dma_start3A_217] : memref<1536xf32, #tpu.memory_space<vmem>> -> memref<128xf32, #tpu.memory_space<vmem>>
        %dma_start3A_219 = arith.constant 640 : i32
        %dma_start3A_220 = tpu.memref_slice %arg9[%dma_start3A_216, %dma_start3A_219] : memref<2x1536xi32, #tpu.memory_space<vmem>> -> memref<1x128xi32, #tpu.memory_space<vmem>>
        %dma_start3A_221 = tpu.memref_squeeze %dma_start3A_220 : memref<1x128xi32, #tpu.memory_space<vmem>> -> memref<128xi32, #tpu.memory_space<vmem>>
        %dma_start3A_222 = arith.constant 0 : i32
        %dma_start3A_223 = tpu.memref_slice %arg18[%dma_start3A_222] : memref<100000xf32, #tpu.memory_space<vmem_shared>> -> memref<100000xf32, #tpu.memory_space<vmem_shared>>
        tpu.enqueue_indirect_dma source(%dma_start3A_218 : memref<128xf32, #tpu.memory_space<vmem>>) target(%dma_start3A_223 : memref<100000xf32, #tpu.memory_space<vmem_shared>>) offsets(%dma_start3A_221 : memref<128xi32, #tpu.memory_space<vmem>>) semaphore(%arg23 : memref<!tpu.dma_semaphore, #tpu.memory_space<semaphore_mem>>) {add = true}
        %dma_start3A_224 = arith.constant 1 : i32
        %dma_start3A_225 = arith.constant 768 : i32
        %dma_start3A_226 = tpu.memref_slice %arg15[%dma_start3A_225] : memref<1536xf32, #tpu.memory_space<vmem>> -> memref<128xf32, #tpu.memory_space<vmem>>
        %dma_start3A_227 = arith.constant 768 : i32
        %dma_start3A_228 = tpu.memref_slice %arg9[%dma_start3A_224, %dma_start3A_227] : memref<2x1536xi32, #tpu.memory_space<vmem>> -> memref<1x128xi32, #tpu.memory_space<vmem>>
        %dma_start3A_229 = tpu.memref_squeeze %dma_start3A_228 : memref<1x128xi32, #tpu.memory_space<vmem>> -> memref<128xi32, #tpu.memory_space<vmem>>
        %dma_start3A_230 = arith.constant 0 : i32
        %dma_start3A_231 = tpu.memref_slice %arg18[%dma_start3A_230] : memref<100000xf32, #tpu.memory_space<vmem_shared>> -> memref<100000xf32, #tpu.memory_space<vmem_shared>>
        tpu.enqueue_indirect_dma source(%dma_start3A_226 : memref<128xf32, #tpu.memory_space<vmem>>) target(%dma_start3A_231 : memref<100000xf32, #tpu.memory_space<vmem_shared>>) offsets(%dma_start3A_229 : memref<128xi32, #tpu.memory_space<vmem>>) semaphore(%arg23 : memref<!tpu.dma_semaphore, #tpu.memory_space<semaphore_mem>>) {add = true}
        %dma_start3A_232 = arith.constant 1 : i32
        %dma_start3A_233 = arith.constant 896 : i32
        %dma_start3A_234 = tpu.memref_slice %arg15[%dma_start3A_233] : memref<1536xf32, #tpu.memory_space<vmem>> -> memref<128xf32, #tpu.memory_space<vmem>>
        %dma_start3A_235 = arith.constant 896 : i32
        %dma_start3A_236 = tpu.memref_slice %arg9[%dma_start3A_232, %dma_start3A_235] : memref<2x1536xi32, #tpu.memory_space<vmem>> -> memref<1x128xi32, #tpu.memory_space<vmem>>
        %dma_start3A_237 = tpu.memref_squeeze %dma_start3A_236 : memref<1x128xi32, #tpu.memory_space<vmem>> -> memref<128xi32, #tpu.memory_space<vmem>>
        %dma_start3A_238 = arith.constant 0 : i32
        %dma_start3A_239 = tpu.memref_slice %arg18[%dma_start3A_238] : memref<100000xf32, #tpu.memory_space<vmem_shared>> -> memref<100000xf32, #tpu.memory_space<vmem_shared>>
        tpu.enqueue_indirect_dma source(%dma_start3A_234 : memref<128xf32, #tpu.memory_space<vmem>>) target(%dma_start3A_239 : memref<100000xf32, #tpu.memory_space<vmem_shared>>) offsets(%dma_start3A_237 : memref<128xi32, #tpu.memory_space<vmem>>) semaphore(%arg23 : memref<!tpu.dma_semaphore, #tpu.memory_space<semaphore_mem>>) {add = true}
        %dma_start3A_240 = arith.constant 1 : i32
        %dma_start3A_241 = arith.constant 1024 : i32
        %dma_start3A_242 = tpu.memref_slice %arg15[%dma_start3A_241] : memref<1536xf32, #tpu.memory_space<vmem>> -> memref<128xf32, #tpu.memory_space<vmem>>
        %dma_start3A_243 = arith.constant 1024 : i32
        %dma_start3A_244 = tpu.memref_slice %arg9[%dma_start3A_240, %dma_start3A_243] : memref<2x1536xi32, #tpu.memory_space<vmem>> -> memref<1x128xi32, #tpu.memory_space<vmem>>
        %dma_start3A_245 = tpu.memref_squeeze %dma_start3A_244 : memref<1x128xi32, #tpu.memory_space<vmem>> -> memref<128xi32, #tpu.memory_space<vmem>>
        %dma_start3A_246 = arith.constant 0 : i32
        %dma_start3A_247 = tpu.memref_slice %arg18[%dma_start3A_246] : memref<100000xf32, #tpu.memory_space<vmem_shared>> -> memref<100000xf32, #tpu.memory_space<vmem_shared>>
        tpu.enqueue_indirect_dma source(%dma_start3A_242 : memref<128xf32, #tpu.memory_space<vmem>>) target(%dma_start3A_247 : memref<100000xf32, #tpu.memory_space<vmem_shared>>) offsets(%dma_start3A_245 : memref<128xi32, #tpu.memory_space<vmem>>) semaphore(%arg23 : memref<!tpu.dma_semaphore, #tpu.memory_space<semaphore_mem>>) {add = true}
        %dma_start3A_248 = arith.constant 1 : i32
        %dma_start3A_249 = arith.constant 1152 : i32
        %dma_start3A_250 = tpu.memref_slice %arg15[%dma_start3A_249] : memref<1536xf32, #tpu.memory_space<vmem>> -> memref<128xf32, #tpu.memory_space<vmem>>
        %dma_start3A_251 = arith.constant 1152 : i32
        %dma_start3A_252 = tpu.memref_slice %arg9[%dma_start3A_248, %dma_start3A_251] : memref<2x1536xi32, #tpu.memory_space<vmem>> -> memref<1x128xi32, #tpu.memory_space<vmem>>
        %dma_start3A_253 = tpu.memref_squeeze %dma_start3A_252 : memref<1x128xi32, #tpu.memory_space<vmem>> -> memref<128xi32, #tpu.memory_space<vmem>>
        %dma_start3A_254 = arith.constant 0 : i32
        %dma_start3A_255 = tpu.memref_slice %arg18[%dma_start3A_254] : memref<100000xf32, #tpu.memory_space<vmem_shared>> -> memref<100000xf32, #tpu.memory_space<vmem_shared>>
        tpu.enqueue_indirect_dma source(%dma_start3A_250 : memref<128xf32, #tpu.memory_space<vmem>>) target(%dma_start3A_255 : memref<100000xf32, #tpu.memory_space<vmem_shared>>) offsets(%dma_start3A_253 : memref<128xi32, #tpu.memory_space<vmem>>) semaphore(%arg23 : memref<!tpu.dma_semaphore, #tpu.memory_space<semaphore_mem>>) {add = true}
        %dma_start3A_256 = arith.constant 1 : i32
        %dma_start3A_257 = arith.constant 1280 : i32
        %dma_start3A_258 = tpu.memref_slice %arg15[%dma_start3A_257] : memref<1536xf32, #tpu.memory_space<vmem>> -> memref<128xf32, #tpu.memory_space<vmem>>
        %dma_start3A_259 = arith.constant 1280 : i32
        %dma_start3A_260 = tpu.memref_slice %arg9[%dma_start3A_256, %dma_start3A_259] : memref<2x1536xi32, #tpu.memory_space<vmem>> -> memref<1x128xi32, #tpu.memory_space<vmem>>
        %dma_start3A_261 = tpu.memref_squeeze %dma_start3A_260 : memref<1x128xi32, #tpu.memory_space<vmem>> -> memref<128xi32, #tpu.memory_space<vmem>>
        %dma_start3A_262 = arith.constant 0 : i32
        %dma_start3A_263 = tpu.memref_slice %arg18[%dma_start3A_262] : memref<100000xf32, #tpu.memory_space<vmem_shared>> -> memref<100000xf32, #tpu.memory_space<vmem_shared>>
        tpu.enqueue_indirect_dma source(%dma_start3A_258 : memref<128xf32, #tpu.memory_space<vmem>>) target(%dma_start3A_263 : memref<100000xf32, #tpu.memory_space<vmem_shared>>) offsets(%dma_start3A_261 : memref<128xi32, #tpu.memory_space<vmem>>) semaphore(%arg23 : memref<!tpu.dma_semaphore, #tpu.memory_space<semaphore_mem>>) {add = true}
        %dma_start3A_264 = arith.constant 1 : i32
        %dma_start3A_265 = arith.constant 1408 : i32
        %dma_start3A_266 = tpu.memref_slice %arg15[%dma_start3A_265] : memref<1536xf32, #tpu.memory_space<vmem>> -> memref<128xf32, #tpu.memory_space<vmem>>
        %dma_start3A_267 = arith.constant 1408 : i32
        %dma_start3A_268 = tpu.memref_slice %arg9[%dma_start3A_264, %dma_start3A_267] : memref<2x1536xi32, #tpu.memory_space<vmem>> -> memref<1x128xi32, #tpu.memory_space<vmem>>
        %dma_start3A_269 = tpu.memref_squeeze %dma_start3A_268 : memref<1x128xi32, #tpu.memory_space<vmem>> -> memref<128xi32, #tpu.memory_space<vmem>>
        %dma_start3A_270 = arith.constant 0 : i32
        %dma_start3A_271 = tpu.memref_slice %arg18[%dma_start3A_270] : memref<100000xf32, #tpu.memory_space<vmem_shared>> -> memref<100000xf32, #tpu.memory_space<vmem_shared>>
        tpu.enqueue_indirect_dma source(%dma_start3A_266 : memref<128xf32, #tpu.memory_space<vmem>>) target(%dma_start3A_271 : memref<100000xf32, #tpu.memory_space<vmem_shared>>) offsets(%dma_start3A_269 : memref<128xi32, #tpu.memory_space<vmem>>) semaphore(%arg23 : memref<!tpu.dma_semaphore, #tpu.memory_space<semaphore_mem>>) {add = true}
      } else {
      }
      %jit3A_127 = arith.constant 3 : i32
      %eq3A_128 = arith.constant 0 : i32
      %eq3A_129 = arith.cmpi eq, %jit3A_127, %eq3A_128 : i32
      %jit3A_130 = arith.constant 1 : i32
      %select_n3A_131 = arith.select %eq3A_129, %jit3A_130, %jit3A_127 : i32
      %rem3A_132 = arith.remsi %while3A_85, %select_n3A_131 : i32
      %ne3A_133 = arith.constant 0 : i32
      %ne3A_134 = arith.cmpi ne, %rem3A_132, %ne3A_133 : i32
      %lt3A_135 = arith.constant 0 : i32
      %lt3A_136 = arith.cmpi slt, %rem3A_132, %lt3A_135 : i32
      %lt3A_137 = arith.constant 0 : i32
      %lt3A_138 = arith.cmpi slt, %select_n3A_131, %lt3A_137 : i32
      %ne3A_139 = arith.xori %lt3A_136, %lt3A_138 : i1
      %and3A_140 = arith.andi %ne3A_139, %ne3A_134 : i1
      %add3A_141 = arith.addi %rem3A_132, %select_n3A_131 : i32
      %select_n3A_142 = arith.select %and3A_140, %add3A_141, %rem3A_132 : i32
      %eq3A_143 = arith.constant 2 : i32
      %eq3A_144 = arith.cmpi eq, %select_n3A_142, %eq3A_143 : i32
      %convert_element_type3A_145 = arith.extui %eq3A_144 : i1 to i32
      %cond3A_146 = arith.constant 0 : i32
      %cond3A_147 = arith.cmpi ne, %convert_element_type3A_145, %cond3A_146 : i32
      scf.if %cond3A_147 {
        %ge3A_149 = arith.constant 2 : i32
        %ge3A_150 = arith.cmpi sge, %while3A_85, %ge3A_149 : i32
        %convert_element_type3A_151 = arith.extui %ge3A_150 : i1 to i32
        %cond3A_152 = arith.constant 0 : i32
        %cond3A_153 = arith.cmpi ne, %convert_element_type3A_151, %cond3A_152 : i32
        scf.if %cond3A_153 {
          %dma_wait3A_272 = arith.constant 0 : i32
          %dma_wait3A_273 = tpu.memref_slice %arg4[%dma_wait3A_272] : memref<3200000xf32, #tpu.memory_space<hbm>> -> memref<1536xf32, #tpu.memory_space<hbm>>
          %dma_wait3A_274 = arith.constant 0 : i32
          %dma_wait3A_275 = tpu.memref_slice %arg4[%dma_wait3A_274] : memref<3200000xf32, #tpu.memory_space<hbm>> -> memref<1536xf32, #tpu.memory_space<hbm>>
          tpu.wait_dma2 semaphore(%arg22 : memref<!tpu.dma_semaphore, #tpu.memory_space<semaphore_mem>>) src(%dma_wait3A_275 : memref<1536xf32, #tpu.memory_space<hbm>>) dst(%arg14 : memref<1536xf32, #tpu.memory_space<vmem>>)
        } else {
        }
        %add3A_154 = arith.constant 1 : i32
        %add3A_155 = arith.addi %while3A_85, %add3A_154 : i32
        %lt3A_156 = arith.cmpi slt, %add3A_155, %add3A_4 : i32
        %convert_element_type3A_157 = arith.extui %lt3A_156 : i1 to i32
        %cond3A_158 = arith.constant 0 : i32
        %cond3A_159 = arith.cmpi ne, %convert_element_type3A_157, %cond3A_158 : i32
        scf.if %cond3A_159 {
          %add3A_272 = arith.constant 1 : i32
          %add3A_273 = arith.addi %while3A_85, %add3A_272 : i32
          %add3A_274 = arith.addi %add3A_8, %add3A_273 : i32
          %mul3A_275 = arith.constant 1536 : i32
          %mul3A_276 = arith.muli %add3A_274, %mul3A_275 : i32
          %dma_start3A_277 = arith.constant 0 : i32
          %dma_start3A_278 = tpu.memref_slice %arg3[%dma_start3A_277, %mul3A_276] : memref<2x3200000xi32, #tpu.memory_space<hbm>> -> memref<2x1536xi32, #tpu.memory_space<hbm>>
          %dma_start3A_279 = arith.constant 0 : i32
          %dma_start3A_280 = tpu.memref_slice %arg3[%dma_start3A_279, %mul3A_276] : memref<2x3200000xi32, #tpu.memory_space<hbm>> -> memref<2x1536xi32, #tpu.memory_space<hbm>>
          tpu.enqueue_dma source(%dma_start3A_280 : memref<2x1536xi32, #tpu.memory_space<hbm>>) target(%arg8 : memref<2x1536xi32, #tpu.memory_space<vmem>>) target_semaphore(%arg19 : memref<!tpu.dma_semaphore, #tpu.memory_space<semaphore_mem>>)
          %dma_start3A_281 = tpu.memref_slice %arg4[%mul3A_276] : memref<3200000xf32, #tpu.memory_space<hbm>> -> memref<1536xf32, #tpu.memory_space<hbm>>
          %dma_start3A_282 = tpu.memref_slice %arg4[%mul3A_276] : memref<3200000xf32, #tpu.memory_space<hbm>> -> memref<1536xf32, #tpu.memory_space<hbm>>
          tpu.enqueue_dma source(%dma_start3A_282 : memref<1536xf32, #tpu.memory_space<hbm>>) target(%arg11 : memref<1536xf32, #tpu.memory_space<vmem>>) target_semaphore(%arg19 : memref<!tpu.dma_semaphore, #tpu.memory_space<semaphore_mem>>)
        } else {
        }
        %dma_wait3A = arith.constant 0 : i32
        %dma_wait3A_160 = arith.constant 0 : i32
        %dma_wait3A_161 = tpu.memref_slice %arg3[%dma_wait3A, %dma_wait3A_160] : memref<2x3200000xi32, #tpu.memory_space<hbm>> -> memref<2x1536xi32, #tpu.memory_space<hbm>>
        %dma_wait3A_162 = arith.constant 0 : i32
        %dma_wait3A_163 = arith.constant 0 : i32
        %dma_wait3A_164 = tpu.memref_slice %arg3[%dma_wait3A_162, %dma_wait3A_163] : memref<2x3200000xi32, #tpu.memory_space<hbm>> -> memref<2x1536xi32, #tpu.memory_space<hbm>>
        tpu.wait_dma2 semaphore(%arg21 : memref<!tpu.dma_semaphore, #tpu.memory_space<semaphore_mem>>) src(%dma_wait3A_164 : memref<2x1536xi32, #tpu.memory_space<hbm>>) dst(%arg10 : memref<2x1536xi32, #tpu.memory_space<vmem>>)
        %dma_wait3A_165 = arith.constant 0 : i32
        %dma_wait3A_166 = tpu.memref_slice %arg4[%dma_wait3A_165] : memref<3200000xf32, #tpu.memory_space<hbm>> -> memref<1536xf32, #tpu.memory_space<hbm>>
        %dma_wait3A_167 = arith.constant 0 : i32
        %dma_wait3A_168 = tpu.memref_slice %arg4[%dma_wait3A_167] : memref<3200000xf32, #tpu.memory_space<hbm>> -> memref<1536xf32, #tpu.memory_space<hbm>>
        tpu.wait_dma2 semaphore(%arg21 : memref<!tpu.dma_semaphore, #tpu.memory_space<semaphore_mem>>) src(%dma_wait3A_168 : memref<1536xf32, #tpu.memory_space<hbm>>) dst(%arg13 : memref<1536xf32, #tpu.memory_space<vmem>>)
        %scan3A_169 = arith.constant 0 : i32
        %scan3A_170 = arith.constant 0 : i32
        %scan3A_171 = arith.constant 96 : i32
        %scan3A_172 = arith.addi %scan3A_170, %scan3A_171 : i32
        %scan3A_173 = arith.constant 1 : i32
        %scan3A_174 = scf.for %scan3A_272 = %scan3A_170 to %scan3A_172 step %scan3A_173 iter_args(%scan3A_273 = %scan3A_169) -> (i32)  : i32 {
          %mul3A_274 = arith.constant 16 : i32
          %mul3A_275 = arith.muli %scan3A_272, %mul3A_274 : i32
          %get3A = arith.constant 0 : i32
          %get3A_276 = arith.index_cast %get3A : i32 to index
          %get3A_277 = arith.index_cast %mul3A_275 : i32 to index
          %get3A_278 = tpu.vector_load %arg10[%get3A_276, %get3A_277] {strides = array<i32>} : memref<2x1536xi32, #tpu.memory_space<vmem>>, vector<16xi32>,
          %gather3A = tpu.vector_load_idx %arg7[%get3A_278] : memref<100000xf32, #tpu.memory_space<vmem>>[vector<16xi32>], vector<16xf32>,
          %mul3A_279 = arith.constant 16 : i32
          %mul3A_280 = arith.muli %scan3A_272, %mul3A_279 : i32
          %get3A_281 = arith.index_cast %mul3A_280 : i32 to index
          %get3A_282 = tpu.vector_load %arg13[%get3A_281] {strides = array<i32>} : memref<1536xf32, #tpu.memory_space<vmem>>, vector<16xf32>,
          %mul3A_283 = arith.mulf %get3A_282, %gather3A : vector<16xf32>
          %sub3A = arith.constant 1.000000e+00 : f32
          %sub3A_284 = vector.broadcast %sub3A : f32 to vector<16xf32>
          %sub3A_285 = arith.subf %sub3A_284, %get3A_282 : vector<16xf32>
          %mul3A_286 = arith.constant 5.000000e-01 : f32
          %mul3A_287 = vector.broadcast %mul3A_286 : f32 to vector<16xf32>
          %mul3A_288 = arith.mulf %sub3A_285, %mul3A_287 : vector<16xf32>
          %add3A_289 = arith.addf %mul3A_283, %mul3A_288 : vector<16xf32>
          %gt3A = arith.constant 5.000000e-01 : f32
          %gt3A_290 = vector.broadcast %gt3A : f32 to vector<16xf32>
          %gt3A_291 = arith.cmpf ogt, %add3A_289, %gt3A_290 : vector<16xf32>
          %jit3A_292 = arith.constant 1.000000e+00 : f32
          %jit3A_293 = arith.constant 0.000000e+00 : f32
          %broadcast_in_dim3A = vector.broadcast %jit3A_292 : f32 to vector<16xf32>
          %broadcast_in_dim3A_294 = vector.broadcast %jit3A_293 : f32 to vector<16xf32>
          %select_n3A_295 = arith.select %gt3A_291, %broadcast_in_dim3A, %broadcast_in_dim3A_294 : vector<16xi1>, vector<16xf32>
          %mul3A_296 = arith.constant 16 : i32
          %mul3A_297 = arith.muli %scan3A_272, %mul3A_296 : i32
          %swap3A = arith.index_cast %mul3A_297 : i32 to index
          %swap3A_298 = tpu.vector_load %arg16[%swap3A] {strides = array<i32>} : memref<1536xf32, #tpu.memory_space<vmem>>, vector<16xf32>,
          tpu.vector_store %arg16[%swap3A], %select_n3A_295 {strides = array<i32>} : memref<1536xf32, #tpu.memory_space<vmem>>, vector<16xf32>,
          %scan3A_299 = arith.constant 0 : i32
          scf.yield %scan3A_299 : i32
        }
        %scan3A_175 = arith.constant 96 : i32
        %dma_start3A_176 = arith.constant 1 : i32
        %dma_start3A_177 = arith.constant 0 : i32
        %dma_start3A_178 = tpu.memref_slice %arg16[%dma_start3A_177] : memref<1536xf32, #tpu.memory_space<vmem>> -> memref<128xf32, #tpu.memory_space<vmem>>
        %dma_start3A_179 = arith.constant 0 : i32
        %dma_start3A_180 = tpu.memref_slice %arg10[%dma_start3A_176, %dma_start3A_179] : memref<2x1536xi32, #tpu.memory_space<vmem>> -> memref<1x128xi32, #tpu.memory_space<vmem>>
        %dma_start3A_181 = tpu.memref_squeeze %dma_start3A_180 : memref<1x128xi32, #tpu.memory_space<vmem>> -> memref<128xi32, #tpu.memory_space<vmem>>
        %dma_start3A_182 = arith.constant 0 : i32
        %dma_start3A_183 = tpu.memref_slice %arg18[%dma_start3A_182] : memref<100000xf32, #tpu.memory_space<vmem_shared>> -> memref<100000xf32, #tpu.memory_space<vmem_shared>>
        tpu.enqueue_indirect_dma source(%dma_start3A_178 : memref<128xf32, #tpu.memory_space<vmem>>) target(%dma_start3A_183 : memref<100000xf32, #tpu.memory_space<vmem_shared>>) offsets(%dma_start3A_181 : memref<128xi32, #tpu.memory_space<vmem>>) semaphore(%arg24 : memref<!tpu.dma_semaphore, #tpu.memory_space<semaphore_mem>>) {add = true}
        %dma_start3A_184 = arith.constant 1 : i32
        %dma_start3A_185 = arith.constant 128 : i32
        %dma_start3A_186 = tpu.memref_slice %arg16[%dma_start3A_185] : memref<1536xf32, #tpu.memory_space<vmem>> -> memref<128xf32, #tpu.memory_space<vmem>>
        %dma_start3A_187 = arith.constant 128 : i32
        %dma_start3A_188 = tpu.memref_slice %arg10[%dma_start3A_184, %dma_start3A_187] : memref<2x1536xi32, #tpu.memory_space<vmem>> -> memref<1x128xi32, #tpu.memory_space<vmem>>
        %dma_start3A_189 = tpu.memref_squeeze %dma_start3A_188 : memref<1x128xi32, #tpu.memory_space<vmem>> -> memref<128xi32, #tpu.memory_space<vmem>>
        %dma_start3A_190 = arith.constant 0 : i32
        %dma_start3A_191 = tpu.memref_slice %arg18[%dma_start3A_190] : memref<100000xf32, #tpu.memory_space<vmem_shared>> -> memref<100000xf32, #tpu.memory_space<vmem_shared>>
        tpu.enqueue_indirect_dma source(%dma_start3A_186 : memref<128xf32, #tpu.memory_space<vmem>>) target(%dma_start3A_191 : memref<100000xf32, #tpu.memory_space<vmem_shared>>) offsets(%dma_start3A_189 : memref<128xi32, #tpu.memory_space<vmem>>) semaphore(%arg24 : memref<!tpu.dma_semaphore, #tpu.memory_space<semaphore_mem>>) {add = true}
        %dma_start3A_192 = arith.constant 1 : i32
        %dma_start3A_193 = arith.constant 256 : i32
        %dma_start3A_194 = tpu.memref_slice %arg16[%dma_start3A_193] : memref<1536xf32, #tpu.memory_space<vmem>> -> memref<128xf32, #tpu.memory_space<vmem>>
        %dma_start3A_195 = arith.constant 256 : i32
        %dma_start3A_196 = tpu.memref_slice %arg10[%dma_start3A_192, %dma_start3A_195] : memref<2x1536xi32, #tpu.memory_space<vmem>> -> memref<1x128xi32, #tpu.memory_space<vmem>>
        %dma_start3A_197 = tpu.memref_squeeze %dma_start3A_196 : memref<1x128xi32, #tpu.memory_space<vmem>> -> memref<128xi32, #tpu.memory_space<vmem>>
        %dma_start3A_198 = arith.constant 0 : i32
        %dma_start3A_199 = tpu.memref_slice %arg18[%dma_start3A_198] : memref<100000xf32, #tpu.memory_space<vmem_shared>> -> memref<100000xf32, #tpu.memory_space<vmem_shared>>
        tpu.enqueue_indirect_dma source(%dma_start3A_194 : memref<128xf32, #tpu.memory_space<vmem>>) target(%dma_start3A_199 : memref<100000xf32, #tpu.memory_space<vmem_shared>>) offsets(%dma_start3A_197 : memref<128xi32, #tpu.memory_space<vmem>>) semaphore(%arg24 : memref<!tpu.dma_semaphore, #tpu.memory_space<semaphore_mem>>) {add = true}
        %dma_start3A_200 = arith.constant 1 : i32
        %dma_start3A_201 = arith.constant 384 : i32
        %dma_start3A_202 = tpu.memref_slice %arg16[%dma_start3A_201] : memref<1536xf32, #tpu.memory_space<vmem>> -> memref<128xf32, #tpu.memory_space<vmem>>
        %dma_start3A_203 = arith.constant 384 : i32
        %dma_start3A_204 = tpu.memref_slice %arg10[%dma_start3A_200, %dma_start3A_203] : memref<2x1536xi32, #tpu.memory_space<vmem>> -> memref<1x128xi32, #tpu.memory_space<vmem>>
        %dma_start3A_205 = tpu.memref_squeeze %dma_start3A_204 : memref<1x128xi32, #tpu.memory_space<vmem>> -> memref<128xi32, #tpu.memory_space<vmem>>
        %dma_start3A_206 = arith.constant 0 : i32
        %dma_start3A_207 = tpu.memref_slice %arg18[%dma_start3A_206] : memref<100000xf32, #tpu.memory_space<vmem_shared>> -> memref<100000xf32, #tpu.memory_space<vmem_shared>>
        tpu.enqueue_indirect_dma source(%dma_start3A_202 : memref<128xf32, #tpu.memory_space<vmem>>) target(%dma_start3A_207 : memref<100000xf32, #tpu.memory_space<vmem_shared>>) offsets(%dma_start3A_205 : memref<128xi32, #tpu.memory_space<vmem>>) semaphore(%arg24 : memref<!tpu.dma_semaphore, #tpu.memory_space<semaphore_mem>>) {add = true}
        %dma_start3A_208 = arith.constant 1 : i32
        %dma_start3A_209 = arith.constant 512 : i32
        %dma_start3A_210 = tpu.memref_slice %arg16[%dma_start3A_209] : memref<1536xf32, #tpu.memory_space<vmem>> -> memref<128xf32, #tpu.memory_space<vmem>>
        %dma_start3A_211 = arith.constant 512 : i32
        %dma_start3A_212 = tpu.memref_slice %arg10[%dma_start3A_208, %dma_start3A_211] : memref<2x1536xi32, #tpu.memory_space<vmem>> -> memref<1x128xi32, #tpu.memory_space<vmem>>
        %dma_start3A_213 = tpu.memref_squeeze %dma_start3A_212 : memref<1x128xi32, #tpu.memory_space<vmem>> -> memref<128xi32, #tpu.memory_space<vmem>>
        %dma_start3A_214 = arith.constant 0 : i32
        %dma_start3A_215 = tpu.memref_slice %arg18[%dma_start3A_214] : memref<100000xf32, #tpu.memory_space<vmem_shared>> -> memref<100000xf32, #tpu.memory_space<vmem_shared>>
        tpu.enqueue_indirect_dma source(%dma_start3A_210 : memref<128xf32, #tpu.memory_space<vmem>>) target(%dma_start3A_215 : memref<100000xf32, #tpu.memory_space<vmem_shared>>) offsets(%dma_start3A_213 : memref<128xi32, #tpu.memory_space<vmem>>) semaphore(%arg24 : memref<!tpu.dma_semaphore, #tpu.memory_space<semaphore_mem>>) {add = true}
        %dma_start3A_216 = arith.constant 1 : i32
        %dma_start3A_217 = arith.constant 640 : i32
        %dma_start3A_218 = tpu.memref_slice %arg16[%dma_start3A_217] : memref<1536xf32, #tpu.memory_space<vmem>> -> memref<128xf32, #tpu.memory_space<vmem>>
        %dma_start3A_219 = arith.constant 640 : i32
        %dma_start3A_220 = tpu.memref_slice %arg10[%dma_start3A_216, %dma_start3A_219] : memref<2x1536xi32, #tpu.memory_space<vmem>> -> memref<1x128xi32, #tpu.memory_space<vmem>>
        %dma_start3A_221 = tpu.memref_squeeze %dma_start3A_220 : memref<1x128xi32, #tpu.memory_space<vmem>> -> memref<128xi32, #tpu.memory_space<vmem>>
        %dma_start3A_222 = arith.constant 0 : i32
        %dma_start3A_223 = tpu.memref_slice %arg18[%dma_start3A_222] : memref<100000xf32, #tpu.memory_space<vmem_shared>> -> memref<100000xf32, #tpu.memory_space<vmem_shared>>
        tpu.enqueue_indirect_dma source(%dma_start3A_218 : memref<128xf32, #tpu.memory_space<vmem>>) target(%dma_start3A_223 : memref<100000xf32, #tpu.memory_space<vmem_shared>>) offsets(%dma_start3A_221 : memref<128xi32, #tpu.memory_space<vmem>>) semaphore(%arg24 : memref<!tpu.dma_semaphore, #tpu.memory_space<semaphore_mem>>) {add = true}
        %dma_start3A_224 = arith.constant 1 : i32
        %dma_start3A_225 = arith.constant 768 : i32
        %dma_start3A_226 = tpu.memref_slice %arg16[%dma_start3A_225] : memref<1536xf32, #tpu.memory_space<vmem>> -> memref<128xf32, #tpu.memory_space<vmem>>
        %dma_start3A_227 = arith.constant 768 : i32
        %dma_start3A_228 = tpu.memref_slice %arg10[%dma_start3A_224, %dma_start3A_227] : memref<2x1536xi32, #tpu.memory_space<vmem>> -> memref<1x128xi32, #tpu.memory_space<vmem>>
        %dma_start3A_229 = tpu.memref_squeeze %dma_start3A_228 : memref<1x128xi32, #tpu.memory_space<vmem>> -> memref<128xi32, #tpu.memory_space<vmem>>
        %dma_start3A_230 = arith.constant 0 : i32
        %dma_start3A_231 = tpu.memref_slice %arg18[%dma_start3A_230] : memref<100000xf32, #tpu.memory_space<vmem_shared>> -> memref<100000xf32, #tpu.memory_space<vmem_shared>>
        tpu.enqueue_indirect_dma source(%dma_start3A_226 : memref<128xf32, #tpu.memory_space<vmem>>) target(%dma_start3A_231 : memref<100000xf32, #tpu.memory_space<vmem_shared>>) offsets(%dma_start3A_229 : memref<128xi32, #tpu.memory_space<vmem>>) semaphore(%arg24 : memref<!tpu.dma_semaphore, #tpu.memory_space<semaphore_mem>>) {add = true}
        %dma_start3A_232 = arith.constant 1 : i32
        %dma_start3A_233 = arith.constant 896 : i32
        %dma_start3A_234 = tpu.memref_slice %arg16[%dma_start3A_233] : memref<1536xf32, #tpu.memory_space<vmem>> -> memref<128xf32, #tpu.memory_space<vmem>>
        %dma_start3A_235 = arith.constant 896 : i32
        %dma_start3A_236 = tpu.memref_slice %arg10[%dma_start3A_232, %dma_start3A_235] : memref<2x1536xi32, #tpu.memory_space<vmem>> -> memref<1x128xi32, #tpu.memory_space<vmem>>
        %dma_start3A_237 = tpu.memref_squeeze %dma_start3A_236 : memref<1x128xi32, #tpu.memory_space<vmem>> -> memref<128xi32, #tpu.memory_space<vmem>>
        %dma_start3A_238 = arith.constant 0 : i32
        %dma_start3A_239 = tpu.memref_slice %arg18[%dma_start3A_238] : memref<100000xf32, #tpu.memory_space<vmem_shared>> -> memref<100000xf32, #tpu.memory_space<vmem_shared>>
        tpu.enqueue_indirect_dma source(%dma_start3A_234 : memref<128xf32, #tpu.memory_space<vmem>>) target(%dma_start3A_239 : memref<100000xf32, #tpu.memory_space<vmem_shared>>) offsets(%dma_start3A_237 : memref<128xi32, #tpu.memory_space<vmem>>) semaphore(%arg24 : memref<!tpu.dma_semaphore, #tpu.memory_space<semaphore_mem>>) {add = true}
        %dma_start3A_240 = arith.constant 1 : i32
        %dma_start3A_241 = arith.constant 1024 : i32
        %dma_start3A_242 = tpu.memref_slice %arg16[%dma_start3A_241] : memref<1536xf32, #tpu.memory_space<vmem>> -> memref<128xf32, #tpu.memory_space<vmem>>
        %dma_start3A_243 = arith.constant 1024 : i32
        %dma_start3A_244 = tpu.memref_slice %arg10[%dma_start3A_240, %dma_start3A_243] : memref<2x1536xi32, #tpu.memory_space<vmem>> -> memref<1x128xi32, #tpu.memory_space<vmem>>
        %dma_start3A_245 = tpu.memref_squeeze %dma_start3A_244 : memref<1x128xi32, #tpu.memory_space<vmem>> -> memref<128xi32, #tpu.memory_space<vmem>>
        %dma_start3A_246 = arith.constant 0 : i32
        %dma_start3A_247 = tpu.memref_slice %arg18[%dma_start3A_246] : memref<100000xf32, #tpu.memory_space<vmem_shared>> -> memref<100000xf32, #tpu.memory_space<vmem_shared>>
        tpu.enqueue_indirect_dma source(%dma_start3A_242 : memref<128xf32, #tpu.memory_space<vmem>>) target(%dma_start3A_247 : memref<100000xf32, #tpu.memory_space<vmem_shared>>) offsets(%dma_start3A_245 : memref<128xi32, #tpu.memory_space<vmem>>) semaphore(%arg24 : memref<!tpu.dma_semaphore, #tpu.memory_space<semaphore_mem>>) {add = true}
        %dma_start3A_248 = arith.constant 1 : i32
        %dma_start3A_249 = arith.constant 1152 : i32
        %dma_start3A_250 = tpu.memref_slice %arg16[%dma_start3A_249] : memref<1536xf32, #tpu.memory_space<vmem>> -> memref<128xf32, #tpu.memory_space<vmem>>
        %dma_start3A_251 = arith.constant 1152 : i32
        %dma_start3A_252 = tpu.memref_slice %arg10[%dma_start3A_248, %dma_start3A_251] : memref<2x1536xi32, #tpu.memory_space<vmem>> -> memref<1x128xi32, #tpu.memory_space<vmem>>
        %dma_start3A_253 = tpu.memref_squeeze %dma_start3A_252 : memref<1x128xi32, #tpu.memory_space<vmem>> -> memref<128xi32, #tpu.memory_space<vmem>>
        %dma_start3A_254 = arith.constant 0 : i32
        %dma_start3A_255 = tpu.memref_slice %arg18[%dma_start3A_254] : memref<100000xf32, #tpu.memory_space<vmem_shared>> -> memref<100000xf32, #tpu.memory_space<vmem_shared>>
        tpu.enqueue_indirect_dma source(%dma_start3A_250 : memref<128xf32, #tpu.memory_space<vmem>>) target(%dma_start3A_255 : memref<100000xf32, #tpu.memory_space<vmem_shared>>) offsets(%dma_start3A_253 : memref<128xi32, #tpu.memory_space<vmem>>) semaphore(%arg24 : memref<!tpu.dma_semaphore, #tpu.memory_space<semaphore_mem>>) {add = true}
        %dma_start3A_256 = arith.constant 1 : i32
        %dma_start3A_257 = arith.constant 1280 : i32
        %dma_start3A_258 = tpu.memref_slice %arg16[%dma_start3A_257] : memref<1536xf32, #tpu.memory_space<vmem>> -> memref<128xf32, #tpu.memory_space<vmem>>
        %dma_start3A_259 = arith.constant 1280 : i32
        %dma_start3A_260 = tpu.memref_slice %arg10[%dma_start3A_256, %dma_start3A_259] : memref<2x1536xi32, #tpu.memory_space<vmem>> -> memref<1x128xi32, #tpu.memory_space<vmem>>
        %dma_start3A_261 = tpu.memref_squeeze %dma_start3A_260 : memref<1x128xi32, #tpu.memory_space<vmem>> -> memref<128xi32, #tpu.memory_space<vmem>>
        %dma_start3A_262 = arith.constant 0 : i32
        %dma_start3A_263 = tpu.memref_slice %arg18[%dma_start3A_262] : memref<100000xf32, #tpu.memory_space<vmem_shared>> -> memref<100000xf32, #tpu.memory_space<vmem_shared>>
        tpu.enqueue_indirect_dma source(%dma_start3A_258 : memref<128xf32, #tpu.memory_space<vmem>>) target(%dma_start3A_263 : memref<100000xf32, #tpu.memory_space<vmem_shared>>) offsets(%dma_start3A_261 : memref<128xi32, #tpu.memory_space<vmem>>) semaphore(%arg24 : memref<!tpu.dma_semaphore, #tpu.memory_space<semaphore_mem>>) {add = true}
        %dma_start3A_264 = arith.constant 1 : i32
        %dma_start3A_265 = arith.constant 1408 : i32
        %dma_start3A_266 = tpu.memref_slice %arg16[%dma_start3A_265] : memref<1536xf32, #tpu.memory_space<vmem>> -> memref<128xf32, #tpu.memory_space<vmem>>
        %dma_start3A_267 = arith.constant 1408 : i32
        %dma_start3A_268 = tpu.memref_slice %arg10[%dma_start3A_264, %dma_start3A_267] : memref<2x1536xi32, #tpu.memory_space<vmem>> -> memref<1x128xi32, #tpu.memory_space<vmem>>
        %dma_start3A_269 = tpu.memref_squeeze %dma_start3A_268 : memref<1x128xi32, #tpu.memory_space<vmem>> -> memref<128xi32, #tpu.memory_space<vmem>>
        %dma_start3A_270 = arith.constant 0 : i32
        %dma_start3A_271 = tpu.memref_slice %arg18[%dma_start3A_270] : memref<100000xf32, #tpu.memory_space<vmem_shared>> -> memref<100000xf32, #tpu.memory_space<vmem_shared>>
        tpu.enqueue_indirect_dma source(%dma_start3A_266 : memref<128xf32, #tpu.memory_space<vmem>>) target(%dma_start3A_271 : memref<100000xf32, #tpu.memory_space<vmem_shared>>) offsets(%dma_start3A_269 : memref<128xi32, #tpu.memory_space<vmem>>) semaphore(%arg24 : memref<!tpu.dma_semaphore, #tpu.memory_space<semaphore_mem>>) {add = true}
      } else {
      }
      %while3A_148 = arith.constant 0 : i32
      scf.yield %while3A_148 : i32
    }
    %while3A_58 = arith.constant 1 : i32
    %while3A_59 = scf.for %while3A_85 = %while3A_55 to %while3A_51 step %while3A_58 iter_args(%while3A_86 = %while3A_57) -> (i32)  : i32 {
      %jit3A_87 = arith.constant 3 : i32
      %eq3A_88 = arith.constant 0 : i32
      %eq3A_89 = arith.cmpi eq, %jit3A_87, %eq3A_88 : i32
      %jit3A_90 = arith.constant 1 : i32
      %select_n3A_91 = arith.select %eq3A_89, %jit3A_90, %jit3A_87 : i32
      %rem3A = arith.remsi %while3A_85, %select_n3A_91 : i32
      %ne3A_92 = arith.constant 0 : i32
      %ne3A_93 = arith.cmpi ne, %rem3A, %ne3A_92 : i32
      %lt3A_94 = arith.constant 0 : i32
      %lt3A_95 = arith.cmpi slt, %rem3A, %lt3A_94 : i32
      %lt3A_96 = arith.constant 0 : i32
      %lt3A_97 = arith.cmpi slt, %select_n3A_91, %lt3A_96 : i32
      %ne3A_98 = arith.xori %lt3A_95, %lt3A_97 : i1
      %and3A = arith.andi %ne3A_98, %ne3A_93 : i1
      %add3A_99 = arith.addi %rem3A, %select_n3A_91 : i32
      %select_n3A_100 = arith.select %and3A, %add3A_99, %rem3A : i32
      %eq3A_101 = arith.constant 0 : i32
      %eq3A_102 = arith.cmpi eq, %select_n3A_100, %eq3A_101 : i32
      %convert_element_type3A_103 = arith.extui %eq3A_102 : i1 to i32
      %cond3A_104 = arith.constant 0 : i32
      %cond3A_105 = arith.cmpi ne, %convert_element_type3A_103, %cond3A_104 : i32
      scf.if %cond3A_105 {
        %ge3A_149 = arith.constant 2 : i32
        %ge3A_150 = arith.cmpi sge, %while3A_85, %ge3A_149 : i32
        %convert_element_type3A_151 = arith.extui %ge3A_150 : i1 to i32
        %cond3A_152 = arith.constant 0 : i32
        %cond3A_153 = arith.cmpi ne, %convert_element_type3A_151, %cond3A_152 : i32
        scf.if %cond3A_153 {
          %dma_wait3A_272 = arith.constant 0 : i32
          %dma_wait3A_273 = tpu.memref_slice %arg4[%dma_wait3A_272] : memref<3200000xf32, #tpu.memory_space<hbm>> -> memref<1536xf32, #tpu.memory_space<hbm>>
          %dma_wait3A_274 = arith.constant 0 : i32
          %dma_wait3A_275 = tpu.memref_slice %arg4[%dma_wait3A_274] : memref<3200000xf32, #tpu.memory_space<hbm>> -> memref<1536xf32, #tpu.memory_space<hbm>>
          tpu.wait_dma2 semaphore(%arg23 : memref<!tpu.dma_semaphore, #tpu.memory_space<semaphore_mem>>) src(%dma_wait3A_275 : memref<1536xf32, #tpu.memory_space<hbm>>) dst(%arg15 : memref<1536xf32, #tpu.memory_space<vmem>>)
        } else {
        }
        %add3A_154 = arith.constant 1 : i32
        %add3A_155 = arith.addi %while3A_85, %add3A_154 : i32
        %lt3A_156 = arith.cmpi slt, %add3A_155, %add3A_4 : i32
        %convert_element_type3A_157 = arith.extui %lt3A_156 : i1 to i32
        %cond3A_158 = arith.constant 0 : i32
        %cond3A_159 = arith.cmpi ne, %convert_element_type3A_157, %cond3A_158 : i32
        scf.if %cond3A_159 {
          %add3A_272 = arith.constant 1 : i32
          %add3A_273 = arith.addi %while3A_85, %add3A_272 : i32
          %add3A_274 = arith.addi %add3A_8, %add3A_273 : i32
          %mul3A_275 = arith.constant 1536 : i32
          %mul3A_276 = arith.muli %add3A_274, %mul3A_275 : i32
          %dma_start3A_277 = arith.constant 0 : i32
          %dma_start3A_278 = tpu.memref_slice %arg3[%dma_start3A_277, %mul3A_276] : memref<2x3200000xi32, #tpu.memory_space<hbm>> -> memref<2x1536xi32, #tpu.memory_space<hbm>>
          %dma_start3A_279 = arith.constant 0 : i32
          %dma_start3A_280 = tpu.memref_slice %arg3[%dma_start3A_279, %mul3A_276] : memref<2x3200000xi32, #tpu.memory_space<hbm>> -> memref<2x1536xi32, #tpu.memory_space<hbm>>
          tpu.enqueue_dma source(%dma_start3A_280 : memref<2x1536xi32, #tpu.memory_space<hbm>>) target(%arg9 : memref<2x1536xi32, #tpu.memory_space<vmem>>) target_semaphore(%arg20 : memref<!tpu.dma_semaphore, #tpu.memory_space<semaphore_mem>>)
          %dma_start3A_281 = tpu.memref_slice %arg4[%mul3A_276] : memref<3200000xf32, #tpu.memory_space<hbm>> -> memref<1536xf32, #tpu.memory_space<hbm>>
          %dma_start3A_282 = tpu.memref_slice %arg4[%mul3A_276] : memref<3200000xf32, #tpu.memory_space<hbm>> -> memref<1536xf32, #tpu.memory_space<hbm>>
          tpu.enqueue_dma source(%dma_start3A_282 : memref<1536xf32, #tpu.memory_space<hbm>>) target(%arg12 : memref<1536xf32, #tpu.memory_space<vmem>>) target_semaphore(%arg20 : memref<!tpu.dma_semaphore, #tpu.memory_space<semaphore_mem>>)
        } else {
        }
        %dma_wait3A = arith.constant 0 : i32
        %dma_wait3A_160 = arith.constant 0 : i32
        %dma_wait3A_161 = tpu.memref_slice %arg3[%dma_wait3A, %dma_wait3A_160] : memref<2x3200000xi32, #tpu.memory_space<hbm>> -> memref<2x1536xi32, #tpu.memory_space<hbm>>
        %dma_wait3A_162 = arith.constant 0 : i32
        %dma_wait3A_163 = arith.constant 0 : i32
        %dma_wait3A_164 = tpu.memref_slice %arg3[%dma_wait3A_162, %dma_wait3A_163] : memref<2x3200000xi32, #tpu.memory_space<hbm>> -> memref<2x1536xi32, #tpu.memory_space<hbm>>
        tpu.wait_dma2 semaphore(%arg19 : memref<!tpu.dma_semaphore, #tpu.memory_space<semaphore_mem>>) src(%dma_wait3A_164 : memref<2x1536xi32, #tpu.memory_space<hbm>>) dst(%arg8 : memref<2x1536xi32, #tpu.memory_space<vmem>>)
        %dma_wait3A_165 = arith.constant 0 : i32
        %dma_wait3A_166 = tpu.memref_slice %arg4[%dma_wait3A_165] : memref<3200000xf32, #tpu.memory_space<hbm>> -> memref<1536xf32, #tpu.memory_space<hbm>>
        %dma_wait3A_167 = arith.constant 0 : i32
        %dma_wait3A_168 = tpu.memref_slice %arg4[%dma_wait3A_167] : memref<3200000xf32, #tpu.memory_space<hbm>> -> memref<1536xf32, #tpu.memory_space<hbm>>
        tpu.wait_dma2 semaphore(%arg19 : memref<!tpu.dma_semaphore, #tpu.memory_space<semaphore_mem>>) src(%dma_wait3A_168 : memref<1536xf32, #tpu.memory_space<hbm>>) dst(%arg11 : memref<1536xf32, #tpu.memory_space<vmem>>)
        %scan3A_169 = arith.constant 0 : i32
        %scan3A_170 = arith.constant 0 : i32
        %scan3A_171 = arith.constant 96 : i32
        %scan3A_172 = arith.addi %scan3A_170, %scan3A_171 : i32
        %scan3A_173 = arith.constant 1 : i32
        %scan3A_174 = scf.for %scan3A_272 = %scan3A_170 to %scan3A_172 step %scan3A_173 iter_args(%scan3A_273 = %scan3A_169) -> (i32)  : i32 {
          %mul3A_274 = arith.constant 16 : i32
          %mul3A_275 = arith.muli %scan3A_272, %mul3A_274 : i32
          %get3A = arith.constant 0 : i32
          %get3A_276 = arith.index_cast %get3A : i32 to index
          %get3A_277 = arith.index_cast %mul3A_275 : i32 to index
          %get3A_278 = tpu.vector_load %arg8[%get3A_276, %get3A_277] {strides = array<i32>} : memref<2x1536xi32, #tpu.memory_space<vmem>>, vector<16xi32>,
          %gather3A = tpu.vector_load_idx %arg7[%get3A_278] : memref<100000xf32, #tpu.memory_space<vmem>>[vector<16xi32>], vector<16xf32>,
          %mul3A_279 = arith.constant 16 : i32
          %mul3A_280 = arith.muli %scan3A_272, %mul3A_279 : i32
          %get3A_281 = arith.index_cast %mul3A_280 : i32 to index
          %get3A_282 = tpu.vector_load %arg11[%get3A_281] {strides = array<i32>} : memref<1536xf32, #tpu.memory_space<vmem>>, vector<16xf32>,
          %mul3A_283 = arith.mulf %get3A_282, %gather3A : vector<16xf32>
          %sub3A = arith.constant 1.000000e+00 : f32
          %sub3A_284 = vector.broadcast %sub3A : f32 to vector<16xf32>
          %sub3A_285 = arith.subf %sub3A_284, %get3A_282 : vector<16xf32>
          %mul3A_286 = arith.constant 5.000000e-01 : f32
          %mul3A_287 = vector.broadcast %mul3A_286 : f32 to vector<16xf32>
          %mul3A_288 = arith.mulf %sub3A_285, %mul3A_287 : vector<16xf32>
          %add3A_289 = arith.addf %mul3A_283, %mul3A_288 : vector<16xf32>
          %gt3A = arith.constant 5.000000e-01 : f32
          %gt3A_290 = vector.broadcast %gt3A : f32 to vector<16xf32>
          %gt3A_291 = arith.cmpf ogt, %add3A_289, %gt3A_290 : vector<16xf32>
          %jit3A_292 = arith.constant 1.000000e+00 : f32
          %jit3A_293 = arith.constant 0.000000e+00 : f32
          %broadcast_in_dim3A = vector.broadcast %jit3A_292 : f32 to vector<16xf32>
          %broadcast_in_dim3A_294 = vector.broadcast %jit3A_293 : f32 to vector<16xf32>
          %select_n3A_295 = arith.select %gt3A_291, %broadcast_in_dim3A, %broadcast_in_dim3A_294 : vector<16xi1>, vector<16xf32>
          %mul3A_296 = arith.constant 16 : i32
          %mul3A_297 = arith.muli %scan3A_272, %mul3A_296 : i32
          %swap3A = arith.index_cast %mul3A_297 : i32 to index
          %swap3A_298 = tpu.vector_load %arg14[%swap3A] {strides = array<i32>} : memref<1536xf32, #tpu.memory_space<vmem>>, vector<16xf32>,
          tpu.vector_store %arg14[%swap3A], %select_n3A_295 {strides = array<i32>} : memref<1536xf32, #tpu.memory_space<vmem>>, vector<16xf32>,
          %scan3A_299 = arith.constant 0 : i32
          scf.yield %scan3A_299 : i32
        }
        %scan3A_175 = arith.constant 96 : i32
        %dma_start3A_176 = arith.constant 1 : i32
        %dma_start3A_177 = arith.constant 0 : i32
        %dma_start3A_178 = tpu.memref_slice %arg14[%dma_start3A_177] : memref<1536xf32, #tpu.memory_space<vmem>> -> memref<128xf32, #tpu.memory_space<vmem>>
        %dma_start3A_179 = arith.constant 0 : i32
        %dma_start3A_180 = tpu.memref_slice %arg8[%dma_start3A_176, %dma_start3A_179] : memref<2x1536xi32, #tpu.memory_space<vmem>> -> memref<1x128xi32, #tpu.memory_space<vmem>>
        %dma_start3A_181 = tpu.memref_squeeze %dma_start3A_180 : memref<1x128xi32, #tpu.memory_space<vmem>> -> memref<128xi32, #tpu.memory_space<vmem>>
        %dma_start3A_182 = arith.constant 0 : i32
        %dma_start3A_183 = tpu.memref_slice %arg18[%dma_start3A_182] : memref<100000xf32, #tpu.memory_space<vmem_shared>> -> memref<100000xf32, #tpu.memory_space<vmem_shared>>
        tpu.enqueue_indirect_dma source(%dma_start3A_178 : memref<128xf32, #tpu.memory_space<vmem>>) target(%dma_start3A_183 : memref<100000xf32, #tpu.memory_space<vmem_shared>>) offsets(%dma_start3A_181 : memref<128xi32, #tpu.memory_space<vmem>>) semaphore(%arg22 : memref<!tpu.dma_semaphore, #tpu.memory_space<semaphore_mem>>) {add = true}
        %dma_start3A_184 = arith.constant 1 : i32
        %dma_start3A_185 = arith.constant 128 : i32
        %dma_start3A_186 = tpu.memref_slice %arg14[%dma_start3A_185] : memref<1536xf32, #tpu.memory_space<vmem>> -> memref<128xf32, #tpu.memory_space<vmem>>
        %dma_start3A_187 = arith.constant 128 : i32
        %dma_start3A_188 = tpu.memref_slice %arg8[%dma_start3A_184, %dma_start3A_187] : memref<2x1536xi32, #tpu.memory_space<vmem>> -> memref<1x128xi32, #tpu.memory_space<vmem>>
        %dma_start3A_189 = tpu.memref_squeeze %dma_start3A_188 : memref<1x128xi32, #tpu.memory_space<vmem>> -> memref<128xi32, #tpu.memory_space<vmem>>
        %dma_start3A_190 = arith.constant 0 : i32
        %dma_start3A_191 = tpu.memref_slice %arg18[%dma_start3A_190] : memref<100000xf32, #tpu.memory_space<vmem_shared>> -> memref<100000xf32, #tpu.memory_space<vmem_shared>>
        tpu.enqueue_indirect_dma source(%dma_start3A_186 : memref<128xf32, #tpu.memory_space<vmem>>) target(%dma_start3A_191 : memref<100000xf32, #tpu.memory_space<vmem_shared>>) offsets(%dma_start3A_189 : memref<128xi32, #tpu.memory_space<vmem>>) semaphore(%arg22 : memref<!tpu.dma_semaphore, #tpu.memory_space<semaphore_mem>>) {add = true}
        %dma_start3A_192 = arith.constant 1 : i32
        %dma_start3A_193 = arith.constant 256 : i32
        %dma_start3A_194 = tpu.memref_slice %arg14[%dma_start3A_193] : memref<1536xf32, #tpu.memory_space<vmem>> -> memref<128xf32, #tpu.memory_space<vmem>>
        %dma_start3A_195 = arith.constant 256 : i32
        %dma_start3A_196 = tpu.memref_slice %arg8[%dma_start3A_192, %dma_start3A_195] : memref<2x1536xi32, #tpu.memory_space<vmem>> -> memref<1x128xi32, #tpu.memory_space<vmem>>
        %dma_start3A_197 = tpu.memref_squeeze %dma_start3A_196 : memref<1x128xi32, #tpu.memory_space<vmem>> -> memref<128xi32, #tpu.memory_space<vmem>>
        %dma_start3A_198 = arith.constant 0 : i32
        %dma_start3A_199 = tpu.memref_slice %arg18[%dma_start3A_198] : memref<100000xf32, #tpu.memory_space<vmem_shared>> -> memref<100000xf32, #tpu.memory_space<vmem_shared>>
        tpu.enqueue_indirect_dma source(%dma_start3A_194 : memref<128xf32, #tpu.memory_space<vmem>>) target(%dma_start3A_199 : memref<100000xf32, #tpu.memory_space<vmem_shared>>) offsets(%dma_start3A_197 : memref<128xi32, #tpu.memory_space<vmem>>) semaphore(%arg22 : memref<!tpu.dma_semaphore, #tpu.memory_space<semaphore_mem>>) {add = true}
        %dma_start3A_200 = arith.constant 1 : i32
        %dma_start3A_201 = arith.constant 384 : i32
        %dma_start3A_202 = tpu.memref_slice %arg14[%dma_start3A_201] : memref<1536xf32, #tpu.memory_space<vmem>> -> memref<128xf32, #tpu.memory_space<vmem>>
        %dma_start3A_203 = arith.constant 384 : i32
        %dma_start3A_204 = tpu.memref_slice %arg8[%dma_start3A_200, %dma_start3A_203] : memref<2x1536xi32, #tpu.memory_space<vmem>> -> memref<1x128xi32, #tpu.memory_space<vmem>>
        %dma_start3A_205 = tpu.memref_squeeze %dma_start3A_204 : memref<1x128xi32, #tpu.memory_space<vmem>> -> memref<128xi32, #tpu.memory_space<vmem>>
        %dma_start3A_206 = arith.constant 0 : i32
        %dma_start3A_207 = tpu.memref_slice %arg18[%dma_start3A_206] : memref<100000xf32, #tpu.memory_space<vmem_shared>> -> memref<100000xf32, #tpu.memory_space<vmem_shared>>
        tpu.enqueue_indirect_dma source(%dma_start3A_202 : memref<128xf32, #tpu.memory_space<vmem>>) target(%dma_start3A_207 : memref<100000xf32, #tpu.memory_space<vmem_shared>>) offsets(%dma_start3A_205 : memref<128xi32, #tpu.memory_space<vmem>>) semaphore(%arg22 : memref<!tpu.dma_semaphore, #tpu.memory_space<semaphore_mem>>) {add = true}
        %dma_start3A_208 = arith.constant 1 : i32
        %dma_start3A_209 = arith.constant 512 : i32
        %dma_start3A_210 = tpu.memref_slice %arg14[%dma_start3A_209] : memref<1536xf32, #tpu.memory_space<vmem>> -> memref<128xf32, #tpu.memory_space<vmem>>
        %dma_start3A_211 = arith.constant 512 : i32
        %dma_start3A_212 = tpu.memref_slice %arg8[%dma_start3A_208, %dma_start3A_211] : memref<2x1536xi32, #tpu.memory_space<vmem>> -> memref<1x128xi32, #tpu.memory_space<vmem>>
        %dma_start3A_213 = tpu.memref_squeeze %dma_start3A_212 : memref<1x128xi32, #tpu.memory_space<vmem>> -> memref<128xi32, #tpu.memory_space<vmem>>
        %dma_start3A_214 = arith.constant 0 : i32
        %dma_start3A_215 = tpu.memref_slice %arg18[%dma_start3A_214] : memref<100000xf32, #tpu.memory_space<vmem_shared>> -> memref<100000xf32, #tpu.memory_space<vmem_shared>>
        tpu.enqueue_indirect_dma source(%dma_start3A_210 : memref<128xf32, #tpu.memory_space<vmem>>) target(%dma_start3A_215 : memref<100000xf32, #tpu.memory_space<vmem_shared>>) offsets(%dma_start3A_213 : memref<128xi32, #tpu.memory_space<vmem>>) semaphore(%arg22 : memref<!tpu.dma_semaphore, #tpu.memory_space<semaphore_mem>>) {add = true}
        %dma_start3A_216 = arith.constant 1 : i32
        %dma_start3A_217 = arith.constant 640 : i32
        %dma_start3A_218 = tpu.memref_slice %arg14[%dma_start3A_217] : memref<1536xf32, #tpu.memory_space<vmem>> -> memref<128xf32, #tpu.memory_space<vmem>>
        %dma_start3A_219 = arith.constant 640 : i32
        %dma_start3A_220 = tpu.memref_slice %arg8[%dma_start3A_216, %dma_start3A_219] : memref<2x1536xi32, #tpu.memory_space<vmem>> -> memref<1x128xi32, #tpu.memory_space<vmem>>
        %dma_start3A_221 = tpu.memref_squeeze %dma_start3A_220 : memref<1x128xi32, #tpu.memory_space<vmem>> -> memref<128xi32, #tpu.memory_space<vmem>>
        %dma_start3A_222 = arith.constant 0 : i32
        %dma_start3A_223 = tpu.memref_slice %arg18[%dma_start3A_222] : memref<100000xf32, #tpu.memory_space<vmem_shared>> -> memref<100000xf32, #tpu.memory_space<vmem_shared>>
        tpu.enqueue_indirect_dma source(%dma_start3A_218 : memref<128xf32, #tpu.memory_space<vmem>>) target(%dma_start3A_223 : memref<100000xf32, #tpu.memory_space<vmem_shared>>) offsets(%dma_start3A_221 : memref<128xi32, #tpu.memory_space<vmem>>) semaphore(%arg22 : memref<!tpu.dma_semaphore, #tpu.memory_space<semaphore_mem>>) {add = true}
        %dma_start3A_224 = arith.constant 1 : i32
        %dma_start3A_225 = arith.constant 768 : i32
        %dma_start3A_226 = tpu.memref_slice %arg14[%dma_start3A_225] : memref<1536xf32, #tpu.memory_space<vmem>> -> memref<128xf32, #tpu.memory_space<vmem>>
        %dma_start3A_227 = arith.constant 768 : i32
        %dma_start3A_228 = tpu.memref_slice %arg8[%dma_start3A_224, %dma_start3A_227] : memref<2x1536xi32, #tpu.memory_space<vmem>> -> memref<1x128xi32, #tpu.memory_space<vmem>>
        %dma_start3A_229 = tpu.memref_squeeze %dma_start3A_228 : memref<1x128xi32, #tpu.memory_space<vmem>> -> memref<128xi32, #tpu.memory_space<vmem>>
        %dma_start3A_230 = arith.constant 0 : i32
        %dma_start3A_231 = tpu.memref_slice %arg18[%dma_start3A_230] : memref<100000xf32, #tpu.memory_space<vmem_shared>> -> memref<100000xf32, #tpu.memory_space<vmem_shared>>
        tpu.enqueue_indirect_dma source(%dma_start3A_226 : memref<128xf32, #tpu.memory_space<vmem>>) target(%dma_start3A_231 : memref<100000xf32, #tpu.memory_space<vmem_shared>>) offsets(%dma_start3A_229 : memref<128xi32, #tpu.memory_space<vmem>>) semaphore(%arg22 : memref<!tpu.dma_semaphore, #tpu.memory_space<semaphore_mem>>) {add = true}
        %dma_start3A_232 = arith.constant 1 : i32
        %dma_start3A_233 = arith.constant 896 : i32
        %dma_start3A_234 = tpu.memref_slice %arg14[%dma_start3A_233] : memref<1536xf32, #tpu.memory_space<vmem>> -> memref<128xf32, #tpu.memory_space<vmem>>
        %dma_start3A_235 = arith.constant 896 : i32
        %dma_start3A_236 = tpu.memref_slice %arg8[%dma_start3A_232, %dma_start3A_235] : memref<2x1536xi32, #tpu.memory_space<vmem>> -> memref<1x128xi32, #tpu.memory_space<vmem>>
        %dma_start3A_237 = tpu.memref_squeeze %dma_start3A_236 : memref<1x128xi32, #tpu.memory_space<vmem>> -> memref<128xi32, #tpu.memory_space<vmem>>
        %dma_start3A_238 = arith.constant 0 : i32
        %dma_start3A_239 = tpu.memref_slice %arg18[%dma_start3A_238] : memref<100000xf32, #tpu.memory_space<vmem_shared>> -> memref<100000xf32, #tpu.memory_space<vmem_shared>>
        tpu.enqueue_indirect_dma source(%dma_start3A_234 : memref<128xf32, #tpu.memory_space<vmem>>) target(%dma_start3A_239 : memref<100000xf32, #tpu.memory_space<vmem_shared>>) offsets(%dma_start3A_237 : memref<128xi32, #tpu.memory_space<vmem>>) semaphore(%arg22 : memref<!tpu.dma_semaphore, #tpu.memory_space<semaphore_mem>>) {add = true}
        %dma_start3A_240 = arith.constant 1 : i32
        %dma_start3A_241 = arith.constant 1024 : i32
        %dma_start3A_242 = tpu.memref_slice %arg14[%dma_start3A_241] : memref<1536xf32, #tpu.memory_space<vmem>> -> memref<128xf32, #tpu.memory_space<vmem>>
        %dma_start3A_243 = arith.constant 1024 : i32
        %dma_start3A_244 = tpu.memref_slice %arg8[%dma_start3A_240, %dma_start3A_243] : memref<2x1536xi32, #tpu.memory_space<vmem>> -> memref<1x128xi32, #tpu.memory_space<vmem>>
        %dma_start3A_245 = tpu.memref_squeeze %dma_start3A_244 : memref<1x128xi32, #tpu.memory_space<vmem>> -> memref<128xi32, #tpu.memory_space<vmem>>
        %dma_start3A_246 = arith.constant 0 : i32
        %dma_start3A_247 = tpu.memref_slice %arg18[%dma_start3A_246] : memref<100000xf32, #tpu.memory_space<vmem_shared>> -> memref<100000xf32, #tpu.memory_space<vmem_shared>>
        tpu.enqueue_indirect_dma source(%dma_start3A_242 : memref<128xf32, #tpu.memory_space<vmem>>) target(%dma_start3A_247 : memref<100000xf32, #tpu.memory_space<vmem_shared>>) offsets(%dma_start3A_245 : memref<128xi32, #tpu.memory_space<vmem>>) semaphore(%arg22 : memref<!tpu.dma_semaphore, #tpu.memory_space<semaphore_mem>>) {add = true}
        %dma_start3A_248 = arith.constant 1 : i32
        %dma_start3A_249 = arith.constant 1152 : i32
        %dma_start3A_250 = tpu.memref_slice %arg14[%dma_start3A_249] : memref<1536xf32, #tpu.memory_space<vmem>> -> memref<128xf32, #tpu.memory_space<vmem>>
        %dma_start3A_251 = arith.constant 1152 : i32
        %dma_start3A_252 = tpu.memref_slice %arg8[%dma_start3A_248, %dma_start3A_251] : memref<2x1536xi32, #tpu.memory_space<vmem>> -> memref<1x128xi32, #tpu.memory_space<vmem>>
        %dma_start3A_253 = tpu.memref_squeeze %dma_start3A_252 : memref<1x128xi32, #tpu.memory_space<vmem>> -> memref<128xi32, #tpu.memory_space<vmem>>
        %dma_start3A_254 = arith.constant 0 : i32
        %dma_start3A_255 = tpu.memref_slice %arg18[%dma_start3A_254] : memref<100000xf32, #tpu.memory_space<vmem_shared>> -> memref<100000xf32, #tpu.memory_space<vmem_shared>>
        tpu.enqueue_indirect_dma source(%dma_start3A_250 : memref<128xf32, #tpu.memory_space<vmem>>) target(%dma_start3A_255 : memref<100000xf32, #tpu.memory_space<vmem_shared>>) offsets(%dma_start3A_253 : memref<128xi32, #tpu.memory_space<vmem>>) semaphore(%arg22 : memref<!tpu.dma_semaphore, #tpu.memory_space<semaphore_mem>>) {add = true}
        %dma_start3A_256 = arith.constant 1 : i32
        %dma_start3A_257 = arith.constant 1280 : i32
        %dma_start3A_258 = tpu.memref_slice %arg14[%dma_start3A_257] : memref<1536xf32, #tpu.memory_space<vmem>> -> memref<128xf32, #tpu.memory_space<vmem>>
        %dma_start3A_259 = arith.constant 1280 : i32
        %dma_start3A_260 = tpu.memref_slice %arg8[%dma_start3A_256, %dma_start3A_259] : memref<2x1536xi32, #tpu.memory_space<vmem>> -> memref<1x128xi32, #tpu.memory_space<vmem>>
        %dma_start3A_261 = tpu.memref_squeeze %dma_start3A_260 : memref<1x128xi32, #tpu.memory_space<vmem>> -> memref<128xi32, #tpu.memory_space<vmem>>
        %dma_start3A_262 = arith.constant 0 : i32
        %dma_start3A_263 = tpu.memref_slice %arg18[%dma_start3A_262] : memref<100000xf32, #tpu.memory_space<vmem_shared>> -> memref<100000xf32, #tpu.memory_space<vmem_shared>>
        tpu.enqueue_indirect_dma source(%dma_start3A_258 : memref<128xf32, #tpu.memory_space<vmem>>) target(%dma_start3A_263 : memref<100000xf32, #tpu.memory_space<vmem_shared>>) offsets(%dma_start3A_261 : memref<128xi32, #tpu.memory_space<vmem>>) semaphore(%arg22 : memref<!tpu.dma_semaphore, #tpu.memory_space<semaphore_mem>>) {add = true}
        %dma_start3A_264 = arith.constant 1 : i32
        %dma_start3A_265 = arith.constant 1408 : i32
        %dma_start3A_266 = tpu.memref_slice %arg14[%dma_start3A_265] : memref<1536xf32, #tpu.memory_space<vmem>> -> memref<128xf32, #tpu.memory_space<vmem>>
        %dma_start3A_267 = arith.constant 1408 : i32
        %dma_start3A_268 = tpu.memref_slice %arg8[%dma_start3A_264, %dma_start3A_267] : memref<2x1536xi32, #tpu.memory_space<vmem>> -> memref<1x128xi32, #tpu.memory_space<vmem>>
        %dma_start3A_269 = tpu.memref_squeeze %dma_start3A_268 : memref<1x128xi32, #tpu.memory_space<vmem>> -> memref<128xi32, #tpu.memory_space<vmem>>
        %dma_start3A_270 = arith.constant 0 : i32
        %dma_start3A_271 = tpu.memref_slice %arg18[%dma_start3A_270] : memref<100000xf32, #tpu.memory_space<vmem_shared>> -> memref<100000xf32, #tpu.memory_space<vmem_shared>>
        tpu.enqueue_indirect_dma source(%dma_start3A_266 : memref<128xf32, #tpu.memory_space<vmem>>) target(%dma_start3A_271 : memref<100000xf32, #tpu.memory_space<vmem_shared>>) offsets(%dma_start3A_269 : memref<128xi32, #tpu.memory_space<vmem>>) semaphore(%arg22 : memref<!tpu.dma_semaphore, #tpu.memory_space<semaphore_mem>>) {add = true}
      } else {
      }
      %jit3A_106 = arith.constant 3 : i32
      %eq3A_107 = arith.constant 0 : i32
      %eq3A_108 = arith.cmpi eq, %jit3A_106, %eq3A_107 : i32
      %jit3A_109 = arith.constant 1 : i32
      %select_n3A_110 = arith.select %eq3A_108, %jit3A_109, %jit3A_106 : i32
      %rem3A_111 = arith.remsi %while3A_85, %select_n3A_110 : i32
      %ne3A_112 = arith.constant 0 : i32
      %ne3A_113 = arith.cmpi ne, %rem3A_111, %ne3A_112 : i32
      %lt3A_114 = arith.constant 0 : i32
      %lt3A_115 = arith.cmpi slt, %rem3A_111, %lt3A_114 : i32
      %lt3A_116 = arith.constant 0 : i32
      %lt3A_117 = arith.cmpi slt, %select_n3A_110, %lt3A_116 : i32
      %ne3A_118 = arith.xori %lt3A_115, %lt3A_117 : i1
      %and3A_119 = arith.andi %ne3A_118, %ne3A_113 : i1
      %add3A_120 = arith.addi %rem3A_111, %select_n3A_110 : i32
      %select_n3A_121 = arith.select %and3A_119, %add3A_120, %rem3A_111 : i32
      %eq3A_122 = arith.constant 1 : i32
      %eq3A_123 = arith.cmpi eq, %select_n3A_121, %eq3A_122 : i32
      %convert_element_type3A_124 = arith.extui %eq3A_123 : i1 to i32
      %cond3A_125 = arith.constant 0 : i32
      %cond3A_126 = arith.cmpi ne, %convert_element_type3A_124, %cond3A_125 : i32
      scf.if %cond3A_126 {
        %ge3A_149 = arith.constant 2 : i32
        %ge3A_150 = arith.cmpi sge, %while3A_85, %ge3A_149 : i32
        %convert_element_type3A_151 = arith.extui %ge3A_150 : i1 to i32
        %cond3A_152 = arith.constant 0 : i32
        %cond3A_153 = arith.cmpi ne, %convert_element_type3A_151, %cond3A_152 : i32
        scf.if %cond3A_153 {
          %dma_wait3A_272 = arith.constant 0 : i32
          %dma_wait3A_273 = tpu.memref_slice %arg4[%dma_wait3A_272] : memref<3200000xf32, #tpu.memory_space<hbm>> -> memref<1536xf32, #tpu.memory_space<hbm>>
          %dma_wait3A_274 = arith.constant 0 : i32
          %dma_wait3A_275 = tpu.memref_slice %arg4[%dma_wait3A_274] : memref<3200000xf32, #tpu.memory_space<hbm>> -> memref<1536xf32, #tpu.memory_space<hbm>>
          tpu.wait_dma2 semaphore(%arg24 : memref<!tpu.dma_semaphore, #tpu.memory_space<semaphore_mem>>) src(%dma_wait3A_275 : memref<1536xf32, #tpu.memory_space<hbm>>) dst(%arg16 : memref<1536xf32, #tpu.memory_space<vmem>>)
        } else {
        }
        %add3A_154 = arith.constant 1 : i32
        %add3A_155 = arith.addi %while3A_85, %add3A_154 : i32
        %lt3A_156 = arith.cmpi slt, %add3A_155, %add3A_4 : i32
        %convert_element_type3A_157 = arith.extui %lt3A_156 : i1 to i32
        %cond3A_158 = arith.constant 0 : i32
        %cond3A_159 = arith.cmpi ne, %convert_element_type3A_157, %cond3A_158 : i32
        scf.if %cond3A_159 {
          %add3A_272 = arith.constant 1 : i32
          %add3A_273 = arith.addi %while3A_85, %add3A_272 : i32
          %add3A_274 = arith.addi %add3A_8, %add3A_273 : i32
          %mul3A_275 = arith.constant 1536 : i32
          %mul3A_276 = arith.muli %add3A_274, %mul3A_275 : i32
          %dma_start3A_277 = arith.constant 0 : i32
          %dma_start3A_278 = tpu.memref_slice %arg3[%dma_start3A_277, %mul3A_276] : memref<2x3200000xi32, #tpu.memory_space<hbm>> -> memref<2x1536xi32, #tpu.memory_space<hbm>>
          %dma_start3A_279 = arith.constant 0 : i32
          %dma_start3A_280 = tpu.memref_slice %arg3[%dma_start3A_279, %mul3A_276] : memref<2x3200000xi32, #tpu.memory_space<hbm>> -> memref<2x1536xi32, #tpu.memory_space<hbm>>
          tpu.enqueue_dma source(%dma_start3A_280 : memref<2x1536xi32, #tpu.memory_space<hbm>>) target(%arg10 : memref<2x1536xi32, #tpu.memory_space<vmem>>) target_semaphore(%arg21 : memref<!tpu.dma_semaphore, #tpu.memory_space<semaphore_mem>>)
          %dma_start3A_281 = tpu.memref_slice %arg4[%mul3A_276] : memref<3200000xf32, #tpu.memory_space<hbm>> -> memref<1536xf32, #tpu.memory_space<hbm>>
          %dma_start3A_282 = tpu.memref_slice %arg4[%mul3A_276] : memref<3200000xf32, #tpu.memory_space<hbm>> -> memref<1536xf32, #tpu.memory_space<hbm>>
          tpu.enqueue_dma source(%dma_start3A_282 : memref<1536xf32, #tpu.memory_space<hbm>>) target(%arg13 : memref<1536xf32, #tpu.memory_space<vmem>>) target_semaphore(%arg21 : memref<!tpu.dma_semaphore, #tpu.memory_space<semaphore_mem>>)
        } else {
        }
        %dma_wait3A = arith.constant 0 : i32
        %dma_wait3A_160 = arith.constant 0 : i32
        %dma_wait3A_161 = tpu.memref_slice %arg3[%dma_wait3A, %dma_wait3A_160] : memref<2x3200000xi32, #tpu.memory_space<hbm>> -> memref<2x1536xi32, #tpu.memory_space<hbm>>
        %dma_wait3A_162 = arith.constant 0 : i32
        %dma_wait3A_163 = arith.constant 0 : i32
        %dma_wait3A_164 = tpu.memref_slice %arg3[%dma_wait3A_162, %dma_wait3A_163] : memref<2x3200000xi32, #tpu.memory_space<hbm>> -> memref<2x1536xi32, #tpu.memory_space<hbm>>
        tpu.wait_dma2 semaphore(%arg20 : memref<!tpu.dma_semaphore, #tpu.memory_space<semaphore_mem>>) src(%dma_wait3A_164 : memref<2x1536xi32, #tpu.memory_space<hbm>>) dst(%arg9 : memref<2x1536xi32, #tpu.memory_space<vmem>>)
        %dma_wait3A_165 = arith.constant 0 : i32
        %dma_wait3A_166 = tpu.memref_slice %arg4[%dma_wait3A_165] : memref<3200000xf32, #tpu.memory_space<hbm>> -> memref<1536xf32, #tpu.memory_space<hbm>>
        %dma_wait3A_167 = arith.constant 0 : i32
        %dma_wait3A_168 = tpu.memref_slice %arg4[%dma_wait3A_167] : memref<3200000xf32, #tpu.memory_space<hbm>> -> memref<1536xf32, #tpu.memory_space<hbm>>
        tpu.wait_dma2 semaphore(%arg20 : memref<!tpu.dma_semaphore, #tpu.memory_space<semaphore_mem>>) src(%dma_wait3A_168 : memref<1536xf32, #tpu.memory_space<hbm>>) dst(%arg12 : memref<1536xf32, #tpu.memory_space<vmem>>)
        %scan3A_169 = arith.constant 0 : i32
        %scan3A_170 = arith.constant 0 : i32
        %scan3A_171 = arith.constant 96 : i32
        %scan3A_172 = arith.addi %scan3A_170, %scan3A_171 : i32
        %scan3A_173 = arith.constant 1 : i32
        %scan3A_174 = scf.for %scan3A_272 = %scan3A_170 to %scan3A_172 step %scan3A_173 iter_args(%scan3A_273 = %scan3A_169) -> (i32)  : i32 {
          %mul3A_274 = arith.constant 16 : i32
          %mul3A_275 = arith.muli %scan3A_272, %mul3A_274 : i32
          %get3A = arith.constant 0 : i32
          %get3A_276 = arith.index_cast %get3A : i32 to index
          %get3A_277 = arith.index_cast %mul3A_275 : i32 to index
          %get3A_278 = tpu.vector_load %arg9[%get3A_276, %get3A_277] {strides = array<i32>} : memref<2x1536xi32, #tpu.memory_space<vmem>>, vector<16xi32>,
          %gather3A = tpu.vector_load_idx %arg7[%get3A_278] : memref<100000xf32, #tpu.memory_space<vmem>>[vector<16xi32>], vector<16xf32>,
          %mul3A_279 = arith.constant 16 : i32
          %mul3A_280 = arith.muli %scan3A_272, %mul3A_279 : i32
          %get3A_281 = arith.index_cast %mul3A_280 : i32 to index
          %get3A_282 = tpu.vector_load %arg12[%get3A_281] {strides = array<i32>} : memref<1536xf32, #tpu.memory_space<vmem>>, vector<16xf32>,
          %mul3A_283 = arith.mulf %get3A_282, %gather3A : vector<16xf32>
          %sub3A = arith.constant 1.000000e+00 : f32
          %sub3A_284 = vector.broadcast %sub3A : f32 to vector<16xf32>
          %sub3A_285 = arith.subf %sub3A_284, %get3A_282 : vector<16xf32>
          %mul3A_286 = arith.constant 5.000000e-01 : f32
          %mul3A_287 = vector.broadcast %mul3A_286 : f32 to vector<16xf32>
          %mul3A_288 = arith.mulf %sub3A_285, %mul3A_287 : vector<16xf32>
          %add3A_289 = arith.addf %mul3A_283, %mul3A_288 : vector<16xf32>
          %gt3A = arith.constant 5.000000e-01 : f32
          %gt3A_290 = vector.broadcast %gt3A : f32 to vector<16xf32>
          %gt3A_291 = arith.cmpf ogt, %add3A_289, %gt3A_290 : vector<16xf32>
          %jit3A_292 = arith.constant 1.000000e+00 : f32
          %jit3A_293 = arith.constant 0.000000e+00 : f32
          %broadcast_in_dim3A = vector.broadcast %jit3A_292 : f32 to vector<16xf32>
          %broadcast_in_dim3A_294 = vector.broadcast %jit3A_293 : f32 to vector<16xf32>
          %select_n3A_295 = arith.select %gt3A_291, %broadcast_in_dim3A, %broadcast_in_dim3A_294 : vector<16xi1>, vector<16xf32>
          %mul3A_296 = arith.constant 16 : i32
          %mul3A_297 = arith.muli %scan3A_272, %mul3A_296 : i32
          %swap3A = arith.index_cast %mul3A_297 : i32 to index
          %swap3A_298 = tpu.vector_load %arg15[%swap3A] {strides = array<i32>} : memref<1536xf32, #tpu.memory_space<vmem>>, vector<16xf32>,
          tpu.vector_store %arg15[%swap3A], %select_n3A_295 {strides = array<i32>} : memref<1536xf32, #tpu.memory_space<vmem>>, vector<16xf32>,
          %scan3A_299 = arith.constant 0 : i32
          scf.yield %scan3A_299 : i32
        }
        %scan3A_175 = arith.constant 96 : i32
        %dma_start3A_176 = arith.constant 1 : i32
        %dma_start3A_177 = arith.constant 0 : i32
        %dma_start3A_178 = tpu.memref_slice %arg15[%dma_start3A_177] : memref<1536xf32, #tpu.memory_space<vmem>> -> memref<128xf32, #tpu.memory_space<vmem>>
        %dma_start3A_179 = arith.constant 0 : i32
        %dma_start3A_180 = tpu.memref_slice %arg9[%dma_start3A_176, %dma_start3A_179] : memref<2x1536xi32, #tpu.memory_space<vmem>> -> memref<1x128xi32, #tpu.memory_space<vmem>>
        %dma_start3A_181 = tpu.memref_squeeze %dma_start3A_180 : memref<1x128xi32, #tpu.memory_space<vmem>> -> memref<128xi32, #tpu.memory_space<vmem>>
        %dma_start3A_182 = arith.constant 0 : i32
        %dma_start3A_183 = tpu.memref_slice %arg18[%dma_start3A_182] : memref<100000xf32, #tpu.memory_space<vmem_shared>> -> memref<100000xf32, #tpu.memory_space<vmem_shared>>
        tpu.enqueue_indirect_dma source(%dma_start3A_178 : memref<128xf32, #tpu.memory_space<vmem>>) target(%dma_start3A_183 : memref<100000xf32, #tpu.memory_space<vmem_shared>>) offsets(%dma_start3A_181 : memref<128xi32, #tpu.memory_space<vmem>>) semaphore(%arg23 : memref<!tpu.dma_semaphore, #tpu.memory_space<semaphore_mem>>) {add = true}
        %dma_start3A_184 = arith.constant 1 : i32
        %dma_start3A_185 = arith.constant 128 : i32
        %dma_start3A_186 = tpu.memref_slice %arg15[%dma_start3A_185] : memref<1536xf32, #tpu.memory_space<vmem>> -> memref<128xf32, #tpu.memory_space<vmem>>
        %dma_start3A_187 = arith.constant 128 : i32
        %dma_start3A_188 = tpu.memref_slice %arg9[%dma_start3A_184, %dma_start3A_187] : memref<2x1536xi32, #tpu.memory_space<vmem>> -> memref<1x128xi32, #tpu.memory_space<vmem>>
        %dma_start3A_189 = tpu.memref_squeeze %dma_start3A_188 : memref<1x128xi32, #tpu.memory_space<vmem>> -> memref<128xi32, #tpu.memory_space<vmem>>
        %dma_start3A_190 = arith.constant 0 : i32
        %dma_start3A_191 = tpu.memref_slice %arg18[%dma_start3A_190] : memref<100000xf32, #tpu.memory_space<vmem_shared>> -> memref<100000xf32, #tpu.memory_space<vmem_shared>>
        tpu.enqueue_indirect_dma source(%dma_start3A_186 : memref<128xf32, #tpu.memory_space<vmem>>) target(%dma_start3A_191 : memref<100000xf32, #tpu.memory_space<vmem_shared>>) offsets(%dma_start3A_189 : memref<128xi32, #tpu.memory_space<vmem>>) semaphore(%arg23 : memref<!tpu.dma_semaphore, #tpu.memory_space<semaphore_mem>>) {add = true}
        %dma_start3A_192 = arith.constant 1 : i32
        %dma_start3A_193 = arith.constant 256 : i32
        %dma_start3A_194 = tpu.memref_slice %arg15[%dma_start3A_193] : memref<1536xf32, #tpu.memory_space<vmem>> -> memref<128xf32, #tpu.memory_space<vmem>>
        %dma_start3A_195 = arith.constant 256 : i32
        %dma_start3A_196 = tpu.memref_slice %arg9[%dma_start3A_192, %dma_start3A_195] : memref<2x1536xi32, #tpu.memory_space<vmem>> -> memref<1x128xi32, #tpu.memory_space<vmem>>
        %dma_start3A_197 = tpu.memref_squeeze %dma_start3A_196 : memref<1x128xi32, #tpu.memory_space<vmem>> -> memref<128xi32, #tpu.memory_space<vmem>>
        %dma_start3A_198 = arith.constant 0 : i32
        %dma_start3A_199 = tpu.memref_slice %arg18[%dma_start3A_198] : memref<100000xf32, #tpu.memory_space<vmem_shared>> -> memref<100000xf32, #tpu.memory_space<vmem_shared>>
        tpu.enqueue_indirect_dma source(%dma_start3A_194 : memref<128xf32, #tpu.memory_space<vmem>>) target(%dma_start3A_199 : memref<100000xf32, #tpu.memory_space<vmem_shared>>) offsets(%dma_start3A_197 : memref<128xi32, #tpu.memory_space<vmem>>) semaphore(%arg23 : memref<!tpu.dma_semaphore, #tpu.memory_space<semaphore_mem>>) {add = true}
        %dma_start3A_200 = arith.constant 1 : i32
        %dma_start3A_201 = arith.constant 384 : i32
        %dma_start3A_202 = tpu.memref_slice %arg15[%dma_start3A_201] : memref<1536xf32, #tpu.memory_space<vmem>> -> memref<128xf32, #tpu.memory_space<vmem>>
        %dma_start3A_203 = arith.constant 384 : i32
        %dma_start3A_204 = tpu.memref_slice %arg9[%dma_start3A_200, %dma_start3A_203] : memref<2x1536xi32, #tpu.memory_space<vmem>> -> memref<1x128xi32, #tpu.memory_space<vmem>>
        %dma_start3A_205 = tpu.memref_squeeze %dma_start3A_204 : memref<1x128xi32, #tpu.memory_space<vmem>> -> memref<128xi32, #tpu.memory_space<vmem>>
        %dma_start3A_206 = arith.constant 0 : i32
        %dma_start3A_207 = tpu.memref_slice %arg18[%dma_start3A_206] : memref<100000xf32, #tpu.memory_space<vmem_shared>> -> memref<100000xf32, #tpu.memory_space<vmem_shared>>
        tpu.enqueue_indirect_dma source(%dma_start3A_202 : memref<128xf32, #tpu.memory_space<vmem>>) target(%dma_start3A_207 : memref<100000xf32, #tpu.memory_space<vmem_shared>>) offsets(%dma_start3A_205 : memref<128xi32, #tpu.memory_space<vmem>>) semaphore(%arg23 : memref<!tpu.dma_semaphore, #tpu.memory_space<semaphore_mem>>) {add = true}
        %dma_start3A_208 = arith.constant 1 : i32
        %dma_start3A_209 = arith.constant 512 : i32
        %dma_start3A_210 = tpu.memref_slice %arg15[%dma_start3A_209] : memref<1536xf32, #tpu.memory_space<vmem>> -> memref<128xf32, #tpu.memory_space<vmem>>
        %dma_start3A_211 = arith.constant 512 : i32
        %dma_start3A_212 = tpu.memref_slice %arg9[%dma_start3A_208, %dma_start3A_211] : memref<2x1536xi32, #tpu.memory_space<vmem>> -> memref<1x128xi32, #tpu.memory_space<vmem>>
        %dma_start3A_213 = tpu.memref_squeeze %dma_start3A_212 : memref<1x128xi32, #tpu.memory_space<vmem>> -> memref<128xi32, #tpu.memory_space<vmem>>
        %dma_start3A_214 = arith.constant 0 : i32
        %dma_start3A_215 = tpu.memref_slice %arg18[%dma_start3A_214] : memref<100000xf32, #tpu.memory_space<vmem_shared>> -> memref<100000xf32, #tpu.memory_space<vmem_shared>>
        tpu.enqueue_indirect_dma source(%dma_start3A_210 : memref<128xf32, #tpu.memory_space<vmem>>) target(%dma_start3A_215 : memref<100000xf32, #tpu.memory_space<vmem_shared>>) offsets(%dma_start3A_213 : memref<128xi32, #tpu.memory_space<vmem>>) semaphore(%arg23 : memref<!tpu.dma_semaphore, #tpu.memory_space<semaphore_mem>>) {add = true}
        %dma_start3A_216 = arith.constant 1 : i32
        %dma_start3A_217 = arith.constant 640 : i32
        %dma_start3A_218 = tpu.memref_slice %arg15[%dma_start3A_217] : memref<1536xf32, #tpu.memory_space<vmem>> -> memref<128xf32, #tpu.memory_space<vmem>>
        %dma_start3A_219 = arith.constant 640 : i32
        %dma_start3A_220 = tpu.memref_slice %arg9[%dma_start3A_216, %dma_start3A_219] : memref<2x1536xi32, #tpu.memory_space<vmem>> -> memref<1x128xi32, #tpu.memory_space<vmem>>
        %dma_start3A_221 = tpu.memref_squeeze %dma_start3A_220 : memref<1x128xi32, #tpu.memory_space<vmem>> -> memref<128xi32, #tpu.memory_space<vmem>>
        %dma_start3A_222 = arith.constant 0 : i32
        %dma_start3A_223 = tpu.memref_slice %arg18[%dma_start3A_222] : memref<100000xf32, #tpu.memory_space<vmem_shared>> -> memref<100000xf32, #tpu.memory_space<vmem_shared>>
        tpu.enqueue_indirect_dma source(%dma_start3A_218 : memref<128xf32, #tpu.memory_space<vmem>>) target(%dma_start3A_223 : memref<100000xf32, #tpu.memory_space<vmem_shared>>) offsets(%dma_start3A_221 : memref<128xi32, #tpu.memory_space<vmem>>) semaphore(%arg23 : memref<!tpu.dma_semaphore, #tpu.memory_space<semaphore_mem>>) {add = true}
        %dma_start3A_224 = arith.constant 1 : i32
        %dma_start3A_225 = arith.constant 768 : i32
        %dma_start3A_226 = tpu.memref_slice %arg15[%dma_start3A_225] : memref<1536xf32, #tpu.memory_space<vmem>> -> memref<128xf32, #tpu.memory_space<vmem>>
        %dma_start3A_227 = arith.constant 768 : i32
        %dma_start3A_228 = tpu.memref_slice %arg9[%dma_start3A_224, %dma_start3A_227] : memref<2x1536xi32, #tpu.memory_space<vmem>> -> memref<1x128xi32, #tpu.memory_space<vmem>>
        %dma_start3A_229 = tpu.memref_squeeze %dma_start3A_228 : memref<1x128xi32, #tpu.memory_space<vmem>> -> memref<128xi32, #tpu.memory_space<vmem>>
        %dma_start3A_230 = arith.constant 0 : i32
        %dma_start3A_231 = tpu.memref_slice %arg18[%dma_start3A_230] : memref<100000xf32, #tpu.memory_space<vmem_shared>> -> memref<100000xf32, #tpu.memory_space<vmem_shared>>
        tpu.enqueue_indirect_dma source(%dma_start3A_226 : memref<128xf32, #tpu.memory_space<vmem>>) target(%dma_start3A_231 : memref<100000xf32, #tpu.memory_space<vmem_shared>>) offsets(%dma_start3A_229 : memref<128xi32, #tpu.memory_space<vmem>>) semaphore(%arg23 : memref<!tpu.dma_semaphore, #tpu.memory_space<semaphore_mem>>) {add = true}
        %dma_start3A_232 = arith.constant 1 : i32
        %dma_start3A_233 = arith.constant 896 : i32
        %dma_start3A_234 = tpu.memref_slice %arg15[%dma_start3A_233] : memref<1536xf32, #tpu.memory_space<vmem>> -> memref<128xf32, #tpu.memory_space<vmem>>
        %dma_start3A_235 = arith.constant 896 : i32
        %dma_start3A_236 = tpu.memref_slice %arg9[%dma_start3A_232, %dma_start3A_235] : memref<2x1536xi32, #tpu.memory_space<vmem>> -> memref<1x128xi32, #tpu.memory_space<vmem>>
        %dma_start3A_237 = tpu.memref_squeeze %dma_start3A_236 : memref<1x128xi32, #tpu.memory_space<vmem>> -> memref<128xi32, #tpu.memory_space<vmem>>
        %dma_start3A_238 = arith.constant 0 : i32
        %dma_start3A_239 = tpu.memref_slice %arg18[%dma_start3A_238] : memref<100000xf32, #tpu.memory_space<vmem_shared>> -> memref<100000xf32, #tpu.memory_space<vmem_shared>>
        tpu.enqueue_indirect_dma source(%dma_start3A_234 : memref<128xf32, #tpu.memory_space<vmem>>) target(%dma_start3A_239 : memref<100000xf32, #tpu.memory_space<vmem_shared>>) offsets(%dma_start3A_237 : memref<128xi32, #tpu.memory_space<vmem>>) semaphore(%arg23 : memref<!tpu.dma_semaphore, #tpu.memory_space<semaphore_mem>>) {add = true}
        %dma_start3A_240 = arith.constant 1 : i32
        %dma_start3A_241 = arith.constant 1024 : i32
        %dma_start3A_242 = tpu.memref_slice %arg15[%dma_start3A_241] : memref<1536xf32, #tpu.memory_space<vmem>> -> memref<128xf32, #tpu.memory_space<vmem>>
        %dma_start3A_243 = arith.constant 1024 : i32
        %dma_start3A_244 = tpu.memref_slice %arg9[%dma_start3A_240, %dma_start3A_243] : memref<2x1536xi32, #tpu.memory_space<vmem>> -> memref<1x128xi32, #tpu.memory_space<vmem>>
        %dma_start3A_245 = tpu.memref_squeeze %dma_start3A_244 : memref<1x128xi32, #tpu.memory_space<vmem>> -> memref<128xi32, #tpu.memory_space<vmem>>
        %dma_start3A_246 = arith.constant 0 : i32
        %dma_start3A_247 = tpu.memref_slice %arg18[%dma_start3A_246] : memref<100000xf32, #tpu.memory_space<vmem_shared>> -> memref<100000xf32, #tpu.memory_space<vmem_shared>>
        tpu.enqueue_indirect_dma source(%dma_start3A_242 : memref<128xf32, #tpu.memory_space<vmem>>) target(%dma_start3A_247 : memref<100000xf32, #tpu.memory_space<vmem_shared>>) offsets(%dma_start3A_245 : memref<128xi32, #tpu.memory_space<vmem>>) semaphore(%arg23 : memref<!tpu.dma_semaphore, #tpu.memory_space<semaphore_mem>>) {add = true}
        %dma_start3A_248 = arith.constant 1 : i32
        %dma_start3A_249 = arith.constant 1152 : i32
        %dma_start3A_250 = tpu.memref_slice %arg15[%dma_start3A_249] : memref<1536xf32, #tpu.memory_space<vmem>> -> memref<128xf32, #tpu.memory_space<vmem>>
        %dma_start3A_251 = arith.constant 1152 : i32
        %dma_start3A_252 = tpu.memref_slice %arg9[%dma_start3A_248, %dma_start3A_251] : memref<2x1536xi32, #tpu.memory_space<vmem>> -> memref<1x128xi32, #tpu.memory_space<vmem>>
        %dma_start3A_253 = tpu.memref_squeeze %dma_start3A_252 : memref<1x128xi32, #tpu.memory_space<vmem>> -> memref<128xi32, #tpu.memory_space<vmem>>
        %dma_start3A_254 = arith.constant 0 : i32
        %dma_start3A_255 = tpu.memref_slice %arg18[%dma_start3A_254] : memref<100000xf32, #tpu.memory_space<vmem_shared>> -> memref<100000xf32, #tpu.memory_space<vmem_shared>>
        tpu.enqueue_indirect_dma source(%dma_start3A_250 : memref<128xf32, #tpu.memory_space<vmem>>) target(%dma_start3A_255 : memref<100000xf32, #tpu.memory_space<vmem_shared>>) offsets(%dma_start3A_253 : memref<128xi32, #tpu.memory_space<vmem>>) semaphore(%arg23 : memref<!tpu.dma_semaphore, #tpu.memory_space<semaphore_mem>>) {add = true}
        %dma_start3A_256 = arith.constant 1 : i32
        %dma_start3A_257 = arith.constant 1280 : i32
        %dma_start3A_258 = tpu.memref_slice %arg15[%dma_start3A_257] : memref<1536xf32, #tpu.memory_space<vmem>> -> memref<128xf32, #tpu.memory_space<vmem>>
        %dma_start3A_259 = arith.constant 1280 : i32
        %dma_start3A_260 = tpu.memref_slice %arg9[%dma_start3A_256, %dma_start3A_259] : memref<2x1536xi32, #tpu.memory_space<vmem>> -> memref<1x128xi32, #tpu.memory_space<vmem>>
        %dma_start3A_261 = tpu.memref_squeeze %dma_start3A_260 : memref<1x128xi32, #tpu.memory_space<vmem>> -> memref<128xi32, #tpu.memory_space<vmem>>
        %dma_start3A_262 = arith.constant 0 : i32
        %dma_start3A_263 = tpu.memref_slice %arg18[%dma_start3A_262] : memref<100000xf32, #tpu.memory_space<vmem_shared>> -> memref<100000xf32, #tpu.memory_space<vmem_shared>>
        tpu.enqueue_indirect_dma source(%dma_start3A_258 : memref<128xf32, #tpu.memory_space<vmem>>) target(%dma_start3A_263 : memref<100000xf32, #tpu.memory_space<vmem_shared>>) offsets(%dma_start3A_261 : memref<128xi32, #tpu.memory_space<vmem>>) semaphore(%arg23 : memref<!tpu.dma_semaphore, #tpu.memory_space<semaphore_mem>>) {add = true}
        %dma_start3A_264 = arith.constant 1 : i32
        %dma_start3A_265 = arith.constant 1408 : i32
        %dma_start3A_266 = tpu.memref_slice %arg15[%dma_start3A_265] : memref<1536xf32, #tpu.memory_space<vmem>> -> memref<128xf32, #tpu.memory_space<vmem>>
        %dma_start3A_267 = arith.constant 1408 : i32
        %dma_start3A_268 = tpu.memref_slice %arg9[%dma_start3A_264, %dma_start3A_267] : memref<2x1536xi32, #tpu.memory_space<vmem>> -> memref<1x128xi32, #tpu.memory_space<vmem>>
        %dma_start3A_269 = tpu.memref_squeeze %dma_start3A_268 : memref<1x128xi32, #tpu.memory_space<vmem>> -> memref<128xi32, #tpu.memory_space<vmem>>
        %dma_start3A_270 = arith.constant 0 : i32
        %dma_start3A_271 = tpu.memref_slice %arg18[%dma_start3A_270] : memref<100000xf32, #tpu.memory_space<vmem_shared>> -> memref<100000xf32, #tpu.memory_space<vmem_shared>>
        tpu.enqueue_indirect_dma source(%dma_start3A_266 : memref<128xf32, #tpu.memory_space<vmem>>) target(%dma_start3A_271 : memref<100000xf32, #tpu.memory_space<vmem_shared>>) offsets(%dma_start3A_269 : memref<128xi32, #tpu.memory_space<vmem>>) semaphore(%arg23 : memref<!tpu.dma_semaphore, #tpu.memory_space<semaphore_mem>>) {add = true}
      } else {
      }
      %jit3A_127 = arith.constant 3 : i32
      %eq3A_128 = arith.constant 0 : i32
      %eq3A_129 = arith.cmpi eq, %jit3A_127, %eq3A_128 : i32
      %jit3A_130 = arith.constant 1 : i32
      %select_n3A_131 = arith.select %eq3A_129, %jit3A_130, %jit3A_127 : i32
      %rem3A_132 = arith.remsi %while3A_85, %select_n3A_131 : i32
      %ne3A_133 = arith.constant 0 : i32
      %ne3A_134 = arith.cmpi ne, %rem3A_132, %ne3A_133 : i32
      %lt3A_135 = arith.constant 0 : i32
      %lt3A_136 = arith.cmpi slt, %rem3A_132, %lt3A_135 : i32
      %lt3A_137 = arith.constant 0 : i32
      %lt3A_138 = arith.cmpi slt, %select_n3A_131, %lt3A_137 : i32
      %ne3A_139 = arith.xori %lt3A_136, %lt3A_138 : i1
      %and3A_140 = arith.andi %ne3A_139, %ne3A_134 : i1
      %add3A_141 = arith.addi %rem3A_132, %select_n3A_131 : i32
      %select_n3A_142 = arith.select %and3A_140, %add3A_141, %rem3A_132 : i32
      %eq3A_143 = arith.constant 2 : i32
      %eq3A_144 = arith.cmpi eq, %select_n3A_142, %eq3A_143 : i32
      %convert_element_type3A_145 = arith.extui %eq3A_144 : i1 to i32
      %cond3A_146 = arith.constant 0 : i32
      %cond3A_147 = arith.cmpi ne, %convert_element_type3A_145, %cond3A_146 : i32
      scf.if %cond3A_147 {
        %ge3A_149 = arith.constant 2 : i32
        %ge3A_150 = arith.cmpi sge, %while3A_85, %ge3A_149 : i32
        %convert_element_type3A_151 = arith.extui %ge3A_150 : i1 to i32
        %cond3A_152 = arith.constant 0 : i32
        %cond3A_153 = arith.cmpi ne, %convert_element_type3A_151, %cond3A_152 : i32
        scf.if %cond3A_153 {
          %dma_wait3A_272 = arith.constant 0 : i32
          %dma_wait3A_273 = tpu.memref_slice %arg4[%dma_wait3A_272] : memref<3200000xf32, #tpu.memory_space<hbm>> -> memref<1536xf32, #tpu.memory_space<hbm>>
          %dma_wait3A_274 = arith.constant 0 : i32
          %dma_wait3A_275 = tpu.memref_slice %arg4[%dma_wait3A_274] : memref<3200000xf32, #tpu.memory_space<hbm>> -> memref<1536xf32, #tpu.memory_space<hbm>>
          tpu.wait_dma2 semaphore(%arg22 : memref<!tpu.dma_semaphore, #tpu.memory_space<semaphore_mem>>) src(%dma_wait3A_275 : memref<1536xf32, #tpu.memory_space<hbm>>) dst(%arg14 : memref<1536xf32, #tpu.memory_space<vmem>>)
        } else {
        }
        %add3A_154 = arith.constant 1 : i32
        %add3A_155 = arith.addi %while3A_85, %add3A_154 : i32
        %lt3A_156 = arith.cmpi slt, %add3A_155, %add3A_4 : i32
        %convert_element_type3A_157 = arith.extui %lt3A_156 : i1 to i32
        %cond3A_158 = arith.constant 0 : i32
        %cond3A_159 = arith.cmpi ne, %convert_element_type3A_157, %cond3A_158 : i32
        scf.if %cond3A_159 {
          %add3A_272 = arith.constant 1 : i32
          %add3A_273 = arith.addi %while3A_85, %add3A_272 : i32
          %add3A_274 = arith.addi %add3A_8, %add3A_273 : i32
          %mul3A_275 = arith.constant 1536 : i32
          %mul3A_276 = arith.muli %add3A_274, %mul3A_275 : i32
          %dma_start3A_277 = arith.constant 0 : i32
          %dma_start3A_278 = tpu.memref_slice %arg3[%dma_start3A_277, %mul3A_276] : memref<2x3200000xi32, #tpu.memory_space<hbm>> -> memref<2x1536xi32, #tpu.memory_space<hbm>>
          %dma_start3A_279 = arith.constant 0 : i32
          %dma_start3A_280 = tpu.memref_slice %arg3[%dma_start3A_279, %mul3A_276] : memref<2x3200000xi32, #tpu.memory_space<hbm>> -> memref<2x1536xi32, #tpu.memory_space<hbm>>
          tpu.enqueue_dma source(%dma_start3A_280 : memref<2x1536xi32, #tpu.memory_space<hbm>>) target(%arg8 : memref<2x1536xi32, #tpu.memory_space<vmem>>) target_semaphore(%arg19 : memref<!tpu.dma_semaphore, #tpu.memory_space<semaphore_mem>>)
          %dma_start3A_281 = tpu.memref_slice %arg4[%mul3A_276] : memref<3200000xf32, #tpu.memory_space<hbm>> -> memref<1536xf32, #tpu.memory_space<hbm>>
          %dma_start3A_282 = tpu.memref_slice %arg4[%mul3A_276] : memref<3200000xf32, #tpu.memory_space<hbm>> -> memref<1536xf32, #tpu.memory_space<hbm>>
          tpu.enqueue_dma source(%dma_start3A_282 : memref<1536xf32, #tpu.memory_space<hbm>>) target(%arg11 : memref<1536xf32, #tpu.memory_space<vmem>>) target_semaphore(%arg19 : memref<!tpu.dma_semaphore, #tpu.memory_space<semaphore_mem>>)
        } else {
        }
        %dma_wait3A = arith.constant 0 : i32
        %dma_wait3A_160 = arith.constant 0 : i32
        %dma_wait3A_161 = tpu.memref_slice %arg3[%dma_wait3A, %dma_wait3A_160] : memref<2x3200000xi32, #tpu.memory_space<hbm>> -> memref<2x1536xi32, #tpu.memory_space<hbm>>
        %dma_wait3A_162 = arith.constant 0 : i32
        %dma_wait3A_163 = arith.constant 0 : i32
        %dma_wait3A_164 = tpu.memref_slice %arg3[%dma_wait3A_162, %dma_wait3A_163] : memref<2x3200000xi32, #tpu.memory_space<hbm>> -> memref<2x1536xi32, #tpu.memory_space<hbm>>
        tpu.wait_dma2 semaphore(%arg21 : memref<!tpu.dma_semaphore, #tpu.memory_space<semaphore_mem>>) src(%dma_wait3A_164 : memref<2x1536xi32, #tpu.memory_space<hbm>>) dst(%arg10 : memref<2x1536xi32, #tpu.memory_space<vmem>>)
        %dma_wait3A_165 = arith.constant 0 : i32
        %dma_wait3A_166 = tpu.memref_slice %arg4[%dma_wait3A_165] : memref<3200000xf32, #tpu.memory_space<hbm>> -> memref<1536xf32, #tpu.memory_space<hbm>>
        %dma_wait3A_167 = arith.constant 0 : i32
        %dma_wait3A_168 = tpu.memref_slice %arg4[%dma_wait3A_167] : memref<3200000xf32, #tpu.memory_space<hbm>> -> memref<1536xf32, #tpu.memory_space<hbm>>
        tpu.wait_dma2 semaphore(%arg21 : memref<!tpu.dma_semaphore, #tpu.memory_space<semaphore_mem>>) src(%dma_wait3A_168 : memref<1536xf32, #tpu.memory_space<hbm>>) dst(%arg13 : memref<1536xf32, #tpu.memory_space<vmem>>)
        %scan3A_169 = arith.constant 0 : i32
        %scan3A_170 = arith.constant 0 : i32
        %scan3A_171 = arith.constant 96 : i32
        %scan3A_172 = arith.addi %scan3A_170, %scan3A_171 : i32
        %scan3A_173 = arith.constant 1 : i32
        %scan3A_174 = scf.for %scan3A_272 = %scan3A_170 to %scan3A_172 step %scan3A_173 iter_args(%scan3A_273 = %scan3A_169) -> (i32)  : i32 {
          %mul3A_274 = arith.constant 16 : i32
          %mul3A_275 = arith.muli %scan3A_272, %mul3A_274 : i32
          %get3A = arith.constant 0 : i32
          %get3A_276 = arith.index_cast %get3A : i32 to index
          %get3A_277 = arith.index_cast %mul3A_275 : i32 to index
          %get3A_278 = tpu.vector_load %arg10[%get3A_276, %get3A_277] {strides = array<i32>} : memref<2x1536xi32, #tpu.memory_space<vmem>>, vector<16xi32>,
          %gather3A = tpu.vector_load_idx %arg7[%get3A_278] : memref<100000xf32, #tpu.memory_space<vmem>>[vector<16xi32>], vector<16xf32>,
          %mul3A_279 = arith.constant 16 : i32
          %mul3A_280 = arith.muli %scan3A_272, %mul3A_279 : i32
          %get3A_281 = arith.index_cast %mul3A_280 : i32 to index
          %get3A_282 = tpu.vector_load %arg13[%get3A_281] {strides = array<i32>} : memref<1536xf32, #tpu.memory_space<vmem>>, vector<16xf32>,
          %mul3A_283 = arith.mulf %get3A_282, %gather3A : vector<16xf32>
          %sub3A = arith.constant 1.000000e+00 : f32
          %sub3A_284 = vector.broadcast %sub3A : f32 to vector<16xf32>
          %sub3A_285 = arith.subf %sub3A_284, %get3A_282 : vector<16xf32>
          %mul3A_286 = arith.constant 5.000000e-01 : f32
          %mul3A_287 = vector.broadcast %mul3A_286 : f32 to vector<16xf32>
          %mul3A_288 = arith.mulf %sub3A_285, %mul3A_287 : vector<16xf32>
          %add3A_289 = arith.addf %mul3A_283, %mul3A_288 : vector<16xf32>
          %gt3A = arith.constant 5.000000e-01 : f32
          %gt3A_290 = vector.broadcast %gt3A : f32 to vector<16xf32>
          %gt3A_291 = arith.cmpf ogt, %add3A_289, %gt3A_290 : vector<16xf32>
          %jit3A_292 = arith.constant 1.000000e+00 : f32
          %jit3A_293 = arith.constant 0.000000e+00 : f32
          %broadcast_in_dim3A = vector.broadcast %jit3A_292 : f32 to vector<16xf32>
          %broadcast_in_dim3A_294 = vector.broadcast %jit3A_293 : f32 to vector<16xf32>
          %select_n3A_295 = arith.select %gt3A_291, %broadcast_in_dim3A, %broadcast_in_dim3A_294 : vector<16xi1>, vector<16xf32>
          %mul3A_296 = arith.constant 16 : i32
          %mul3A_297 = arith.muli %scan3A_272, %mul3A_296 : i32
          %swap3A = arith.index_cast %mul3A_297 : i32 to index
          %swap3A_298 = tpu.vector_load %arg16[%swap3A] {strides = array<i32>} : memref<1536xf32, #tpu.memory_space<vmem>>, vector<16xf32>,
          tpu.vector_store %arg16[%swap3A], %select_n3A_295 {strides = array<i32>} : memref<1536xf32, #tpu.memory_space<vmem>>, vector<16xf32>,
          %scan3A_299 = arith.constant 0 : i32
          scf.yield %scan3A_299 : i32
        }
        %scan3A_175 = arith.constant 96 : i32
        %dma_start3A_176 = arith.constant 1 : i32
        %dma_start3A_177 = arith.constant 0 : i32
        %dma_start3A_178 = tpu.memref_slice %arg16[%dma_start3A_177] : memref<1536xf32, #tpu.memory_space<vmem>> -> memref<128xf32, #tpu.memory_space<vmem>>
        %dma_start3A_179 = arith.constant 0 : i32
        %dma_start3A_180 = tpu.memref_slice %arg10[%dma_start3A_176, %dma_start3A_179] : memref<2x1536xi32, #tpu.memory_space<vmem>> -> memref<1x128xi32, #tpu.memory_space<vmem>>
        %dma_start3A_181 = tpu.memref_squeeze %dma_start3A_180 : memref<1x128xi32, #tpu.memory_space<vmem>> -> memref<128xi32, #tpu.memory_space<vmem>>
        %dma_start3A_182 = arith.constant 0 : i32
        %dma_start3A_183 = tpu.memref_slice %arg18[%dma_start3A_182] : memref<100000xf32, #tpu.memory_space<vmem_shared>> -> memref<100000xf32, #tpu.memory_space<vmem_shared>>
        tpu.enqueue_indirect_dma source(%dma_start3A_178 : memref<128xf32, #tpu.memory_space<vmem>>) target(%dma_start3A_183 : memref<100000xf32, #tpu.memory_space<vmem_shared>>) offsets(%dma_start3A_181 : memref<128xi32, #tpu.memory_space<vmem>>) semaphore(%arg24 : memref<!tpu.dma_semaphore, #tpu.memory_space<semaphore_mem>>) {add = true}
        %dma_start3A_184 = arith.constant 1 : i32
        %dma_start3A_185 = arith.constant 128 : i32
        %dma_start3A_186 = tpu.memref_slice %arg16[%dma_start3A_185] : memref<1536xf32, #tpu.memory_space<vmem>> -> memref<128xf32, #tpu.memory_space<vmem>>
        %dma_start3A_187 = arith.constant 128 : i32
        %dma_start3A_188 = tpu.memref_slice %arg10[%dma_start3A_184, %dma_start3A_187] : memref<2x1536xi32, #tpu.memory_space<vmem>> -> memref<1x128xi32, #tpu.memory_space<vmem>>
        %dma_start3A_189 = tpu.memref_squeeze %dma_start3A_188 : memref<1x128xi32, #tpu.memory_space<vmem>> -> memref<128xi32, #tpu.memory_space<vmem>>
        %dma_start3A_190 = arith.constant 0 : i32
        %dma_start3A_191 = tpu.memref_slice %arg18[%dma_start3A_190] : memref<100000xf32, #tpu.memory_space<vmem_shared>> -> memref<100000xf32, #tpu.memory_space<vmem_shared>>
        tpu.enqueue_indirect_dma source(%dma_start3A_186 : memref<128xf32, #tpu.memory_space<vmem>>) target(%dma_start3A_191 : memref<100000xf32, #tpu.memory_space<vmem_shared>>) offsets(%dma_start3A_189 : memref<128xi32, #tpu.memory_space<vmem>>) semaphore(%arg24 : memref<!tpu.dma_semaphore, #tpu.memory_space<semaphore_mem>>) {add = true}
        %dma_start3A_192 = arith.constant 1 : i32
        %dma_start3A_193 = arith.constant 256 : i32
        %dma_start3A_194 = tpu.memref_slice %arg16[%dma_start3A_193] : memref<1536xf32, #tpu.memory_space<vmem>> -> memref<128xf32, #tpu.memory_space<vmem>>
        %dma_start3A_195 = arith.constant 256 : i32
        %dma_start3A_196 = tpu.memref_slice %arg10[%dma_start3A_192, %dma_start3A_195] : memref<2x1536xi32, #tpu.memory_space<vmem>> -> memref<1x128xi32, #tpu.memory_space<vmem>>
        %dma_start3A_197 = tpu.memref_squeeze %dma_start3A_196 : memref<1x128xi32, #tpu.memory_space<vmem>> -> memref<128xi32, #tpu.memory_space<vmem>>
        %dma_start3A_198 = arith.constant 0 : i32
        %dma_start3A_199 = tpu.memref_slice %arg18[%dma_start3A_198] : memref<100000xf32, #tpu.memory_space<vmem_shared>> -> memref<100000xf32, #tpu.memory_space<vmem_shared>>
        tpu.enqueue_indirect_dma source(%dma_start3A_194 : memref<128xf32, #tpu.memory_space<vmem>>) target(%dma_start3A_199 : memref<100000xf32, #tpu.memory_space<vmem_shared>>) offsets(%dma_start3A_197 : memref<128xi32, #tpu.memory_space<vmem>>) semaphore(%arg24 : memref<!tpu.dma_semaphore, #tpu.memory_space<semaphore_mem>>) {add = true}
        %dma_start3A_200 = arith.constant 1 : i32
        %dma_start3A_201 = arith.constant 384 : i32
        %dma_start3A_202 = tpu.memref_slice %arg16[%dma_start3A_201] : memref<1536xf32, #tpu.memory_space<vmem>> -> memref<128xf32, #tpu.memory_space<vmem>>
        %dma_start3A_203 = arith.constant 384 : i32
        %dma_start3A_204 = tpu.memref_slice %arg10[%dma_start3A_200, %dma_start3A_203] : memref<2x1536xi32, #tpu.memory_space<vmem>> -> memref<1x128xi32, #tpu.memory_space<vmem>>
        %dma_start3A_205 = tpu.memref_squeeze %dma_start3A_204 : memref<1x128xi32, #tpu.memory_space<vmem>> -> memref<128xi32, #tpu.memory_space<vmem>>
        %dma_start3A_206 = arith.constant 0 : i32
        %dma_start3A_207 = tpu.memref_slice %arg18[%dma_start3A_206] : memref<100000xf32, #tpu.memory_space<vmem_shared>> -> memref<100000xf32, #tpu.memory_space<vmem_shared>>
        tpu.enqueue_indirect_dma source(%dma_start3A_202 : memref<128xf32, #tpu.memory_space<vmem>>) target(%dma_start3A_207 : memref<100000xf32, #tpu.memory_space<vmem_shared>>) offsets(%dma_start3A_205 : memref<128xi32, #tpu.memory_space<vmem>>) semaphore(%arg24 : memref<!tpu.dma_semaphore, #tpu.memory_space<semaphore_mem>>) {add = true}
        %dma_start3A_208 = arith.constant 1 : i32
        %dma_start3A_209 = arith.constant 512 : i32
        %dma_start3A_210 = tpu.memref_slice %arg16[%dma_start3A_209] : memref<1536xf32, #tpu.memory_space<vmem>> -> memref<128xf32, #tpu.memory_space<vmem>>
        %dma_start3A_211 = arith.constant 512 : i32
        %dma_start3A_212 = tpu.memref_slice %arg10[%dma_start3A_208, %dma_start3A_211] : memref<2x1536xi32, #tpu.memory_space<vmem>> -> memref<1x128xi32, #tpu.memory_space<vmem>>
        %dma_start3A_213 = tpu.memref_squeeze %dma_start3A_212 : memref<1x128xi32, #tpu.memory_space<vmem>> -> memref<128xi32, #tpu.memory_space<vmem>>
        %dma_start3A_214 = arith.constant 0 : i32
        %dma_start3A_215 = tpu.memref_slice %arg18[%dma_start3A_214] : memref<100000xf32, #tpu.memory_space<vmem_shared>> -> memref<100000xf32, #tpu.memory_space<vmem_shared>>
        tpu.enqueue_indirect_dma source(%dma_start3A_210 : memref<128xf32, #tpu.memory_space<vmem>>) target(%dma_start3A_215 : memref<100000xf32, #tpu.memory_space<vmem_shared>>) offsets(%dma_start3A_213 : memref<128xi32, #tpu.memory_space<vmem>>) semaphore(%arg24 : memref<!tpu.dma_semaphore, #tpu.memory_space<semaphore_mem>>) {add = true}
        %dma_start3A_216 = arith.constant 1 : i32
        %dma_start3A_217 = arith.constant 640 : i32
        %dma_start3A_218 = tpu.memref_slice %arg16[%dma_start3A_217] : memref<1536xf32, #tpu.memory_space<vmem>> -> memref<128xf32, #tpu.memory_space<vmem>>
        %dma_start3A_219 = arith.constant 640 : i32
        %dma_start3A_220 = tpu.memref_slice %arg10[%dma_start3A_216, %dma_start3A_219] : memref<2x1536xi32, #tpu.memory_space<vmem>> -> memref<1x128xi32, #tpu.memory_space<vmem>>
        %dma_start3A_221 = tpu.memref_squeeze %dma_start3A_220 : memref<1x128xi32, #tpu.memory_space<vmem>> -> memref<128xi32, #tpu.memory_space<vmem>>
        %dma_start3A_222 = arith.constant 0 : i32
        %dma_start3A_223 = tpu.memref_slice %arg18[%dma_start3A_222] : memref<100000xf32, #tpu.memory_space<vmem_shared>> -> memref<100000xf32, #tpu.memory_space<vmem_shared>>
        tpu.enqueue_indirect_dma source(%dma_start3A_218 : memref<128xf32, #tpu.memory_space<vmem>>) target(%dma_start3A_223 : memref<100000xf32, #tpu.memory_space<vmem_shared>>) offsets(%dma_start3A_221 : memref<128xi32, #tpu.memory_space<vmem>>) semaphore(%arg24 : memref<!tpu.dma_semaphore, #tpu.memory_space<semaphore_mem>>) {add = true}
        %dma_start3A_224 = arith.constant 1 : i32
        %dma_start3A_225 = arith.constant 768 : i32
        %dma_start3A_226 = tpu.memref_slice %arg16[%dma_start3A_225] : memref<1536xf32, #tpu.memory_space<vmem>> -> memref<128xf32, #tpu.memory_space<vmem>>
        %dma_start3A_227 = arith.constant 768 : i32
        %dma_start3A_228 = tpu.memref_slice %arg10[%dma_start3A_224, %dma_start3A_227] : memref<2x1536xi32, #tpu.memory_space<vmem>> -> memref<1x128xi32, #tpu.memory_space<vmem>>
        %dma_start3A_229 = tpu.memref_squeeze %dma_start3A_228 : memref<1x128xi32, #tpu.memory_space<vmem>> -> memref<128xi32, #tpu.memory_space<vmem>>
        %dma_start3A_230 = arith.constant 0 : i32
        %dma_start3A_231 = tpu.memref_slice %arg18[%dma_start3A_230] : memref<100000xf32, #tpu.memory_space<vmem_shared>> -> memref<100000xf32, #tpu.memory_space<vmem_shared>>
        tpu.enqueue_indirect_dma source(%dma_start3A_226 : memref<128xf32, #tpu.memory_space<vmem>>) target(%dma_start3A_231 : memref<100000xf32, #tpu.memory_space<vmem_shared>>) offsets(%dma_start3A_229 : memref<128xi32, #tpu.memory_space<vmem>>) semaphore(%arg24 : memref<!tpu.dma_semaphore, #tpu.memory_space<semaphore_mem>>) {add = true}
        %dma_start3A_232 = arith.constant 1 : i32
        %dma_start3A_233 = arith.constant 896 : i32
        %dma_start3A_234 = tpu.memref_slice %arg16[%dma_start3A_233] : memref<1536xf32, #tpu.memory_space<vmem>> -> memref<128xf32, #tpu.memory_space<vmem>>
        %dma_start3A_235 = arith.constant 896 : i32
        %dma_start3A_236 = tpu.memref_slice %arg10[%dma_start3A_232, %dma_start3A_235] : memref<2x1536xi32, #tpu.memory_space<vmem>> -> memref<1x128xi32, #tpu.memory_space<vmem>>
        %dma_start3A_237 = tpu.memref_squeeze %dma_start3A_236 : memref<1x128xi32, #tpu.memory_space<vmem>> -> memref<128xi32, #tpu.memory_space<vmem>>
        %dma_start3A_238 = arith.constant 0 : i32
        %dma_start3A_239 = tpu.memref_slice %arg18[%dma_start3A_238] : memref<100000xf32, #tpu.memory_space<vmem_shared>> -> memref<100000xf32, #tpu.memory_space<vmem_shared>>
        tpu.enqueue_indirect_dma source(%dma_start3A_234 : memref<128xf32, #tpu.memory_space<vmem>>) target(%dma_start3A_239 : memref<100000xf32, #tpu.memory_space<vmem_shared>>) offsets(%dma_start3A_237 : memref<128xi32, #tpu.memory_space<vmem>>) semaphore(%arg24 : memref<!tpu.dma_semaphore, #tpu.memory_space<semaphore_mem>>) {add = true}
        %dma_start3A_240 = arith.constant 1 : i32
        %dma_start3A_241 = arith.constant 1024 : i32
        %dma_start3A_242 = tpu.memref_slice %arg16[%dma_start3A_241] : memref<1536xf32, #tpu.memory_space<vmem>> -> memref<128xf32, #tpu.memory_space<vmem>>
        %dma_start3A_243 = arith.constant 1024 : i32
        %dma_start3A_244 = tpu.memref_slice %arg10[%dma_start3A_240, %dma_start3A_243] : memref<2x1536xi32, #tpu.memory_space<vmem>> -> memref<1x128xi32, #tpu.memory_space<vmem>>
        %dma_start3A_245 = tpu.memref_squeeze %dma_start3A_244 : memref<1x128xi32, #tpu.memory_space<vmem>> -> memref<128xi32, #tpu.memory_space<vmem>>
        %dma_start3A_246 = arith.constant 0 : i32
        %dma_start3A_247 = tpu.memref_slice %arg18[%dma_start3A_246] : memref<100000xf32, #tpu.memory_space<vmem_shared>> -> memref<100000xf32, #tpu.memory_space<vmem_shared>>
        tpu.enqueue_indirect_dma source(%dma_start3A_242 : memref<128xf32, #tpu.memory_space<vmem>>) target(%dma_start3A_247 : memref<100000xf32, #tpu.memory_space<vmem_shared>>) offsets(%dma_start3A_245 : memref<128xi32, #tpu.memory_space<vmem>>) semaphore(%arg24 : memref<!tpu.dma_semaphore, #tpu.memory_space<semaphore_mem>>) {add = true}
        %dma_start3A_248 = arith.constant 1 : i32
        %dma_start3A_249 = arith.constant 1152 : i32
        %dma_start3A_250 = tpu.memref_slice %arg16[%dma_start3A_249] : memref<1536xf32, #tpu.memory_space<vmem>> -> memref<128xf32, #tpu.memory_space<vmem>>
        %dma_start3A_251 = arith.constant 1152 : i32
        %dma_start3A_252 = tpu.memref_slice %arg10[%dma_start3A_248, %dma_start3A_251] : memref<2x1536xi32, #tpu.memory_space<vmem>> -> memref<1x128xi32, #tpu.memory_space<vmem>>
        %dma_start3A_253 = tpu.memref_squeeze %dma_start3A_252 : memref<1x128xi32, #tpu.memory_space<vmem>> -> memref<128xi32, #tpu.memory_space<vmem>>
        %dma_start3A_254 = arith.constant 0 : i32
        %dma_start3A_255 = tpu.memref_slice %arg18[%dma_start3A_254] : memref<100000xf32, #tpu.memory_space<vmem_shared>> -> memref<100000xf32, #tpu.memory_space<vmem_shared>>
        tpu.enqueue_indirect_dma source(%dma_start3A_250 : memref<128xf32, #tpu.memory_space<vmem>>) target(%dma_start3A_255 : memref<100000xf32, #tpu.memory_space<vmem_shared>>) offsets(%dma_start3A_253 : memref<128xi32, #tpu.memory_space<vmem>>) semaphore(%arg24 : memref<!tpu.dma_semaphore, #tpu.memory_space<semaphore_mem>>) {add = true}
        %dma_start3A_256 = arith.constant 1 : i32
        %dma_start3A_257 = arith.constant 1280 : i32
        %dma_start3A_258 = tpu.memref_slice %arg16[%dma_start3A_257] : memref<1536xf32, #tpu.memory_space<vmem>> -> memref<128xf32, #tpu.memory_space<vmem>>
        %dma_start3A_259 = arith.constant 1280 : i32
        %dma_start3A_260 = tpu.memref_slice %arg10[%dma_start3A_256, %dma_start3A_259] : memref<2x1536xi32, #tpu.memory_space<vmem>> -> memref<1x128xi32, #tpu.memory_space<vmem>>
        %dma_start3A_261 = tpu.memref_squeeze %dma_start3A_260 : memref<1x128xi32, #tpu.memory_space<vmem>> -> memref<128xi32, #tpu.memory_space<vmem>>
        %dma_start3A_262 = arith.constant 0 : i32
        %dma_start3A_263 = tpu.memref_slice %arg18[%dma_start3A_262] : memref<100000xf32, #tpu.memory_space<vmem_shared>> -> memref<100000xf32, #tpu.memory_space<vmem_shared>>
        tpu.enqueue_indirect_dma source(%dma_start3A_258 : memref<128xf32, #tpu.memory_space<vmem>>) target(%dma_start3A_263 : memref<100000xf32, #tpu.memory_space<vmem_shared>>) offsets(%dma_start3A_261 : memref<128xi32, #tpu.memory_space<vmem>>) semaphore(%arg24 : memref<!tpu.dma_semaphore, #tpu.memory_space<semaphore_mem>>) {add = true}
        %dma_start3A_264 = arith.constant 1 : i32
        %dma_start3A_265 = arith.constant 1408 : i32
        %dma_start3A_266 = tpu.memref_slice %arg16[%dma_start3A_265] : memref<1536xf32, #tpu.memory_space<vmem>> -> memref<128xf32, #tpu.memory_space<vmem>>
        %dma_start3A_267 = arith.constant 1408 : i32
        %dma_start3A_268 = tpu.memref_slice %arg10[%dma_start3A_264, %dma_start3A_267] : memref<2x1536xi32, #tpu.memory_space<vmem>> -> memref<1x128xi32, #tpu.memory_space<vmem>>
        %dma_start3A_269 = tpu.memref_squeeze %dma_start3A_268 : memref<1x128xi32, #tpu.memory_space<vmem>> -> memref<128xi32, #tpu.memory_space<vmem>>
        %dma_start3A_270 = arith.constant 0 : i32
        %dma_start3A_271 = tpu.memref_slice %arg18[%dma_start3A_270] : memref<100000xf32, #tpu.memory_space<vmem_shared>> -> memref<100000xf32, #tpu.memory_space<vmem_shared>>
        tpu.enqueue_indirect_dma source(%dma_start3A_266 : memref<128xf32, #tpu.memory_space<vmem>>) target(%dma_start3A_271 : memref<100000xf32, #tpu.memory_space<vmem_shared>>) offsets(%dma_start3A_269 : memref<128xi32, #tpu.memory_space<vmem>>) semaphore(%arg24 : memref<!tpu.dma_semaphore, #tpu.memory_space<semaphore_mem>>) {add = true}
      } else {
      }
      %while3A_148 = arith.constant 0 : i32
      scf.yield %while3A_148 : i32
    }
    %lt3A_60 = arith.constant 3 : i32
    %lt3A_61 = arith.cmpi slt, %add3A, %lt3A_60 : i32
    %convert_element_type3A_62 = arith.extui %lt3A_61 : i1 to i32
    %cond3A_63 = arith.constant 0 : i32
    %cond3A_64 = arith.cmpi ne, %convert_element_type3A_62, %cond3A_63 : i32
    scf.if %cond3A_64 {
      %dma_wait3A = arith.constant 0 : i32
      %dma_wait3A_85 = tpu.memref_slice %arg4[%dma_wait3A] : memref<3200000xf32, #tpu.memory_space<hbm>> -> memref<1536xf32, #tpu.memory_space<hbm>>
      %dma_wait3A_86 = arith.constant 0 : i32
      %dma_wait3A_87 = tpu.memref_slice %arg4[%dma_wait3A_86] : memref<3200000xf32, #tpu.memory_space<hbm>> -> memref<1536xf32, #tpu.memory_space<hbm>>
      tpu.wait_dma2 semaphore(%arg23 : memref<!tpu.dma_semaphore, #tpu.memory_space<semaphore_mem>>) src(%dma_wait3A_87 : memref<1536xf32, #tpu.memory_space<hbm>>) dst(%arg15 : memref<1536xf32, #tpu.memory_space<vmem>>)
      %dma_wait3A_88 = arith.constant 0 : i32
      %dma_wait3A_89 = tpu.memref_slice %arg4[%dma_wait3A_88] : memref<3200000xf32, #tpu.memory_space<hbm>> -> memref<1536xf32, #tpu.memory_space<hbm>>
      %dma_wait3A_90 = arith.constant 0 : i32
      %dma_wait3A_91 = tpu.memref_slice %arg4[%dma_wait3A_90] : memref<3200000xf32, #tpu.memory_space<hbm>> -> memref<1536xf32, #tpu.memory_space<hbm>>
      tpu.wait_dma2 semaphore(%arg24 : memref<!tpu.dma_semaphore, #tpu.memory_space<semaphore_mem>>) src(%dma_wait3A_91 : memref<1536xf32, #tpu.memory_space<hbm>>) dst(%arg16 : memref<1536xf32, #tpu.memory_space<vmem>>)
    } else {
    }
    %ge3A = arith.constant 3 : i32
    %ge3A_65 = arith.cmpi sge, %add3A, %ge3A : i32
    %convert_element_type3A_66 = arith.extui %ge3A_65 : i1 to i32
    %cond3A_67 = arith.constant 0 : i32
    %cond3A_68 = arith.cmpi ne, %convert_element_type3A_66, %cond3A_67 : i32
    scf.if %cond3A_68 {
      %dma_wait3A = arith.constant 0 : i32
      %dma_wait3A_85 = tpu.memref_slice %arg4[%dma_wait3A] : memref<3200000xf32, #tpu.memory_space<hbm>> -> memref<1536xf32, #tpu.memory_space<hbm>>
      %dma_wait3A_86 = arith.constant 0 : i32
      %dma_wait3A_87 = tpu.memref_slice %arg4[%dma_wait3A_86] : memref<3200000xf32, #tpu.memory_space<hbm>> -> memref<1536xf32, #tpu.memory_space<hbm>>
      tpu.wait_dma2 semaphore(%arg22 : memref<!tpu.dma_semaphore, #tpu.memory_space<semaphore_mem>>) src(%dma_wait3A_87 : memref<1536xf32, #tpu.memory_space<hbm>>) dst(%arg14 : memref<1536xf32, #tpu.memory_space<vmem>>)
      %dma_wait3A_88 = arith.constant 0 : i32
      %dma_wait3A_89 = tpu.memref_slice %arg4[%dma_wait3A_88] : memref<3200000xf32, #tpu.memory_space<hbm>> -> memref<1536xf32, #tpu.memory_space<hbm>>
      %dma_wait3A_90 = arith.constant 0 : i32
      %dma_wait3A_91 = tpu.memref_slice %arg4[%dma_wait3A_90] : memref<3200000xf32, #tpu.memory_space<hbm>> -> memref<1536xf32, #tpu.memory_space<hbm>>
      tpu.wait_dma2 semaphore(%arg23 : memref<!tpu.dma_semaphore, #tpu.memory_space<semaphore_mem>>) src(%dma_wait3A_91 : memref<1536xf32, #tpu.memory_space<hbm>>) dst(%arg15 : memref<1536xf32, #tpu.memory_space<vmem>>)
    } else {
    }
    %eq3A_69 = arith.constant 31 : i32
    %eq3A_70 = arith.cmpi eq, %add3A, %eq3A_69 : i32
    %convert_element_type3A_71 = arith.extui %eq3A_70 : i1 to i32
    %cond3A_72 = arith.constant 0 : i32
    %cond3A_73 = arith.cmpi ne, %convert_element_type3A_71, %cond3A_72 : i32
    scf.if %cond3A_73 {
      "tpu.region"() ({
        %run_scoped3A = tpu.sem_alloc : memref<!tpu.dma_semaphore, #tpu.memory_space<semaphore_mem>>
        %dma_start3A_191 = arith.constant 0 : i32
        %dma_start3A_192 = arith.constant 0 : i32
        %dma_start3A_193 = tpu.memref_slice %arg8[%dma_start3A_191, %dma_start3A_192] : memref<2x1536xi32, #tpu.memory_space<vmem>> -> memref<2x512xi32, #tpu.memory_space<vmem>>
        %dma_start3A_194 = arith.constant 0 : i32
        %dma_start3A_195 = arith.constant 3199488 : i32
        %dma_start3A_196 = tpu.memref_slice %arg3[%dma_start3A_194, %dma_start3A_195] : memref<2x3200000xi32, #tpu.memory_space<hbm>> -> memref<2x512xi32, #tpu.memory_space<hbm>>
        %dma_start3A_197 = arith.constant 0 : i32
        %dma_start3A_198 = arith.constant 0 : i32
        %dma_start3A_199 = tpu.memref_slice %arg8[%dma_start3A_197, %dma_start3A_198] : memref<2x1536xi32, #tpu.memory_space<vmem>> -> memref<2x512xi32, #tpu.memory_space<vmem>>
        %dma_start3A_200 = arith.constant 0 : i32
        %dma_start3A_201 = arith.constant 3199488 : i32
        %dma_start3A_202 = tpu.memref_slice %arg3[%dma_start3A_200, %dma_start3A_201] : memref<2x3200000xi32, #tpu.memory_space<hbm>> -> memref<2x512xi32, #tpu.memory_space<hbm>>
        tpu.enqueue_dma source(%dma_start3A_202 : memref<2x512xi32, #tpu.memory_space<hbm>>) target(%dma_start3A_199 : memref<2x512xi32, #tpu.memory_space<vmem>>) target_semaphore(%run_scoped3A : memref<!tpu.dma_semaphore, #tpu.memory_space<semaphore_mem>>)
        %dma_wait3A_203 = arith.constant 0 : i32
        %dma_wait3A_204 = arith.constant 0 : i32
        %dma_wait3A_205 = tpu.memref_slice %arg8[%dma_wait3A_203, %dma_wait3A_204] : memref<2x1536xi32, #tpu.memory_space<vmem>> -> memref<2x512xi32, #tpu.memory_space<vmem>>
        %dma_wait3A_206 = arith.constant 0 : i32
        %dma_wait3A_207 = arith.constant 3199488 : i32
        %dma_wait3A_208 = tpu.memref_slice %arg3[%dma_wait3A_206, %dma_wait3A_207] : memref<2x3200000xi32, #tpu.memory_space<hbm>> -> memref<2x512xi32, #tpu.memory_space<hbm>>
        %dma_wait3A_209 = arith.constant 0 : i32
        %dma_wait3A_210 = arith.constant 0 : i32
        %dma_wait3A_211 = tpu.memref_slice %arg8[%dma_wait3A_209, %dma_wait3A_210] : memref<2x1536xi32, #tpu.memory_space<vmem>> -> memref<2x512xi32, #tpu.memory_space<vmem>>
        %dma_wait3A_212 = arith.constant 0 : i32
        %dma_wait3A_213 = arith.constant 3199488 : i32
        %dma_wait3A_214 = tpu.memref_slice %arg3[%dma_wait3A_212, %dma_wait3A_213] : memref<2x3200000xi32, #tpu.memory_space<hbm>> -> memref<2x512xi32, #tpu.memory_space<hbm>>
        tpu.wait_dma2 semaphore(%run_scoped3A : memref<!tpu.dma_semaphore, #tpu.memory_space<semaphore_mem>>) src(%dma_wait3A_214 : memref<2x512xi32, #tpu.memory_space<hbm>>) dst(%dma_wait3A_211 : memref<2x512xi32, #tpu.memory_space<vmem>>)
        tpu.yield
      }) : () -> ()
      "tpu.region"() ({
        %run_scoped3A = tpu.sem_alloc : memref<!tpu.dma_semaphore, #tpu.memory_space<semaphore_mem>>
        %dma_start3A_191 = arith.constant 0 : i32
        %dma_start3A_192 = tpu.memref_slice %arg11[%dma_start3A_191] : memref<1536xf32, #tpu.memory_space<vmem>> -> memref<512xf32, #tpu.memory_space<vmem>>
        %dma_start3A_193 = arith.constant 3199488 : i32
        %dma_start3A_194 = tpu.memref_slice %arg4[%dma_start3A_193] : memref<3200000xf32, #tpu.memory_space<hbm>> -> memref<512xf32, #tpu.memory_space<hbm>>
        %dma_start3A_195 = arith.constant 0 : i32
        %dma_start3A_196 = tpu.memref_slice %arg11[%dma_start3A_195] : memref<1536xf32, #tpu.memory_space<vmem>> -> memref<512xf32, #tpu.memory_space<vmem>>
        %dma_start3A_197 = arith.constant 3199488 : i32
        %dma_start3A_198 = tpu.memref_slice %arg4[%dma_start3A_197] : memref<3200000xf32, #tpu.memory_space<hbm>> -> memref<512xf32, #tpu.memory_space<hbm>>
        tpu.enqueue_dma source(%dma_start3A_198 : memref<512xf32, #tpu.memory_space<hbm>>) target(%dma_start3A_196 : memref<512xf32, #tpu.memory_space<vmem>>) target_semaphore(%run_scoped3A : memref<!tpu.dma_semaphore, #tpu.memory_space<semaphore_mem>>)
        %dma_wait3A_199 = arith.constant 0 : i32
        %dma_wait3A_200 = tpu.memref_slice %arg11[%dma_wait3A_199] : memref<1536xf32, #tpu.memory_space<vmem>> -> memref<512xf32, #tpu.memory_space<vmem>>
        %dma_wait3A_201 = arith.constant 3199488 : i32
        %dma_wait3A_202 = tpu.memref_slice %arg4[%dma_wait3A_201] : memref<3200000xf32, #tpu.memory_space<hbm>> -> memref<512xf32, #tpu.memory_space<hbm>>
        %dma_wait3A_203 = arith.constant 0 : i32
        %dma_wait3A_204 = tpu.memref_slice %arg11[%dma_wait3A_203] : memref<1536xf32, #tpu.memory_space<vmem>> -> memref<512xf32, #tpu.memory_space<vmem>>
        %dma_wait3A_205 = arith.constant 3199488 : i32
        %dma_wait3A_206 = tpu.memref_slice %arg4[%dma_wait3A_205] : memref<3200000xf32, #tpu.memory_space<hbm>> -> memref<512xf32, #tpu.memory_space<hbm>>
        tpu.wait_dma2 semaphore(%run_scoped3A : memref<!tpu.dma_semaphore, #tpu.memory_space<semaphore_mem>>) src(%dma_wait3A_206 : memref<512xf32, #tpu.memory_space<hbm>>) dst(%dma_wait3A_204 : memref<512xf32, #tpu.memory_space<vmem>>)
        tpu.yield
      }) : () -> ()
      %scan3A_85 = arith.constant 0 : i32
      %scan3A_86 = arith.constant 0 : i32
      %scan3A_87 = arith.constant 96 : i32
      %scan3A_88 = arith.addi %scan3A_86, %scan3A_87 : i32
      %scan3A_89 = arith.constant 1 : i32
      %scan3A_90 = scf.for %scan3A_191 = %scan3A_86 to %scan3A_88 step %scan3A_89 iter_args(%scan3A_192 = %scan3A_85) -> (i32)  : i32 {
        %mul3A_193 = arith.constant 16 : i32
        %mul3A_194 = arith.muli %scan3A_191, %mul3A_193 : i32
        %get3A = arith.constant 0 : i32
        %get3A_195 = arith.index_cast %get3A : i32 to index
        %get3A_196 = arith.index_cast %mul3A_194 : i32 to index
        %get3A_197 = tpu.vector_load %arg8[%get3A_195, %get3A_196] {strides = array<i32>} : memref<2x1536xi32, #tpu.memory_space<vmem>>, vector<16xi32>,
        %gather3A = tpu.vector_load_idx %arg7[%get3A_197] : memref<100000xf32, #tpu.memory_space<vmem>>[vector<16xi32>], vector<16xf32>,
        %mul3A_198 = arith.constant 16 : i32
        %mul3A_199 = arith.muli %scan3A_191, %mul3A_198 : i32
        %get3A_200 = arith.index_cast %mul3A_199 : i32 to index
        %get3A_201 = tpu.vector_load %arg11[%get3A_200] {strides = array<i32>} : memref<1536xf32, #tpu.memory_space<vmem>>, vector<16xf32>,
        %mul3A_202 = arith.mulf %get3A_201, %gather3A : vector<16xf32>
        %sub3A = arith.constant 1.000000e+00 : f32
        %sub3A_203 = vector.broadcast %sub3A : f32 to vector<16xf32>
        %sub3A_204 = arith.subf %sub3A_203, %get3A_201 : vector<16xf32>
        %mul3A_205 = arith.constant 5.000000e-01 : f32
        %mul3A_206 = vector.broadcast %mul3A_205 : f32 to vector<16xf32>
        %mul3A_207 = arith.mulf %sub3A_204, %mul3A_206 : vector<16xf32>
        %add3A_208 = arith.addf %mul3A_202, %mul3A_207 : vector<16xf32>
        %gt3A = arith.constant 5.000000e-01 : f32
        %gt3A_209 = vector.broadcast %gt3A : f32 to vector<16xf32>
        %gt3A_210 = arith.cmpf ogt, %add3A_208, %gt3A_209 : vector<16xf32>
        %jit3A_211 = arith.constant 1.000000e+00 : f32
        %jit3A_212 = arith.constant 0.000000e+00 : f32
        %broadcast_in_dim3A = vector.broadcast %jit3A_211 : f32 to vector<16xf32>
        %broadcast_in_dim3A_213 = vector.broadcast %jit3A_212 : f32 to vector<16xf32>
        %select_n3A_214 = arith.select %gt3A_210, %broadcast_in_dim3A, %broadcast_in_dim3A_213 : vector<16xi1>, vector<16xf32>
        %lt3A_215 = arith.constant 32 : i32
        %lt3A_216 = arith.cmpi slt, %scan3A_191, %lt3A_215 : i32
        %convert_element_type3A_217 = arith.extui %lt3A_216 : i1 to i32
        %convert_element_type3A_218 = arith.sitofp %convert_element_type3A_217 : i32 to f32
        %mul3A_219 = vector.broadcast %convert_element_type3A_218 : f32 to vector<16xf32>
        %mul3A_220 = arith.mulf %select_n3A_214, %mul3A_219 : vector<16xf32>
        %mul3A_221 = arith.constant 16 : i32
        %mul3A_222 = arith.muli %scan3A_191, %mul3A_221 : i32
        %swap3A = arith.index_cast %mul3A_222 : i32 to index
        %swap3A_223 = tpu.vector_load %arg14[%swap3A] {strides = array<i32>} : memref<1536xf32, #tpu.memory_space<vmem>>, vector<16xf32>,
        tpu.vector_store %arg14[%swap3A], %mul3A_220 {strides = array<i32>} : memref<1536xf32, #tpu.memory_space<vmem>>, vector<16xf32>,
        %scan3A_224 = arith.constant 0 : i32
        scf.yield %scan3A_224 : i32
      }
      %scan3A_91 = arith.constant 96 : i32
      %dma_start3A_92 = arith.constant 1 : i32
      %dma_start3A_93 = arith.constant 0 : i32
      %dma_start3A_94 = tpu.memref_slice %arg14[%dma_start3A_93] : memref<1536xf32, #tpu.memory_space<vmem>> -> memref<128xf32, #tpu.memory_space<vmem>>
      %dma_start3A_95 = arith.constant 0 : i32
      %dma_start3A_96 = tpu.memref_slice %arg8[%dma_start3A_92, %dma_start3A_95] : memref<2x1536xi32, #tpu.memory_space<vmem>> -> memref<1x128xi32, #tpu.memory_space<vmem>>
      %dma_start3A_97 = tpu.memref_squeeze %dma_start3A_96 : memref<1x128xi32, #tpu.memory_space<vmem>> -> memref<128xi32, #tpu.memory_space<vmem>>
      %dma_start3A_98 = arith.constant 0 : i32
      %dma_start3A_99 = tpu.memref_slice %arg18[%dma_start3A_98] : memref<100000xf32, #tpu.memory_space<vmem_shared>> -> memref<100000xf32, #tpu.memory_space<vmem_shared>>
      tpu.enqueue_indirect_dma source(%dma_start3A_94 : memref<128xf32, #tpu.memory_space<vmem>>) target(%dma_start3A_99 : memref<100000xf32, #tpu.memory_space<vmem_shared>>) offsets(%dma_start3A_97 : memref<128xi32, #tpu.memory_space<vmem>>) semaphore(%arg22 : memref<!tpu.dma_semaphore, #tpu.memory_space<semaphore_mem>>) {add = true}
      %dma_start3A_100 = arith.constant 1 : i32
      %dma_start3A_101 = arith.constant 128 : i32
      %dma_start3A_102 = tpu.memref_slice %arg14[%dma_start3A_101] : memref<1536xf32, #tpu.memory_space<vmem>> -> memref<128xf32, #tpu.memory_space<vmem>>
      %dma_start3A_103 = arith.constant 128 : i32
      %dma_start3A_104 = tpu.memref_slice %arg8[%dma_start3A_100, %dma_start3A_103] : memref<2x1536xi32, #tpu.memory_space<vmem>> -> memref<1x128xi32, #tpu.memory_space<vmem>>
      %dma_start3A_105 = tpu.memref_squeeze %dma_start3A_104 : memref<1x128xi32, #tpu.memory_space<vmem>> -> memref<128xi32, #tpu.memory_space<vmem>>
      %dma_start3A_106 = arith.constant 0 : i32
      %dma_start3A_107 = tpu.memref_slice %arg18[%dma_start3A_106] : memref<100000xf32, #tpu.memory_space<vmem_shared>> -> memref<100000xf32, #tpu.memory_space<vmem_shared>>
      tpu.enqueue_indirect_dma source(%dma_start3A_102 : memref<128xf32, #tpu.memory_space<vmem>>) target(%dma_start3A_107 : memref<100000xf32, #tpu.memory_space<vmem_shared>>) offsets(%dma_start3A_105 : memref<128xi32, #tpu.memory_space<vmem>>) semaphore(%arg22 : memref<!tpu.dma_semaphore, #tpu.memory_space<semaphore_mem>>) {add = true}
      %dma_start3A_108 = arith.constant 1 : i32
      %dma_start3A_109 = arith.constant 256 : i32
      %dma_start3A_110 = tpu.memref_slice %arg14[%dma_start3A_109] : memref<1536xf32, #tpu.memory_space<vmem>> -> memref<128xf32, #tpu.memory_space<vmem>>
      %dma_start3A_111 = arith.constant 256 : i32
      %dma_start3A_112 = tpu.memref_slice %arg8[%dma_start3A_108, %dma_start3A_111] : memref<2x1536xi32, #tpu.memory_space<vmem>> -> memref<1x128xi32, #tpu.memory_space<vmem>>
      %dma_start3A_113 = tpu.memref_squeeze %dma_start3A_112 : memref<1x128xi32, #tpu.memory_space<vmem>> -> memref<128xi32, #tpu.memory_space<vmem>>
      %dma_start3A_114 = arith.constant 0 : i32
      %dma_start3A_115 = tpu.memref_slice %arg18[%dma_start3A_114] : memref<100000xf32, #tpu.memory_space<vmem_shared>> -> memref<100000xf32, #tpu.memory_space<vmem_shared>>
      tpu.enqueue_indirect_dma source(%dma_start3A_110 : memref<128xf32, #tpu.memory_space<vmem>>) target(%dma_start3A_115 : memref<100000xf32, #tpu.memory_space<vmem_shared>>) offsets(%dma_start3A_113 : memref<128xi32, #tpu.memory_space<vmem>>) semaphore(%arg22 : memref<!tpu.dma_semaphore, #tpu.memory_space<semaphore_mem>>) {add = true}
      %dma_start3A_116 = arith.constant 1 : i32
      %dma_start3A_117 = arith.constant 384 : i32
      %dma_start3A_118 = tpu.memref_slice %arg14[%dma_start3A_117] : memref<1536xf32, #tpu.memory_space<vmem>> -> memref<128xf32, #tpu.memory_space<vmem>>
      %dma_start3A_119 = arith.constant 384 : i32
      %dma_start3A_120 = tpu.memref_slice %arg8[%dma_start3A_116, %dma_start3A_119] : memref<2x1536xi32, #tpu.memory_space<vmem>> -> memref<1x128xi32, #tpu.memory_space<vmem>>
      %dma_start3A_121 = tpu.memref_squeeze %dma_start3A_120 : memref<1x128xi32, #tpu.memory_space<vmem>> -> memref<128xi32, #tpu.memory_space<vmem>>
      %dma_start3A_122 = arith.constant 0 : i32
      %dma_start3A_123 = tpu.memref_slice %arg18[%dma_start3A_122] : memref<100000xf32, #tpu.memory_space<vmem_shared>> -> memref<100000xf32, #tpu.memory_space<vmem_shared>>
      tpu.enqueue_indirect_dma source(%dma_start3A_118 : memref<128xf32, #tpu.memory_space<vmem>>) target(%dma_start3A_123 : memref<100000xf32, #tpu.memory_space<vmem_shared>>) offsets(%dma_start3A_121 : memref<128xi32, #tpu.memory_space<vmem>>) semaphore(%arg22 : memref<!tpu.dma_semaphore, #tpu.memory_space<semaphore_mem>>) {add = true}
      %dma_start3A_124 = arith.constant 1 : i32
      %dma_start3A_125 = arith.constant 512 : i32
      %dma_start3A_126 = tpu.memref_slice %arg14[%dma_start3A_125] : memref<1536xf32, #tpu.memory_space<vmem>> -> memref<128xf32, #tpu.memory_space<vmem>>
      %dma_start3A_127 = arith.constant 512 : i32
      %dma_start3A_128 = tpu.memref_slice %arg8[%dma_start3A_124, %dma_start3A_127] : memref<2x1536xi32, #tpu.memory_space<vmem>> -> memref<1x128xi32, #tpu.memory_space<vmem>>
      %dma_start3A_129 = tpu.memref_squeeze %dma_start3A_128 : memref<1x128xi32, #tpu.memory_space<vmem>> -> memref<128xi32, #tpu.memory_space<vmem>>
      %dma_start3A_130 = arith.constant 0 : i32
      %dma_start3A_131 = tpu.memref_slice %arg18[%dma_start3A_130] : memref<100000xf32, #tpu.memory_space<vmem_shared>> -> memref<100000xf32, #tpu.memory_space<vmem_shared>>
      tpu.enqueue_indirect_dma source(%dma_start3A_126 : memref<128xf32, #tpu.memory_space<vmem>>) target(%dma_start3A_131 : memref<100000xf32, #tpu.memory_space<vmem_shared>>) offsets(%dma_start3A_129 : memref<128xi32, #tpu.memory_space<vmem>>) semaphore(%arg22 : memref<!tpu.dma_semaphore, #tpu.memory_space<semaphore_mem>>) {add = true}
      %dma_start3A_132 = arith.constant 1 : i32
      %dma_start3A_133 = arith.constant 640 : i32
      %dma_start3A_134 = tpu.memref_slice %arg14[%dma_start3A_133] : memref<1536xf32, #tpu.memory_space<vmem>> -> memref<128xf32, #tpu.memory_space<vmem>>
      %dma_start3A_135 = arith.constant 640 : i32
      %dma_start3A_136 = tpu.memref_slice %arg8[%dma_start3A_132, %dma_start3A_135] : memref<2x1536xi32, #tpu.memory_space<vmem>> -> memref<1x128xi32, #tpu.memory_space<vmem>>
      %dma_start3A_137 = tpu.memref_squeeze %dma_start3A_136 : memref<1x128xi32, #tpu.memory_space<vmem>> -> memref<128xi32, #tpu.memory_space<vmem>>
      %dma_start3A_138 = arith.constant 0 : i32
      %dma_start3A_139 = tpu.memref_slice %arg18[%dma_start3A_138] : memref<100000xf32, #tpu.memory_space<vmem_shared>> -> memref<100000xf32, #tpu.memory_space<vmem_shared>>
      tpu.enqueue_indirect_dma source(%dma_start3A_134 : memref<128xf32, #tpu.memory_space<vmem>>) target(%dma_start3A_139 : memref<100000xf32, #tpu.memory_space<vmem_shared>>) offsets(%dma_start3A_137 : memref<128xi32, #tpu.memory_space<vmem>>) semaphore(%arg22 : memref<!tpu.dma_semaphore, #tpu.memory_space<semaphore_mem>>) {add = true}
      %dma_start3A_140 = arith.constant 1 : i32
      %dma_start3A_141 = arith.constant 768 : i32
      %dma_start3A_142 = tpu.memref_slice %arg14[%dma_start3A_141] : memref<1536xf32, #tpu.memory_space<vmem>> -> memref<128xf32, #tpu.memory_space<vmem>>
      %dma_start3A_143 = arith.constant 768 : i32
      %dma_start3A_144 = tpu.memref_slice %arg8[%dma_start3A_140, %dma_start3A_143] : memref<2x1536xi32, #tpu.memory_space<vmem>> -> memref<1x128xi32, #tpu.memory_space<vmem>>
      %dma_start3A_145 = tpu.memref_squeeze %dma_start3A_144 : memref<1x128xi32, #tpu.memory_space<vmem>> -> memref<128xi32, #tpu.memory_space<vmem>>
      %dma_start3A_146 = arith.constant 0 : i32
      %dma_start3A_147 = tpu.memref_slice %arg18[%dma_start3A_146] : memref<100000xf32, #tpu.memory_space<vmem_shared>> -> memref<100000xf32, #tpu.memory_space<vmem_shared>>
      tpu.enqueue_indirect_dma source(%dma_start3A_142 : memref<128xf32, #tpu.memory_space<vmem>>) target(%dma_start3A_147 : memref<100000xf32, #tpu.memory_space<vmem_shared>>) offsets(%dma_start3A_145 : memref<128xi32, #tpu.memory_space<vmem>>) semaphore(%arg22 : memref<!tpu.dma_semaphore, #tpu.memory_space<semaphore_mem>>) {add = true}
      %dma_start3A_148 = arith.constant 1 : i32
      %dma_start3A_149 = arith.constant 896 : i32
      %dma_start3A_150 = tpu.memref_slice %arg14[%dma_start3A_149] : memref<1536xf32, #tpu.memory_space<vmem>> -> memref<128xf32, #tpu.memory_space<vmem>>
      %dma_start3A_151 = arith.constant 896 : i32
      %dma_start3A_152 = tpu.memref_slice %arg8[%dma_start3A_148, %dma_start3A_151] : memref<2x1536xi32, #tpu.memory_space<vmem>> -> memref<1x128xi32, #tpu.memory_space<vmem>>
      %dma_start3A_153 = tpu.memref_squeeze %dma_start3A_152 : memref<1x128xi32, #tpu.memory_space<vmem>> -> memref<128xi32, #tpu.memory_space<vmem>>
      %dma_start3A_154 = arith.constant 0 : i32
      %dma_start3A_155 = tpu.memref_slice %arg18[%dma_start3A_154] : memref<100000xf32, #tpu.memory_space<vmem_shared>> -> memref<100000xf32, #tpu.memory_space<vmem_shared>>
      tpu.enqueue_indirect_dma source(%dma_start3A_150 : memref<128xf32, #tpu.memory_space<vmem>>) target(%dma_start3A_155 : memref<100000xf32, #tpu.memory_space<vmem_shared>>) offsets(%dma_start3A_153 : memref<128xi32, #tpu.memory_space<vmem>>) semaphore(%arg22 : memref<!tpu.dma_semaphore, #tpu.memory_space<semaphore_mem>>) {add = true}
      %dma_start3A_156 = arith.constant 1 : i32
      %dma_start3A_157 = arith.constant 1024 : i32
      %dma_start3A_158 = tpu.memref_slice %arg14[%dma_start3A_157] : memref<1536xf32, #tpu.memory_space<vmem>> -> memref<128xf32, #tpu.memory_space<vmem>>
      %dma_start3A_159 = arith.constant 1024 : i32
      %dma_start3A_160 = tpu.memref_slice %arg8[%dma_start3A_156, %dma_start3A_159] : memref<2x1536xi32, #tpu.memory_space<vmem>> -> memref<1x128xi32, #tpu.memory_space<vmem>>
      %dma_start3A_161 = tpu.memref_squeeze %dma_start3A_160 : memref<1x128xi32, #tpu.memory_space<vmem>> -> memref<128xi32, #tpu.memory_space<vmem>>
      %dma_start3A_162 = arith.constant 0 : i32
      %dma_start3A_163 = tpu.memref_slice %arg18[%dma_start3A_162] : memref<100000xf32, #tpu.memory_space<vmem_shared>> -> memref<100000xf32, #tpu.memory_space<vmem_shared>>
      tpu.enqueue_indirect_dma source(%dma_start3A_158 : memref<128xf32, #tpu.memory_space<vmem>>) target(%dma_start3A_163 : memref<100000xf32, #tpu.memory_space<vmem_shared>>) offsets(%dma_start3A_161 : memref<128xi32, #tpu.memory_space<vmem>>) semaphore(%arg22 : memref<!tpu.dma_semaphore, #tpu.memory_space<semaphore_mem>>) {add = true}
      %dma_start3A_164 = arith.constant 1 : i32
      %dma_start3A_165 = arith.constant 1152 : i32
      %dma_start3A_166 = tpu.memref_slice %arg14[%dma_start3A_165] : memref<1536xf32, #tpu.memory_space<vmem>> -> memref<128xf32, #tpu.memory_space<vmem>>
      %dma_start3A_167 = arith.constant 1152 : i32
      %dma_start3A_168 = tpu.memref_slice %arg8[%dma_start3A_164, %dma_start3A_167] : memref<2x1536xi32, #tpu.memory_space<vmem>> -> memref<1x128xi32, #tpu.memory_space<vmem>>
      %dma_start3A_169 = tpu.memref_squeeze %dma_start3A_168 : memref<1x128xi32, #tpu.memory_space<vmem>> -> memref<128xi32, #tpu.memory_space<vmem>>
      %dma_start3A_170 = arith.constant 0 : i32
      %dma_start3A_171 = tpu.memref_slice %arg18[%dma_start3A_170] : memref<100000xf32, #tpu.memory_space<vmem_shared>> -> memref<100000xf32, #tpu.memory_space<vmem_shared>>
      tpu.enqueue_indirect_dma source(%dma_start3A_166 : memref<128xf32, #tpu.memory_space<vmem>>) target(%dma_start3A_171 : memref<100000xf32, #tpu.memory_space<vmem_shared>>) offsets(%dma_start3A_169 : memref<128xi32, #tpu.memory_space<vmem>>) semaphore(%arg22 : memref<!tpu.dma_semaphore, #tpu.memory_space<semaphore_mem>>) {add = true}
      %dma_start3A_172 = arith.constant 1 : i32
      %dma_start3A_173 = arith.constant 1280 : i32
      %dma_start3A_174 = tpu.memref_slice %arg14[%dma_start3A_173] : memref<1536xf32, #tpu.memory_space<vmem>> -> memref<128xf32, #tpu.memory_space<vmem>>
      %dma_start3A_175 = arith.constant 1280 : i32
      %dma_start3A_176 = tpu.memref_slice %arg8[%dma_start3A_172, %dma_start3A_175] : memref<2x1536xi32, #tpu.memory_space<vmem>> -> memref<1x128xi32, #tpu.memory_space<vmem>>
      %dma_start3A_177 = tpu.memref_squeeze %dma_start3A_176 : memref<1x128xi32, #tpu.memory_space<vmem>> -> memref<128xi32, #tpu.memory_space<vmem>>
      %dma_start3A_178 = arith.constant 0 : i32
      %dma_start3A_179 = tpu.memref_slice %arg18[%dma_start3A_178] : memref<100000xf32, #tpu.memory_space<vmem_shared>> -> memref<100000xf32, #tpu.memory_space<vmem_shared>>
      tpu.enqueue_indirect_dma source(%dma_start3A_174 : memref<128xf32, #tpu.memory_space<vmem>>) target(%dma_start3A_179 : memref<100000xf32, #tpu.memory_space<vmem_shared>>) offsets(%dma_start3A_177 : memref<128xi32, #tpu.memory_space<vmem>>) semaphore(%arg22 : memref<!tpu.dma_semaphore, #tpu.memory_space<semaphore_mem>>) {add = true}
      %dma_start3A_180 = arith.constant 1 : i32
      %dma_start3A_181 = arith.constant 1408 : i32
      %dma_start3A_182 = tpu.memref_slice %arg14[%dma_start3A_181] : memref<1536xf32, #tpu.memory_space<vmem>> -> memref<128xf32, #tpu.memory_space<vmem>>
      %dma_start3A_183 = arith.constant 1408 : i32
      %dma_start3A_184 = tpu.memref_slice %arg8[%dma_start3A_180, %dma_start3A_183] : memref<2x1536xi32, #tpu.memory_space<vmem>> -> memref<1x128xi32, #tpu.memory_space<vmem>>
      %dma_start3A_185 = tpu.memref_squeeze %dma_start3A_184 : memref<1x128xi32, #tpu.memory_space<vmem>> -> memref<128xi32, #tpu.memory_space<vmem>>
      %dma_start3A_186 = arith.constant 0 : i32
      %dma_start3A_187 = tpu.memref_slice %arg18[%dma_start3A_186] : memref<100000xf32, #tpu.memory_space<vmem_shared>> -> memref<100000xf32, #tpu.memory_space<vmem_shared>>
      tpu.enqueue_indirect_dma source(%dma_start3A_182 : memref<128xf32, #tpu.memory_space<vmem>>) target(%dma_start3A_187 : memref<100000xf32, #tpu.memory_space<vmem_shared>>) offsets(%dma_start3A_185 : memref<128xi32, #tpu.memory_space<vmem>>) semaphore(%arg22 : memref<!tpu.dma_semaphore, #tpu.memory_space<semaphore_mem>>) {add = true}
      %dma_wait3A = arith.constant 0 : i32
      %dma_wait3A_188 = tpu.memref_slice %arg4[%dma_wait3A] : memref<3200000xf32, #tpu.memory_space<hbm>> -> memref<1536xf32, #tpu.memory_space<hbm>>
      %dma_wait3A_189 = arith.constant 0 : i32
      %dma_wait3A_190 = tpu.memref_slice %arg4[%dma_wait3A_189] : memref<3200000xf32, #tpu.memory_space<hbm>> -> memref<1536xf32, #tpu.memory_space<hbm>>
      tpu.wait_dma2 semaphore(%arg22 : memref<!tpu.dma_semaphore, #tpu.memory_space<semaphore_mem>>) src(%dma_wait3A_190 : memref<1536xf32, #tpu.memory_space<hbm>>) dst(%arg14 : memref<1536xf32, #tpu.memory_space<vmem>>)
    } else {
    }
    %barrier3A_74 = arith.constant 0 : index
    tpu.barrier barrier_id(%barrier3A_74)
    %eq3A_75 = arith.constant 0 : i32
    %eq3A_76 = arith.cmpi eq, %arg0, %eq3A_75 : i32
    %convert_element_type3A_77 = arith.extui %eq3A_76 : i1 to i32
    %cond3A_78 = arith.constant 0 : i32
    %cond3A_79 = arith.cmpi ne, %convert_element_type3A_77, %cond3A_78 : i32
    scf.if %cond3A_79 {
      %while3A_85 = arith.constant 0 : i32
      %while3A_86 = arith.constant 0 : i32
      %while3A_87 = arith.subi %select_n3A_29, %while3A_85 : i32
      %while3A_88 = arith.addi %while3A_85, %while3A_87 : i32
      %while3A_89 = arith.constant 1 : i32
      %while3A_90 = arith.divsi %while3A_87, %while3A_89 : i32
      %while3A_91 = arith.muli %while3A_90, %while3A_89 : i32
      %while3A_92 = arith.addi %while3A_85, %while3A_91 : i32
      %while3A_93 = arith.constant 1 : i32
      %while3A_94 = scf.for %while3A_107 = %while3A_85 to %while3A_92 step %while3A_93 iter_args(%while3A_108 = %while3A_86) -> (i32)  : i32 {
        %mul3A_109 = arith.constant 1024 : i32
        %mul3A_110 = arith.muli %while3A_107, %mul3A_109 : i32
        %add3A_111 = arith.addi %mul3A_25, %mul3A_110 : i32
        "tpu.region"() ({
          %run_scoped3A = tpu.sem_alloc : memref<!tpu.dma_semaphore, #tpu.memory_space<semaphore_mem>>
          %dma_start3A_113 = tpu.memref_slice %arg18[%add3A_111] : memref<100000xf32, #tpu.memory_space<vmem_shared>> -> memref<1024xf32, #tpu.memory_space<vmem_shared>>
          %dma_start3A_114 = tpu.memref_slice %arg18[%add3A_111] : memref<100000xf32, #tpu.memory_space<vmem_shared>> -> memref<1024xf32, #tpu.memory_space<vmem_shared>>
          tpu.enqueue_dma source(%dma_start3A_114 : memref<1024xf32, #tpu.memory_space<vmem_shared>>) target(%arg17 : memref<1024xf32, #tpu.memory_space<vmem>>) target_semaphore(%run_scoped3A : memref<!tpu.dma_semaphore, #tpu.memory_space<semaphore_mem>>)
          %dma_wait3A = tpu.memref_slice %arg18[%add3A_111] : memref<100000xf32, #tpu.memory_space<vmem_shared>> -> memref<1024xf32, #tpu.memory_space<vmem_shared>>
          %dma_wait3A_115 = tpu.memref_slice %arg18[%add3A_111] : memref<100000xf32, #tpu.memory_space<vmem_shared>> -> memref<1024xf32, #tpu.memory_space<vmem_shared>>
          tpu.wait_dma2 semaphore(%run_scoped3A : memref<!tpu.dma_semaphore, #tpu.memory_space<semaphore_mem>>) src(%dma_wait3A_115 : memref<1024xf32, #tpu.memory_space<vmem_shared>>) dst(%arg17 : memref<1024xf32, #tpu.memory_space<vmem>>)
          tpu.yield
        }) : () -> ()
        "tpu.region"() ({
          %run_scoped3A = tpu.sem_alloc : memref<!tpu.dma_semaphore, #tpu.memory_space<semaphore_mem>>
          %dma_start3A_113 = tpu.memref_slice %arg5[%add3A_111] : memref<100000xf32, #tpu.memory_space<hbm>> -> memref<1024xf32, #tpu.memory_space<hbm>>
          %dma_start3A_114 = tpu.memref_slice %arg5[%add3A_111] : memref<100000xf32, #tpu.memory_space<hbm>> -> memref<1024xf32, #tpu.memory_space<hbm>>
          tpu.enqueue_dma source(%arg17 : memref<1024xf32, #tpu.memory_space<vmem>>) target(%dma_start3A_114 : memref<1024xf32, #tpu.memory_space<hbm>>) target_semaphore(%run_scoped3A : memref<!tpu.dma_semaphore, #tpu.memory_space<semaphore_mem>>)
          %dma_wait3A = tpu.memref_slice %arg5[%add3A_111] : memref<100000xf32, #tpu.memory_space<hbm>> -> memref<1024xf32, #tpu.memory_space<hbm>>
          %dma_wait3A_115 = tpu.memref_slice %arg5[%add3A_111] : memref<100000xf32, #tpu.memory_space<hbm>> -> memref<1024xf32, #tpu.memory_space<hbm>>
          tpu.wait_dma2 semaphore(%run_scoped3A : memref<!tpu.dma_semaphore, #tpu.memory_space<semaphore_mem>>) src(%arg17 : memref<1024xf32, #tpu.memory_space<vmem>>) dst(%dma_wait3A_115 : memref<1024xf32, #tpu.memory_space<hbm>>)
          tpu.yield
        }) : () -> ()
        %while3A_112 = arith.constant 0 : i32
        scf.yield %while3A_112 : i32
      }
      %while3A_95 = arith.constant 1 : i32
      %while3A_96 = scf.for %while3A_107 = %while3A_92 to %while3A_88 step %while3A_95 iter_args(%while3A_108 = %while3A_94) -> (i32)  : i32 {
        %mul3A_109 = arith.constant 1024 : i32
        %mul3A_110 = arith.muli %while3A_107, %mul3A_109 : i32
        %add3A_111 = arith.addi %mul3A_25, %mul3A_110 : i32
        "tpu.region"() ({
          %run_scoped3A = tpu.sem_alloc : memref<!tpu.dma_semaphore, #tpu.memory_space<semaphore_mem>>
          %dma_start3A_113 = tpu.memref_slice %arg18[%add3A_111] : memref<100000xf32, #tpu.memory_space<vmem_shared>> -> memref<1024xf32, #tpu.memory_space<vmem_shared>>
          %dma_start3A_114 = tpu.memref_slice %arg18[%add3A_111] : memref<100000xf32, #tpu.memory_space<vmem_shared>> -> memref<1024xf32, #tpu.memory_space<vmem_shared>>
          tpu.enqueue_dma source(%dma_start3A_114 : memref<1024xf32, #tpu.memory_space<vmem_shared>>) target(%arg17 : memref<1024xf32, #tpu.memory_space<vmem>>) target_semaphore(%run_scoped3A : memref<!tpu.dma_semaphore, #tpu.memory_space<semaphore_mem>>)
          %dma_wait3A = tpu.memref_slice %arg18[%add3A_111] : memref<100000xf32, #tpu.memory_space<vmem_shared>> -> memref<1024xf32, #tpu.memory_space<vmem_shared>>
          %dma_wait3A_115 = tpu.memref_slice %arg18[%add3A_111] : memref<100000xf32, #tpu.memory_space<vmem_shared>> -> memref<1024xf32, #tpu.memory_space<vmem_shared>>
          tpu.wait_dma2 semaphore(%run_scoped3A : memref<!tpu.dma_semaphore, #tpu.memory_space<semaphore_mem>>) src(%dma_wait3A_115 : memref<1024xf32, #tpu.memory_space<vmem_shared>>) dst(%arg17 : memref<1024xf32, #tpu.memory_space<vmem>>)
          tpu.yield
        }) : () -> ()
        "tpu.region"() ({
          %run_scoped3A = tpu.sem_alloc : memref<!tpu.dma_semaphore, #tpu.memory_space<semaphore_mem>>
          %dma_start3A_113 = tpu.memref_slice %arg5[%add3A_111] : memref<100000xf32, #tpu.memory_space<hbm>> -> memref<1024xf32, #tpu.memory_space<hbm>>
          %dma_start3A_114 = tpu.memref_slice %arg5[%add3A_111] : memref<100000xf32, #tpu.memory_space<hbm>> -> memref<1024xf32, #tpu.memory_space<hbm>>
          tpu.enqueue_dma source(%arg17 : memref<1024xf32, #tpu.memory_space<vmem>>) target(%dma_start3A_114 : memref<1024xf32, #tpu.memory_space<hbm>>) target_semaphore(%run_scoped3A : memref<!tpu.dma_semaphore, #tpu.memory_space<semaphore_mem>>)
          %dma_wait3A = tpu.memref_slice %arg5[%add3A_111] : memref<100000xf32, #tpu.memory_space<hbm>> -> memref<1024xf32, #tpu.memory_space<hbm>>
          %dma_wait3A_115 = tpu.memref_slice %arg5[%add3A_111] : memref<100000xf32, #tpu.memory_space<hbm>> -> memref<1024xf32, #tpu.memory_space<hbm>>
          tpu.wait_dma2 semaphore(%run_scoped3A : memref<!tpu.dma_semaphore, #tpu.memory_space<semaphore_mem>>) src(%arg17 : memref<1024xf32, #tpu.memory_space<vmem>>) dst(%dma_wait3A_115 : memref<1024xf32, #tpu.memory_space<hbm>>)
          tpu.yield
        }) : () -> ()
        %while3A_112 = arith.constant 0 : i32
        scf.yield %while3A_112 : i32
      }
      %ne3A_97 = arith.constant 15 : i32
      %ne3A_98 = arith.cmpi ne, %arg1, %ne3A_97 : i32
      %convert_element_type3A_99 = arith.extui %ne3A_98 : i1 to i32
      %cond3A_100 = arith.constant 0 : i32
      %cond3A_101 = arith.cmpi ne, %convert_element_type3A_99, %cond3A_100 : i32
      scf.if %cond3A_101 {
        %add3A_107 = arith.constant 6144 : i32
        %add3A_108 = arith.addi %mul3A_25, %add3A_107 : i32
        "tpu.region"() ({
          %run_scoped3A = tpu.sem_alloc : memref<!tpu.dma_semaphore, #tpu.memory_space<semaphore_mem>>
          %dma_start3A_109 = arith.constant 0 : i32
          %dma_start3A_110 = tpu.memref_slice %arg17[%dma_start3A_109] : memref<1024xf32, #tpu.memory_space<vmem>> -> memref<112xf32, #tpu.memory_space<vmem>>
          %dma_start3A_111 = tpu.memref_slice %arg18[%add3A_108] : memref<100000xf32, #tpu.memory_space<vmem_shared>> -> memref<112xf32, #tpu.memory_space<vmem_shared>>
          %dma_start3A_112 = arith.constant 0 : i32
          %dma_start3A_113 = tpu.memref_slice %arg17[%dma_start3A_112] : memref<1024xf32, #tpu.memory_space<vmem>> -> memref<112xf32, #tpu.memory_space<vmem>>
          %dma_start3A_114 = tpu.memref_slice %arg18[%add3A_108] : memref<100000xf32, #tpu.memory_space<vmem_shared>> -> memref<112xf32, #tpu.memory_space<vmem_shared>>
          tpu.enqueue_dma source(%dma_start3A_114 : memref<112xf32, #tpu.memory_space<vmem_shared>>) target(%dma_start3A_113 : memref<112xf32, #tpu.memory_space<vmem>>) target_semaphore(%run_scoped3A : memref<!tpu.dma_semaphore, #tpu.memory_space<semaphore_mem>>)
          %dma_wait3A = arith.constant 0 : i32
          %dma_wait3A_115 = tpu.memref_slice %arg17[%dma_wait3A] : memref<1024xf32, #tpu.memory_space<vmem>> -> memref<112xf32, #tpu.memory_space<vmem>>
          %dma_wait3A_116 = tpu.memref_slice %arg18[%add3A_108] : memref<100000xf32, #tpu.memory_space<vmem_shared>> -> memref<112xf32, #tpu.memory_space<vmem_shared>>
          %dma_wait3A_117 = arith.constant 0 : i32
          %dma_wait3A_118 = tpu.memref_slice %arg17[%dma_wait3A_117] : memref<1024xf32, #tpu.memory_space<vmem>> -> memref<112xf32, #tpu.memory_space<vmem>>
          %dma_wait3A_119 = tpu.memref_slice %arg18[%add3A_108] : memref<100000xf32, #tpu.memory_space<vmem_shared>> -> memref<112xf32, #tpu.memory_space<vmem_shared>>
          tpu.wait_dma2 semaphore(%run_scoped3A : memref<!tpu.dma_semaphore, #tpu.memory_space<semaphore_mem>>) src(%dma_wait3A_119 : memref<112xf32, #tpu.memory_space<vmem_shared>>) dst(%dma_wait3A_118 : memref<112xf32, #tpu.memory_space<vmem>>)
          tpu.yield
        }) : () -> ()
        "tpu.region"() ({
          %run_scoped3A = tpu.sem_alloc : memref<!tpu.dma_semaphore, #tpu.memory_space<semaphore_mem>>
          %dma_start3A_109 = arith.constant 0 : i32
          %dma_start3A_110 = tpu.memref_slice %arg17[%dma_start3A_109] : memref<1024xf32, #tpu.memory_space<vmem>> -> memref<112xf32, #tpu.memory_space<vmem>>
          %dma_start3A_111 = tpu.memref_slice %arg5[%add3A_108] : memref<100000xf32, #tpu.memory_space<hbm>> -> memref<112xf32, #tpu.memory_space<hbm>>
          %dma_start3A_112 = tpu.memref_slice %arg5[%add3A_108] : memref<100000xf32, #tpu.memory_space<hbm>> -> memref<112xf32, #tpu.memory_space<hbm>>
          %dma_start3A_113 = arith.constant 0 : i32
          %dma_start3A_114 = tpu.memref_slice %arg17[%dma_start3A_113] : memref<1024xf32, #tpu.memory_space<vmem>> -> memref<112xf32, #tpu.memory_space<vmem>>
          tpu.enqueue_dma source(%dma_start3A_114 : memref<112xf32, #tpu.memory_space<vmem>>) target(%dma_start3A_112 : memref<112xf32, #tpu.memory_space<hbm>>) target_semaphore(%run_scoped3A : memref<!tpu.dma_semaphore, #tpu.memory_space<semaphore_mem>>)
          %dma_wait3A = arith.constant 0 : i32
          %dma_wait3A_115 = tpu.memref_slice %arg17[%dma_wait3A] : memref<1024xf32, #tpu.memory_space<vmem>> -> memref<112xf32, #tpu.memory_space<vmem>>
          %dma_wait3A_116 = tpu.memref_slice %arg5[%add3A_108] : memref<100000xf32, #tpu.memory_space<hbm>> -> memref<112xf32, #tpu.memory_space<hbm>>
          %dma_wait3A_117 = tpu.memref_slice %arg5[%add3A_108] : memref<100000xf32, #tpu.memory_space<hbm>> -> memref<112xf32, #tpu.memory_space<hbm>>
          %dma_wait3A_118 = arith.constant 0 : i32
          %dma_wait3A_119 = tpu.memref_slice %arg17[%dma_wait3A_118] : memref<1024xf32, #tpu.memory_space<vmem>> -> memref<112xf32, #tpu.memory_space<vmem>>
          tpu.wait_dma2 semaphore(%run_scoped3A : memref<!tpu.dma_semaphore, #tpu.memory_space<semaphore_mem>>) src(%dma_wait3A_119 : memref<112xf32, #tpu.memory_space<vmem>>) dst(%dma_wait3A_117 : memref<112xf32, #tpu.memory_space<hbm>>)
          tpu.yield
        }) : () -> ()
      } else {
      }
      %eq3A_102 = arith.constant 15 : i32
      %eq3A_103 = arith.cmpi eq, %arg1, %eq3A_102 : i32
      %convert_element_type3A_104 = arith.extui %eq3A_103 : i1 to i32
      %cond3A_105 = arith.constant 0 : i32
      %cond3A_106 = arith.cmpi ne, %convert_element_type3A_104, %cond3A_105 : i32
      scf.if %cond3A_106 {
        %add3A_107 = arith.constant 6144 : i32
        %add3A_108 = arith.addi %mul3A_25, %add3A_107 : i32
        "tpu.region"() ({
          %run_scoped3A = tpu.sem_alloc : memref<!tpu.dma_semaphore, #tpu.memory_space<semaphore_mem>>
          %dma_start3A_109 = arith.constant 0 : i32
          %dma_start3A_110 = tpu.memref_slice %arg17[%dma_start3A_109] : memref<1024xf32, #tpu.memory_space<vmem>> -> memref<16xf32, #tpu.memory_space<vmem>>
          %dma_start3A_111 = tpu.memref_slice %arg18[%add3A_108] : memref<100000xf32, #tpu.memory_space<vmem_shared>> -> memref<16xf32, #tpu.memory_space<vmem_shared>>
          %dma_start3A_112 = arith.constant 0 : i32
          %dma_start3A_113 = tpu.memref_slice %arg17[%dma_start3A_112] : memref<1024xf32, #tpu.memory_space<vmem>> -> memref<16xf32, #tpu.memory_space<vmem>>
          %dma_start3A_114 = tpu.memref_slice %arg18[%add3A_108] : memref<100000xf32, #tpu.memory_space<vmem_shared>> -> memref<16xf32, #tpu.memory_space<vmem_shared>>
          tpu.enqueue_dma source(%dma_start3A_114 : memref<16xf32, #tpu.memory_space<vmem_shared>>) target(%dma_start3A_113 : memref<16xf32, #tpu.memory_space<vmem>>) target_semaphore(%run_scoped3A : memref<!tpu.dma_semaphore, #tpu.memory_space<semaphore_mem>>)
          %dma_wait3A = arith.constant 0 : i32
          %dma_wait3A_115 = tpu.memref_slice %arg17[%dma_wait3A] : memref<1024xf32, #tpu.memory_space<vmem>> -> memref<16xf32, #tpu.memory_space<vmem>>
          %dma_wait3A_116 = tpu.memref_slice %arg18[%add3A_108] : memref<100000xf32, #tpu.memory_space<vmem_shared>> -> memref<16xf32, #tpu.memory_space<vmem_shared>>
          %dma_wait3A_117 = arith.constant 0 : i32
          %dma_wait3A_118 = tpu.memref_slice %arg17[%dma_wait3A_117] : memref<1024xf32, #tpu.memory_space<vmem>> -> memref<16xf32, #tpu.memory_space<vmem>>
          %dma_wait3A_119 = tpu.memref_slice %arg18[%add3A_108] : memref<100000xf32, #tpu.memory_space<vmem_shared>> -> memref<16xf32, #tpu.memory_space<vmem_shared>>
          tpu.wait_dma2 semaphore(%run_scoped3A : memref<!tpu.dma_semaphore, #tpu.memory_space<semaphore_mem>>) src(%dma_wait3A_119 : memref<16xf32, #tpu.memory_space<vmem_shared>>) dst(%dma_wait3A_118 : memref<16xf32, #tpu.memory_space<vmem>>)
          tpu.yield
        }) : () -> ()
        "tpu.region"() ({
          %run_scoped3A = tpu.sem_alloc : memref<!tpu.dma_semaphore, #tpu.memory_space<semaphore_mem>>
          %dma_start3A_109 = arith.constant 0 : i32
          %dma_start3A_110 = tpu.memref_slice %arg17[%dma_start3A_109] : memref<1024xf32, #tpu.memory_space<vmem>> -> memref<16xf32, #tpu.memory_space<vmem>>
          %dma_start3A_111 = tpu.memref_slice %arg5[%add3A_108] : memref<100000xf32, #tpu.memory_space<hbm>> -> memref<16xf32, #tpu.memory_space<hbm>>
          %dma_start3A_112 = tpu.memref_slice %arg5[%add3A_108] : memref<100000xf32, #tpu.memory_space<hbm>> -> memref<16xf32, #tpu.memory_space<hbm>>
          %dma_start3A_113 = arith.constant 0 : i32
          %dma_start3A_114 = tpu.memref_slice %arg17[%dma_start3A_113] : memref<1024xf32, #tpu.memory_space<vmem>> -> memref<16xf32, #tpu.memory_space<vmem>>
          tpu.enqueue_dma source(%dma_start3A_114 : memref<16xf32, #tpu.memory_space<vmem>>) target(%dma_start3A_112 : memref<16xf32, #tpu.memory_space<hbm>>) target_semaphore(%run_scoped3A : memref<!tpu.dma_semaphore, #tpu.memory_space<semaphore_mem>>)
          %dma_wait3A = arith.constant 0 : i32
          %dma_wait3A_115 = tpu.memref_slice %arg17[%dma_wait3A] : memref<1024xf32, #tpu.memory_space<vmem>> -> memref<16xf32, #tpu.memory_space<vmem>>
          %dma_wait3A_116 = tpu.memref_slice %arg5[%add3A_108] : memref<100000xf32, #tpu.memory_space<hbm>> -> memref<16xf32, #tpu.memory_space<hbm>>
          %dma_wait3A_117 = tpu.memref_slice %arg5[%add3A_108] : memref<100000xf32, #tpu.memory_space<hbm>> -> memref<16xf32, #tpu.memory_space<hbm>>
          %dma_wait3A_118 = arith.constant 0 : i32
          %dma_wait3A_119 = tpu.memref_slice %arg17[%dma_wait3A_118] : memref<1024xf32, #tpu.memory_space<vmem>> -> memref<16xf32, #tpu.memory_space<vmem>>
          tpu.wait_dma2 semaphore(%run_scoped3A : memref<!tpu.dma_semaphore, #tpu.memory_space<semaphore_mem>>) src(%dma_wait3A_119 : memref<16xf32, #tpu.memory_space<vmem>>) dst(%dma_wait3A_117 : memref<16xf32, #tpu.memory_space<hbm>>)
          tpu.yield
        }) : () -> ()
      } else {
      }
    } else {
    }
    %eq3A_80 = arith.constant 1 : i32
    %eq3A_81 = arith.cmpi eq, %arg0, %eq3A_80 : i32
    %convert_element_type3A_82 = arith.extui %eq3A_81 : i1 to i32
    %cond3A_83 = arith.constant 0 : i32
    %cond3A_84 = arith.cmpi ne, %convert_element_type3A_82, %cond3A_83 : i32
    scf.if %cond3A_84 {
      %while3A_85 = arith.constant 0 : i32
      %while3A_86 = arith.constant 0 : i32
      %while3A_87 = arith.subi %select_n3A_29, %while3A_85 : i32
      %while3A_88 = arith.addi %while3A_85, %while3A_87 : i32
      %while3A_89 = arith.constant 1 : i32
      %while3A_90 = arith.divsi %while3A_87, %while3A_89 : i32
      %while3A_91 = arith.muli %while3A_90, %while3A_89 : i32
      %while3A_92 = arith.addi %while3A_85, %while3A_91 : i32
      %while3A_93 = arith.constant 1 : i32
      %while3A_94 = scf.for %while3A_107 = %while3A_85 to %while3A_92 step %while3A_93 iter_args(%while3A_108 = %while3A_86) -> (i32)  : i32 {
        %mul3A_109 = arith.constant 1024 : i32
        %mul3A_110 = arith.muli %while3A_107, %mul3A_109 : i32
        %add3A_111 = arith.addi %mul3A_25, %mul3A_110 : i32
        "tpu.region"() ({
          %run_scoped3A = tpu.sem_alloc : memref<!tpu.dma_semaphore, #tpu.memory_space<semaphore_mem>>
          %dma_start3A_113 = tpu.memref_slice %arg18[%add3A_111] : memref<100000xf32, #tpu.memory_space<vmem_shared>> -> memref<1024xf32, #tpu.memory_space<vmem_shared>>
          %dma_start3A_114 = tpu.memref_slice %arg18[%add3A_111] : memref<100000xf32, #tpu.memory_space<vmem_shared>> -> memref<1024xf32, #tpu.memory_space<vmem_shared>>
          tpu.enqueue_dma source(%dma_start3A_114 : memref<1024xf32, #tpu.memory_space<vmem_shared>>) target(%arg17 : memref<1024xf32, #tpu.memory_space<vmem>>) target_semaphore(%run_scoped3A : memref<!tpu.dma_semaphore, #tpu.memory_space<semaphore_mem>>)
          %dma_wait3A = tpu.memref_slice %arg18[%add3A_111] : memref<100000xf32, #tpu.memory_space<vmem_shared>> -> memref<1024xf32, #tpu.memory_space<vmem_shared>>
          %dma_wait3A_115 = tpu.memref_slice %arg18[%add3A_111] : memref<100000xf32, #tpu.memory_space<vmem_shared>> -> memref<1024xf32, #tpu.memory_space<vmem_shared>>
          tpu.wait_dma2 semaphore(%run_scoped3A : memref<!tpu.dma_semaphore, #tpu.memory_space<semaphore_mem>>) src(%dma_wait3A_115 : memref<1024xf32, #tpu.memory_space<vmem_shared>>) dst(%arg17 : memref<1024xf32, #tpu.memory_space<vmem>>)
          tpu.yield
        }) : () -> ()
        "tpu.region"() ({
          %run_scoped3A = tpu.sem_alloc : memref<!tpu.dma_semaphore, #tpu.memory_space<semaphore_mem>>
          %dma_start3A_113 = tpu.memref_slice %arg6[%add3A_111] : memref<100000xf32, #tpu.memory_space<hbm>> -> memref<1024xf32, #tpu.memory_space<hbm>>
          %dma_start3A_114 = tpu.memref_slice %arg6[%add3A_111] : memref<100000xf32, #tpu.memory_space<hbm>> -> memref<1024xf32, #tpu.memory_space<hbm>>
          tpu.enqueue_dma source(%arg17 : memref<1024xf32, #tpu.memory_space<vmem>>) target(%dma_start3A_114 : memref<1024xf32, #tpu.memory_space<hbm>>) target_semaphore(%run_scoped3A : memref<!tpu.dma_semaphore, #tpu.memory_space<semaphore_mem>>)
          %dma_wait3A = tpu.memref_slice %arg6[%add3A_111] : memref<100000xf32, #tpu.memory_space<hbm>> -> memref<1024xf32, #tpu.memory_space<hbm>>
          %dma_wait3A_115 = tpu.memref_slice %arg6[%add3A_111] : memref<100000xf32, #tpu.memory_space<hbm>> -> memref<1024xf32, #tpu.memory_space<hbm>>
          tpu.wait_dma2 semaphore(%run_scoped3A : memref<!tpu.dma_semaphore, #tpu.memory_space<semaphore_mem>>) src(%arg17 : memref<1024xf32, #tpu.memory_space<vmem>>) dst(%dma_wait3A_115 : memref<1024xf32, #tpu.memory_space<hbm>>)
          tpu.yield
        }) : () -> ()
        %while3A_112 = arith.constant 0 : i32
        scf.yield %while3A_112 : i32
      }
      %while3A_95 = arith.constant 1 : i32
      %while3A_96 = scf.for %while3A_107 = %while3A_92 to %while3A_88 step %while3A_95 iter_args(%while3A_108 = %while3A_94) -> (i32)  : i32 {
        %mul3A_109 = arith.constant 1024 : i32
        %mul3A_110 = arith.muli %while3A_107, %mul3A_109 : i32
        %add3A_111 = arith.addi %mul3A_25, %mul3A_110 : i32
        "tpu.region"() ({
          %run_scoped3A = tpu.sem_alloc : memref<!tpu.dma_semaphore, #tpu.memory_space<semaphore_mem>>
          %dma_start3A_113 = tpu.memref_slice %arg18[%add3A_111] : memref<100000xf32, #tpu.memory_space<vmem_shared>> -> memref<1024xf32, #tpu.memory_space<vmem_shared>>
          %dma_start3A_114 = tpu.memref_slice %arg18[%add3A_111] : memref<100000xf32, #tpu.memory_space<vmem_shared>> -> memref<1024xf32, #tpu.memory_space<vmem_shared>>
          tpu.enqueue_dma source(%dma_start3A_114 : memref<1024xf32, #tpu.memory_space<vmem_shared>>) target(%arg17 : memref<1024xf32, #tpu.memory_space<vmem>>) target_semaphore(%run_scoped3A : memref<!tpu.dma_semaphore, #tpu.memory_space<semaphore_mem>>)
          %dma_wait3A = tpu.memref_slice %arg18[%add3A_111] : memref<100000xf32, #tpu.memory_space<vmem_shared>> -> memref<1024xf32, #tpu.memory_space<vmem_shared>>
          %dma_wait3A_115 = tpu.memref_slice %arg18[%add3A_111] : memref<100000xf32, #tpu.memory_space<vmem_shared>> -> memref<1024xf32, #tpu.memory_space<vmem_shared>>
          tpu.wait_dma2 semaphore(%run_scoped3A : memref<!tpu.dma_semaphore, #tpu.memory_space<semaphore_mem>>) src(%dma_wait3A_115 : memref<1024xf32, #tpu.memory_space<vmem_shared>>) dst(%arg17 : memref<1024xf32, #tpu.memory_space<vmem>>)
          tpu.yield
        }) : () -> ()
        "tpu.region"() ({
          %run_scoped3A = tpu.sem_alloc : memref<!tpu.dma_semaphore, #tpu.memory_space<semaphore_mem>>
          %dma_start3A_113 = tpu.memref_slice %arg6[%add3A_111] : memref<100000xf32, #tpu.memory_space<hbm>> -> memref<1024xf32, #tpu.memory_space<hbm>>
          %dma_start3A_114 = tpu.memref_slice %arg6[%add3A_111] : memref<100000xf32, #tpu.memory_space<hbm>> -> memref<1024xf32, #tpu.memory_space<hbm>>
          tpu.enqueue_dma source(%arg17 : memref<1024xf32, #tpu.memory_space<vmem>>) target(%dma_start3A_114 : memref<1024xf32, #tpu.memory_space<hbm>>) target_semaphore(%run_scoped3A : memref<!tpu.dma_semaphore, #tpu.memory_space<semaphore_mem>>)
          %dma_wait3A = tpu.memref_slice %arg6[%add3A_111] : memref<100000xf32, #tpu.memory_space<hbm>> -> memref<1024xf32, #tpu.memory_space<hbm>>
          %dma_wait3A_115 = tpu.memref_slice %arg6[%add3A_111] : memref<100000xf32, #tpu.memory_space<hbm>> -> memref<1024xf32, #tpu.memory_space<hbm>>
          tpu.wait_dma2 semaphore(%run_scoped3A : memref<!tpu.dma_semaphore, #tpu.memory_space<semaphore_mem>>) src(%arg17 : memref<1024xf32, #tpu.memory_space<vmem>>) dst(%dma_wait3A_115 : memref<1024xf32, #tpu.memory_space<hbm>>)
          tpu.yield
        }) : () -> ()
        %while3A_112 = arith.constant 0 : i32
        scf.yield %while3A_112 : i32
      }
      %ne3A_97 = arith.constant 15 : i32
      %ne3A_98 = arith.cmpi ne, %arg1, %ne3A_97 : i32
      %convert_element_type3A_99 = arith.extui %ne3A_98 : i1 to i32
      %cond3A_100 = arith.constant 0 : i32
      %cond3A_101 = arith.cmpi ne, %convert_element_type3A_99, %cond3A_100 : i32
      scf.if %cond3A_101 {
        %add3A_107 = arith.constant 6144 : i32
        %add3A_108 = arith.addi %mul3A_25, %add3A_107 : i32
        "tpu.region"() ({
          %run_scoped3A = tpu.sem_alloc : memref<!tpu.dma_semaphore, #tpu.memory_space<semaphore_mem>>
          %dma_start3A_109 = arith.constant 0 : i32
          %dma_start3A_110 = tpu.memref_slice %arg17[%dma_start3A_109] : memref<1024xf32, #tpu.memory_space<vmem>> -> memref<112xf32, #tpu.memory_space<vmem>>
          %dma_start3A_111 = tpu.memref_slice %arg18[%add3A_108] : memref<100000xf32, #tpu.memory_space<vmem_shared>> -> memref<112xf32, #tpu.memory_space<vmem_shared>>
          %dma_start3A_112 = arith.constant 0 : i32
          %dma_start3A_113 = tpu.memref_slice %arg17[%dma_start3A_112] : memref<1024xf32, #tpu.memory_space<vmem>> -> memref<112xf32, #tpu.memory_space<vmem>>
          %dma_start3A_114 = tpu.memref_slice %arg18[%add3A_108] : memref<100000xf32, #tpu.memory_space<vmem_shared>> -> memref<112xf32, #tpu.memory_space<vmem_shared>>
          tpu.enqueue_dma source(%dma_start3A_114 : memref<112xf32, #tpu.memory_space<vmem_shared>>) target(%dma_start3A_113 : memref<112xf32, #tpu.memory_space<vmem>>) target_semaphore(%run_scoped3A : memref<!tpu.dma_semaphore, #tpu.memory_space<semaphore_mem>>)
          %dma_wait3A = arith.constant 0 : i32
          %dma_wait3A_115 = tpu.memref_slice %arg17[%dma_wait3A] : memref<1024xf32, #tpu.memory_space<vmem>> -> memref<112xf32, #tpu.memory_space<vmem>>
          %dma_wait3A_116 = tpu.memref_slice %arg18[%add3A_108] : memref<100000xf32, #tpu.memory_space<vmem_shared>> -> memref<112xf32, #tpu.memory_space<vmem_shared>>
          %dma_wait3A_117 = arith.constant 0 : i32
          %dma_wait3A_118 = tpu.memref_slice %arg17[%dma_wait3A_117] : memref<1024xf32, #tpu.memory_space<vmem>> -> memref<112xf32, #tpu.memory_space<vmem>>
          %dma_wait3A_119 = tpu.memref_slice %arg18[%add3A_108] : memref<100000xf32, #tpu.memory_space<vmem_shared>> -> memref<112xf32, #tpu.memory_space<vmem_shared>>
          tpu.wait_dma2 semaphore(%run_scoped3A : memref<!tpu.dma_semaphore, #tpu.memory_space<semaphore_mem>>) src(%dma_wait3A_119 : memref<112xf32, #tpu.memory_space<vmem_shared>>) dst(%dma_wait3A_118 : memref<112xf32, #tpu.memory_space<vmem>>)
          tpu.yield
        }) : () -> ()
        "tpu.region"() ({
          %run_scoped3A = tpu.sem_alloc : memref<!tpu.dma_semaphore, #tpu.memory_space<semaphore_mem>>
          %dma_start3A_109 = arith.constant 0 : i32
          %dma_start3A_110 = tpu.memref_slice %arg17[%dma_start3A_109] : memref<1024xf32, #tpu.memory_space<vmem>> -> memref<112xf32, #tpu.memory_space<vmem>>
          %dma_start3A_111 = tpu.memref_slice %arg6[%add3A_108] : memref<100000xf32, #tpu.memory_space<hbm>> -> memref<112xf32, #tpu.memory_space<hbm>>
          %dma_start3A_112 = tpu.memref_slice %arg6[%add3A_108] : memref<100000xf32, #tpu.memory_space<hbm>> -> memref<112xf32, #tpu.memory_space<hbm>>
          %dma_start3A_113 = arith.constant 0 : i32
          %dma_start3A_114 = tpu.memref_slice %arg17[%dma_start3A_113] : memref<1024xf32, #tpu.memory_space<vmem>> -> memref<112xf32, #tpu.memory_space<vmem>>
          tpu.enqueue_dma source(%dma_start3A_114 : memref<112xf32, #tpu.memory_space<vmem>>) target(%dma_start3A_112 : memref<112xf32, #tpu.memory_space<hbm>>) target_semaphore(%run_scoped3A : memref<!tpu.dma_semaphore, #tpu.memory_space<semaphore_mem>>)
          %dma_wait3A = arith.constant 0 : i32
          %dma_wait3A_115 = tpu.memref_slice %arg17[%dma_wait3A] : memref<1024xf32, #tpu.memory_space<vmem>> -> memref<112xf32, #tpu.memory_space<vmem>>
          %dma_wait3A_116 = tpu.memref_slice %arg6[%add3A_108] : memref<100000xf32, #tpu.memory_space<hbm>> -> memref<112xf32, #tpu.memory_space<hbm>>
          %dma_wait3A_117 = tpu.memref_slice %arg6[%add3A_108] : memref<100000xf32, #tpu.memory_space<hbm>> -> memref<112xf32, #tpu.memory_space<hbm>>
          %dma_wait3A_118 = arith.constant 0 : i32
          %dma_wait3A_119 = tpu.memref_slice %arg17[%dma_wait3A_118] : memref<1024xf32, #tpu.memory_space<vmem>> -> memref<112xf32, #tpu.memory_space<vmem>>
          tpu.wait_dma2 semaphore(%run_scoped3A : memref<!tpu.dma_semaphore, #tpu.memory_space<semaphore_mem>>) src(%dma_wait3A_119 : memref<112xf32, #tpu.memory_space<vmem>>) dst(%dma_wait3A_117 : memref<112xf32, #tpu.memory_space<hbm>>)
          tpu.yield
        }) : () -> ()
      } else {
      }
      %eq3A_102 = arith.constant 15 : i32
      %eq3A_103 = arith.cmpi eq, %arg1, %eq3A_102 : i32
      %convert_element_type3A_104 = arith.extui %eq3A_103 : i1 to i32
      %cond3A_105 = arith.constant 0 : i32
      %cond3A_106 = arith.cmpi ne, %convert_element_type3A_104, %cond3A_105 : i32
      scf.if %cond3A_106 {
        %add3A_107 = arith.constant 6144 : i32
        %add3A_108 = arith.addi %mul3A_25, %add3A_107 : i32
        "tpu.region"() ({
          %run_scoped3A = tpu.sem_alloc : memref<!tpu.dma_semaphore, #tpu.memory_space<semaphore_mem>>
          %dma_start3A_109 = arith.constant 0 : i32
          %dma_start3A_110 = tpu.memref_slice %arg17[%dma_start3A_109] : memref<1024xf32, #tpu.memory_space<vmem>> -> memref<16xf32, #tpu.memory_space<vmem>>
          %dma_start3A_111 = tpu.memref_slice %arg18[%add3A_108] : memref<100000xf32, #tpu.memory_space<vmem_shared>> -> memref<16xf32, #tpu.memory_space<vmem_shared>>
          %dma_start3A_112 = arith.constant 0 : i32
          %dma_start3A_113 = tpu.memref_slice %arg17[%dma_start3A_112] : memref<1024xf32, #tpu.memory_space<vmem>> -> memref<16xf32, #tpu.memory_space<vmem>>
          %dma_start3A_114 = tpu.memref_slice %arg18[%add3A_108] : memref<100000xf32, #tpu.memory_space<vmem_shared>> -> memref<16xf32, #tpu.memory_space<vmem_shared>>
          tpu.enqueue_dma source(%dma_start3A_114 : memref<16xf32, #tpu.memory_space<vmem_shared>>) target(%dma_start3A_113 : memref<16xf32, #tpu.memory_space<vmem>>) target_semaphore(%run_scoped3A : memref<!tpu.dma_semaphore, #tpu.memory_space<semaphore_mem>>)
          %dma_wait3A = arith.constant 0 : i32
          %dma_wait3A_115 = tpu.memref_slice %arg17[%dma_wait3A] : memref<1024xf32, #tpu.memory_space<vmem>> -> memref<16xf32, #tpu.memory_space<vmem>>
          %dma_wait3A_116 = tpu.memref_slice %arg18[%add3A_108] : memref<100000xf32, #tpu.memory_space<vmem_shared>> -> memref<16xf32, #tpu.memory_space<vmem_shared>>
          %dma_wait3A_117 = arith.constant 0 : i32
          %dma_wait3A_118 = tpu.memref_slice %arg17[%dma_wait3A_117] : memref<1024xf32, #tpu.memory_space<vmem>> -> memref<16xf32, #tpu.memory_space<vmem>>
          %dma_wait3A_119 = tpu.memref_slice %arg18[%add3A_108] : memref<100000xf32, #tpu.memory_space<vmem_shared>> -> memref<16xf32, #tpu.memory_space<vmem_shared>>
          tpu.wait_dma2 semaphore(%run_scoped3A : memref<!tpu.dma_semaphore, #tpu.memory_space<semaphore_mem>>) src(%dma_wait3A_119 : memref<16xf32, #tpu.memory_space<vmem_shared>>) dst(%dma_wait3A_118 : memref<16xf32, #tpu.memory_space<vmem>>)
          tpu.yield
        }) : () -> ()
        "tpu.region"() ({
          %run_scoped3A = tpu.sem_alloc : memref<!tpu.dma_semaphore, #tpu.memory_space<semaphore_mem>>
          %dma_start3A_109 = arith.constant 0 : i32
          %dma_start3A_110 = tpu.memref_slice %arg17[%dma_start3A_109] : memref<1024xf32, #tpu.memory_space<vmem>> -> memref<16xf32, #tpu.memory_space<vmem>>
          %dma_start3A_111 = tpu.memref_slice %arg6[%add3A_108] : memref<100000xf32, #tpu.memory_space<hbm>> -> memref<16xf32, #tpu.memory_space<hbm>>
          %dma_start3A_112 = tpu.memref_slice %arg6[%add3A_108] : memref<100000xf32, #tpu.memory_space<hbm>> -> memref<16xf32, #tpu.memory_space<hbm>>
          %dma_start3A_113 = arith.constant 0 : i32
          %dma_start3A_114 = tpu.memref_slice %arg17[%dma_start3A_113] : memref<1024xf32, #tpu.memory_space<vmem>> -> memref<16xf32, #tpu.memory_space<vmem>>
          tpu.enqueue_dma source(%dma_start3A_114 : memref<16xf32, #tpu.memory_space<vmem>>) target(%dma_start3A_112 : memref<16xf32, #tpu.memory_space<hbm>>) target_semaphore(%run_scoped3A : memref<!tpu.dma_semaphore, #tpu.memory_space<semaphore_mem>>)
          %dma_wait3A = arith.constant 0 : i32
          %dma_wait3A_115 = tpu.memref_slice %arg17[%dma_wait3A] : memref<1024xf32, #tpu.memory_space<vmem>> -> memref<16xf32, #tpu.memory_space<vmem>>
          %dma_wait3A_116 = tpu.memref_slice %arg6[%add3A_108] : memref<100000xf32, #tpu.memory_space<hbm>> -> memref<16xf32, #tpu.memory_space<hbm>>
          %dma_wait3A_117 = tpu.memref_slice %arg6[%add3A_108] : memref<100000xf32, #tpu.memory_space<hbm>> -> memref<16xf32, #tpu.memory_space<hbm>>
          %dma_wait3A_118 = arith.constant 0 : i32
          %dma_wait3A_119 = tpu.memref_slice %arg17[%dma_wait3A_118] : memref<1024xf32, #tpu.memory_space<vmem>> -> memref<16xf32, #tpu.memory_space<vmem>>
          tpu.wait_dma2 semaphore(%run_scoped3A : memref<!tpu.dma_semaphore, #tpu.memory_space<semaphore_mem>>) src(%dma_wait3A_119 : memref<16xf32, #tpu.memory_space<vmem>>) dst(%dma_wait3A_117 : memref<16xf32, #tpu.memory_space<hbm>>)
          tpu.yield
        }) : () -> ()
      } else {
      }
    } else {
    }
    return
  }
}

#map = affine_map<(d0, d1) -> (0)>
module attributes {stable_mosaic.version = 14 : i64} {
  func.func @k(%arg0: i32, %arg1: i32, %arg2: memref<100000xf32, #tpu.memory_space<hbm>>, %arg3: memref<100000xf32, #tpu.memory_space<hbm>>, %arg4: memref<100000xi32, #tpu.memory_space<hbm>>, %arg5: memref<100000xi32, #tpu.memory_space<hbm>>, %arg6: memref<100000xf32, #tpu.memory_space<hbm>>, %arg7: memref<16xf32, #tpu.memory_space<hbm>>, %arg8: memref<16xf32, #tpu.memory_space<hbm>>, %arg9: memref<6256xf32, #tpu.memory_space<vmem>>, %arg10: memref<6256xf32, #tpu.memory_space<vmem>>, %arg11: memref<6256xi32, #tpu.memory_space<vmem>>, %arg12: memref<6256xf32, #tpu.memory_space<vmem>>, %arg13: memref<2x16x16xf32, #tpu.memory_space<vmem>>, %arg14: memref<32xf32, #tpu.memory_space<vmem>>, %arg15: memref<512xf32, #tpu.memory_space<vmem>>, %arg16: memref<16xi32, #tpu.memory_space<vmem>>, %arg17: memref<512xf32, #tpu.memory_space<vmem_shared>>) attributes {dimension_semantics = [#tpu.dimension_semantics<core_parallel>, #tpu.dimension_semantics<subcore_parallel>], iteration_bounds = array<i64: 1, 16>, scalar_prefetch = 0 : i64, scratch_operands = 9 : i64, tpu.core_type = #tpu.core_type<sc_vector_subcore>, window_params = [{transform_indices = #map}, {transform_indices = #map}, {transform_indices = #map}, {transform_indices = #map}, {transform_indices = #map}, {transform_indices = #map}, {transform_indices = #map}]} {
    %mul3A = arith.constant 6256 : i32
    %mul3A_0 = arith.muli %arg1, %mul3A : i32
    %ne3A = arith.constant 15 : i32
    %ne3A_1 = arith.cmpi ne, %arg1, %ne3A : i32
    %convert_element_type3A = arith.extui %ne3A_1 : i1 to i32
    %cond3A = arith.constant 0 : i32
    %cond3A_2 = arith.cmpi ne, %convert_element_type3A, %cond3A : i32
    scf.if %cond3A_2 {
      "tpu.region"() ({
        %run_scoped3A = tpu.sem_alloc : memref<!tpu.dma_semaphore, #tpu.memory_space<semaphore_mem>>
        %dma_start3A = tpu.memref_slice %arg2[%mul3A_0] : memref<100000xf32, #tpu.memory_space<hbm>> -> memref<6256xf32, #tpu.memory_space<hbm>>
        %dma_start3A_780 = tpu.memref_slice %arg2[%mul3A_0] : memref<100000xf32, #tpu.memory_space<hbm>> -> memref<6256xf32, #tpu.memory_space<hbm>>
        tpu.enqueue_dma source(%dma_start3A_780 : memref<6256xf32, #tpu.memory_space<hbm>>) target(%arg9 : memref<6256xf32, #tpu.memory_space<vmem>>) target_semaphore(%run_scoped3A : memref<!tpu.dma_semaphore, #tpu.memory_space<semaphore_mem>>)
        %dma_wait3A = tpu.memref_slice %arg2[%mul3A_0] : memref<100000xf32, #tpu.memory_space<hbm>> -> memref<6256xf32, #tpu.memory_space<hbm>>
        %dma_wait3A_781 = tpu.memref_slice %arg2[%mul3A_0] : memref<100000xf32, #tpu.memory_space<hbm>> -> memref<6256xf32, #tpu.memory_space<hbm>>
        tpu.wait_dma2 semaphore(%run_scoped3A : memref<!tpu.dma_semaphore, #tpu.memory_space<semaphore_mem>>) src(%dma_wait3A_781 : memref<6256xf32, #tpu.memory_space<hbm>>) dst(%arg9 : memref<6256xf32, #tpu.memory_space<vmem>>)
        tpu.yield
      }) : () -> ()
      "tpu.region"() ({
        %run_scoped3A = tpu.sem_alloc : memref<!tpu.dma_semaphore, #tpu.memory_space<semaphore_mem>>
        %dma_start3A = tpu.memref_slice %arg3[%mul3A_0] : memref<100000xf32, #tpu.memory_space<hbm>> -> memref<6256xf32, #tpu.memory_space<hbm>>
        %dma_start3A_780 = tpu.memref_slice %arg3[%mul3A_0] : memref<100000xf32, #tpu.memory_space<hbm>> -> memref<6256xf32, #tpu.memory_space<hbm>>
        tpu.enqueue_dma source(%dma_start3A_780 : memref<6256xf32, #tpu.memory_space<hbm>>) target(%arg10 : memref<6256xf32, #tpu.memory_space<vmem>>) target_semaphore(%run_scoped3A : memref<!tpu.dma_semaphore, #tpu.memory_space<semaphore_mem>>)
        %dma_wait3A = tpu.memref_slice %arg3[%mul3A_0] : memref<100000xf32, #tpu.memory_space<hbm>> -> memref<6256xf32, #tpu.memory_space<hbm>>
        %dma_wait3A_781 = tpu.memref_slice %arg3[%mul3A_0] : memref<100000xf32, #tpu.memory_space<hbm>> -> memref<6256xf32, #tpu.memory_space<hbm>>
        tpu.wait_dma2 semaphore(%run_scoped3A : memref<!tpu.dma_semaphore, #tpu.memory_space<semaphore_mem>>) src(%dma_wait3A_781 : memref<6256xf32, #tpu.memory_space<hbm>>) dst(%arg10 : memref<6256xf32, #tpu.memory_space<vmem>>)
        tpu.yield
      }) : () -> ()
      "tpu.region"() ({
        %run_scoped3A = tpu.sem_alloc : memref<!tpu.dma_semaphore, #tpu.memory_space<semaphore_mem>>
        %dma_start3A = tpu.memref_slice %arg4[%mul3A_0] : memref<100000xi32, #tpu.memory_space<hbm>> -> memref<6256xi32, #tpu.memory_space<hbm>>
        %dma_start3A_780 = tpu.memref_slice %arg4[%mul3A_0] : memref<100000xi32, #tpu.memory_space<hbm>> -> memref<6256xi32, #tpu.memory_space<hbm>>
        tpu.enqueue_dma source(%dma_start3A_780 : memref<6256xi32, #tpu.memory_space<hbm>>) target(%arg11 : memref<6256xi32, #tpu.memory_space<vmem>>) target_semaphore(%run_scoped3A : memref<!tpu.dma_semaphore, #tpu.memory_space<semaphore_mem>>)
        %dma_wait3A = tpu.memref_slice %arg4[%mul3A_0] : memref<100000xi32, #tpu.memory_space<hbm>> -> memref<6256xi32, #tpu.memory_space<hbm>>
        %dma_wait3A_781 = tpu.memref_slice %arg4[%mul3A_0] : memref<100000xi32, #tpu.memory_space<hbm>> -> memref<6256xi32, #tpu.memory_space<hbm>>
        tpu.wait_dma2 semaphore(%run_scoped3A : memref<!tpu.dma_semaphore, #tpu.memory_space<semaphore_mem>>) src(%dma_wait3A_781 : memref<6256xi32, #tpu.memory_space<hbm>>) dst(%arg11 : memref<6256xi32, #tpu.memory_space<vmem>>)
        tpu.yield
      }) : () -> ()
    } else {
    }
    %eq3A = arith.constant 15 : i32
    %eq3A_3 = arith.cmpi eq, %arg1, %eq3A : i32
    %convert_element_type3A_4 = arith.extui %eq3A_3 : i1 to i32
    %cond3A_5 = arith.constant 0 : i32
    %cond3A_6 = arith.cmpi ne, %convert_element_type3A_4, %cond3A_5 : i32
    scf.if %cond3A_6 {
      "tpu.region"() ({
        %run_scoped3A = tpu.sem_alloc : memref<!tpu.dma_semaphore, #tpu.memory_space<semaphore_mem>>
        %dma_start3A = arith.constant 0 : i32
        %dma_start3A_780 = tpu.memref_slice %arg9[%dma_start3A] : memref<6256xf32, #tpu.memory_space<vmem>> -> memref<6160xf32, #tpu.memory_space<vmem>>
        %dma_start3A_781 = tpu.memref_slice %arg2[%mul3A_0] : memref<100000xf32, #tpu.memory_space<hbm>> -> memref<6160xf32, #tpu.memory_space<hbm>>
        %dma_start3A_782 = arith.constant 0 : i32
        %dma_start3A_783 = tpu.memref_slice %arg9[%dma_start3A_782] : memref<6256xf32, #tpu.memory_space<vmem>> -> memref<6160xf32, #tpu.memory_space<vmem>>
        %dma_start3A_784 = tpu.memref_slice %arg2[%mul3A_0] : memref<100000xf32, #tpu.memory_space<hbm>> -> memref<6160xf32, #tpu.memory_space<hbm>>
        tpu.enqueue_dma source(%dma_start3A_784 : memref<6160xf32, #tpu.memory_space<hbm>>) target(%dma_start3A_783 : memref<6160xf32, #tpu.memory_space<vmem>>) target_semaphore(%run_scoped3A : memref<!tpu.dma_semaphore, #tpu.memory_space<semaphore_mem>>)
        %dma_wait3A = arith.constant 0 : i32
        %dma_wait3A_785 = tpu.memref_slice %arg9[%dma_wait3A] : memref<6256xf32, #tpu.memory_space<vmem>> -> memref<6160xf32, #tpu.memory_space<vmem>>
        %dma_wait3A_786 = tpu.memref_slice %arg2[%mul3A_0] : memref<100000xf32, #tpu.memory_space<hbm>> -> memref<6160xf32, #tpu.memory_space<hbm>>
        %dma_wait3A_787 = arith.constant 0 : i32
        %dma_wait3A_788 = tpu.memref_slice %arg9[%dma_wait3A_787] : memref<6256xf32, #tpu.memory_space<vmem>> -> memref<6160xf32, #tpu.memory_space<vmem>>
        %dma_wait3A_789 = tpu.memref_slice %arg2[%mul3A_0] : memref<100000xf32, #tpu.memory_space<hbm>> -> memref<6160xf32, #tpu.memory_space<hbm>>
        tpu.wait_dma2 semaphore(%run_scoped3A : memref<!tpu.dma_semaphore, #tpu.memory_space<semaphore_mem>>) src(%dma_wait3A_789 : memref<6160xf32, #tpu.memory_space<hbm>>) dst(%dma_wait3A_788 : memref<6160xf32, #tpu.memory_space<vmem>>)
        tpu.yield
      }) : () -> ()
      "tpu.region"() ({
        %run_scoped3A = tpu.sem_alloc : memref<!tpu.dma_semaphore, #tpu.memory_space<semaphore_mem>>
        %dma_start3A = arith.constant 0 : i32
        %dma_start3A_780 = tpu.memref_slice %arg10[%dma_start3A] : memref<6256xf32, #tpu.memory_space<vmem>> -> memref<6160xf32, #tpu.memory_space<vmem>>
        %dma_start3A_781 = tpu.memref_slice %arg3[%mul3A_0] : memref<100000xf32, #tpu.memory_space<hbm>> -> memref<6160xf32, #tpu.memory_space<hbm>>
        %dma_start3A_782 = arith.constant 0 : i32
        %dma_start3A_783 = tpu.memref_slice %arg10[%dma_start3A_782] : memref<6256xf32, #tpu.memory_space<vmem>> -> memref<6160xf32, #tpu.memory_space<vmem>>
        %dma_start3A_784 = tpu.memref_slice %arg3[%mul3A_0] : memref<100000xf32, #tpu.memory_space<hbm>> -> memref<6160xf32, #tpu.memory_space<hbm>>
        tpu.enqueue_dma source(%dma_start3A_784 : memref<6160xf32, #tpu.memory_space<hbm>>) target(%dma_start3A_783 : memref<6160xf32, #tpu.memory_space<vmem>>) target_semaphore(%run_scoped3A : memref<!tpu.dma_semaphore, #tpu.memory_space<semaphore_mem>>)
        %dma_wait3A = arith.constant 0 : i32
        %dma_wait3A_785 = tpu.memref_slice %arg10[%dma_wait3A] : memref<6256xf32, #tpu.memory_space<vmem>> -> memref<6160xf32, #tpu.memory_space<vmem>>
        %dma_wait3A_786 = tpu.memref_slice %arg3[%mul3A_0] : memref<100000xf32, #tpu.memory_space<hbm>> -> memref<6160xf32, #tpu.memory_space<hbm>>
        %dma_wait3A_787 = arith.constant 0 : i32
        %dma_wait3A_788 = tpu.memref_slice %arg10[%dma_wait3A_787] : memref<6256xf32, #tpu.memory_space<vmem>> -> memref<6160xf32, #tpu.memory_space<vmem>>
        %dma_wait3A_789 = tpu.memref_slice %arg3[%mul3A_0] : memref<100000xf32, #tpu.memory_space<hbm>> -> memref<6160xf32, #tpu.memory_space<hbm>>
        tpu.wait_dma2 semaphore(%run_scoped3A : memref<!tpu.dma_semaphore, #tpu.memory_space<semaphore_mem>>) src(%dma_wait3A_789 : memref<6160xf32, #tpu.memory_space<hbm>>) dst(%dma_wait3A_788 : memref<6160xf32, #tpu.memory_space<vmem>>)
        tpu.yield
      }) : () -> ()
      "tpu.region"() ({
        %run_scoped3A = tpu.sem_alloc : memref<!tpu.dma_semaphore, #tpu.memory_space<semaphore_mem>>
        %dma_start3A = arith.constant 0 : i32
        %dma_start3A_780 = tpu.memref_slice %arg11[%dma_start3A] : memref<6256xi32, #tpu.memory_space<vmem>> -> memref<6160xi32, #tpu.memory_space<vmem>>
        %dma_start3A_781 = tpu.memref_slice %arg4[%mul3A_0] : memref<100000xi32, #tpu.memory_space<hbm>> -> memref<6160xi32, #tpu.memory_space<hbm>>
        %dma_start3A_782 = arith.constant 0 : i32
        %dma_start3A_783 = tpu.memref_slice %arg11[%dma_start3A_782] : memref<6256xi32, #tpu.memory_space<vmem>> -> memref<6160xi32, #tpu.memory_space<vmem>>
        %dma_start3A_784 = tpu.memref_slice %arg4[%mul3A_0] : memref<100000xi32, #tpu.memory_space<hbm>> -> memref<6160xi32, #tpu.memory_space<hbm>>
        tpu.enqueue_dma source(%dma_start3A_784 : memref<6160xi32, #tpu.memory_space<hbm>>) target(%dma_start3A_783 : memref<6160xi32, #tpu.memory_space<vmem>>) target_semaphore(%run_scoped3A : memref<!tpu.dma_semaphore, #tpu.memory_space<semaphore_mem>>)
        %dma_wait3A = arith.constant 0 : i32
        %dma_wait3A_785 = tpu.memref_slice %arg11[%dma_wait3A] : memref<6256xi32, #tpu.memory_space<vmem>> -> memref<6160xi32, #tpu.memory_space<vmem>>
        %dma_wait3A_786 = tpu.memref_slice %arg4[%mul3A_0] : memref<100000xi32, #tpu.memory_space<hbm>> -> memref<6160xi32, #tpu.memory_space<hbm>>
        %dma_wait3A_787 = arith.constant 0 : i32
        %dma_wait3A_788 = tpu.memref_slice %arg11[%dma_wait3A_787] : memref<6256xi32, #tpu.memory_space<vmem>> -> memref<6160xi32, #tpu.memory_space<vmem>>
        %dma_wait3A_789 = tpu.memref_slice %arg4[%mul3A_0] : memref<100000xi32, #tpu.memory_space<hbm>> -> memref<6160xi32, #tpu.memory_space<hbm>>
        tpu.wait_dma2 semaphore(%run_scoped3A : memref<!tpu.dma_semaphore, #tpu.memory_space<semaphore_mem>>) src(%dma_wait3A_789 : memref<6160xi32, #tpu.memory_space<hbm>>) dst(%dma_wait3A_788 : memref<6160xi32, #tpu.memory_space<vmem>>)
        tpu.yield
      }) : () -> ()
    } else {
    }
    %broadcast_in_dim3A = arith.constant 0.000000e+00 : f32
    %broadcast_in_dim3A_7 = vector.broadcast %broadcast_in_dim3A : f32 to vector<16xf32>
    %swap3A = arith.constant 0 : i32
    %swap3A_8 = arith.constant 0 : i32
    %swap3A_9 = arith.index_cast %swap3A : i32 to index
    %swap3A_10 = arith.index_cast %swap3A_8 : i32 to index
    %swap3A_11 = arith.constant 0 : index
    %swap3A_12 = tpu.vector_load %arg13[%swap3A_9, %swap3A_10, %swap3A_11] {strides = array<i32>} : memref<2x16x16xf32, #tpu.memory_space<vmem>>, vector<16xf32>,
    tpu.vector_store %arg13[%swap3A_9, %swap3A_10, %swap3A_11], %broadcast_in_dim3A_7 {strides = array<i32>} : memref<2x16x16xf32, #tpu.memory_space<vmem>>, vector<16xf32>,
    %broadcast_in_dim3A_13 = arith.constant 0.000000e+00 : f32
    %broadcast_in_dim3A_14 = vector.broadcast %broadcast_in_dim3A_13 : f32 to vector<16xf32>
    %swap3A_15 = arith.constant 0 : i32
    %swap3A_16 = arith.constant 1 : i32
    %swap3A_17 = arith.index_cast %swap3A_15 : i32 to index
    %swap3A_18 = arith.index_cast %swap3A_16 : i32 to index
    %swap3A_19 = arith.constant 0 : index
    %swap3A_20 = tpu.vector_load %arg13[%swap3A_17, %swap3A_18, %swap3A_19] {strides = array<i32>} : memref<2x16x16xf32, #tpu.memory_space<vmem>>, vector<16xf32>,
    tpu.vector_store %arg13[%swap3A_17, %swap3A_18, %swap3A_19], %broadcast_in_dim3A_14 {strides = array<i32>} : memref<2x16x16xf32, #tpu.memory_space<vmem>>, vector<16xf32>,
    %broadcast_in_dim3A_21 = arith.constant 0.000000e+00 : f32
    %broadcast_in_dim3A_22 = vector.broadcast %broadcast_in_dim3A_21 : f32 to vector<16xf32>
    %swap3A_23 = arith.constant 0 : i32
    %swap3A_24 = arith.constant 2 : i32
    %swap3A_25 = arith.index_cast %swap3A_23 : i32 to index
    %swap3A_26 = arith.index_cast %swap3A_24 : i32 to index
    %swap3A_27 = arith.constant 0 : index
    %swap3A_28 = tpu.vector_load %arg13[%swap3A_25, %swap3A_26, %swap3A_27] {strides = array<i32>} : memref<2x16x16xf32, #tpu.memory_space<vmem>>, vector<16xf32>,
    tpu.vector_store %arg13[%swap3A_25, %swap3A_26, %swap3A_27], %broadcast_in_dim3A_22 {strides = array<i32>} : memref<2x16x16xf32, #tpu.memory_space<vmem>>, vector<16xf32>,
    %broadcast_in_dim3A_29 = arith.constant 0.000000e+00 : f32
    %broadcast_in_dim3A_30 = vector.broadcast %broadcast_in_dim3A_29 : f32 to vector<16xf32>
    %swap3A_31 = arith.constant 0 : i32
    %swap3A_32 = arith.constant 3 : i32
    %swap3A_33 = arith.index_cast %swap3A_31 : i32 to index
    %swap3A_34 = arith.index_cast %swap3A_32 : i32 to index
    %swap3A_35 = arith.constant 0 : index
    %swap3A_36 = tpu.vector_load %arg13[%swap3A_33, %swap3A_34, %swap3A_35] {strides = array<i32>} : memref<2x16x16xf32, #tpu.memory_space<vmem>>, vector<16xf32>,
    tpu.vector_store %arg13[%swap3A_33, %swap3A_34, %swap3A_35], %broadcast_in_dim3A_30 {strides = array<i32>} : memref<2x16x16xf32, #tpu.memory_space<vmem>>, vector<16xf32>,
    %broadcast_in_dim3A_37 = arith.constant 0.000000e+00 : f32
    %broadcast_in_dim3A_38 = vector.broadcast %broadcast_in_dim3A_37 : f32 to vector<16xf32>
    %swap3A_39 = arith.constant 0 : i32
    %swap3A_40 = arith.constant 4 : i32
    %swap3A_41 = arith.index_cast %swap3A_39 : i32 to index
    %swap3A_42 = arith.index_cast %swap3A_40 : i32 to index
    %swap3A_43 = arith.constant 0 : index
    %swap3A_44 = tpu.vector_load %arg13[%swap3A_41, %swap3A_42, %swap3A_43] {strides = array<i32>} : memref<2x16x16xf32, #tpu.memory_space<vmem>>, vector<16xf32>,
    tpu.vector_store %arg13[%swap3A_41, %swap3A_42, %swap3A_43], %broadcast_in_dim3A_38 {strides = array<i32>} : memref<2x16x16xf32, #tpu.memory_space<vmem>>, vector<16xf32>,
    %broadcast_in_dim3A_45 = arith.constant 0.000000e+00 : f32
    %broadcast_in_dim3A_46 = vector.broadcast %broadcast_in_dim3A_45 : f32 to vector<16xf32>
    %swap3A_47 = arith.constant 0 : i32
    %swap3A_48 = arith.constant 5 : i32
    %swap3A_49 = arith.index_cast %swap3A_47 : i32 to index
    %swap3A_50 = arith.index_cast %swap3A_48 : i32 to index
    %swap3A_51 = arith.constant 0 : index
    %swap3A_52 = tpu.vector_load %arg13[%swap3A_49, %swap3A_50, %swap3A_51] {strides = array<i32>} : memref<2x16x16xf32, #tpu.memory_space<vmem>>, vector<16xf32>,
    tpu.vector_store %arg13[%swap3A_49, %swap3A_50, %swap3A_51], %broadcast_in_dim3A_46 {strides = array<i32>} : memref<2x16x16xf32, #tpu.memory_space<vmem>>, vector<16xf32>,
    %broadcast_in_dim3A_53 = arith.constant 0.000000e+00 : f32
    %broadcast_in_dim3A_54 = vector.broadcast %broadcast_in_dim3A_53 : f32 to vector<16xf32>
    %swap3A_55 = arith.constant 0 : i32
    %swap3A_56 = arith.constant 6 : i32
    %swap3A_57 = arith.index_cast %swap3A_55 : i32 to index
    %swap3A_58 = arith.index_cast %swap3A_56 : i32 to index
    %swap3A_59 = arith.constant 0 : index
    %swap3A_60 = tpu.vector_load %arg13[%swap3A_57, %swap3A_58, %swap3A_59] {strides = array<i32>} : memref<2x16x16xf32, #tpu.memory_space<vmem>>, vector<16xf32>,
    tpu.vector_store %arg13[%swap3A_57, %swap3A_58, %swap3A_59], %broadcast_in_dim3A_54 {strides = array<i32>} : memref<2x16x16xf32, #tpu.memory_space<vmem>>, vector<16xf32>,
    %broadcast_in_dim3A_61 = arith.constant 0.000000e+00 : f32
    %broadcast_in_dim3A_62 = vector.broadcast %broadcast_in_dim3A_61 : f32 to vector<16xf32>
    %swap3A_63 = arith.constant 0 : i32
    %swap3A_64 = arith.constant 7 : i32
    %swap3A_65 = arith.index_cast %swap3A_63 : i32 to index
    %swap3A_66 = arith.index_cast %swap3A_64 : i32 to index
    %swap3A_67 = arith.constant 0 : index
    %swap3A_68 = tpu.vector_load %arg13[%swap3A_65, %swap3A_66, %swap3A_67] {strides = array<i32>} : memref<2x16x16xf32, #tpu.memory_space<vmem>>, vector<16xf32>,
    tpu.vector_store %arg13[%swap3A_65, %swap3A_66, %swap3A_67], %broadcast_in_dim3A_62 {strides = array<i32>} : memref<2x16x16xf32, #tpu.memory_space<vmem>>, vector<16xf32>,
    %broadcast_in_dim3A_69 = arith.constant 0.000000e+00 : f32
    %broadcast_in_dim3A_70 = vector.broadcast %broadcast_in_dim3A_69 : f32 to vector<16xf32>
    %swap3A_71 = arith.constant 0 : i32
    %swap3A_72 = arith.constant 8 : i32
    %swap3A_73 = arith.index_cast %swap3A_71 : i32 to index
    %swap3A_74 = arith.index_cast %swap3A_72 : i32 to index
    %swap3A_75 = arith.constant 0 : index
    %swap3A_76 = tpu.vector_load %arg13[%swap3A_73, %swap3A_74, %swap3A_75] {strides = array<i32>} : memref<2x16x16xf32, #tpu.memory_space<vmem>>, vector<16xf32>,
    tpu.vector_store %arg13[%swap3A_73, %swap3A_74, %swap3A_75], %broadcast_in_dim3A_70 {strides = array<i32>} : memref<2x16x16xf32, #tpu.memory_space<vmem>>, vector<16xf32>,
    %broadcast_in_dim3A_77 = arith.constant 0.000000e+00 : f32
    %broadcast_in_dim3A_78 = vector.broadcast %broadcast_in_dim3A_77 : f32 to vector<16xf32>
    %swap3A_79 = arith.constant 0 : i32
    %swap3A_80 = arith.constant 9 : i32
    %swap3A_81 = arith.index_cast %swap3A_79 : i32 to index
    %swap3A_82 = arith.index_cast %swap3A_80 : i32 to index
    %swap3A_83 = arith.constant 0 : index
    %swap3A_84 = tpu.vector_load %arg13[%swap3A_81, %swap3A_82, %swap3A_83] {strides = array<i32>} : memref<2x16x16xf32, #tpu.memory_space<vmem>>, vector<16xf32>,
    tpu.vector_store %arg13[%swap3A_81, %swap3A_82, %swap3A_83], %broadcast_in_dim3A_78 {strides = array<i32>} : memref<2x16x16xf32, #tpu.memory_space<vmem>>, vector<16xf32>,
    %broadcast_in_dim3A_85 = arith.constant 0.000000e+00 : f32
    %broadcast_in_dim3A_86 = vector.broadcast %broadcast_in_dim3A_85 : f32 to vector<16xf32>
    %swap3A_87 = arith.constant 0 : i32
    %swap3A_88 = arith.constant 10 : i32
    %swap3A_89 = arith.index_cast %swap3A_87 : i32 to index
    %swap3A_90 = arith.index_cast %swap3A_88 : i32 to index
    %swap3A_91 = arith.constant 0 : index
    %swap3A_92 = tpu.vector_load %arg13[%swap3A_89, %swap3A_90, %swap3A_91] {strides = array<i32>} : memref<2x16x16xf32, #tpu.memory_space<vmem>>, vector<16xf32>,
    tpu.vector_store %arg13[%swap3A_89, %swap3A_90, %swap3A_91], %broadcast_in_dim3A_86 {strides = array<i32>} : memref<2x16x16xf32, #tpu.memory_space<vmem>>, vector<16xf32>,
    %broadcast_in_dim3A_93 = arith.constant 0.000000e+00 : f32
    %broadcast_in_dim3A_94 = vector.broadcast %broadcast_in_dim3A_93 : f32 to vector<16xf32>
    %swap3A_95 = arith.constant 0 : i32
    %swap3A_96 = arith.constant 11 : i32
    %swap3A_97 = arith.index_cast %swap3A_95 : i32 to index
    %swap3A_98 = arith.index_cast %swap3A_96 : i32 to index
    %swap3A_99 = arith.constant 0 : index
    %swap3A_100 = tpu.vector_load %arg13[%swap3A_97, %swap3A_98, %swap3A_99] {strides = array<i32>} : memref<2x16x16xf32, #tpu.memory_space<vmem>>, vector<16xf32>,
    tpu.vector_store %arg13[%swap3A_97, %swap3A_98, %swap3A_99], %broadcast_in_dim3A_94 {strides = array<i32>} : memref<2x16x16xf32, #tpu.memory_space<vmem>>, vector<16xf32>,
    %broadcast_in_dim3A_101 = arith.constant 0.000000e+00 : f32
    %broadcast_in_dim3A_102 = vector.broadcast %broadcast_in_dim3A_101 : f32 to vector<16xf32>
    %swap3A_103 = arith.constant 0 : i32
    %swap3A_104 = arith.constant 12 : i32
    %swap3A_105 = arith.index_cast %swap3A_103 : i32 to index
    %swap3A_106 = arith.index_cast %swap3A_104 : i32 to index
    %swap3A_107 = arith.constant 0 : index
    %swap3A_108 = tpu.vector_load %arg13[%swap3A_105, %swap3A_106, %swap3A_107] {strides = array<i32>} : memref<2x16x16xf32, #tpu.memory_space<vmem>>, vector<16xf32>,
    tpu.vector_store %arg13[%swap3A_105, %swap3A_106, %swap3A_107], %broadcast_in_dim3A_102 {strides = array<i32>} : memref<2x16x16xf32, #tpu.memory_space<vmem>>, vector<16xf32>,
    %broadcast_in_dim3A_109 = arith.constant 0.000000e+00 : f32
    %broadcast_in_dim3A_110 = vector.broadcast %broadcast_in_dim3A_109 : f32 to vector<16xf32>
    %swap3A_111 = arith.constant 0 : i32
    %swap3A_112 = arith.constant 13 : i32
    %swap3A_113 = arith.index_cast %swap3A_111 : i32 to index
    %swap3A_114 = arith.index_cast %swap3A_112 : i32 to index
    %swap3A_115 = arith.constant 0 : index
    %swap3A_116 = tpu.vector_load %arg13[%swap3A_113, %swap3A_114, %swap3A_115] {strides = array<i32>} : memref<2x16x16xf32, #tpu.memory_space<vmem>>, vector<16xf32>,
    tpu.vector_store %arg13[%swap3A_113, %swap3A_114, %swap3A_115], %broadcast_in_dim3A_110 {strides = array<i32>} : memref<2x16x16xf32, #tpu.memory_space<vmem>>, vector<16xf32>,
    %broadcast_in_dim3A_117 = arith.constant 0.000000e+00 : f32
    %broadcast_in_dim3A_118 = vector.broadcast %broadcast_in_dim3A_117 : f32 to vector<16xf32>
    %swap3A_119 = arith.constant 0 : i32
    %swap3A_120 = arith.constant 14 : i32
    %swap3A_121 = arith.index_cast %swap3A_119 : i32 to index
    %swap3A_122 = arith.index_cast %swap3A_120 : i32 to index
    %swap3A_123 = arith.constant 0 : index
    %swap3A_124 = tpu.vector_load %arg13[%swap3A_121, %swap3A_122, %swap3A_123] {strides = array<i32>} : memref<2x16x16xf32, #tpu.memory_space<vmem>>, vector<16xf32>,
    tpu.vector_store %arg13[%swap3A_121, %swap3A_122, %swap3A_123], %broadcast_in_dim3A_118 {strides = array<i32>} : memref<2x16x16xf32, #tpu.memory_space<vmem>>, vector<16xf32>,
    %broadcast_in_dim3A_125 = arith.constant 0.000000e+00 : f32
    %broadcast_in_dim3A_126 = vector.broadcast %broadcast_in_dim3A_125 : f32 to vector<16xf32>
    %swap3A_127 = arith.constant 0 : i32
    %swap3A_128 = arith.constant 15 : i32
    %swap3A_129 = arith.index_cast %swap3A_127 : i32 to index
    %swap3A_130 = arith.index_cast %swap3A_128 : i32 to index
    %swap3A_131 = arith.constant 0 : index
    %swap3A_132 = tpu.vector_load %arg13[%swap3A_129, %swap3A_130, %swap3A_131] {strides = array<i32>} : memref<2x16x16xf32, #tpu.memory_space<vmem>>, vector<16xf32>,
    tpu.vector_store %arg13[%swap3A_129, %swap3A_130, %swap3A_131], %broadcast_in_dim3A_126 {strides = array<i32>} : memref<2x16x16xf32, #tpu.memory_space<vmem>>, vector<16xf32>,
    %broadcast_in_dim3A_133 = arith.constant 0.000000e+00 : f32
    %broadcast_in_dim3A_134 = vector.broadcast %broadcast_in_dim3A_133 : f32 to vector<16xf32>
    %swap3A_135 = arith.constant 1 : i32
    %swap3A_136 = arith.constant 0 : i32
    %swap3A_137 = arith.index_cast %swap3A_135 : i32 to index
    %swap3A_138 = arith.index_cast %swap3A_136 : i32 to index
    %swap3A_139 = arith.constant 0 : index
    %swap3A_140 = tpu.vector_load %arg13[%swap3A_137, %swap3A_138, %swap3A_139] {strides = array<i32>} : memref<2x16x16xf32, #tpu.memory_space<vmem>>, vector<16xf32>,
    tpu.vector_store %arg13[%swap3A_137, %swap3A_138, %swap3A_139], %broadcast_in_dim3A_134 {strides = array<i32>} : memref<2x16x16xf32, #tpu.memory_space<vmem>>, vector<16xf32>,
    %broadcast_in_dim3A_141 = arith.constant 0.000000e+00 : f32
    %broadcast_in_dim3A_142 = vector.broadcast %broadcast_in_dim3A_141 : f32 to vector<16xf32>
    %swap3A_143 = arith.constant 1 : i32
    %swap3A_144 = arith.constant 1 : i32
    %swap3A_145 = arith.index_cast %swap3A_143 : i32 to index
    %swap3A_146 = arith.index_cast %swap3A_144 : i32 to index
    %swap3A_147 = arith.constant 0 : index
    %swap3A_148 = tpu.vector_load %arg13[%swap3A_145, %swap3A_146, %swap3A_147] {strides = array<i32>} : memref<2x16x16xf32, #tpu.memory_space<vmem>>, vector<16xf32>,
    tpu.vector_store %arg13[%swap3A_145, %swap3A_146, %swap3A_147], %broadcast_in_dim3A_142 {strides = array<i32>} : memref<2x16x16xf32, #tpu.memory_space<vmem>>, vector<16xf32>,
    %broadcast_in_dim3A_149 = arith.constant 0.000000e+00 : f32
    %broadcast_in_dim3A_150 = vector.broadcast %broadcast_in_dim3A_149 : f32 to vector<16xf32>
    %swap3A_151 = arith.constant 1 : i32
    %swap3A_152 = arith.constant 2 : i32
    %swap3A_153 = arith.index_cast %swap3A_151 : i32 to index
    %swap3A_154 = arith.index_cast %swap3A_152 : i32 to index
    %swap3A_155 = arith.constant 0 : index
    %swap3A_156 = tpu.vector_load %arg13[%swap3A_153, %swap3A_154, %swap3A_155] {strides = array<i32>} : memref<2x16x16xf32, #tpu.memory_space<vmem>>, vector<16xf32>,
    tpu.vector_store %arg13[%swap3A_153, %swap3A_154, %swap3A_155], %broadcast_in_dim3A_150 {strides = array<i32>} : memref<2x16x16xf32, #tpu.memory_space<vmem>>, vector<16xf32>,
    %broadcast_in_dim3A_157 = arith.constant 0.000000e+00 : f32
    %broadcast_in_dim3A_158 = vector.broadcast %broadcast_in_dim3A_157 : f32 to vector<16xf32>
    %swap3A_159 = arith.constant 1 : i32
    %swap3A_160 = arith.constant 3 : i32
    %swap3A_161 = arith.index_cast %swap3A_159 : i32 to index
    %swap3A_162 = arith.index_cast %swap3A_160 : i32 to index
    %swap3A_163 = arith.constant 0 : index
    %swap3A_164 = tpu.vector_load %arg13[%swap3A_161, %swap3A_162, %swap3A_163] {strides = array<i32>} : memref<2x16x16xf32, #tpu.memory_space<vmem>>, vector<16xf32>,
    tpu.vector_store %arg13[%swap3A_161, %swap3A_162, %swap3A_163], %broadcast_in_dim3A_158 {strides = array<i32>} : memref<2x16x16xf32, #tpu.memory_space<vmem>>, vector<16xf32>,
    %broadcast_in_dim3A_165 = arith.constant 0.000000e+00 : f32
    %broadcast_in_dim3A_166 = vector.broadcast %broadcast_in_dim3A_165 : f32 to vector<16xf32>
    %swap3A_167 = arith.constant 1 : i32
    %swap3A_168 = arith.constant 4 : i32
    %swap3A_169 = arith.index_cast %swap3A_167 : i32 to index
    %swap3A_170 = arith.index_cast %swap3A_168 : i32 to index
    %swap3A_171 = arith.constant 0 : index
    %swap3A_172 = tpu.vector_load %arg13[%swap3A_169, %swap3A_170, %swap3A_171] {strides = array<i32>} : memref<2x16x16xf32, #tpu.memory_space<vmem>>, vector<16xf32>,
    tpu.vector_store %arg13[%swap3A_169, %swap3A_170, %swap3A_171], %broadcast_in_dim3A_166 {strides = array<i32>} : memref<2x16x16xf32, #tpu.memory_space<vmem>>, vector<16xf32>,
    %broadcast_in_dim3A_173 = arith.constant 0.000000e+00 : f32
    %broadcast_in_dim3A_174 = vector.broadcast %broadcast_in_dim3A_173 : f32 to vector<16xf32>
    %swap3A_175 = arith.constant 1 : i32
    %swap3A_176 = arith.constant 5 : i32
    %swap3A_177 = arith.index_cast %swap3A_175 : i32 to index
    %swap3A_178 = arith.index_cast %swap3A_176 : i32 to index
    %swap3A_179 = arith.constant 0 : index
    %swap3A_180 = tpu.vector_load %arg13[%swap3A_177, %swap3A_178, %swap3A_179] {strides = array<i32>} : memref<2x16x16xf32, #tpu.memory_space<vmem>>, vector<16xf32>,
    tpu.vector_store %arg13[%swap3A_177, %swap3A_178, %swap3A_179], %broadcast_in_dim3A_174 {strides = array<i32>} : memref<2x16x16xf32, #tpu.memory_space<vmem>>, vector<16xf32>,
    %broadcast_in_dim3A_181 = arith.constant 0.000000e+00 : f32
    %broadcast_in_dim3A_182 = vector.broadcast %broadcast_in_dim3A_181 : f32 to vector<16xf32>
    %swap3A_183 = arith.constant 1 : i32
    %swap3A_184 = arith.constant 6 : i32
    %swap3A_185 = arith.index_cast %swap3A_183 : i32 to index
    %swap3A_186 = arith.index_cast %swap3A_184 : i32 to index
    %swap3A_187 = arith.constant 0 : index
    %swap3A_188 = tpu.vector_load %arg13[%swap3A_185, %swap3A_186, %swap3A_187] {strides = array<i32>} : memref<2x16x16xf32, #tpu.memory_space<vmem>>, vector<16xf32>,
    tpu.vector_store %arg13[%swap3A_185, %swap3A_186, %swap3A_187], %broadcast_in_dim3A_182 {strides = array<i32>} : memref<2x16x16xf32, #tpu.memory_space<vmem>>, vector<16xf32>,
    %broadcast_in_dim3A_189 = arith.constant 0.000000e+00 : f32
    %broadcast_in_dim3A_190 = vector.broadcast %broadcast_in_dim3A_189 : f32 to vector<16xf32>
    %swap3A_191 = arith.constant 1 : i32
    %swap3A_192 = arith.constant 7 : i32
    %swap3A_193 = arith.index_cast %swap3A_191 : i32 to index
    %swap3A_194 = arith.index_cast %swap3A_192 : i32 to index
    %swap3A_195 = arith.constant 0 : index
    %swap3A_196 = tpu.vector_load %arg13[%swap3A_193, %swap3A_194, %swap3A_195] {strides = array<i32>} : memref<2x16x16xf32, #tpu.memory_space<vmem>>, vector<16xf32>,
    tpu.vector_store %arg13[%swap3A_193, %swap3A_194, %swap3A_195], %broadcast_in_dim3A_190 {strides = array<i32>} : memref<2x16x16xf32, #tpu.memory_space<vmem>>, vector<16xf32>,
    %broadcast_in_dim3A_197 = arith.constant 0.000000e+00 : f32
    %broadcast_in_dim3A_198 = vector.broadcast %broadcast_in_dim3A_197 : f32 to vector<16xf32>
    %swap3A_199 = arith.constant 1 : i32
    %swap3A_200 = arith.constant 8 : i32
    %swap3A_201 = arith.index_cast %swap3A_199 : i32 to index
    %swap3A_202 = arith.index_cast %swap3A_200 : i32 to index
    %swap3A_203 = arith.constant 0 : index
    %swap3A_204 = tpu.vector_load %arg13[%swap3A_201, %swap3A_202, %swap3A_203] {strides = array<i32>} : memref<2x16x16xf32, #tpu.memory_space<vmem>>, vector<16xf32>,
    tpu.vector_store %arg13[%swap3A_201, %swap3A_202, %swap3A_203], %broadcast_in_dim3A_198 {strides = array<i32>} : memref<2x16x16xf32, #tpu.memory_space<vmem>>, vector<16xf32>,
    %broadcast_in_dim3A_205 = arith.constant 0.000000e+00 : f32
    %broadcast_in_dim3A_206 = vector.broadcast %broadcast_in_dim3A_205 : f32 to vector<16xf32>
    %swap3A_207 = arith.constant 1 : i32
    %swap3A_208 = arith.constant 9 : i32
    %swap3A_209 = arith.index_cast %swap3A_207 : i32 to index
    %swap3A_210 = arith.index_cast %swap3A_208 : i32 to index
    %swap3A_211 = arith.constant 0 : index
    %swap3A_212 = tpu.vector_load %arg13[%swap3A_209, %swap3A_210, %swap3A_211] {strides = array<i32>} : memref<2x16x16xf32, #tpu.memory_space<vmem>>, vector<16xf32>,
    tpu.vector_store %arg13[%swap3A_209, %swap3A_210, %swap3A_211], %broadcast_in_dim3A_206 {strides = array<i32>} : memref<2x16x16xf32, #tpu.memory_space<vmem>>, vector<16xf32>,
    %broadcast_in_dim3A_213 = arith.constant 0.000000e+00 : f32
    %broadcast_in_dim3A_214 = vector.broadcast %broadcast_in_dim3A_213 : f32 to vector<16xf32>
    %swap3A_215 = arith.constant 1 : i32
    %swap3A_216 = arith.constant 10 : i32
    %swap3A_217 = arith.index_cast %swap3A_215 : i32 to index
    %swap3A_218 = arith.index_cast %swap3A_216 : i32 to index
    %swap3A_219 = arith.constant 0 : index
    %swap3A_220 = tpu.vector_load %arg13[%swap3A_217, %swap3A_218, %swap3A_219] {strides = array<i32>} : memref<2x16x16xf32, #tpu.memory_space<vmem>>, vector<16xf32>,
    tpu.vector_store %arg13[%swap3A_217, %swap3A_218, %swap3A_219], %broadcast_in_dim3A_214 {strides = array<i32>} : memref<2x16x16xf32, #tpu.memory_space<vmem>>, vector<16xf32>,
    %broadcast_in_dim3A_221 = arith.constant 0.000000e+00 : f32
    %broadcast_in_dim3A_222 = vector.broadcast %broadcast_in_dim3A_221 : f32 to vector<16xf32>
    %swap3A_223 = arith.constant 1 : i32
    %swap3A_224 = arith.constant 11 : i32
    %swap3A_225 = arith.index_cast %swap3A_223 : i32 to index
    %swap3A_226 = arith.index_cast %swap3A_224 : i32 to index
    %swap3A_227 = arith.constant 0 : index
    %swap3A_228 = tpu.vector_load %arg13[%swap3A_225, %swap3A_226, %swap3A_227] {strides = array<i32>} : memref<2x16x16xf32, #tpu.memory_space<vmem>>, vector<16xf32>,
    tpu.vector_store %arg13[%swap3A_225, %swap3A_226, %swap3A_227], %broadcast_in_dim3A_222 {strides = array<i32>} : memref<2x16x16xf32, #tpu.memory_space<vmem>>, vector<16xf32>,
    %broadcast_in_dim3A_229 = arith.constant 0.000000e+00 : f32
    %broadcast_in_dim3A_230 = vector.broadcast %broadcast_in_dim3A_229 : f32 to vector<16xf32>
    %swap3A_231 = arith.constant 1 : i32
    %swap3A_232 = arith.constant 12 : i32
    %swap3A_233 = arith.index_cast %swap3A_231 : i32 to index
    %swap3A_234 = arith.index_cast %swap3A_232 : i32 to index
    %swap3A_235 = arith.constant 0 : index
    %swap3A_236 = tpu.vector_load %arg13[%swap3A_233, %swap3A_234, %swap3A_235] {strides = array<i32>} : memref<2x16x16xf32, #tpu.memory_space<vmem>>, vector<16xf32>,
    tpu.vector_store %arg13[%swap3A_233, %swap3A_234, %swap3A_235], %broadcast_in_dim3A_230 {strides = array<i32>} : memref<2x16x16xf32, #tpu.memory_space<vmem>>, vector<16xf32>,
    %broadcast_in_dim3A_237 = arith.constant 0.000000e+00 : f32
    %broadcast_in_dim3A_238 = vector.broadcast %broadcast_in_dim3A_237 : f32 to vector<16xf32>
    %swap3A_239 = arith.constant 1 : i32
    %swap3A_240 = arith.constant 13 : i32
    %swap3A_241 = arith.index_cast %swap3A_239 : i32 to index
    %swap3A_242 = arith.index_cast %swap3A_240 : i32 to index
    %swap3A_243 = arith.constant 0 : index
    %swap3A_244 = tpu.vector_load %arg13[%swap3A_241, %swap3A_242, %swap3A_243] {strides = array<i32>} : memref<2x16x16xf32, #tpu.memory_space<vmem>>, vector<16xf32>,
    tpu.vector_store %arg13[%swap3A_241, %swap3A_242, %swap3A_243], %broadcast_in_dim3A_238 {strides = array<i32>} : memref<2x16x16xf32, #tpu.memory_space<vmem>>, vector<16xf32>,
    %broadcast_in_dim3A_245 = arith.constant 0.000000e+00 : f32
    %broadcast_in_dim3A_246 = vector.broadcast %broadcast_in_dim3A_245 : f32 to vector<16xf32>
    %swap3A_247 = arith.constant 1 : i32
    %swap3A_248 = arith.constant 14 : i32
    %swap3A_249 = arith.index_cast %swap3A_247 : i32 to index
    %swap3A_250 = arith.index_cast %swap3A_248 : i32 to index
    %swap3A_251 = arith.constant 0 : index
    %swap3A_252 = tpu.vector_load %arg13[%swap3A_249, %swap3A_250, %swap3A_251] {strides = array<i32>} : memref<2x16x16xf32, #tpu.memory_space<vmem>>, vector<16xf32>,
    tpu.vector_store %arg13[%swap3A_249, %swap3A_250, %swap3A_251], %broadcast_in_dim3A_246 {strides = array<i32>} : memref<2x16x16xf32, #tpu.memory_space<vmem>>, vector<16xf32>,
    %broadcast_in_dim3A_253 = arith.constant 0.000000e+00 : f32
    %broadcast_in_dim3A_254 = vector.broadcast %broadcast_in_dim3A_253 : f32 to vector<16xf32>
    %swap3A_255 = arith.constant 1 : i32
    %swap3A_256 = arith.constant 15 : i32
    %swap3A_257 = arith.index_cast %swap3A_255 : i32 to index
    %swap3A_258 = arith.index_cast %swap3A_256 : i32 to index
    %swap3A_259 = arith.constant 0 : index
    %swap3A_260 = tpu.vector_load %arg13[%swap3A_257, %swap3A_258, %swap3A_259] {strides = array<i32>} : memref<2x16x16xf32, #tpu.memory_space<vmem>>, vector<16xf32>,
    tpu.vector_store %arg13[%swap3A_257, %swap3A_258, %swap3A_259], %broadcast_in_dim3A_254 {strides = array<i32>} : memref<2x16x16xf32, #tpu.memory_space<vmem>>, vector<16xf32>,
    %eq3A_261 = arith.constant 15 : i32
    %eq3A_262 = arith.cmpi eq, %arg1, %eq3A_261 : i32
    %jit3A = arith.constant 385 : i32
    %jit3A_263 = arith.constant 391 : i32
    %select_n3A = arith.select %eq3A_262, %jit3A, %jit3A_263 : i32
    %while3A = arith.constant 0 : i32
    %while3A_264 = arith.constant 0 : i32
    %while3A_265 = arith.subi %select_n3A, %while3A : i32
    %while3A_266 = arith.addi %while3A, %while3A_265 : i32
    %while3A_267 = arith.constant 1 : i32
    %while3A_268 = arith.divsi %while3A_265, %while3A_267 : i32
    %while3A_269 = arith.muli %while3A_268, %while3A_267 : i32
    %while3A_270 = arith.addi %while3A, %while3A_269 : i32
    %while3A_271 = arith.constant 1 : i32
    %while3A_272 = scf.for %while3A_780 = %while3A to %while3A_270 step %while3A_271 iter_args(%while3A_781 = %while3A_264) -> (i32)  : i32 {
      %mul3A_782 = arith.constant 16 : i32
      %mul3A_783 = arith.muli %while3A_780, %mul3A_782 : i32
      %get3A_784 = arith.index_cast %mul3A_783 : i32 to index
      %get3A_785 = tpu.vector_load %arg9[%get3A_784] {strides = array<i32>} : memref<6256xf32, #tpu.memory_space<vmem>>, vector<16xf32>,
      %mul3A_786 = arith.constant 16 : i32
      %mul3A_787 = arith.muli %while3A_780, %mul3A_786 : i32
      %get3A_788 = arith.index_cast %mul3A_787 : i32 to index
      %get3A_789 = tpu.vector_load %arg10[%get3A_788] {strides = array<i32>} : memref<6256xf32, #tpu.memory_space<vmem>>, vector<16xf32>,
      %add3A = arith.addf %get3A_785, %get3A_789 : vector<16xf32>
      %gt3A = arith.constant 0.000000e+00 : f32
      %gt3A_790 = vector.broadcast %gt3A : f32 to vector<16xf32>
      %gt3A_791 = arith.cmpf ogt, %add3A, %gt3A_790 : vector<16xf32>
      %jit3A_792 = arith.constant 1.000000e+00 : f32
      %jit3A_793 = arith.constant 0.000000e+00 : f32
      %broadcast_in_dim3A_794 = vector.broadcast %jit3A_792 : f32 to vector<16xf32>
      %broadcast_in_dim3A_795 = vector.broadcast %jit3A_793 : f32 to vector<16xf32>
      %select_n3A_796 = arith.select %gt3A_791, %broadcast_in_dim3A_794, %broadcast_in_dim3A_795 : vector<16xi1>, vector<16xf32>
      %mul3A_797 = arith.constant 16 : i32
      %mul3A_798 = arith.muli %while3A_780, %mul3A_797 : i32
      %swap3A_799 = arith.index_cast %mul3A_798 : i32 to index
      %swap3A_800 = tpu.vector_load %arg12[%swap3A_799] {strides = array<i32>} : memref<6256xf32, #tpu.memory_space<vmem>>, vector<16xf32>,
      tpu.vector_store %arg12[%swap3A_799], %select_n3A_796 {strides = array<i32>} : memref<6256xf32, #tpu.memory_space<vmem>>, vector<16xf32>,
      %mul3A_801 = arith.constant 16 : i32
      %mul3A_802 = arith.muli %while3A_780, %mul3A_801 : i32
      %get3A_803 = arith.index_cast %mul3A_802 : i32 to index
      %get3A_804 = tpu.vector_load %arg11[%get3A_803] {strides = array<i32>} : memref<6256xi32, #tpu.memory_space<vmem>>, vector<16xi32>,
      %eq3A_805 = arith.constant 0 : i32
      %eq3A_806 = vector.broadcast %eq3A_805 : i32 to vector<16xi32>
      %eq3A_807 = arith.cmpi eq, %get3A_804, %eq3A_806 : vector<16xi32>
      %jit3A_808 = arith.constant 1.000000e+00 : f32
      %jit3A_809 = arith.constant 0.000000e+00 : f32
      %broadcast_in_dim3A_810 = vector.broadcast %jit3A_808 : f32 to vector<16xf32>
      %broadcast_in_dim3A_811 = vector.broadcast %jit3A_809 : f32 to vector<16xf32>
      %select_n3A_812 = arith.select %eq3A_807, %broadcast_in_dim3A_810, %broadcast_in_dim3A_811 : vector<16xi1>, vector<16xf32>
      %mul3A_813 = arith.mulf %select_n3A_812, %select_n3A_796 : vector<16xf32>
      %swap3A_814 = arith.constant 0 : i32
      %swap3A_815 = arith.constant 0 : i32
      %swap3A_816 = arith.index_cast %swap3A_814 : i32 to index
      %swap3A_817 = arith.index_cast %swap3A_815 : i32 to index
      %swap3A_818 = arith.constant 0 : index
      %swap3A_819 = tpu.vector_load %arg13[%swap3A_816, %swap3A_817, %swap3A_818] {strides = array<i32>} : memref<2x16x16xf32, #tpu.memory_space<vmem>>, vector<16xf32>,
      tpu.vector_store %arg13[%swap3A_816, %swap3A_817, %swap3A_818], %mul3A_813 {add = true, strides = array<i32>} : memref<2x16x16xf32, #tpu.memory_space<vmem>>, vector<16xf32>,
      %swap3A_820 = arith.constant 1 : i32
      %swap3A_821 = arith.constant 0 : i32
      %swap3A_822 = arith.index_cast %swap3A_820 : i32 to index
      %swap3A_823 = arith.index_cast %swap3A_821 : i32 to index
      %swap3A_824 = arith.constant 0 : index
      %swap3A_825 = tpu.vector_load %arg13[%swap3A_822, %swap3A_823, %swap3A_824] {strides = array<i32>} : memref<2x16x16xf32, #tpu.memory_space<vmem>>, vector<16xf32>,
      tpu.vector_store %arg13[%swap3A_822, %swap3A_823, %swap3A_824], %select_n3A_812 {add = true, strides = array<i32>} : memref<2x16x16xf32, #tpu.memory_space<vmem>>, vector<16xf32>,
      %eq3A_826 = arith.constant 1 : i32
      %eq3A_827 = vector.broadcast %eq3A_826 : i32 to vector<16xi32>
      %eq3A_828 = arith.cmpi eq, %get3A_804, %eq3A_827 : vector<16xi32>
      %jit3A_829 = arith.constant 1.000000e+00 : f32
      %jit3A_830 = arith.constant 0.000000e+00 : f32
      %broadcast_in_dim3A_831 = vector.broadcast %jit3A_829 : f32 to vector<16xf32>
      %broadcast_in_dim3A_832 = vector.broadcast %jit3A_830 : f32 to vector<16xf32>
      %select_n3A_833 = arith.select %eq3A_828, %broadcast_in_dim3A_831, %broadcast_in_dim3A_832 : vector<16xi1>, vector<16xf32>
      %mul3A_834 = arith.mulf %select_n3A_833, %select_n3A_796 : vector<16xf32>
      %swap3A_835 = arith.constant 0 : i32
      %swap3A_836 = arith.constant 1 : i32
      %swap3A_837 = arith.index_cast %swap3A_835 : i32 to index
      %swap3A_838 = arith.index_cast %swap3A_836 : i32 to index
      %swap3A_839 = arith.constant 0 : index
      %swap3A_840 = tpu.vector_load %arg13[%swap3A_837, %swap3A_838, %swap3A_839] {strides = array<i32>} : memref<2x16x16xf32, #tpu.memory_space<vmem>>, vector<16xf32>,
      tpu.vector_store %arg13[%swap3A_837, %swap3A_838, %swap3A_839], %mul3A_834 {add = true, strides = array<i32>} : memref<2x16x16xf32, #tpu.memory_space<vmem>>, vector<16xf32>,
      %swap3A_841 = arith.constant 1 : i32
      %swap3A_842 = arith.constant 1 : i32
      %swap3A_843 = arith.index_cast %swap3A_841 : i32 to index
      %swap3A_844 = arith.index_cast %swap3A_842 : i32 to index
      %swap3A_845 = arith.constant 0 : index
      %swap3A_846 = tpu.vector_load %arg13[%swap3A_843, %swap3A_844, %swap3A_845] {strides = array<i32>} : memref<2x16x16xf32, #tpu.memory_space<vmem>>, vector<16xf32>,
      tpu.vector_store %arg13[%swap3A_843, %swap3A_844, %swap3A_845], %select_n3A_833 {add = true, strides = array<i32>} : memref<2x16x16xf32, #tpu.memory_space<vmem>>, vector<16xf32>,
      %eq3A_847 = arith.constant 2 : i32
      %eq3A_848 = vector.broadcast %eq3A_847 : i32 to vector<16xi32>
      %eq3A_849 = arith.cmpi eq, %get3A_804, %eq3A_848 : vector<16xi32>
      %jit3A_850 = arith.constant 1.000000e+00 : f32
      %jit3A_851 = arith.constant 0.000000e+00 : f32
      %broadcast_in_dim3A_852 = vector.broadcast %jit3A_850 : f32 to vector<16xf32>
      %broadcast_in_dim3A_853 = vector.broadcast %jit3A_851 : f32 to vector<16xf32>
      %select_n3A_854 = arith.select %eq3A_849, %broadcast_in_dim3A_852, %broadcast_in_dim3A_853 : vector<16xi1>, vector<16xf32>
      %mul3A_855 = arith.mulf %select_n3A_854, %select_n3A_796 : vector<16xf32>
      %swap3A_856 = arith.constant 0 : i32
      %swap3A_857 = arith.constant 2 : i32
      %swap3A_858 = arith.index_cast %swap3A_856 : i32 to index
      %swap3A_859 = arith.index_cast %swap3A_857 : i32 to index
      %swap3A_860 = arith.constant 0 : index
      %swap3A_861 = tpu.vector_load %arg13[%swap3A_858, %swap3A_859, %swap3A_860] {strides = array<i32>} : memref<2x16x16xf32, #tpu.memory_space<vmem>>, vector<16xf32>,
      tpu.vector_store %arg13[%swap3A_858, %swap3A_859, %swap3A_860], %mul3A_855 {add = true, strides = array<i32>} : memref<2x16x16xf32, #tpu.memory_space<vmem>>, vector<16xf32>,
      %swap3A_862 = arith.constant 1 : i32
      %swap3A_863 = arith.constant 2 : i32
      %swap3A_864 = arith.index_cast %swap3A_862 : i32 to index
      %swap3A_865 = arith.index_cast %swap3A_863 : i32 to index
      %swap3A_866 = arith.constant 0 : index
      %swap3A_867 = tpu.vector_load %arg13[%swap3A_864, %swap3A_865, %swap3A_866] {strides = array<i32>} : memref<2x16x16xf32, #tpu.memory_space<vmem>>, vector<16xf32>,
      tpu.vector_store %arg13[%swap3A_864, %swap3A_865, %swap3A_866], %select_n3A_854 {add = true, strides = array<i32>} : memref<2x16x16xf32, #tpu.memory_space<vmem>>, vector<16xf32>,
      %eq3A_868 = arith.constant 3 : i32
      %eq3A_869 = vector.broadcast %eq3A_868 : i32 to vector<16xi32>
      %eq3A_870 = arith.cmpi eq, %get3A_804, %eq3A_869 : vector<16xi32>
      %jit3A_871 = arith.constant 1.000000e+00 : f32
      %jit3A_872 = arith.constant 0.000000e+00 : f32
      %broadcast_in_dim3A_873 = vector.broadcast %jit3A_871 : f32 to vector<16xf32>
      %broadcast_in_dim3A_874 = vector.broadcast %jit3A_872 : f32 to vector<16xf32>
      %select_n3A_875 = arith.select %eq3A_870, %broadcast_in_dim3A_873, %broadcast_in_dim3A_874 : vector<16xi1>, vector<16xf32>
      %mul3A_876 = arith.mulf %select_n3A_875, %select_n3A_796 : vector<16xf32>
      %swap3A_877 = arith.constant 0 : i32
      %swap3A_878 = arith.constant 3 : i32
      %swap3A_879 = arith.index_cast %swap3A_877 : i32 to index
      %swap3A_880 = arith.index_cast %swap3A_878 : i32 to index
      %swap3A_881 = arith.constant 0 : index
      %swap3A_882 = tpu.vector_load %arg13[%swap3A_879, %swap3A_880, %swap3A_881] {strides = array<i32>} : memref<2x16x16xf32, #tpu.memory_space<vmem>>, vector<16xf32>,
      tpu.vector_store %arg13[%swap3A_879, %swap3A_880, %swap3A_881], %mul3A_876 {add = true, strides = array<i32>} : memref<2x16x16xf32, #tpu.memory_space<vmem>>, vector<16xf32>,
      %swap3A_883 = arith.constant 1 : i32
      %swap3A_884 = arith.constant 3 : i32
      %swap3A_885 = arith.index_cast %swap3A_883 : i32 to index
      %swap3A_886 = arith.index_cast %swap3A_884 : i32 to index
      %swap3A_887 = arith.constant 0 : index
      %swap3A_888 = tpu.vector_load %arg13[%swap3A_885, %swap3A_886, %swap3A_887] {strides = array<i32>} : memref<2x16x16xf32, #tpu.memory_space<vmem>>, vector<16xf32>,
      tpu.vector_store %arg13[%swap3A_885, %swap3A_886, %swap3A_887], %select_n3A_875 {add = true, strides = array<i32>} : memref<2x16x16xf32, #tpu.memory_space<vmem>>, vector<16xf32>,
      %eq3A_889 = arith.constant 4 : i32
      %eq3A_890 = vector.broadcast %eq3A_889 : i32 to vector<16xi32>
      %eq3A_891 = arith.cmpi eq, %get3A_804, %eq3A_890 : vector<16xi32>
      %jit3A_892 = arith.constant 1.000000e+00 : f32
      %jit3A_893 = arith.constant 0.000000e+00 : f32
      %broadcast_in_dim3A_894 = vector.broadcast %jit3A_892 : f32 to vector<16xf32>
      %broadcast_in_dim3A_895 = vector.broadcast %jit3A_893 : f32 to vector<16xf32>
      %select_n3A_896 = arith.select %eq3A_891, %broadcast_in_dim3A_894, %broadcast_in_dim3A_895 : vector<16xi1>, vector<16xf32>
      %mul3A_897 = arith.mulf %select_n3A_896, %select_n3A_796 : vector<16xf32>
      %swap3A_898 = arith.constant 0 : i32
      %swap3A_899 = arith.constant 4 : i32
      %swap3A_900 = arith.index_cast %swap3A_898 : i32 to index
      %swap3A_901 = arith.index_cast %swap3A_899 : i32 to index
      %swap3A_902 = arith.constant 0 : index
      %swap3A_903 = tpu.vector_load %arg13[%swap3A_900, %swap3A_901, %swap3A_902] {strides = array<i32>} : memref<2x16x16xf32, #tpu.memory_space<vmem>>, vector<16xf32>,
      tpu.vector_store %arg13[%swap3A_900, %swap3A_901, %swap3A_902], %mul3A_897 {add = true, strides = array<i32>} : memref<2x16x16xf32, #tpu.memory_space<vmem>>, vector<16xf32>,
      %swap3A_904 = arith.constant 1 : i32
      %swap3A_905 = arith.constant 4 : i32
      %swap3A_906 = arith.index_cast %swap3A_904 : i32 to index
      %swap3A_907 = arith.index_cast %swap3A_905 : i32 to index
      %swap3A_908 = arith.constant 0 : index
      %swap3A_909 = tpu.vector_load %arg13[%swap3A_906, %swap3A_907, %swap3A_908] {strides = array<i32>} : memref<2x16x16xf32, #tpu.memory_space<vmem>>, vector<16xf32>,
      tpu.vector_store %arg13[%swap3A_906, %swap3A_907, %swap3A_908], %select_n3A_896 {add = true, strides = array<i32>} : memref<2x16x16xf32, #tpu.memory_space<vmem>>, vector<16xf32>,
      %eq3A_910 = arith.constant 5 : i32
      %eq3A_911 = vector.broadcast %eq3A_910 : i32 to vector<16xi32>
      %eq3A_912 = arith.cmpi eq, %get3A_804, %eq3A_911 : vector<16xi32>
      %jit3A_913 = arith.constant 1.000000e+00 : f32
      %jit3A_914 = arith.constant 0.000000e+00 : f32
      %broadcast_in_dim3A_915 = vector.broadcast %jit3A_913 : f32 to vector<16xf32>
      %broadcast_in_dim3A_916 = vector.broadcast %jit3A_914 : f32 to vector<16xf32>
      %select_n3A_917 = arith.select %eq3A_912, %broadcast_in_dim3A_915, %broadcast_in_dim3A_916 : vector<16xi1>, vector<16xf32>
      %mul3A_918 = arith.mulf %select_n3A_917, %select_n3A_796 : vector<16xf32>
      %swap3A_919 = arith.constant 0 : i32
      %swap3A_920 = arith.constant 5 : i32
      %swap3A_921 = arith.index_cast %swap3A_919 : i32 to index
      %swap3A_922 = arith.index_cast %swap3A_920 : i32 to index
      %swap3A_923 = arith.constant 0 : index
      %swap3A_924 = tpu.vector_load %arg13[%swap3A_921, %swap3A_922, %swap3A_923] {strides = array<i32>} : memref<2x16x16xf32, #tpu.memory_space<vmem>>, vector<16xf32>,
      tpu.vector_store %arg13[%swap3A_921, %swap3A_922, %swap3A_923], %mul3A_918 {add = true, strides = array<i32>} : memref<2x16x16xf32, #tpu.memory_space<vmem>>, vector<16xf32>,
      %swap3A_925 = arith.constant 1 : i32
      %swap3A_926 = arith.constant 5 : i32
      %swap3A_927 = arith.index_cast %swap3A_925 : i32 to index
      %swap3A_928 = arith.index_cast %swap3A_926 : i32 to index
      %swap3A_929 = arith.constant 0 : index
      %swap3A_930 = tpu.vector_load %arg13[%swap3A_927, %swap3A_928, %swap3A_929] {strides = array<i32>} : memref<2x16x16xf32, #tpu.memory_space<vmem>>, vector<16xf32>,
      tpu.vector_store %arg13[%swap3A_927, %swap3A_928, %swap3A_929], %select_n3A_917 {add = true, strides = array<i32>} : memref<2x16x16xf32, #tpu.memory_space<vmem>>, vector<16xf32>,
      %eq3A_931 = arith.constant 6 : i32
      %eq3A_932 = vector.broadcast %eq3A_931 : i32 to vector<16xi32>
      %eq3A_933 = arith.cmpi eq, %get3A_804, %eq3A_932 : vector<16xi32>
      %jit3A_934 = arith.constant 1.000000e+00 : f32
      %jit3A_935 = arith.constant 0.000000e+00 : f32
      %broadcast_in_dim3A_936 = vector.broadcast %jit3A_934 : f32 to vector<16xf32>
      %broadcast_in_dim3A_937 = vector.broadcast %jit3A_935 : f32 to vector<16xf32>
      %select_n3A_938 = arith.select %eq3A_933, %broadcast_in_dim3A_936, %broadcast_in_dim3A_937 : vector<16xi1>, vector<16xf32>
      %mul3A_939 = arith.mulf %select_n3A_938, %select_n3A_796 : vector<16xf32>
      %swap3A_940 = arith.constant 0 : i32
      %swap3A_941 = arith.constant 6 : i32
      %swap3A_942 = arith.index_cast %swap3A_940 : i32 to index
      %swap3A_943 = arith.index_cast %swap3A_941 : i32 to index
      %swap3A_944 = arith.constant 0 : index
      %swap3A_945 = tpu.vector_load %arg13[%swap3A_942, %swap3A_943, %swap3A_944] {strides = array<i32>} : memref<2x16x16xf32, #tpu.memory_space<vmem>>, vector<16xf32>,
      tpu.vector_store %arg13[%swap3A_942, %swap3A_943, %swap3A_944], %mul3A_939 {add = true, strides = array<i32>} : memref<2x16x16xf32, #tpu.memory_space<vmem>>, vector<16xf32>,
      %swap3A_946 = arith.constant 1 : i32
      %swap3A_947 = arith.constant 6 : i32
      %swap3A_948 = arith.index_cast %swap3A_946 : i32 to index
      %swap3A_949 = arith.index_cast %swap3A_947 : i32 to index
      %swap3A_950 = arith.constant 0 : index
      %swap3A_951 = tpu.vector_load %arg13[%swap3A_948, %swap3A_949, %swap3A_950] {strides = array<i32>} : memref<2x16x16xf32, #tpu.memory_space<vmem>>, vector<16xf32>,
      tpu.vector_store %arg13[%swap3A_948, %swap3A_949, %swap3A_950], %select_n3A_938 {add = true, strides = array<i32>} : memref<2x16x16xf32, #tpu.memory_space<vmem>>, vector<16xf32>,
      %eq3A_952 = arith.constant 7 : i32
      %eq3A_953 = vector.broadcast %eq3A_952 : i32 to vector<16xi32>
      %eq3A_954 = arith.cmpi eq, %get3A_804, %eq3A_953 : vector<16xi32>
      %jit3A_955 = arith.constant 1.000000e+00 : f32
      %jit3A_956 = arith.constant 0.000000e+00 : f32
      %broadcast_in_dim3A_957 = vector.broadcast %jit3A_955 : f32 to vector<16xf32>
      %broadcast_in_dim3A_958 = vector.broadcast %jit3A_956 : f32 to vector<16xf32>
      %select_n3A_959 = arith.select %eq3A_954, %broadcast_in_dim3A_957, %broadcast_in_dim3A_958 : vector<16xi1>, vector<16xf32>
      %mul3A_960 = arith.mulf %select_n3A_959, %select_n3A_796 : vector<16xf32>
      %swap3A_961 = arith.constant 0 : i32
      %swap3A_962 = arith.constant 7 : i32
      %swap3A_963 = arith.index_cast %swap3A_961 : i32 to index
      %swap3A_964 = arith.index_cast %swap3A_962 : i32 to index
      %swap3A_965 = arith.constant 0 : index
      %swap3A_966 = tpu.vector_load %arg13[%swap3A_963, %swap3A_964, %swap3A_965] {strides = array<i32>} : memref<2x16x16xf32, #tpu.memory_space<vmem>>, vector<16xf32>,
      tpu.vector_store %arg13[%swap3A_963, %swap3A_964, %swap3A_965], %mul3A_960 {add = true, strides = array<i32>} : memref<2x16x16xf32, #tpu.memory_space<vmem>>, vector<16xf32>,
      %swap3A_967 = arith.constant 1 : i32
      %swap3A_968 = arith.constant 7 : i32
      %swap3A_969 = arith.index_cast %swap3A_967 : i32 to index
      %swap3A_970 = arith.index_cast %swap3A_968 : i32 to index
      %swap3A_971 = arith.constant 0 : index
      %swap3A_972 = tpu.vector_load %arg13[%swap3A_969, %swap3A_970, %swap3A_971] {strides = array<i32>} : memref<2x16x16xf32, #tpu.memory_space<vmem>>, vector<16xf32>,
      tpu.vector_store %arg13[%swap3A_969, %swap3A_970, %swap3A_971], %select_n3A_959 {add = true, strides = array<i32>} : memref<2x16x16xf32, #tpu.memory_space<vmem>>, vector<16xf32>,
      %eq3A_973 = arith.constant 8 : i32
      %eq3A_974 = vector.broadcast %eq3A_973 : i32 to vector<16xi32>
      %eq3A_975 = arith.cmpi eq, %get3A_804, %eq3A_974 : vector<16xi32>
      %jit3A_976 = arith.constant 1.000000e+00 : f32
      %jit3A_977 = arith.constant 0.000000e+00 : f32
      %broadcast_in_dim3A_978 = vector.broadcast %jit3A_976 : f32 to vector<16xf32>
      %broadcast_in_dim3A_979 = vector.broadcast %jit3A_977 : f32 to vector<16xf32>
      %select_n3A_980 = arith.select %eq3A_975, %broadcast_in_dim3A_978, %broadcast_in_dim3A_979 : vector<16xi1>, vector<16xf32>
      %mul3A_981 = arith.mulf %select_n3A_980, %select_n3A_796 : vector<16xf32>
      %swap3A_982 = arith.constant 0 : i32
      %swap3A_983 = arith.constant 8 : i32
      %swap3A_984 = arith.index_cast %swap3A_982 : i32 to index
      %swap3A_985 = arith.index_cast %swap3A_983 : i32 to index
      %swap3A_986 = arith.constant 0 : index
      %swap3A_987 = tpu.vector_load %arg13[%swap3A_984, %swap3A_985, %swap3A_986] {strides = array<i32>} : memref<2x16x16xf32, #tpu.memory_space<vmem>>, vector<16xf32>,
      tpu.vector_store %arg13[%swap3A_984, %swap3A_985, %swap3A_986], %mul3A_981 {add = true, strides = array<i32>} : memref<2x16x16xf32, #tpu.memory_space<vmem>>, vector<16xf32>,
      %swap3A_988 = arith.constant 1 : i32
      %swap3A_989 = arith.constant 8 : i32
      %swap3A_990 = arith.index_cast %swap3A_988 : i32 to index
      %swap3A_991 = arith.index_cast %swap3A_989 : i32 to index
      %swap3A_992 = arith.constant 0 : index
      %swap3A_993 = tpu.vector_load %arg13[%swap3A_990, %swap3A_991, %swap3A_992] {strides = array<i32>} : memref<2x16x16xf32, #tpu.memory_space<vmem>>, vector<16xf32>,
      tpu.vector_store %arg13[%swap3A_990, %swap3A_991, %swap3A_992], %select_n3A_980 {add = true, strides = array<i32>} : memref<2x16x16xf32, #tpu.memory_space<vmem>>, vector<16xf32>,
      %eq3A_994 = arith.constant 9 : i32
      %eq3A_995 = vector.broadcast %eq3A_994 : i32 to vector<16xi32>
      %eq3A_996 = arith.cmpi eq, %get3A_804, %eq3A_995 : vector<16xi32>
      %jit3A_997 = arith.constant 1.000000e+00 : f32
      %jit3A_998 = arith.constant 0.000000e+00 : f32
      %broadcast_in_dim3A_999 = vector.broadcast %jit3A_997 : f32 to vector<16xf32>
      %broadcast_in_dim3A_1000 = vector.broadcast %jit3A_998 : f32 to vector<16xf32>
      %select_n3A_1001 = arith.select %eq3A_996, %broadcast_in_dim3A_999, %broadcast_in_dim3A_1000 : vector<16xi1>, vector<16xf32>
      %mul3A_1002 = arith.mulf %select_n3A_1001, %select_n3A_796 : vector<16xf32>
      %swap3A_1003 = arith.constant 0 : i32
      %swap3A_1004 = arith.constant 9 : i32
      %swap3A_1005 = arith.index_cast %swap3A_1003 : i32 to index
      %swap3A_1006 = arith.index_cast %swap3A_1004 : i32 to index
      %swap3A_1007 = arith.constant 0 : index
      %swap3A_1008 = tpu.vector_load %arg13[%swap3A_1005, %swap3A_1006, %swap3A_1007] {strides = array<i32>} : memref<2x16x16xf32, #tpu.memory_space<vmem>>, vector<16xf32>,
      tpu.vector_store %arg13[%swap3A_1005, %swap3A_1006, %swap3A_1007], %mul3A_1002 {add = true, strides = array<i32>} : memref<2x16x16xf32, #tpu.memory_space<vmem>>, vector<16xf32>,
      %swap3A_1009 = arith.constant 1 : i32
      %swap3A_1010 = arith.constant 9 : i32
      %swap3A_1011 = arith.index_cast %swap3A_1009 : i32 to index
      %swap3A_1012 = arith.index_cast %swap3A_1010 : i32 to index
      %swap3A_1013 = arith.constant 0 : index
      %swap3A_1014 = tpu.vector_load %arg13[%swap3A_1011, %swap3A_1012, %swap3A_1013] {strides = array<i32>} : memref<2x16x16xf32, #tpu.memory_space<vmem>>, vector<16xf32>,
      tpu.vector_store %arg13[%swap3A_1011, %swap3A_1012, %swap3A_1013], %select_n3A_1001 {add = true, strides = array<i32>} : memref<2x16x16xf32, #tpu.memory_space<vmem>>, vector<16xf32>,
      %eq3A_1015 = arith.constant 10 : i32
      %eq3A_1016 = vector.broadcast %eq3A_1015 : i32 to vector<16xi32>
      %eq3A_1017 = arith.cmpi eq, %get3A_804, %eq3A_1016 : vector<16xi32>
      %jit3A_1018 = arith.constant 1.000000e+00 : f32
      %jit3A_1019 = arith.constant 0.000000e+00 : f32
      %broadcast_in_dim3A_1020 = vector.broadcast %jit3A_1018 : f32 to vector<16xf32>
      %broadcast_in_dim3A_1021 = vector.broadcast %jit3A_1019 : f32 to vector<16xf32>
      %select_n3A_1022 = arith.select %eq3A_1017, %broadcast_in_dim3A_1020, %broadcast_in_dim3A_1021 : vector<16xi1>, vector<16xf32>
      %mul3A_1023 = arith.mulf %select_n3A_1022, %select_n3A_796 : vector<16xf32>
      %swap3A_1024 = arith.constant 0 : i32
      %swap3A_1025 = arith.constant 10 : i32
      %swap3A_1026 = arith.index_cast %swap3A_1024 : i32 to index
      %swap3A_1027 = arith.index_cast %swap3A_1025 : i32 to index
      %swap3A_1028 = arith.constant 0 : index
      %swap3A_1029 = tpu.vector_load %arg13[%swap3A_1026, %swap3A_1027, %swap3A_1028] {strides = array<i32>} : memref<2x16x16xf32, #tpu.memory_space<vmem>>, vector<16xf32>,
      tpu.vector_store %arg13[%swap3A_1026, %swap3A_1027, %swap3A_1028], %mul3A_1023 {add = true, strides = array<i32>} : memref<2x16x16xf32, #tpu.memory_space<vmem>>, vector<16xf32>,
      %swap3A_1030 = arith.constant 1 : i32
      %swap3A_1031 = arith.constant 10 : i32
      %swap3A_1032 = arith.index_cast %swap3A_1030 : i32 to index
      %swap3A_1033 = arith.index_cast %swap3A_1031 : i32 to index
      %swap3A_1034 = arith.constant 0 : index
      %swap3A_1035 = tpu.vector_load %arg13[%swap3A_1032, %swap3A_1033, %swap3A_1034] {strides = array<i32>} : memref<2x16x16xf32, #tpu.memory_space<vmem>>, vector<16xf32>,
      tpu.vector_store %arg13[%swap3A_1032, %swap3A_1033, %swap3A_1034], %select_n3A_1022 {add = true, strides = array<i32>} : memref<2x16x16xf32, #tpu.memory_space<vmem>>, vector<16xf32>,
      %eq3A_1036 = arith.constant 11 : i32
      %eq3A_1037 = vector.broadcast %eq3A_1036 : i32 to vector<16xi32>
      %eq3A_1038 = arith.cmpi eq, %get3A_804, %eq3A_1037 : vector<16xi32>
      %jit3A_1039 = arith.constant 1.000000e+00 : f32
      %jit3A_1040 = arith.constant 0.000000e+00 : f32
      %broadcast_in_dim3A_1041 = vector.broadcast %jit3A_1039 : f32 to vector<16xf32>
      %broadcast_in_dim3A_1042 = vector.broadcast %jit3A_1040 : f32 to vector<16xf32>
      %select_n3A_1043 = arith.select %eq3A_1038, %broadcast_in_dim3A_1041, %broadcast_in_dim3A_1042 : vector<16xi1>, vector<16xf32>
      %mul3A_1044 = arith.mulf %select_n3A_1043, %select_n3A_796 : vector<16xf32>
      %swap3A_1045 = arith.constant 0 : i32
      %swap3A_1046 = arith.constant 11 : i32
      %swap3A_1047 = arith.index_cast %swap3A_1045 : i32 to index
      %swap3A_1048 = arith.index_cast %swap3A_1046 : i32 to index
      %swap3A_1049 = arith.constant 0 : index
      %swap3A_1050 = tpu.vector_load %arg13[%swap3A_1047, %swap3A_1048, %swap3A_1049] {strides = array<i32>} : memref<2x16x16xf32, #tpu.memory_space<vmem>>, vector<16xf32>,
      tpu.vector_store %arg13[%swap3A_1047, %swap3A_1048, %swap3A_1049], %mul3A_1044 {add = true, strides = array<i32>} : memref<2x16x16xf32, #tpu.memory_space<vmem>>, vector<16xf32>,
      %swap3A_1051 = arith.constant 1 : i32
      %swap3A_1052 = arith.constant 11 : i32
      %swap3A_1053 = arith.index_cast %swap3A_1051 : i32 to index
      %swap3A_1054 = arith.index_cast %swap3A_1052 : i32 to index
      %swap3A_1055 = arith.constant 0 : index
      %swap3A_1056 = tpu.vector_load %arg13[%swap3A_1053, %swap3A_1054, %swap3A_1055] {strides = array<i32>} : memref<2x16x16xf32, #tpu.memory_space<vmem>>, vector<16xf32>,
      tpu.vector_store %arg13[%swap3A_1053, %swap3A_1054, %swap3A_1055], %select_n3A_1043 {add = true, strides = array<i32>} : memref<2x16x16xf32, #tpu.memory_space<vmem>>, vector<16xf32>,
      %eq3A_1057 = arith.constant 12 : i32
      %eq3A_1058 = vector.broadcast %eq3A_1057 : i32 to vector<16xi32>
      %eq3A_1059 = arith.cmpi eq, %get3A_804, %eq3A_1058 : vector<16xi32>
      %jit3A_1060 = arith.constant 1.000000e+00 : f32
      %jit3A_1061 = arith.constant 0.000000e+00 : f32
      %broadcast_in_dim3A_1062 = vector.broadcast %jit3A_1060 : f32 to vector<16xf32>
      %broadcast_in_dim3A_1063 = vector.broadcast %jit3A_1061 : f32 to vector<16xf32>
      %select_n3A_1064 = arith.select %eq3A_1059, %broadcast_in_dim3A_1062, %broadcast_in_dim3A_1063 : vector<16xi1>, vector<16xf32>
      %mul3A_1065 = arith.mulf %select_n3A_1064, %select_n3A_796 : vector<16xf32>
      %swap3A_1066 = arith.constant 0 : i32
      %swap3A_1067 = arith.constant 12 : i32
      %swap3A_1068 = arith.index_cast %swap3A_1066 : i32 to index
      %swap3A_1069 = arith.index_cast %swap3A_1067 : i32 to index
      %swap3A_1070 = arith.constant 0 : index
      %swap3A_1071 = tpu.vector_load %arg13[%swap3A_1068, %swap3A_1069, %swap3A_1070] {strides = array<i32>} : memref<2x16x16xf32, #tpu.memory_space<vmem>>, vector<16xf32>,
      tpu.vector_store %arg13[%swap3A_1068, %swap3A_1069, %swap3A_1070], %mul3A_1065 {add = true, strides = array<i32>} : memref<2x16x16xf32, #tpu.memory_space<vmem>>, vector<16xf32>,
      %swap3A_1072 = arith.constant 1 : i32
      %swap3A_1073 = arith.constant 12 : i32
      %swap3A_1074 = arith.index_cast %swap3A_1072 : i32 to index
      %swap3A_1075 = arith.index_cast %swap3A_1073 : i32 to index
      %swap3A_1076 = arith.constant 0 : index
      %swap3A_1077 = tpu.vector_load %arg13[%swap3A_1074, %swap3A_1075, %swap3A_1076] {strides = array<i32>} : memref<2x16x16xf32, #tpu.memory_space<vmem>>, vector<16xf32>,
      tpu.vector_store %arg13[%swap3A_1074, %swap3A_1075, %swap3A_1076], %select_n3A_1064 {add = true, strides = array<i32>} : memref<2x16x16xf32, #tpu.memory_space<vmem>>, vector<16xf32>,
      %eq3A_1078 = arith.constant 13 : i32
      %eq3A_1079 = vector.broadcast %eq3A_1078 : i32 to vector<16xi32>
      %eq3A_1080 = arith.cmpi eq, %get3A_804, %eq3A_1079 : vector<16xi32>
      %jit3A_1081 = arith.constant 1.000000e+00 : f32
      %jit3A_1082 = arith.constant 0.000000e+00 : f32
      %broadcast_in_dim3A_1083 = vector.broadcast %jit3A_1081 : f32 to vector<16xf32>
      %broadcast_in_dim3A_1084 = vector.broadcast %jit3A_1082 : f32 to vector<16xf32>
      %select_n3A_1085 = arith.select %eq3A_1080, %broadcast_in_dim3A_1083, %broadcast_in_dim3A_1084 : vector<16xi1>, vector<16xf32>
      %mul3A_1086 = arith.mulf %select_n3A_1085, %select_n3A_796 : vector<16xf32>
      %swap3A_1087 = arith.constant 0 : i32
      %swap3A_1088 = arith.constant 13 : i32
      %swap3A_1089 = arith.index_cast %swap3A_1087 : i32 to index
      %swap3A_1090 = arith.index_cast %swap3A_1088 : i32 to index
      %swap3A_1091 = arith.constant 0 : index
      %swap3A_1092 = tpu.vector_load %arg13[%swap3A_1089, %swap3A_1090, %swap3A_1091] {strides = array<i32>} : memref<2x16x16xf32, #tpu.memory_space<vmem>>, vector<16xf32>,
      tpu.vector_store %arg13[%swap3A_1089, %swap3A_1090, %swap3A_1091], %mul3A_1086 {add = true, strides = array<i32>} : memref<2x16x16xf32, #tpu.memory_space<vmem>>, vector<16xf32>,
      %swap3A_1093 = arith.constant 1 : i32
      %swap3A_1094 = arith.constant 13 : i32
      %swap3A_1095 = arith.index_cast %swap3A_1093 : i32 to index
      %swap3A_1096 = arith.index_cast %swap3A_1094 : i32 to index
      %swap3A_1097 = arith.constant 0 : index
      %swap3A_1098 = tpu.vector_load %arg13[%swap3A_1095, %swap3A_1096, %swap3A_1097] {strides = array<i32>} : memref<2x16x16xf32, #tpu.memory_space<vmem>>, vector<16xf32>,
      tpu.vector_store %arg13[%swap3A_1095, %swap3A_1096, %swap3A_1097], %select_n3A_1085 {add = true, strides = array<i32>} : memref<2x16x16xf32, #tpu.memory_space<vmem>>, vector<16xf32>,
      %eq3A_1099 = arith.constant 14 : i32
      %eq3A_1100 = vector.broadcast %eq3A_1099 : i32 to vector<16xi32>
      %eq3A_1101 = arith.cmpi eq, %get3A_804, %eq3A_1100 : vector<16xi32>
      %jit3A_1102 = arith.constant 1.000000e+00 : f32
      %jit3A_1103 = arith.constant 0.000000e+00 : f32
      %broadcast_in_dim3A_1104 = vector.broadcast %jit3A_1102 : f32 to vector<16xf32>
      %broadcast_in_dim3A_1105 = vector.broadcast %jit3A_1103 : f32 to vector<16xf32>
      %select_n3A_1106 = arith.select %eq3A_1101, %broadcast_in_dim3A_1104, %broadcast_in_dim3A_1105 : vector<16xi1>, vector<16xf32>
      %mul3A_1107 = arith.mulf %select_n3A_1106, %select_n3A_796 : vector<16xf32>
      %swap3A_1108 = arith.constant 0 : i32
      %swap3A_1109 = arith.constant 14 : i32
      %swap3A_1110 = arith.index_cast %swap3A_1108 : i32 to index
      %swap3A_1111 = arith.index_cast %swap3A_1109 : i32 to index
      %swap3A_1112 = arith.constant 0 : index
      %swap3A_1113 = tpu.vector_load %arg13[%swap3A_1110, %swap3A_1111, %swap3A_1112] {strides = array<i32>} : memref<2x16x16xf32, #tpu.memory_space<vmem>>, vector<16xf32>,
      tpu.vector_store %arg13[%swap3A_1110, %swap3A_1111, %swap3A_1112], %mul3A_1107 {add = true, strides = array<i32>} : memref<2x16x16xf32, #tpu.memory_space<vmem>>, vector<16xf32>,
      %swap3A_1114 = arith.constant 1 : i32
      %swap3A_1115 = arith.constant 14 : i32
      %swap3A_1116 = arith.index_cast %swap3A_1114 : i32 to index
      %swap3A_1117 = arith.index_cast %swap3A_1115 : i32 to index
      %swap3A_1118 = arith.constant 0 : index
      %swap3A_1119 = tpu.vector_load %arg13[%swap3A_1116, %swap3A_1117, %swap3A_1118] {strides = array<i32>} : memref<2x16x16xf32, #tpu.memory_space<vmem>>, vector<16xf32>,
      tpu.vector_store %arg13[%swap3A_1116, %swap3A_1117, %swap3A_1118], %select_n3A_1106 {add = true, strides = array<i32>} : memref<2x16x16xf32, #tpu.memory_space<vmem>>, vector<16xf32>,
      %eq3A_1120 = arith.constant 15 : i32
      %eq3A_1121 = vector.broadcast %eq3A_1120 : i32 to vector<16xi32>
      %eq3A_1122 = arith.cmpi eq, %get3A_804, %eq3A_1121 : vector<16xi32>
      %jit3A_1123 = arith.constant 1.000000e+00 : f32
      %jit3A_1124 = arith.constant 0.000000e+00 : f32
      %broadcast_in_dim3A_1125 = vector.broadcast %jit3A_1123 : f32 to vector<16xf32>
      %broadcast_in_dim3A_1126 = vector.broadcast %jit3A_1124 : f32 to vector<16xf32>
      %select_n3A_1127 = arith.select %eq3A_1122, %broadcast_in_dim3A_1125, %broadcast_in_dim3A_1126 : vector<16xi1>, vector<16xf32>
      %mul3A_1128 = arith.mulf %select_n3A_1127, %select_n3A_796 : vector<16xf32>
      %swap3A_1129 = arith.constant 0 : i32
      %swap3A_1130 = arith.constant 15 : i32
      %swap3A_1131 = arith.index_cast %swap3A_1129 : i32 to index
      %swap3A_1132 = arith.index_cast %swap3A_1130 : i32 to index
      %swap3A_1133 = arith.constant 0 : index
      %swap3A_1134 = tpu.vector_load %arg13[%swap3A_1131, %swap3A_1132, %swap3A_1133] {strides = array<i32>} : memref<2x16x16xf32, #tpu.memory_space<vmem>>, vector<16xf32>,
      tpu.vector_store %arg13[%swap3A_1131, %swap3A_1132, %swap3A_1133], %mul3A_1128 {add = true, strides = array<i32>} : memref<2x16x16xf32, #tpu.memory_space<vmem>>, vector<16xf32>,
      %swap3A_1135 = arith.constant 1 : i32
      %swap3A_1136 = arith.constant 15 : i32
      %swap3A_1137 = arith.index_cast %swap3A_1135 : i32 to index
      %swap3A_1138 = arith.index_cast %swap3A_1136 : i32 to index
      %swap3A_1139 = arith.constant 0 : index
      %swap3A_1140 = tpu.vector_load %arg13[%swap3A_1137, %swap3A_1138, %swap3A_1139] {strides = array<i32>} : memref<2x16x16xf32, #tpu.memory_space<vmem>>, vector<16xf32>,
      tpu.vector_store %arg13[%swap3A_1137, %swap3A_1138, %swap3A_1139], %select_n3A_1127 {add = true, strides = array<i32>} : memref<2x16x16xf32, #tpu.memory_space<vmem>>, vector<16xf32>,
      %while3A_1141 = arith.constant 0 : i32
      scf.yield %while3A_1141 : i32
    }
    %while3A_273 = arith.constant 1 : i32
    %while3A_274 = scf.for %while3A_780 = %while3A_270 to %while3A_266 step %while3A_273 iter_args(%while3A_781 = %while3A_272) -> (i32)  : i32 {
      %mul3A_782 = arith.constant 16 : i32
      %mul3A_783 = arith.muli %while3A_780, %mul3A_782 : i32
      %get3A_784 = arith.index_cast %mul3A_783 : i32 to index
      %get3A_785 = tpu.vector_load %arg9[%get3A_784] {strides = array<i32>} : memref<6256xf32, #tpu.memory_space<vmem>>, vector<16xf32>,
      %mul3A_786 = arith.constant 16 : i32
      %mul3A_787 = arith.muli %while3A_780, %mul3A_786 : i32
      %get3A_788 = arith.index_cast %mul3A_787 : i32 to index
      %get3A_789 = tpu.vector_load %arg10[%get3A_788] {strides = array<i32>} : memref<6256xf32, #tpu.memory_space<vmem>>, vector<16xf32>,
      %add3A = arith.addf %get3A_785, %get3A_789 : vector<16xf32>
      %gt3A = arith.constant 0.000000e+00 : f32
      %gt3A_790 = vector.broadcast %gt3A : f32 to vector<16xf32>
      %gt3A_791 = arith.cmpf ogt, %add3A, %gt3A_790 : vector<16xf32>
      %jit3A_792 = arith.constant 1.000000e+00 : f32
      %jit3A_793 = arith.constant 0.000000e+00 : f32
      %broadcast_in_dim3A_794 = vector.broadcast %jit3A_792 : f32 to vector<16xf32>
      %broadcast_in_dim3A_795 = vector.broadcast %jit3A_793 : f32 to vector<16xf32>
      %select_n3A_796 = arith.select %gt3A_791, %broadcast_in_dim3A_794, %broadcast_in_dim3A_795 : vector<16xi1>, vector<16xf32>
      %mul3A_797 = arith.constant 16 : i32
      %mul3A_798 = arith.muli %while3A_780, %mul3A_797 : i32
      %swap3A_799 = arith.index_cast %mul3A_798 : i32 to index
      %swap3A_800 = tpu.vector_load %arg12[%swap3A_799] {strides = array<i32>} : memref<6256xf32, #tpu.memory_space<vmem>>, vector<16xf32>,
      tpu.vector_store %arg12[%swap3A_799], %select_n3A_796 {strides = array<i32>} : memref<6256xf32, #tpu.memory_space<vmem>>, vector<16xf32>,
      %mul3A_801 = arith.constant 16 : i32
      %mul3A_802 = arith.muli %while3A_780, %mul3A_801 : i32
      %get3A_803 = arith.index_cast %mul3A_802 : i32 to index
      %get3A_804 = tpu.vector_load %arg11[%get3A_803] {strides = array<i32>} : memref<6256xi32, #tpu.memory_space<vmem>>, vector<16xi32>,
      %eq3A_805 = arith.constant 0 : i32
      %eq3A_806 = vector.broadcast %eq3A_805 : i32 to vector<16xi32>
      %eq3A_807 = arith.cmpi eq, %get3A_804, %eq3A_806 : vector<16xi32>
      %jit3A_808 = arith.constant 1.000000e+00 : f32
      %jit3A_809 = arith.constant 0.000000e+00 : f32
      %broadcast_in_dim3A_810 = vector.broadcast %jit3A_808 : f32 to vector<16xf32>
      %broadcast_in_dim3A_811 = vector.broadcast %jit3A_809 : f32 to vector<16xf32>
      %select_n3A_812 = arith.select %eq3A_807, %broadcast_in_dim3A_810, %broadcast_in_dim3A_811 : vector<16xi1>, vector<16xf32>
      %mul3A_813 = arith.mulf %select_n3A_812, %select_n3A_796 : vector<16xf32>
      %swap3A_814 = arith.constant 0 : i32
      %swap3A_815 = arith.constant 0 : i32
      %swap3A_816 = arith.index_cast %swap3A_814 : i32 to index
      %swap3A_817 = arith.index_cast %swap3A_815 : i32 to index
      %swap3A_818 = arith.constant 0 : index
      %swap3A_819 = tpu.vector_load %arg13[%swap3A_816, %swap3A_817, %swap3A_818] {strides = array<i32>} : memref<2x16x16xf32, #tpu.memory_space<vmem>>, vector<16xf32>,
      tpu.vector_store %arg13[%swap3A_816, %swap3A_817, %swap3A_818], %mul3A_813 {add = true, strides = array<i32>} : memref<2x16x16xf32, #tpu.memory_space<vmem>>, vector<16xf32>,
      %swap3A_820 = arith.constant 1 : i32
      %swap3A_821 = arith.constant 0 : i32
      %swap3A_822 = arith.index_cast %swap3A_820 : i32 to index
      %swap3A_823 = arith.index_cast %swap3A_821 : i32 to index
      %swap3A_824 = arith.constant 0 : index
      %swap3A_825 = tpu.vector_load %arg13[%swap3A_822, %swap3A_823, %swap3A_824] {strides = array<i32>} : memref<2x16x16xf32, #tpu.memory_space<vmem>>, vector<16xf32>,
      tpu.vector_store %arg13[%swap3A_822, %swap3A_823, %swap3A_824], %select_n3A_812 {add = true, strides = array<i32>} : memref<2x16x16xf32, #tpu.memory_space<vmem>>, vector<16xf32>,
      %eq3A_826 = arith.constant 1 : i32
      %eq3A_827 = vector.broadcast %eq3A_826 : i32 to vector<16xi32>
      %eq3A_828 = arith.cmpi eq, %get3A_804, %eq3A_827 : vector<16xi32>
      %jit3A_829 = arith.constant 1.000000e+00 : f32
      %jit3A_830 = arith.constant 0.000000e+00 : f32
      %broadcast_in_dim3A_831 = vector.broadcast %jit3A_829 : f32 to vector<16xf32>
      %broadcast_in_dim3A_832 = vector.broadcast %jit3A_830 : f32 to vector<16xf32>
      %select_n3A_833 = arith.select %eq3A_828, %broadcast_in_dim3A_831, %broadcast_in_dim3A_832 : vector<16xi1>, vector<16xf32>
      %mul3A_834 = arith.mulf %select_n3A_833, %select_n3A_796 : vector<16xf32>
      %swap3A_835 = arith.constant 0 : i32
      %swap3A_836 = arith.constant 1 : i32
      %swap3A_837 = arith.index_cast %swap3A_835 : i32 to index
      %swap3A_838 = arith.index_cast %swap3A_836 : i32 to index
      %swap3A_839 = arith.constant 0 : index
      %swap3A_840 = tpu.vector_load %arg13[%swap3A_837, %swap3A_838, %swap3A_839] {strides = array<i32>} : memref<2x16x16xf32, #tpu.memory_space<vmem>>, vector<16xf32>,
      tpu.vector_store %arg13[%swap3A_837, %swap3A_838, %swap3A_839], %mul3A_834 {add = true, strides = array<i32>} : memref<2x16x16xf32, #tpu.memory_space<vmem>>, vector<16xf32>,
      %swap3A_841 = arith.constant 1 : i32
      %swap3A_842 = arith.constant 1 : i32
      %swap3A_843 = arith.index_cast %swap3A_841 : i32 to index
      %swap3A_844 = arith.index_cast %swap3A_842 : i32 to index
      %swap3A_845 = arith.constant 0 : index
      %swap3A_846 = tpu.vector_load %arg13[%swap3A_843, %swap3A_844, %swap3A_845] {strides = array<i32>} : memref<2x16x16xf32, #tpu.memory_space<vmem>>, vector<16xf32>,
      tpu.vector_store %arg13[%swap3A_843, %swap3A_844, %swap3A_845], %select_n3A_833 {add = true, strides = array<i32>} : memref<2x16x16xf32, #tpu.memory_space<vmem>>, vector<16xf32>,
      %eq3A_847 = arith.constant 2 : i32
      %eq3A_848 = vector.broadcast %eq3A_847 : i32 to vector<16xi32>
      %eq3A_849 = arith.cmpi eq, %get3A_804, %eq3A_848 : vector<16xi32>
      %jit3A_850 = arith.constant 1.000000e+00 : f32
      %jit3A_851 = arith.constant 0.000000e+00 : f32
      %broadcast_in_dim3A_852 = vector.broadcast %jit3A_850 : f32 to vector<16xf32>
      %broadcast_in_dim3A_853 = vector.broadcast %jit3A_851 : f32 to vector<16xf32>
      %select_n3A_854 = arith.select %eq3A_849, %broadcast_in_dim3A_852, %broadcast_in_dim3A_853 : vector<16xi1>, vector<16xf32>
      %mul3A_855 = arith.mulf %select_n3A_854, %select_n3A_796 : vector<16xf32>
      %swap3A_856 = arith.constant 0 : i32
      %swap3A_857 = arith.constant 2 : i32
      %swap3A_858 = arith.index_cast %swap3A_856 : i32 to index
      %swap3A_859 = arith.index_cast %swap3A_857 : i32 to index
      %swap3A_860 = arith.constant 0 : index
      %swap3A_861 = tpu.vector_load %arg13[%swap3A_858, %swap3A_859, %swap3A_860] {strides = array<i32>} : memref<2x16x16xf32, #tpu.memory_space<vmem>>, vector<16xf32>,
      tpu.vector_store %arg13[%swap3A_858, %swap3A_859, %swap3A_860], %mul3A_855 {add = true, strides = array<i32>} : memref<2x16x16xf32, #tpu.memory_space<vmem>>, vector<16xf32>,
      %swap3A_862 = arith.constant 1 : i32
      %swap3A_863 = arith.constant 2 : i32
      %swap3A_864 = arith.index_cast %swap3A_862 : i32 to index
      %swap3A_865 = arith.index_cast %swap3A_863 : i32 to index
      %swap3A_866 = arith.constant 0 : index
      %swap3A_867 = tpu.vector_load %arg13[%swap3A_864, %swap3A_865, %swap3A_866] {strides = array<i32>} : memref<2x16x16xf32, #tpu.memory_space<vmem>>, vector<16xf32>,
      tpu.vector_store %arg13[%swap3A_864, %swap3A_865, %swap3A_866], %select_n3A_854 {add = true, strides = array<i32>} : memref<2x16x16xf32, #tpu.memory_space<vmem>>, vector<16xf32>,
      %eq3A_868 = arith.constant 3 : i32
      %eq3A_869 = vector.broadcast %eq3A_868 : i32 to vector<16xi32>
      %eq3A_870 = arith.cmpi eq, %get3A_804, %eq3A_869 : vector<16xi32>
      %jit3A_871 = arith.constant 1.000000e+00 : f32
      %jit3A_872 = arith.constant 0.000000e+00 : f32
      %broadcast_in_dim3A_873 = vector.broadcast %jit3A_871 : f32 to vector<16xf32>
      %broadcast_in_dim3A_874 = vector.broadcast %jit3A_872 : f32 to vector<16xf32>
      %select_n3A_875 = arith.select %eq3A_870, %broadcast_in_dim3A_873, %broadcast_in_dim3A_874 : vector<16xi1>, vector<16xf32>
      %mul3A_876 = arith.mulf %select_n3A_875, %select_n3A_796 : vector<16xf32>
      %swap3A_877 = arith.constant 0 : i32
      %swap3A_878 = arith.constant 3 : i32
      %swap3A_879 = arith.index_cast %swap3A_877 : i32 to index
      %swap3A_880 = arith.index_cast %swap3A_878 : i32 to index
      %swap3A_881 = arith.constant 0 : index
      %swap3A_882 = tpu.vector_load %arg13[%swap3A_879, %swap3A_880, %swap3A_881] {strides = array<i32>} : memref<2x16x16xf32, #tpu.memory_space<vmem>>, vector<16xf32>,
      tpu.vector_store %arg13[%swap3A_879, %swap3A_880, %swap3A_881], %mul3A_876 {add = true, strides = array<i32>} : memref<2x16x16xf32, #tpu.memory_space<vmem>>, vector<16xf32>,
      %swap3A_883 = arith.constant 1 : i32
      %swap3A_884 = arith.constant 3 : i32
      %swap3A_885 = arith.index_cast %swap3A_883 : i32 to index
      %swap3A_886 = arith.index_cast %swap3A_884 : i32 to index
      %swap3A_887 = arith.constant 0 : index
      %swap3A_888 = tpu.vector_load %arg13[%swap3A_885, %swap3A_886, %swap3A_887] {strides = array<i32>} : memref<2x16x16xf32, #tpu.memory_space<vmem>>, vector<16xf32>,
      tpu.vector_store %arg13[%swap3A_885, %swap3A_886, %swap3A_887], %select_n3A_875 {add = true, strides = array<i32>} : memref<2x16x16xf32, #tpu.memory_space<vmem>>, vector<16xf32>,
      %eq3A_889 = arith.constant 4 : i32
      %eq3A_890 = vector.broadcast %eq3A_889 : i32 to vector<16xi32>
      %eq3A_891 = arith.cmpi eq, %get3A_804, %eq3A_890 : vector<16xi32>
      %jit3A_892 = arith.constant 1.000000e+00 : f32
      %jit3A_893 = arith.constant 0.000000e+00 : f32
      %broadcast_in_dim3A_894 = vector.broadcast %jit3A_892 : f32 to vector<16xf32>
      %broadcast_in_dim3A_895 = vector.broadcast %jit3A_893 : f32 to vector<16xf32>
      %select_n3A_896 = arith.select %eq3A_891, %broadcast_in_dim3A_894, %broadcast_in_dim3A_895 : vector<16xi1>, vector<16xf32>
      %mul3A_897 = arith.mulf %select_n3A_896, %select_n3A_796 : vector<16xf32>
      %swap3A_898 = arith.constant 0 : i32
      %swap3A_899 = arith.constant 4 : i32
      %swap3A_900 = arith.index_cast %swap3A_898 : i32 to index
      %swap3A_901 = arith.index_cast %swap3A_899 : i32 to index
      %swap3A_902 = arith.constant 0 : index
      %swap3A_903 = tpu.vector_load %arg13[%swap3A_900, %swap3A_901, %swap3A_902] {strides = array<i32>} : memref<2x16x16xf32, #tpu.memory_space<vmem>>, vector<16xf32>,
      tpu.vector_store %arg13[%swap3A_900, %swap3A_901, %swap3A_902], %mul3A_897 {add = true, strides = array<i32>} : memref<2x16x16xf32, #tpu.memory_space<vmem>>, vector<16xf32>,
      %swap3A_904 = arith.constant 1 : i32
      %swap3A_905 = arith.constant 4 : i32
      %swap3A_906 = arith.index_cast %swap3A_904 : i32 to index
      %swap3A_907 = arith.index_cast %swap3A_905 : i32 to index
      %swap3A_908 = arith.constant 0 : index
      %swap3A_909 = tpu.vector_load %arg13[%swap3A_906, %swap3A_907, %swap3A_908] {strides = array<i32>} : memref<2x16x16xf32, #tpu.memory_space<vmem>>, vector<16xf32>,
      tpu.vector_store %arg13[%swap3A_906, %swap3A_907, %swap3A_908], %select_n3A_896 {add = true, strides = array<i32>} : memref<2x16x16xf32, #tpu.memory_space<vmem>>, vector<16xf32>,
      %eq3A_910 = arith.constant 5 : i32
      %eq3A_911 = vector.broadcast %eq3A_910 : i32 to vector<16xi32>
      %eq3A_912 = arith.cmpi eq, %get3A_804, %eq3A_911 : vector<16xi32>
      %jit3A_913 = arith.constant 1.000000e+00 : f32
      %jit3A_914 = arith.constant 0.000000e+00 : f32
      %broadcast_in_dim3A_915 = vector.broadcast %jit3A_913 : f32 to vector<16xf32>
      %broadcast_in_dim3A_916 = vector.broadcast %jit3A_914 : f32 to vector<16xf32>
      %select_n3A_917 = arith.select %eq3A_912, %broadcast_in_dim3A_915, %broadcast_in_dim3A_916 : vector<16xi1>, vector<16xf32>
      %mul3A_918 = arith.mulf %select_n3A_917, %select_n3A_796 : vector<16xf32>
      %swap3A_919 = arith.constant 0 : i32
      %swap3A_920 = arith.constant 5 : i32
      %swap3A_921 = arith.index_cast %swap3A_919 : i32 to index
      %swap3A_922 = arith.index_cast %swap3A_920 : i32 to index
      %swap3A_923 = arith.constant 0 : index
      %swap3A_924 = tpu.vector_load %arg13[%swap3A_921, %swap3A_922, %swap3A_923] {strides = array<i32>} : memref<2x16x16xf32, #tpu.memory_space<vmem>>, vector<16xf32>,
      tpu.vector_store %arg13[%swap3A_921, %swap3A_922, %swap3A_923], %mul3A_918 {add = true, strides = array<i32>} : memref<2x16x16xf32, #tpu.memory_space<vmem>>, vector<16xf32>,
      %swap3A_925 = arith.constant 1 : i32
      %swap3A_926 = arith.constant 5 : i32
      %swap3A_927 = arith.index_cast %swap3A_925 : i32 to index
      %swap3A_928 = arith.index_cast %swap3A_926 : i32 to index
      %swap3A_929 = arith.constant 0 : index
      %swap3A_930 = tpu.vector_load %arg13[%swap3A_927, %swap3A_928, %swap3A_929] {strides = array<i32>} : memref<2x16x16xf32, #tpu.memory_space<vmem>>, vector<16xf32>,
      tpu.vector_store %arg13[%swap3A_927, %swap3A_928, %swap3A_929], %select_n3A_917 {add = true, strides = array<i32>} : memref<2x16x16xf32, #tpu.memory_space<vmem>>, vector<16xf32>,
      %eq3A_931 = arith.constant 6 : i32
      %eq3A_932 = vector.broadcast %eq3A_931 : i32 to vector<16xi32>
      %eq3A_933 = arith.cmpi eq, %get3A_804, %eq3A_932 : vector<16xi32>
      %jit3A_934 = arith.constant 1.000000e+00 : f32
      %jit3A_935 = arith.constant 0.000000e+00 : f32
      %broadcast_in_dim3A_936 = vector.broadcast %jit3A_934 : f32 to vector<16xf32>
      %broadcast_in_dim3A_937 = vector.broadcast %jit3A_935 : f32 to vector<16xf32>
      %select_n3A_938 = arith.select %eq3A_933, %broadcast_in_dim3A_936, %broadcast_in_dim3A_937 : vector<16xi1>, vector<16xf32>
      %mul3A_939 = arith.mulf %select_n3A_938, %select_n3A_796 : vector<16xf32>
      %swap3A_940 = arith.constant 0 : i32
      %swap3A_941 = arith.constant 6 : i32
      %swap3A_942 = arith.index_cast %swap3A_940 : i32 to index
      %swap3A_943 = arith.index_cast %swap3A_941 : i32 to index
      %swap3A_944 = arith.constant 0 : index
      %swap3A_945 = tpu.vector_load %arg13[%swap3A_942, %swap3A_943, %swap3A_944] {strides = array<i32>} : memref<2x16x16xf32, #tpu.memory_space<vmem>>, vector<16xf32>,
      tpu.vector_store %arg13[%swap3A_942, %swap3A_943, %swap3A_944], %mul3A_939 {add = true, strides = array<i32>} : memref<2x16x16xf32, #tpu.memory_space<vmem>>, vector<16xf32>,
      %swap3A_946 = arith.constant 1 : i32
      %swap3A_947 = arith.constant 6 : i32
      %swap3A_948 = arith.index_cast %swap3A_946 : i32 to index
      %swap3A_949 = arith.index_cast %swap3A_947 : i32 to index
      %swap3A_950 = arith.constant 0 : index
      %swap3A_951 = tpu.vector_load %arg13[%swap3A_948, %swap3A_949, %swap3A_950] {strides = array<i32>} : memref<2x16x16xf32, #tpu.memory_space<vmem>>, vector<16xf32>,
      tpu.vector_store %arg13[%swap3A_948, %swap3A_949, %swap3A_950], %select_n3A_938 {add = true, strides = array<i32>} : memref<2x16x16xf32, #tpu.memory_space<vmem>>, vector<16xf32>,
      %eq3A_952 = arith.constant 7 : i32
      %eq3A_953 = vector.broadcast %eq3A_952 : i32 to vector<16xi32>
      %eq3A_954 = arith.cmpi eq, %get3A_804, %eq3A_953 : vector<16xi32>
      %jit3A_955 = arith.constant 1.000000e+00 : f32
      %jit3A_956 = arith.constant 0.000000e+00 : f32
      %broadcast_in_dim3A_957 = vector.broadcast %jit3A_955 : f32 to vector<16xf32>
      %broadcast_in_dim3A_958 = vector.broadcast %jit3A_956 : f32 to vector<16xf32>
      %select_n3A_959 = arith.select %eq3A_954, %broadcast_in_dim3A_957, %broadcast_in_dim3A_958 : vector<16xi1>, vector<16xf32>
      %mul3A_960 = arith.mulf %select_n3A_959, %select_n3A_796 : vector<16xf32>
      %swap3A_961 = arith.constant 0 : i32
      %swap3A_962 = arith.constant 7 : i32
      %swap3A_963 = arith.index_cast %swap3A_961 : i32 to index
      %swap3A_964 = arith.index_cast %swap3A_962 : i32 to index
      %swap3A_965 = arith.constant 0 : index
      %swap3A_966 = tpu.vector_load %arg13[%swap3A_963, %swap3A_964, %swap3A_965] {strides = array<i32>} : memref<2x16x16xf32, #tpu.memory_space<vmem>>, vector<16xf32>,
      tpu.vector_store %arg13[%swap3A_963, %swap3A_964, %swap3A_965], %mul3A_960 {add = true, strides = array<i32>} : memref<2x16x16xf32, #tpu.memory_space<vmem>>, vector<16xf32>,
      %swap3A_967 = arith.constant 1 : i32
      %swap3A_968 = arith.constant 7 : i32
      %swap3A_969 = arith.index_cast %swap3A_967 : i32 to index
      %swap3A_970 = arith.index_cast %swap3A_968 : i32 to index
      %swap3A_971 = arith.constant 0 : index
      %swap3A_972 = tpu.vector_load %arg13[%swap3A_969, %swap3A_970, %swap3A_971] {strides = array<i32>} : memref<2x16x16xf32, #tpu.memory_space<vmem>>, vector<16xf32>,
      tpu.vector_store %arg13[%swap3A_969, %swap3A_970, %swap3A_971], %select_n3A_959 {add = true, strides = array<i32>} : memref<2x16x16xf32, #tpu.memory_space<vmem>>, vector<16xf32>,
      %eq3A_973 = arith.constant 8 : i32
      %eq3A_974 = vector.broadcast %eq3A_973 : i32 to vector<16xi32>
      %eq3A_975 = arith.cmpi eq, %get3A_804, %eq3A_974 : vector<16xi32>
      %jit3A_976 = arith.constant 1.000000e+00 : f32
      %jit3A_977 = arith.constant 0.000000e+00 : f32
      %broadcast_in_dim3A_978 = vector.broadcast %jit3A_976 : f32 to vector<16xf32>
      %broadcast_in_dim3A_979 = vector.broadcast %jit3A_977 : f32 to vector<16xf32>
      %select_n3A_980 = arith.select %eq3A_975, %broadcast_in_dim3A_978, %broadcast_in_dim3A_979 : vector<16xi1>, vector<16xf32>
      %mul3A_981 = arith.mulf %select_n3A_980, %select_n3A_796 : vector<16xf32>
      %swap3A_982 = arith.constant 0 : i32
      %swap3A_983 = arith.constant 8 : i32
      %swap3A_984 = arith.index_cast %swap3A_982 : i32 to index
      %swap3A_985 = arith.index_cast %swap3A_983 : i32 to index
      %swap3A_986 = arith.constant 0 : index
      %swap3A_987 = tpu.vector_load %arg13[%swap3A_984, %swap3A_985, %swap3A_986] {strides = array<i32>} : memref<2x16x16xf32, #tpu.memory_space<vmem>>, vector<16xf32>,
      tpu.vector_store %arg13[%swap3A_984, %swap3A_985, %swap3A_986], %mul3A_981 {add = true, strides = array<i32>} : memref<2x16x16xf32, #tpu.memory_space<vmem>>, vector<16xf32>,
      %swap3A_988 = arith.constant 1 : i32
      %swap3A_989 = arith.constant 8 : i32
      %swap3A_990 = arith.index_cast %swap3A_988 : i32 to index
      %swap3A_991 = arith.index_cast %swap3A_989 : i32 to index
      %swap3A_992 = arith.constant 0 : index
      %swap3A_993 = tpu.vector_load %arg13[%swap3A_990, %swap3A_991, %swap3A_992] {strides = array<i32>} : memref<2x16x16xf32, #tpu.memory_space<vmem>>, vector<16xf32>,
      tpu.vector_store %arg13[%swap3A_990, %swap3A_991, %swap3A_992], %select_n3A_980 {add = true, strides = array<i32>} : memref<2x16x16xf32, #tpu.memory_space<vmem>>, vector<16xf32>,
      %eq3A_994 = arith.constant 9 : i32
      %eq3A_995 = vector.broadcast %eq3A_994 : i32 to vector<16xi32>
      %eq3A_996 = arith.cmpi eq, %get3A_804, %eq3A_995 : vector<16xi32>
      %jit3A_997 = arith.constant 1.000000e+00 : f32
      %jit3A_998 = arith.constant 0.000000e+00 : f32
      %broadcast_in_dim3A_999 = vector.broadcast %jit3A_997 : f32 to vector<16xf32>
      %broadcast_in_dim3A_1000 = vector.broadcast %jit3A_998 : f32 to vector<16xf32>
      %select_n3A_1001 = arith.select %eq3A_996, %broadcast_in_dim3A_999, %broadcast_in_dim3A_1000 : vector<16xi1>, vector<16xf32>
      %mul3A_1002 = arith.mulf %select_n3A_1001, %select_n3A_796 : vector<16xf32>
      %swap3A_1003 = arith.constant 0 : i32
      %swap3A_1004 = arith.constant 9 : i32
      %swap3A_1005 = arith.index_cast %swap3A_1003 : i32 to index
      %swap3A_1006 = arith.index_cast %swap3A_1004 : i32 to index
      %swap3A_1007 = arith.constant 0 : index
      %swap3A_1008 = tpu.vector_load %arg13[%swap3A_1005, %swap3A_1006, %swap3A_1007] {strides = array<i32>} : memref<2x16x16xf32, #tpu.memory_space<vmem>>, vector<16xf32>,
      tpu.vector_store %arg13[%swap3A_1005, %swap3A_1006, %swap3A_1007], %mul3A_1002 {add = true, strides = array<i32>} : memref<2x16x16xf32, #tpu.memory_space<vmem>>, vector<16xf32>,
      %swap3A_1009 = arith.constant 1 : i32
      %swap3A_1010 = arith.constant 9 : i32
      %swap3A_1011 = arith.index_cast %swap3A_1009 : i32 to index
      %swap3A_1012 = arith.index_cast %swap3A_1010 : i32 to index
      %swap3A_1013 = arith.constant 0 : index
      %swap3A_1014 = tpu.vector_load %arg13[%swap3A_1011, %swap3A_1012, %swap3A_1013] {strides = array<i32>} : memref<2x16x16xf32, #tpu.memory_space<vmem>>, vector<16xf32>,
      tpu.vector_store %arg13[%swap3A_1011, %swap3A_1012, %swap3A_1013], %select_n3A_1001 {add = true, strides = array<i32>} : memref<2x16x16xf32, #tpu.memory_space<vmem>>, vector<16xf32>,
      %eq3A_1015 = arith.constant 10 : i32
      %eq3A_1016 = vector.broadcast %eq3A_1015 : i32 to vector<16xi32>
      %eq3A_1017 = arith.cmpi eq, %get3A_804, %eq3A_1016 : vector<16xi32>
      %jit3A_1018 = arith.constant 1.000000e+00 : f32
      %jit3A_1019 = arith.constant 0.000000e+00 : f32
      %broadcast_in_dim3A_1020 = vector.broadcast %jit3A_1018 : f32 to vector<16xf32>
      %broadcast_in_dim3A_1021 = vector.broadcast %jit3A_1019 : f32 to vector<16xf32>
      %select_n3A_1022 = arith.select %eq3A_1017, %broadcast_in_dim3A_1020, %broadcast_in_dim3A_1021 : vector<16xi1>, vector<16xf32>
      %mul3A_1023 = arith.mulf %select_n3A_1022, %select_n3A_796 : vector<16xf32>
      %swap3A_1024 = arith.constant 0 : i32
      %swap3A_1025 = arith.constant 10 : i32
      %swap3A_1026 = arith.index_cast %swap3A_1024 : i32 to index
      %swap3A_1027 = arith.index_cast %swap3A_1025 : i32 to index
      %swap3A_1028 = arith.constant 0 : index
      %swap3A_1029 = tpu.vector_load %arg13[%swap3A_1026, %swap3A_1027, %swap3A_1028] {strides = array<i32>} : memref<2x16x16xf32, #tpu.memory_space<vmem>>, vector<16xf32>,
      tpu.vector_store %arg13[%swap3A_1026, %swap3A_1027, %swap3A_1028], %mul3A_1023 {add = true, strides = array<i32>} : memref<2x16x16xf32, #tpu.memory_space<vmem>>, vector<16xf32>,
      %swap3A_1030 = arith.constant 1 : i32
      %swap3A_1031 = arith.constant 10 : i32
      %swap3A_1032 = arith.index_cast %swap3A_1030 : i32 to index
      %swap3A_1033 = arith.index_cast %swap3A_1031 : i32 to index
      %swap3A_1034 = arith.constant 0 : index
      %swap3A_1035 = tpu.vector_load %arg13[%swap3A_1032, %swap3A_1033, %swap3A_1034] {strides = array<i32>} : memref<2x16x16xf32, #tpu.memory_space<vmem>>, vector<16xf32>,
      tpu.vector_store %arg13[%swap3A_1032, %swap3A_1033, %swap3A_1034], %select_n3A_1022 {add = true, strides = array<i32>} : memref<2x16x16xf32, #tpu.memory_space<vmem>>, vector<16xf32>,
      %eq3A_1036 = arith.constant 11 : i32
      %eq3A_1037 = vector.broadcast %eq3A_1036 : i32 to vector<16xi32>
      %eq3A_1038 = arith.cmpi eq, %get3A_804, %eq3A_1037 : vector<16xi32>
      %jit3A_1039 = arith.constant 1.000000e+00 : f32
      %jit3A_1040 = arith.constant 0.000000e+00 : f32
      %broadcast_in_dim3A_1041 = vector.broadcast %jit3A_1039 : f32 to vector<16xf32>
      %broadcast_in_dim3A_1042 = vector.broadcast %jit3A_1040 : f32 to vector<16xf32>
      %select_n3A_1043 = arith.select %eq3A_1038, %broadcast_in_dim3A_1041, %broadcast_in_dim3A_1042 : vector<16xi1>, vector<16xf32>
      %mul3A_1044 = arith.mulf %select_n3A_1043, %select_n3A_796 : vector<16xf32>
      %swap3A_1045 = arith.constant 0 : i32
      %swap3A_1046 = arith.constant 11 : i32
      %swap3A_1047 = arith.index_cast %swap3A_1045 : i32 to index
      %swap3A_1048 = arith.index_cast %swap3A_1046 : i32 to index
      %swap3A_1049 = arith.constant 0 : index
      %swap3A_1050 = tpu.vector_load %arg13[%swap3A_1047, %swap3A_1048, %swap3A_1049] {strides = array<i32>} : memref<2x16x16xf32, #tpu.memory_space<vmem>>, vector<16xf32>,
      tpu.vector_store %arg13[%swap3A_1047, %swap3A_1048, %swap3A_1049], %mul3A_1044 {add = true, strides = array<i32>} : memref<2x16x16xf32, #tpu.memory_space<vmem>>, vector<16xf32>,
      %swap3A_1051 = arith.constant 1 : i32
      %swap3A_1052 = arith.constant 11 : i32
      %swap3A_1053 = arith.index_cast %swap3A_1051 : i32 to index
      %swap3A_1054 = arith.index_cast %swap3A_1052 : i32 to index
      %swap3A_1055 = arith.constant 0 : index
      %swap3A_1056 = tpu.vector_load %arg13[%swap3A_1053, %swap3A_1054, %swap3A_1055] {strides = array<i32>} : memref<2x16x16xf32, #tpu.memory_space<vmem>>, vector<16xf32>,
      tpu.vector_store %arg13[%swap3A_1053, %swap3A_1054, %swap3A_1055], %select_n3A_1043 {add = true, strides = array<i32>} : memref<2x16x16xf32, #tpu.memory_space<vmem>>, vector<16xf32>,
      %eq3A_1057 = arith.constant 12 : i32
      %eq3A_1058 = vector.broadcast %eq3A_1057 : i32 to vector<16xi32>
      %eq3A_1059 = arith.cmpi eq, %get3A_804, %eq3A_1058 : vector<16xi32>
      %jit3A_1060 = arith.constant 1.000000e+00 : f32
      %jit3A_1061 = arith.constant 0.000000e+00 : f32
      %broadcast_in_dim3A_1062 = vector.broadcast %jit3A_1060 : f32 to vector<16xf32>
      %broadcast_in_dim3A_1063 = vector.broadcast %jit3A_1061 : f32 to vector<16xf32>
      %select_n3A_1064 = arith.select %eq3A_1059, %broadcast_in_dim3A_1062, %broadcast_in_dim3A_1063 : vector<16xi1>, vector<16xf32>
      %mul3A_1065 = arith.mulf %select_n3A_1064, %select_n3A_796 : vector<16xf32>
      %swap3A_1066 = arith.constant 0 : i32
      %swap3A_1067 = arith.constant 12 : i32
      %swap3A_1068 = arith.index_cast %swap3A_1066 : i32 to index
      %swap3A_1069 = arith.index_cast %swap3A_1067 : i32 to index
      %swap3A_1070 = arith.constant 0 : index
      %swap3A_1071 = tpu.vector_load %arg13[%swap3A_1068, %swap3A_1069, %swap3A_1070] {strides = array<i32>} : memref<2x16x16xf32, #tpu.memory_space<vmem>>, vector<16xf32>,
      tpu.vector_store %arg13[%swap3A_1068, %swap3A_1069, %swap3A_1070], %mul3A_1065 {add = true, strides = array<i32>} : memref<2x16x16xf32, #tpu.memory_space<vmem>>, vector<16xf32>,
      %swap3A_1072 = arith.constant 1 : i32
      %swap3A_1073 = arith.constant 12 : i32
      %swap3A_1074 = arith.index_cast %swap3A_1072 : i32 to index
      %swap3A_1075 = arith.index_cast %swap3A_1073 : i32 to index
      %swap3A_1076 = arith.constant 0 : index
      %swap3A_1077 = tpu.vector_load %arg13[%swap3A_1074, %swap3A_1075, %swap3A_1076] {strides = array<i32>} : memref<2x16x16xf32, #tpu.memory_space<vmem>>, vector<16xf32>,
      tpu.vector_store %arg13[%swap3A_1074, %swap3A_1075, %swap3A_1076], %select_n3A_1064 {add = true, strides = array<i32>} : memref<2x16x16xf32, #tpu.memory_space<vmem>>, vector<16xf32>,
      %eq3A_1078 = arith.constant 13 : i32
      %eq3A_1079 = vector.broadcast %eq3A_1078 : i32 to vector<16xi32>
      %eq3A_1080 = arith.cmpi eq, %get3A_804, %eq3A_1079 : vector<16xi32>
      %jit3A_1081 = arith.constant 1.000000e+00 : f32
      %jit3A_1082 = arith.constant 0.000000e+00 : f32
      %broadcast_in_dim3A_1083 = vector.broadcast %jit3A_1081 : f32 to vector<16xf32>
      %broadcast_in_dim3A_1084 = vector.broadcast %jit3A_1082 : f32 to vector<16xf32>
      %select_n3A_1085 = arith.select %eq3A_1080, %broadcast_in_dim3A_1083, %broadcast_in_dim3A_1084 : vector<16xi1>, vector<16xf32>
      %mul3A_1086 = arith.mulf %select_n3A_1085, %select_n3A_796 : vector<16xf32>
      %swap3A_1087 = arith.constant 0 : i32
      %swap3A_1088 = arith.constant 13 : i32
      %swap3A_1089 = arith.index_cast %swap3A_1087 : i32 to index
      %swap3A_1090 = arith.index_cast %swap3A_1088 : i32 to index
      %swap3A_1091 = arith.constant 0 : index
      %swap3A_1092 = tpu.vector_load %arg13[%swap3A_1089, %swap3A_1090, %swap3A_1091] {strides = array<i32>} : memref<2x16x16xf32, #tpu.memory_space<vmem>>, vector<16xf32>,
      tpu.vector_store %arg13[%swap3A_1089, %swap3A_1090, %swap3A_1091], %mul3A_1086 {add = true, strides = array<i32>} : memref<2x16x16xf32, #tpu.memory_space<vmem>>, vector<16xf32>,
      %swap3A_1093 = arith.constant 1 : i32
      %swap3A_1094 = arith.constant 13 : i32
      %swap3A_1095 = arith.index_cast %swap3A_1093 : i32 to index
      %swap3A_1096 = arith.index_cast %swap3A_1094 : i32 to index
      %swap3A_1097 = arith.constant 0 : index
      %swap3A_1098 = tpu.vector_load %arg13[%swap3A_1095, %swap3A_1096, %swap3A_1097] {strides = array<i32>} : memref<2x16x16xf32, #tpu.memory_space<vmem>>, vector<16xf32>,
      tpu.vector_store %arg13[%swap3A_1095, %swap3A_1096, %swap3A_1097], %select_n3A_1085 {add = true, strides = array<i32>} : memref<2x16x16xf32, #tpu.memory_space<vmem>>, vector<16xf32>,
      %eq3A_1099 = arith.constant 14 : i32
      %eq3A_1100 = vector.broadcast %eq3A_1099 : i32 to vector<16xi32>
      %eq3A_1101 = arith.cmpi eq, %get3A_804, %eq3A_1100 : vector<16xi32>
      %jit3A_1102 = arith.constant 1.000000e+00 : f32
      %jit3A_1103 = arith.constant 0.000000e+00 : f32
      %broadcast_in_dim3A_1104 = vector.broadcast %jit3A_1102 : f32 to vector<16xf32>
      %broadcast_in_dim3A_1105 = vector.broadcast %jit3A_1103 : f32 to vector<16xf32>
      %select_n3A_1106 = arith.select %eq3A_1101, %broadcast_in_dim3A_1104, %broadcast_in_dim3A_1105 : vector<16xi1>, vector<16xf32>
      %mul3A_1107 = arith.mulf %select_n3A_1106, %select_n3A_796 : vector<16xf32>
      %swap3A_1108 = arith.constant 0 : i32
      %swap3A_1109 = arith.constant 14 : i32
      %swap3A_1110 = arith.index_cast %swap3A_1108 : i32 to index
      %swap3A_1111 = arith.index_cast %swap3A_1109 : i32 to index
      %swap3A_1112 = arith.constant 0 : index
      %swap3A_1113 = tpu.vector_load %arg13[%swap3A_1110, %swap3A_1111, %swap3A_1112] {strides = array<i32>} : memref<2x16x16xf32, #tpu.memory_space<vmem>>, vector<16xf32>,
      tpu.vector_store %arg13[%swap3A_1110, %swap3A_1111, %swap3A_1112], %mul3A_1107 {add = true, strides = array<i32>} : memref<2x16x16xf32, #tpu.memory_space<vmem>>, vector<16xf32>,
      %swap3A_1114 = arith.constant 1 : i32
      %swap3A_1115 = arith.constant 14 : i32
      %swap3A_1116 = arith.index_cast %swap3A_1114 : i32 to index
      %swap3A_1117 = arith.index_cast %swap3A_1115 : i32 to index
      %swap3A_1118 = arith.constant 0 : index
      %swap3A_1119 = tpu.vector_load %arg13[%swap3A_1116, %swap3A_1117, %swap3A_1118] {strides = array<i32>} : memref<2x16x16xf32, #tpu.memory_space<vmem>>, vector<16xf32>,
      tpu.vector_store %arg13[%swap3A_1116, %swap3A_1117, %swap3A_1118], %select_n3A_1106 {add = true, strides = array<i32>} : memref<2x16x16xf32, #tpu.memory_space<vmem>>, vector<16xf32>,
      %eq3A_1120 = arith.constant 15 : i32
      %eq3A_1121 = vector.broadcast %eq3A_1120 : i32 to vector<16xi32>
      %eq3A_1122 = arith.cmpi eq, %get3A_804, %eq3A_1121 : vector<16xi32>
      %jit3A_1123 = arith.constant 1.000000e+00 : f32
      %jit3A_1124 = arith.constant 0.000000e+00 : f32
      %broadcast_in_dim3A_1125 = vector.broadcast %jit3A_1123 : f32 to vector<16xf32>
      %broadcast_in_dim3A_1126 = vector.broadcast %jit3A_1124 : f32 to vector<16xf32>
      %select_n3A_1127 = arith.select %eq3A_1122, %broadcast_in_dim3A_1125, %broadcast_in_dim3A_1126 : vector<16xi1>, vector<16xf32>
      %mul3A_1128 = arith.mulf %select_n3A_1127, %select_n3A_796 : vector<16xf32>
      %swap3A_1129 = arith.constant 0 : i32
      %swap3A_1130 = arith.constant 15 : i32
      %swap3A_1131 = arith.index_cast %swap3A_1129 : i32 to index
      %swap3A_1132 = arith.index_cast %swap3A_1130 : i32 to index
      %swap3A_1133 = arith.constant 0 : index
      %swap3A_1134 = tpu.vector_load %arg13[%swap3A_1131, %swap3A_1132, %swap3A_1133] {strides = array<i32>} : memref<2x16x16xf32, #tpu.memory_space<vmem>>, vector<16xf32>,
      tpu.vector_store %arg13[%swap3A_1131, %swap3A_1132, %swap3A_1133], %mul3A_1128 {add = true, strides = array<i32>} : memref<2x16x16xf32, #tpu.memory_space<vmem>>, vector<16xf32>,
      %swap3A_1135 = arith.constant 1 : i32
      %swap3A_1136 = arith.constant 15 : i32
      %swap3A_1137 = arith.index_cast %swap3A_1135 : i32 to index
      %swap3A_1138 = arith.index_cast %swap3A_1136 : i32 to index
      %swap3A_1139 = arith.constant 0 : index
      %swap3A_1140 = tpu.vector_load %arg13[%swap3A_1137, %swap3A_1138, %swap3A_1139] {strides = array<i32>} : memref<2x16x16xf32, #tpu.memory_space<vmem>>, vector<16xf32>,
      tpu.vector_store %arg13[%swap3A_1137, %swap3A_1138, %swap3A_1139], %select_n3A_1127 {add = true, strides = array<i32>} : memref<2x16x16xf32, #tpu.memory_space<vmem>>, vector<16xf32>,
      %while3A_1141 = arith.constant 0 : i32
      scf.yield %while3A_1141 : i32
    }
    %iota3A = tpu.iota {dimensions = array<i32: 0>} : vector<16xi32>
    %broadcast_in_dim3A_275 = arith.constant 0.000000e+00 : f32
    %broadcast_in_dim3A_276 = vector.broadcast %broadcast_in_dim3A_275 : f32 to vector<16xf32>
    %get3A = arith.constant 0 : i32
    %get3A_277 = arith.constant 0 : i32
    %get3A_278 = arith.index_cast %get3A : i32 to index
    %get3A_279 = arith.index_cast %get3A_277 : i32 to index
    %get3A_280 = arith.constant 0 : index
    %get3A_281 = tpu.vector_load %arg13[%get3A_278, %get3A_279, %get3A_280] {strides = array<i32>} : memref<2x16x16xf32, #tpu.memory_space<vmem>>, vector<16xf32>,
    %reduce_sum3A = arith.constant true
    %reduce_sum3A_282 = vector.broadcast %reduce_sum3A : i1 to vector<16xi1>
    %reduce_sum3A_283 = tpu.scan <sum>, %get3A_281 masked %reduce_sum3A_282 : vector<16xf32>, vector<16xi1> -> vector<16xf32>
    %reduce_sum3A_284 = vector.extract %reduce_sum3A_283[15] : f32 from vector<16xf32>
    %eq3A_285 = arith.constant 0 : i32
    %eq3A_286 = vector.broadcast %eq3A_285 : i32 to vector<16xi32>
    %eq3A_287 = arith.cmpi eq, %iota3A, %eq3A_286 : vector<16xi32>
    %broadcast_in_dim3A_288 = vector.broadcast %reduce_sum3A_284 : f32 to vector<16xf32>
    %select_n3A_289 = arith.select %eq3A_287, %broadcast_in_dim3A_288, %broadcast_in_dim3A_276 : vector<16xi1>, vector<16xf32>
    %get3A_290 = arith.constant 0 : i32
    %get3A_291 = arith.constant 1 : i32
    %get3A_292 = arith.index_cast %get3A_290 : i32 to index
    %get3A_293 = arith.index_cast %get3A_291 : i32 to index
    %get3A_294 = arith.constant 0 : index
    %get3A_295 = tpu.vector_load %arg13[%get3A_292, %get3A_293, %get3A_294] {strides = array<i32>} : memref<2x16x16xf32, #tpu.memory_space<vmem>>, vector<16xf32>,
    %reduce_sum3A_296 = arith.constant true
    %reduce_sum3A_297 = vector.broadcast %reduce_sum3A_296 : i1 to vector<16xi1>
    %reduce_sum3A_298 = tpu.scan <sum>, %get3A_295 masked %reduce_sum3A_297 : vector<16xf32>, vector<16xi1> -> vector<16xf32>
    %reduce_sum3A_299 = vector.extract %reduce_sum3A_298[15] : f32 from vector<16xf32>
    %eq3A_300 = arith.constant 1 : i32
    %eq3A_301 = vector.broadcast %eq3A_300 : i32 to vector<16xi32>
    %eq3A_302 = arith.cmpi eq, %iota3A, %eq3A_301 : vector<16xi32>
    %broadcast_in_dim3A_303 = vector.broadcast %reduce_sum3A_299 : f32 to vector<16xf32>
    %select_n3A_304 = arith.select %eq3A_302, %broadcast_in_dim3A_303, %select_n3A_289 : vector<16xi1>, vector<16xf32>
    %get3A_305 = arith.constant 0 : i32
    %get3A_306 = arith.constant 2 : i32
    %get3A_307 = arith.index_cast %get3A_305 : i32 to index
    %get3A_308 = arith.index_cast %get3A_306 : i32 to index
    %get3A_309 = arith.constant 0 : index
    %get3A_310 = tpu.vector_load %arg13[%get3A_307, %get3A_308, %get3A_309] {strides = array<i32>} : memref<2x16x16xf32, #tpu.memory_space<vmem>>, vector<16xf32>,
    %reduce_sum3A_311 = arith.constant true
    %reduce_sum3A_312 = vector.broadcast %reduce_sum3A_311 : i1 to vector<16xi1>
    %reduce_sum3A_313 = tpu.scan <sum>, %get3A_310 masked %reduce_sum3A_312 : vector<16xf32>, vector<16xi1> -> vector<16xf32>
    %reduce_sum3A_314 = vector.extract %reduce_sum3A_313[15] : f32 from vector<16xf32>
    %eq3A_315 = arith.constant 2 : i32
    %eq3A_316 = vector.broadcast %eq3A_315 : i32 to vector<16xi32>
    %eq3A_317 = arith.cmpi eq, %iota3A, %eq3A_316 : vector<16xi32>
    %broadcast_in_dim3A_318 = vector.broadcast %reduce_sum3A_314 : f32 to vector<16xf32>
    %select_n3A_319 = arith.select %eq3A_317, %broadcast_in_dim3A_318, %select_n3A_304 : vector<16xi1>, vector<16xf32>
    %get3A_320 = arith.constant 0 : i32
    %get3A_321 = arith.constant 3 : i32
    %get3A_322 = arith.index_cast %get3A_320 : i32 to index
    %get3A_323 = arith.index_cast %get3A_321 : i32 to index
    %get3A_324 = arith.constant 0 : index
    %get3A_325 = tpu.vector_load %arg13[%get3A_322, %get3A_323, %get3A_324] {strides = array<i32>} : memref<2x16x16xf32, #tpu.memory_space<vmem>>, vector<16xf32>,
    %reduce_sum3A_326 = arith.constant true
    %reduce_sum3A_327 = vector.broadcast %reduce_sum3A_326 : i1 to vector<16xi1>
    %reduce_sum3A_328 = tpu.scan <sum>, %get3A_325 masked %reduce_sum3A_327 : vector<16xf32>, vector<16xi1> -> vector<16xf32>
    %reduce_sum3A_329 = vector.extract %reduce_sum3A_328[15] : f32 from vector<16xf32>
    %eq3A_330 = arith.constant 3 : i32
    %eq3A_331 = vector.broadcast %eq3A_330 : i32 to vector<16xi32>
    %eq3A_332 = arith.cmpi eq, %iota3A, %eq3A_331 : vector<16xi32>
    %broadcast_in_dim3A_333 = vector.broadcast %reduce_sum3A_329 : f32 to vector<16xf32>
    %select_n3A_334 = arith.select %eq3A_332, %broadcast_in_dim3A_333, %select_n3A_319 : vector<16xi1>, vector<16xf32>
    %get3A_335 = arith.constant 0 : i32
    %get3A_336 = arith.constant 4 : i32
    %get3A_337 = arith.index_cast %get3A_335 : i32 to index
    %get3A_338 = arith.index_cast %get3A_336 : i32 to index
    %get3A_339 = arith.constant 0 : index
    %get3A_340 = tpu.vector_load %arg13[%get3A_337, %get3A_338, %get3A_339] {strides = array<i32>} : memref<2x16x16xf32, #tpu.memory_space<vmem>>, vector<16xf32>,
    %reduce_sum3A_341 = arith.constant true
    %reduce_sum3A_342 = vector.broadcast %reduce_sum3A_341 : i1 to vector<16xi1>
    %reduce_sum3A_343 = tpu.scan <sum>, %get3A_340 masked %reduce_sum3A_342 : vector<16xf32>, vector<16xi1> -> vector<16xf32>
    %reduce_sum3A_344 = vector.extract %reduce_sum3A_343[15] : f32 from vector<16xf32>
    %eq3A_345 = arith.constant 4 : i32
    %eq3A_346 = vector.broadcast %eq3A_345 : i32 to vector<16xi32>
    %eq3A_347 = arith.cmpi eq, %iota3A, %eq3A_346 : vector<16xi32>
    %broadcast_in_dim3A_348 = vector.broadcast %reduce_sum3A_344 : f32 to vector<16xf32>
    %select_n3A_349 = arith.select %eq3A_347, %broadcast_in_dim3A_348, %select_n3A_334 : vector<16xi1>, vector<16xf32>
    %get3A_350 = arith.constant 0 : i32
    %get3A_351 = arith.constant 5 : i32
    %get3A_352 = arith.index_cast %get3A_350 : i32 to index
    %get3A_353 = arith.index_cast %get3A_351 : i32 to index
    %get3A_354 = arith.constant 0 : index
    %get3A_355 = tpu.vector_load %arg13[%get3A_352, %get3A_353, %get3A_354] {strides = array<i32>} : memref<2x16x16xf32, #tpu.memory_space<vmem>>, vector<16xf32>,
    %reduce_sum3A_356 = arith.constant true
    %reduce_sum3A_357 = vector.broadcast %reduce_sum3A_356 : i1 to vector<16xi1>
    %reduce_sum3A_358 = tpu.scan <sum>, %get3A_355 masked %reduce_sum3A_357 : vector<16xf32>, vector<16xi1> -> vector<16xf32>
    %reduce_sum3A_359 = vector.extract %reduce_sum3A_358[15] : f32 from vector<16xf32>
    %eq3A_360 = arith.constant 5 : i32
    %eq3A_361 = vector.broadcast %eq3A_360 : i32 to vector<16xi32>
    %eq3A_362 = arith.cmpi eq, %iota3A, %eq3A_361 : vector<16xi32>
    %broadcast_in_dim3A_363 = vector.broadcast %reduce_sum3A_359 : f32 to vector<16xf32>
    %select_n3A_364 = arith.select %eq3A_362, %broadcast_in_dim3A_363, %select_n3A_349 : vector<16xi1>, vector<16xf32>
    %get3A_365 = arith.constant 0 : i32
    %get3A_366 = arith.constant 6 : i32
    %get3A_367 = arith.index_cast %get3A_365 : i32 to index
    %get3A_368 = arith.index_cast %get3A_366 : i32 to index
    %get3A_369 = arith.constant 0 : index
    %get3A_370 = tpu.vector_load %arg13[%get3A_367, %get3A_368, %get3A_369] {strides = array<i32>} : memref<2x16x16xf32, #tpu.memory_space<vmem>>, vector<16xf32>,
    %reduce_sum3A_371 = arith.constant true
    %reduce_sum3A_372 = vector.broadcast %reduce_sum3A_371 : i1 to vector<16xi1>
    %reduce_sum3A_373 = tpu.scan <sum>, %get3A_370 masked %reduce_sum3A_372 : vector<16xf32>, vector<16xi1> -> vector<16xf32>
    %reduce_sum3A_374 = vector.extract %reduce_sum3A_373[15] : f32 from vector<16xf32>
    %eq3A_375 = arith.constant 6 : i32
    %eq3A_376 = vector.broadcast %eq3A_375 : i32 to vector<16xi32>
    %eq3A_377 = arith.cmpi eq, %iota3A, %eq3A_376 : vector<16xi32>
    %broadcast_in_dim3A_378 = vector.broadcast %reduce_sum3A_374 : f32 to vector<16xf32>
    %select_n3A_379 = arith.select %eq3A_377, %broadcast_in_dim3A_378, %select_n3A_364 : vector<16xi1>, vector<16xf32>
    %get3A_380 = arith.constant 0 : i32
    %get3A_381 = arith.constant 7 : i32
    %get3A_382 = arith.index_cast %get3A_380 : i32 to index
    %get3A_383 = arith.index_cast %get3A_381 : i32 to index
    %get3A_384 = arith.constant 0 : index
    %get3A_385 = tpu.vector_load %arg13[%get3A_382, %get3A_383, %get3A_384] {strides = array<i32>} : memref<2x16x16xf32, #tpu.memory_space<vmem>>, vector<16xf32>,
    %reduce_sum3A_386 = arith.constant true
    %reduce_sum3A_387 = vector.broadcast %reduce_sum3A_386 : i1 to vector<16xi1>
    %reduce_sum3A_388 = tpu.scan <sum>, %get3A_385 masked %reduce_sum3A_387 : vector<16xf32>, vector<16xi1> -> vector<16xf32>
    %reduce_sum3A_389 = vector.extract %reduce_sum3A_388[15] : f32 from vector<16xf32>
    %eq3A_390 = arith.constant 7 : i32
    %eq3A_391 = vector.broadcast %eq3A_390 : i32 to vector<16xi32>
    %eq3A_392 = arith.cmpi eq, %iota3A, %eq3A_391 : vector<16xi32>
    %broadcast_in_dim3A_393 = vector.broadcast %reduce_sum3A_389 : f32 to vector<16xf32>
    %select_n3A_394 = arith.select %eq3A_392, %broadcast_in_dim3A_393, %select_n3A_379 : vector<16xi1>, vector<16xf32>
    %get3A_395 = arith.constant 0 : i32
    %get3A_396 = arith.constant 8 : i32
    %get3A_397 = arith.index_cast %get3A_395 : i32 to index
    %get3A_398 = arith.index_cast %get3A_396 : i32 to index
    %get3A_399 = arith.constant 0 : index
    %get3A_400 = tpu.vector_load %arg13[%get3A_397, %get3A_398, %get3A_399] {strides = array<i32>} : memref<2x16x16xf32, #tpu.memory_space<vmem>>, vector<16xf32>,
    %reduce_sum3A_401 = arith.constant true
    %reduce_sum3A_402 = vector.broadcast %reduce_sum3A_401 : i1 to vector<16xi1>
    %reduce_sum3A_403 = tpu.scan <sum>, %get3A_400 masked %reduce_sum3A_402 : vector<16xf32>, vector<16xi1> -> vector<16xf32>
    %reduce_sum3A_404 = vector.extract %reduce_sum3A_403[15] : f32 from vector<16xf32>
    %eq3A_405 = arith.constant 8 : i32
    %eq3A_406 = vector.broadcast %eq3A_405 : i32 to vector<16xi32>
    %eq3A_407 = arith.cmpi eq, %iota3A, %eq3A_406 : vector<16xi32>
    %broadcast_in_dim3A_408 = vector.broadcast %reduce_sum3A_404 : f32 to vector<16xf32>
    %select_n3A_409 = arith.select %eq3A_407, %broadcast_in_dim3A_408, %select_n3A_394 : vector<16xi1>, vector<16xf32>
    %get3A_410 = arith.constant 0 : i32
    %get3A_411 = arith.constant 9 : i32
    %get3A_412 = arith.index_cast %get3A_410 : i32 to index
    %get3A_413 = arith.index_cast %get3A_411 : i32 to index
    %get3A_414 = arith.constant 0 : index
    %get3A_415 = tpu.vector_load %arg13[%get3A_412, %get3A_413, %get3A_414] {strides = array<i32>} : memref<2x16x16xf32, #tpu.memory_space<vmem>>, vector<16xf32>,
    %reduce_sum3A_416 = arith.constant true
    %reduce_sum3A_417 = vector.broadcast %reduce_sum3A_416 : i1 to vector<16xi1>
    %reduce_sum3A_418 = tpu.scan <sum>, %get3A_415 masked %reduce_sum3A_417 : vector<16xf32>, vector<16xi1> -> vector<16xf32>
    %reduce_sum3A_419 = vector.extract %reduce_sum3A_418[15] : f32 from vector<16xf32>
    %eq3A_420 = arith.constant 9 : i32
    %eq3A_421 = vector.broadcast %eq3A_420 : i32 to vector<16xi32>
    %eq3A_422 = arith.cmpi eq, %iota3A, %eq3A_421 : vector<16xi32>
    %broadcast_in_dim3A_423 = vector.broadcast %reduce_sum3A_419 : f32 to vector<16xf32>
    %select_n3A_424 = arith.select %eq3A_422, %broadcast_in_dim3A_423, %select_n3A_409 : vector<16xi1>, vector<16xf32>
    %get3A_425 = arith.constant 0 : i32
    %get3A_426 = arith.constant 10 : i32
    %get3A_427 = arith.index_cast %get3A_425 : i32 to index
    %get3A_428 = arith.index_cast %get3A_426 : i32 to index
    %get3A_429 = arith.constant 0 : index
    %get3A_430 = tpu.vector_load %arg13[%get3A_427, %get3A_428, %get3A_429] {strides = array<i32>} : memref<2x16x16xf32, #tpu.memory_space<vmem>>, vector<16xf32>,
    %reduce_sum3A_431 = arith.constant true
    %reduce_sum3A_432 = vector.broadcast %reduce_sum3A_431 : i1 to vector<16xi1>
    %reduce_sum3A_433 = tpu.scan <sum>, %get3A_430 masked %reduce_sum3A_432 : vector<16xf32>, vector<16xi1> -> vector<16xf32>
    %reduce_sum3A_434 = vector.extract %reduce_sum3A_433[15] : f32 from vector<16xf32>
    %eq3A_435 = arith.constant 10 : i32
    %eq3A_436 = vector.broadcast %eq3A_435 : i32 to vector<16xi32>
    %eq3A_437 = arith.cmpi eq, %iota3A, %eq3A_436 : vector<16xi32>
    %broadcast_in_dim3A_438 = vector.broadcast %reduce_sum3A_434 : f32 to vector<16xf32>
    %select_n3A_439 = arith.select %eq3A_437, %broadcast_in_dim3A_438, %select_n3A_424 : vector<16xi1>, vector<16xf32>
    %get3A_440 = arith.constant 0 : i32
    %get3A_441 = arith.constant 11 : i32
    %get3A_442 = arith.index_cast %get3A_440 : i32 to index
    %get3A_443 = arith.index_cast %get3A_441 : i32 to index
    %get3A_444 = arith.constant 0 : index
    %get3A_445 = tpu.vector_load %arg13[%get3A_442, %get3A_443, %get3A_444] {strides = array<i32>} : memref<2x16x16xf32, #tpu.memory_space<vmem>>, vector<16xf32>,
    %reduce_sum3A_446 = arith.constant true
    %reduce_sum3A_447 = vector.broadcast %reduce_sum3A_446 : i1 to vector<16xi1>
    %reduce_sum3A_448 = tpu.scan <sum>, %get3A_445 masked %reduce_sum3A_447 : vector<16xf32>, vector<16xi1> -> vector<16xf32>
    %reduce_sum3A_449 = vector.extract %reduce_sum3A_448[15] : f32 from vector<16xf32>
    %eq3A_450 = arith.constant 11 : i32
    %eq3A_451 = vector.broadcast %eq3A_450 : i32 to vector<16xi32>
    %eq3A_452 = arith.cmpi eq, %iota3A, %eq3A_451 : vector<16xi32>
    %broadcast_in_dim3A_453 = vector.broadcast %reduce_sum3A_449 : f32 to vector<16xf32>
    %select_n3A_454 = arith.select %eq3A_452, %broadcast_in_dim3A_453, %select_n3A_439 : vector<16xi1>, vector<16xf32>
    %get3A_455 = arith.constant 0 : i32
    %get3A_456 = arith.constant 12 : i32
    %get3A_457 = arith.index_cast %get3A_455 : i32 to index
    %get3A_458 = arith.index_cast %get3A_456 : i32 to index
    %get3A_459 = arith.constant 0 : index
    %get3A_460 = tpu.vector_load %arg13[%get3A_457, %get3A_458, %get3A_459] {strides = array<i32>} : memref<2x16x16xf32, #tpu.memory_space<vmem>>, vector<16xf32>,
    %reduce_sum3A_461 = arith.constant true
    %reduce_sum3A_462 = vector.broadcast %reduce_sum3A_461 : i1 to vector<16xi1>
    %reduce_sum3A_463 = tpu.scan <sum>, %get3A_460 masked %reduce_sum3A_462 : vector<16xf32>, vector<16xi1> -> vector<16xf32>
    %reduce_sum3A_464 = vector.extract %reduce_sum3A_463[15] : f32 from vector<16xf32>
    %eq3A_465 = arith.constant 12 : i32
    %eq3A_466 = vector.broadcast %eq3A_465 : i32 to vector<16xi32>
    %eq3A_467 = arith.cmpi eq, %iota3A, %eq3A_466 : vector<16xi32>
    %broadcast_in_dim3A_468 = vector.broadcast %reduce_sum3A_464 : f32 to vector<16xf32>
    %select_n3A_469 = arith.select %eq3A_467, %broadcast_in_dim3A_468, %select_n3A_454 : vector<16xi1>, vector<16xf32>
    %get3A_470 = arith.constant 0 : i32
    %get3A_471 = arith.constant 13 : i32
    %get3A_472 = arith.index_cast %get3A_470 : i32 to index
    %get3A_473 = arith.index_cast %get3A_471 : i32 to index
    %get3A_474 = arith.constant 0 : index
    %get3A_475 = tpu.vector_load %arg13[%get3A_472, %get3A_473, %get3A_474] {strides = array<i32>} : memref<2x16x16xf32, #tpu.memory_space<vmem>>, vector<16xf32>,
    %reduce_sum3A_476 = arith.constant true
    %reduce_sum3A_477 = vector.broadcast %reduce_sum3A_476 : i1 to vector<16xi1>
    %reduce_sum3A_478 = tpu.scan <sum>, %get3A_475 masked %reduce_sum3A_477 : vector<16xf32>, vector<16xi1> -> vector<16xf32>
    %reduce_sum3A_479 = vector.extract %reduce_sum3A_478[15] : f32 from vector<16xf32>
    %eq3A_480 = arith.constant 13 : i32
    %eq3A_481 = vector.broadcast %eq3A_480 : i32 to vector<16xi32>
    %eq3A_482 = arith.cmpi eq, %iota3A, %eq3A_481 : vector<16xi32>
    %broadcast_in_dim3A_483 = vector.broadcast %reduce_sum3A_479 : f32 to vector<16xf32>
    %select_n3A_484 = arith.select %eq3A_482, %broadcast_in_dim3A_483, %select_n3A_469 : vector<16xi1>, vector<16xf32>
    %get3A_485 = arith.constant 0 : i32
    %get3A_486 = arith.constant 14 : i32
    %get3A_487 = arith.index_cast %get3A_485 : i32 to index
    %get3A_488 = arith.index_cast %get3A_486 : i32 to index
    %get3A_489 = arith.constant 0 : index
    %get3A_490 = tpu.vector_load %arg13[%get3A_487, %get3A_488, %get3A_489] {strides = array<i32>} : memref<2x16x16xf32, #tpu.memory_space<vmem>>, vector<16xf32>,
    %reduce_sum3A_491 = arith.constant true
    %reduce_sum3A_492 = vector.broadcast %reduce_sum3A_491 : i1 to vector<16xi1>
    %reduce_sum3A_493 = tpu.scan <sum>, %get3A_490 masked %reduce_sum3A_492 : vector<16xf32>, vector<16xi1> -> vector<16xf32>
    %reduce_sum3A_494 = vector.extract %reduce_sum3A_493[15] : f32 from vector<16xf32>
    %eq3A_495 = arith.constant 14 : i32
    %eq3A_496 = vector.broadcast %eq3A_495 : i32 to vector<16xi32>
    %eq3A_497 = arith.cmpi eq, %iota3A, %eq3A_496 : vector<16xi32>
    %broadcast_in_dim3A_498 = vector.broadcast %reduce_sum3A_494 : f32 to vector<16xf32>
    %select_n3A_499 = arith.select %eq3A_497, %broadcast_in_dim3A_498, %select_n3A_484 : vector<16xi1>, vector<16xf32>
    %get3A_500 = arith.constant 0 : i32
    %get3A_501 = arith.constant 15 : i32
    %get3A_502 = arith.index_cast %get3A_500 : i32 to index
    %get3A_503 = arith.index_cast %get3A_501 : i32 to index
    %get3A_504 = arith.constant 0 : index
    %get3A_505 = tpu.vector_load %arg13[%get3A_502, %get3A_503, %get3A_504] {strides = array<i32>} : memref<2x16x16xf32, #tpu.memory_space<vmem>>, vector<16xf32>,
    %reduce_sum3A_506 = arith.constant true
    %reduce_sum3A_507 = vector.broadcast %reduce_sum3A_506 : i1 to vector<16xi1>
    %reduce_sum3A_508 = tpu.scan <sum>, %get3A_505 masked %reduce_sum3A_507 : vector<16xf32>, vector<16xi1> -> vector<16xf32>
    %reduce_sum3A_509 = vector.extract %reduce_sum3A_508[15] : f32 from vector<16xf32>
    %eq3A_510 = arith.constant 15 : i32
    %eq3A_511 = vector.broadcast %eq3A_510 : i32 to vector<16xi32>
    %eq3A_512 = arith.cmpi eq, %iota3A, %eq3A_511 : vector<16xi32>
    %broadcast_in_dim3A_513 = vector.broadcast %reduce_sum3A_509 : f32 to vector<16xf32>
    %select_n3A_514 = arith.select %eq3A_512, %broadcast_in_dim3A_513, %select_n3A_499 : vector<16xi1>, vector<16xf32>
    %swap3A_515 = arith.constant 0 : index
    %swap3A_516 = tpu.vector_load %arg14[%swap3A_515] {strides = array<i32>} : memref<32xf32, #tpu.memory_space<vmem>>, vector<16xf32>,
    tpu.vector_store %arg14[%swap3A_515], %select_n3A_514 {strides = array<i32>} : memref<32xf32, #tpu.memory_space<vmem>>, vector<16xf32>,
    %broadcast_in_dim3A_517 = arith.constant 0.000000e+00 : f32
    %broadcast_in_dim3A_518 = vector.broadcast %broadcast_in_dim3A_517 : f32 to vector<16xf32>
    %get3A_519 = arith.constant 1 : i32
    %get3A_520 = arith.constant 0 : i32
    %get3A_521 = arith.index_cast %get3A_519 : i32 to index
    %get3A_522 = arith.index_cast %get3A_520 : i32 to index
    %get3A_523 = arith.constant 0 : index
    %get3A_524 = tpu.vector_load %arg13[%get3A_521, %get3A_522, %get3A_523] {strides = array<i32>} : memref<2x16x16xf32, #tpu.memory_space<vmem>>, vector<16xf32>,
    %reduce_sum3A_525 = arith.constant true
    %reduce_sum3A_526 = vector.broadcast %reduce_sum3A_525 : i1 to vector<16xi1>
    %reduce_sum3A_527 = tpu.scan <sum>, %get3A_524 masked %reduce_sum3A_526 : vector<16xf32>, vector<16xi1> -> vector<16xf32>
    %reduce_sum3A_528 = vector.extract %reduce_sum3A_527[15] : f32 from vector<16xf32>
    %eq3A_529 = arith.constant 0 : i32
    %eq3A_530 = vector.broadcast %eq3A_529 : i32 to vector<16xi32>
    %eq3A_531 = arith.cmpi eq, %iota3A, %eq3A_530 : vector<16xi32>
    %broadcast_in_dim3A_532 = vector.broadcast %reduce_sum3A_528 : f32 to vector<16xf32>
    %select_n3A_533 = arith.select %eq3A_531, %broadcast_in_dim3A_532, %broadcast_in_dim3A_518 : vector<16xi1>, vector<16xf32>
    %get3A_534 = arith.constant 1 : i32
    %get3A_535 = arith.constant 1 : i32
    %get3A_536 = arith.index_cast %get3A_534 : i32 to index
    %get3A_537 = arith.index_cast %get3A_535 : i32 to index
    %get3A_538 = arith.constant 0 : index
    %get3A_539 = tpu.vector_load %arg13[%get3A_536, %get3A_537, %get3A_538] {strides = array<i32>} : memref<2x16x16xf32, #tpu.memory_space<vmem>>, vector<16xf32>,
    %reduce_sum3A_540 = arith.constant true
    %reduce_sum3A_541 = vector.broadcast %reduce_sum3A_540 : i1 to vector<16xi1>
    %reduce_sum3A_542 = tpu.scan <sum>, %get3A_539 masked %reduce_sum3A_541 : vector<16xf32>, vector<16xi1> -> vector<16xf32>
    %reduce_sum3A_543 = vector.extract %reduce_sum3A_542[15] : f32 from vector<16xf32>
    %eq3A_544 = arith.constant 1 : i32
    %eq3A_545 = vector.broadcast %eq3A_544 : i32 to vector<16xi32>
    %eq3A_546 = arith.cmpi eq, %iota3A, %eq3A_545 : vector<16xi32>
    %broadcast_in_dim3A_547 = vector.broadcast %reduce_sum3A_543 : f32 to vector<16xf32>
    %select_n3A_548 = arith.select %eq3A_546, %broadcast_in_dim3A_547, %select_n3A_533 : vector<16xi1>, vector<16xf32>
    %get3A_549 = arith.constant 1 : i32
    %get3A_550 = arith.constant 2 : i32
    %get3A_551 = arith.index_cast %get3A_549 : i32 to index
    %get3A_552 = arith.index_cast %get3A_550 : i32 to index
    %get3A_553 = arith.constant 0 : index
    %get3A_554 = tpu.vector_load %arg13[%get3A_551, %get3A_552, %get3A_553] {strides = array<i32>} : memref<2x16x16xf32, #tpu.memory_space<vmem>>, vector<16xf32>,
    %reduce_sum3A_555 = arith.constant true
    %reduce_sum3A_556 = vector.broadcast %reduce_sum3A_555 : i1 to vector<16xi1>
    %reduce_sum3A_557 = tpu.scan <sum>, %get3A_554 masked %reduce_sum3A_556 : vector<16xf32>, vector<16xi1> -> vector<16xf32>
    %reduce_sum3A_558 = vector.extract %reduce_sum3A_557[15] : f32 from vector<16xf32>
    %eq3A_559 = arith.constant 2 : i32
    %eq3A_560 = vector.broadcast %eq3A_559 : i32 to vector<16xi32>
    %eq3A_561 = arith.cmpi eq, %iota3A, %eq3A_560 : vector<16xi32>
    %broadcast_in_dim3A_562 = vector.broadcast %reduce_sum3A_558 : f32 to vector<16xf32>
    %select_n3A_563 = arith.select %eq3A_561, %broadcast_in_dim3A_562, %select_n3A_548 : vector<16xi1>, vector<16xf32>
    %get3A_564 = arith.constant 1 : i32
    %get3A_565 = arith.constant 3 : i32
    %get3A_566 = arith.index_cast %get3A_564 : i32 to index
    %get3A_567 = arith.index_cast %get3A_565 : i32 to index
    %get3A_568 = arith.constant 0 : index
    %get3A_569 = tpu.vector_load %arg13[%get3A_566, %get3A_567, %get3A_568] {strides = array<i32>} : memref<2x16x16xf32, #tpu.memory_space<vmem>>, vector<16xf32>,
    %reduce_sum3A_570 = arith.constant true
    %reduce_sum3A_571 = vector.broadcast %reduce_sum3A_570 : i1 to vector<16xi1>
    %reduce_sum3A_572 = tpu.scan <sum>, %get3A_569 masked %reduce_sum3A_571 : vector<16xf32>, vector<16xi1> -> vector<16xf32>
    %reduce_sum3A_573 = vector.extract %reduce_sum3A_572[15] : f32 from vector<16xf32>
    %eq3A_574 = arith.constant 3 : i32
    %eq3A_575 = vector.broadcast %eq3A_574 : i32 to vector<16xi32>
    %eq3A_576 = arith.cmpi eq, %iota3A, %eq3A_575 : vector<16xi32>
    %broadcast_in_dim3A_577 = vector.broadcast %reduce_sum3A_573 : f32 to vector<16xf32>
    %select_n3A_578 = arith.select %eq3A_576, %broadcast_in_dim3A_577, %select_n3A_563 : vector<16xi1>, vector<16xf32>
    %get3A_579 = arith.constant 1 : i32
    %get3A_580 = arith.constant 4 : i32
    %get3A_581 = arith.index_cast %get3A_579 : i32 to index
    %get3A_582 = arith.index_cast %get3A_580 : i32 to index
    %get3A_583 = arith.constant 0 : index
    %get3A_584 = tpu.vector_load %arg13[%get3A_581, %get3A_582, %get3A_583] {strides = array<i32>} : memref<2x16x16xf32, #tpu.memory_space<vmem>>, vector<16xf32>,
    %reduce_sum3A_585 = arith.constant true
    %reduce_sum3A_586 = vector.broadcast %reduce_sum3A_585 : i1 to vector<16xi1>
    %reduce_sum3A_587 = tpu.scan <sum>, %get3A_584 masked %reduce_sum3A_586 : vector<16xf32>, vector<16xi1> -> vector<16xf32>
    %reduce_sum3A_588 = vector.extract %reduce_sum3A_587[15] : f32 from vector<16xf32>
    %eq3A_589 = arith.constant 4 : i32
    %eq3A_590 = vector.broadcast %eq3A_589 : i32 to vector<16xi32>
    %eq3A_591 = arith.cmpi eq, %iota3A, %eq3A_590 : vector<16xi32>
    %broadcast_in_dim3A_592 = vector.broadcast %reduce_sum3A_588 : f32 to vector<16xf32>
    %select_n3A_593 = arith.select %eq3A_591, %broadcast_in_dim3A_592, %select_n3A_578 : vector<16xi1>, vector<16xf32>
    %get3A_594 = arith.constant 1 : i32
    %get3A_595 = arith.constant 5 : i32
    %get3A_596 = arith.index_cast %get3A_594 : i32 to index
    %get3A_597 = arith.index_cast %get3A_595 : i32 to index
    %get3A_598 = arith.constant 0 : index
    %get3A_599 = tpu.vector_load %arg13[%get3A_596, %get3A_597, %get3A_598] {strides = array<i32>} : memref<2x16x16xf32, #tpu.memory_space<vmem>>, vector<16xf32>,
    %reduce_sum3A_600 = arith.constant true
    %reduce_sum3A_601 = vector.broadcast %reduce_sum3A_600 : i1 to vector<16xi1>
    %reduce_sum3A_602 = tpu.scan <sum>, %get3A_599 masked %reduce_sum3A_601 : vector<16xf32>, vector<16xi1> -> vector<16xf32>
    %reduce_sum3A_603 = vector.extract %reduce_sum3A_602[15] : f32 from vector<16xf32>
    %eq3A_604 = arith.constant 5 : i32
    %eq3A_605 = vector.broadcast %eq3A_604 : i32 to vector<16xi32>
    %eq3A_606 = arith.cmpi eq, %iota3A, %eq3A_605 : vector<16xi32>
    %broadcast_in_dim3A_607 = vector.broadcast %reduce_sum3A_603 : f32 to vector<16xf32>
    %select_n3A_608 = arith.select %eq3A_606, %broadcast_in_dim3A_607, %select_n3A_593 : vector<16xi1>, vector<16xf32>
    %get3A_609 = arith.constant 1 : i32
    %get3A_610 = arith.constant 6 : i32
    %get3A_611 = arith.index_cast %get3A_609 : i32 to index
    %get3A_612 = arith.index_cast %get3A_610 : i32 to index
    %get3A_613 = arith.constant 0 : index
    %get3A_614 = tpu.vector_load %arg13[%get3A_611, %get3A_612, %get3A_613] {strides = array<i32>} : memref<2x16x16xf32, #tpu.memory_space<vmem>>, vector<16xf32>,
    %reduce_sum3A_615 = arith.constant true
    %reduce_sum3A_616 = vector.broadcast %reduce_sum3A_615 : i1 to vector<16xi1>
    %reduce_sum3A_617 = tpu.scan <sum>, %get3A_614 masked %reduce_sum3A_616 : vector<16xf32>, vector<16xi1> -> vector<16xf32>
    %reduce_sum3A_618 = vector.extract %reduce_sum3A_617[15] : f32 from vector<16xf32>
    %eq3A_619 = arith.constant 6 : i32
    %eq3A_620 = vector.broadcast %eq3A_619 : i32 to vector<16xi32>
    %eq3A_621 = arith.cmpi eq, %iota3A, %eq3A_620 : vector<16xi32>
    %broadcast_in_dim3A_622 = vector.broadcast %reduce_sum3A_618 : f32 to vector<16xf32>
    %select_n3A_623 = arith.select %eq3A_621, %broadcast_in_dim3A_622, %select_n3A_608 : vector<16xi1>, vector<16xf32>
    %get3A_624 = arith.constant 1 : i32
    %get3A_625 = arith.constant 7 : i32
    %get3A_626 = arith.index_cast %get3A_624 : i32 to index
    %get3A_627 = arith.index_cast %get3A_625 : i32 to index
    %get3A_628 = arith.constant 0 : index
    %get3A_629 = tpu.vector_load %arg13[%get3A_626, %get3A_627, %get3A_628] {strides = array<i32>} : memref<2x16x16xf32, #tpu.memory_space<vmem>>, vector<16xf32>,
    %reduce_sum3A_630 = arith.constant true
    %reduce_sum3A_631 = vector.broadcast %reduce_sum3A_630 : i1 to vector<16xi1>
    %reduce_sum3A_632 = tpu.scan <sum>, %get3A_629 masked %reduce_sum3A_631 : vector<16xf32>, vector<16xi1> -> vector<16xf32>
    %reduce_sum3A_633 = vector.extract %reduce_sum3A_632[15] : f32 from vector<16xf32>
    %eq3A_634 = arith.constant 7 : i32
    %eq3A_635 = vector.broadcast %eq3A_634 : i32 to vector<16xi32>
    %eq3A_636 = arith.cmpi eq, %iota3A, %eq3A_635 : vector<16xi32>
    %broadcast_in_dim3A_637 = vector.broadcast %reduce_sum3A_633 : f32 to vector<16xf32>
    %select_n3A_638 = arith.select %eq3A_636, %broadcast_in_dim3A_637, %select_n3A_623 : vector<16xi1>, vector<16xf32>
    %get3A_639 = arith.constant 1 : i32
    %get3A_640 = arith.constant 8 : i32
    %get3A_641 = arith.index_cast %get3A_639 : i32 to index
    %get3A_642 = arith.index_cast %get3A_640 : i32 to index
    %get3A_643 = arith.constant 0 : index
    %get3A_644 = tpu.vector_load %arg13[%get3A_641, %get3A_642, %get3A_643] {strides = array<i32>} : memref<2x16x16xf32, #tpu.memory_space<vmem>>, vector<16xf32>,
    %reduce_sum3A_645 = arith.constant true
    %reduce_sum3A_646 = vector.broadcast %reduce_sum3A_645 : i1 to vector<16xi1>
    %reduce_sum3A_647 = tpu.scan <sum>, %get3A_644 masked %reduce_sum3A_646 : vector<16xf32>, vector<16xi1> -> vector<16xf32>
    %reduce_sum3A_648 = vector.extract %reduce_sum3A_647[15] : f32 from vector<16xf32>
    %eq3A_649 = arith.constant 8 : i32
    %eq3A_650 = vector.broadcast %eq3A_649 : i32 to vector<16xi32>
    %eq3A_651 = arith.cmpi eq, %iota3A, %eq3A_650 : vector<16xi32>
    %broadcast_in_dim3A_652 = vector.broadcast %reduce_sum3A_648 : f32 to vector<16xf32>
    %select_n3A_653 = arith.select %eq3A_651, %broadcast_in_dim3A_652, %select_n3A_638 : vector<16xi1>, vector<16xf32>
    %get3A_654 = arith.constant 1 : i32
    %get3A_655 = arith.constant 9 : i32
    %get3A_656 = arith.index_cast %get3A_654 : i32 to index
    %get3A_657 = arith.index_cast %get3A_655 : i32 to index
    %get3A_658 = arith.constant 0 : index
    %get3A_659 = tpu.vector_load %arg13[%get3A_656, %get3A_657, %get3A_658] {strides = array<i32>} : memref<2x16x16xf32, #tpu.memory_space<vmem>>, vector<16xf32>,
    %reduce_sum3A_660 = arith.constant true
    %reduce_sum3A_661 = vector.broadcast %reduce_sum3A_660 : i1 to vector<16xi1>
    %reduce_sum3A_662 = tpu.scan <sum>, %get3A_659 masked %reduce_sum3A_661 : vector<16xf32>, vector<16xi1> -> vector<16xf32>
    %reduce_sum3A_663 = vector.extract %reduce_sum3A_662[15] : f32 from vector<16xf32>
    %eq3A_664 = arith.constant 9 : i32
    %eq3A_665 = vector.broadcast %eq3A_664 : i32 to vector<16xi32>
    %eq3A_666 = arith.cmpi eq, %iota3A, %eq3A_665 : vector<16xi32>
    %broadcast_in_dim3A_667 = vector.broadcast %reduce_sum3A_663 : f32 to vector<16xf32>
    %select_n3A_668 = arith.select %eq3A_666, %broadcast_in_dim3A_667, %select_n3A_653 : vector<16xi1>, vector<16xf32>
    %get3A_669 = arith.constant 1 : i32
    %get3A_670 = arith.constant 10 : i32
    %get3A_671 = arith.index_cast %get3A_669 : i32 to index
    %get3A_672 = arith.index_cast %get3A_670 : i32 to index
    %get3A_673 = arith.constant 0 : index
    %get3A_674 = tpu.vector_load %arg13[%get3A_671, %get3A_672, %get3A_673] {strides = array<i32>} : memref<2x16x16xf32, #tpu.memory_space<vmem>>, vector<16xf32>,
    %reduce_sum3A_675 = arith.constant true
    %reduce_sum3A_676 = vector.broadcast %reduce_sum3A_675 : i1 to vector<16xi1>
    %reduce_sum3A_677 = tpu.scan <sum>, %get3A_674 masked %reduce_sum3A_676 : vector<16xf32>, vector<16xi1> -> vector<16xf32>
    %reduce_sum3A_678 = vector.extract %reduce_sum3A_677[15] : f32 from vector<16xf32>
    %eq3A_679 = arith.constant 10 : i32
    %eq3A_680 = vector.broadcast %eq3A_679 : i32 to vector<16xi32>
    %eq3A_681 = arith.cmpi eq, %iota3A, %eq3A_680 : vector<16xi32>
    %broadcast_in_dim3A_682 = vector.broadcast %reduce_sum3A_678 : f32 to vector<16xf32>
    %select_n3A_683 = arith.select %eq3A_681, %broadcast_in_dim3A_682, %select_n3A_668 : vector<16xi1>, vector<16xf32>
    %get3A_684 = arith.constant 1 : i32
    %get3A_685 = arith.constant 11 : i32
    %get3A_686 = arith.index_cast %get3A_684 : i32 to index
    %get3A_687 = arith.index_cast %get3A_685 : i32 to index
    %get3A_688 = arith.constant 0 : index
    %get3A_689 = tpu.vector_load %arg13[%get3A_686, %get3A_687, %get3A_688] {strides = array<i32>} : memref<2x16x16xf32, #tpu.memory_space<vmem>>, vector<16xf32>,
    %reduce_sum3A_690 = arith.constant true
    %reduce_sum3A_691 = vector.broadcast %reduce_sum3A_690 : i1 to vector<16xi1>
    %reduce_sum3A_692 = tpu.scan <sum>, %get3A_689 masked %reduce_sum3A_691 : vector<16xf32>, vector<16xi1> -> vector<16xf32>
    %reduce_sum3A_693 = vector.extract %reduce_sum3A_692[15] : f32 from vector<16xf32>
    %eq3A_694 = arith.constant 11 : i32
    %eq3A_695 = vector.broadcast %eq3A_694 : i32 to vector<16xi32>
    %eq3A_696 = arith.cmpi eq, %iota3A, %eq3A_695 : vector<16xi32>
    %broadcast_in_dim3A_697 = vector.broadcast %reduce_sum3A_693 : f32 to vector<16xf32>
    %select_n3A_698 = arith.select %eq3A_696, %broadcast_in_dim3A_697, %select_n3A_683 : vector<16xi1>, vector<16xf32>
    %get3A_699 = arith.constant 1 : i32
    %get3A_700 = arith.constant 12 : i32
    %get3A_701 = arith.index_cast %get3A_699 : i32 to index
    %get3A_702 = arith.index_cast %get3A_700 : i32 to index
    %get3A_703 = arith.constant 0 : index
    %get3A_704 = tpu.vector_load %arg13[%get3A_701, %get3A_702, %get3A_703] {strides = array<i32>} : memref<2x16x16xf32, #tpu.memory_space<vmem>>, vector<16xf32>,
    %reduce_sum3A_705 = arith.constant true
    %reduce_sum3A_706 = vector.broadcast %reduce_sum3A_705 : i1 to vector<16xi1>
    %reduce_sum3A_707 = tpu.scan <sum>, %get3A_704 masked %reduce_sum3A_706 : vector<16xf32>, vector<16xi1> -> vector<16xf32>
    %reduce_sum3A_708 = vector.extract %reduce_sum3A_707[15] : f32 from vector<16xf32>
    %eq3A_709 = arith.constant 12 : i32
    %eq3A_710 = vector.broadcast %eq3A_709 : i32 to vector<16xi32>
    %eq3A_711 = arith.cmpi eq, %iota3A, %eq3A_710 : vector<16xi32>
    %broadcast_in_dim3A_712 = vector.broadcast %reduce_sum3A_708 : f32 to vector<16xf32>
    %select_n3A_713 = arith.select %eq3A_711, %broadcast_in_dim3A_712, %select_n3A_698 : vector<16xi1>, vector<16xf32>
    %get3A_714 = arith.constant 1 : i32
    %get3A_715 = arith.constant 13 : i32
    %get3A_716 = arith.index_cast %get3A_714 : i32 to index
    %get3A_717 = arith.index_cast %get3A_715 : i32 to index
    %get3A_718 = arith.constant 0 : index
    %get3A_719 = tpu.vector_load %arg13[%get3A_716, %get3A_717, %get3A_718] {strides = array<i32>} : memref<2x16x16xf32, #tpu.memory_space<vmem>>, vector<16xf32>,
    %reduce_sum3A_720 = arith.constant true
    %reduce_sum3A_721 = vector.broadcast %reduce_sum3A_720 : i1 to vector<16xi1>
    %reduce_sum3A_722 = tpu.scan <sum>, %get3A_719 masked %reduce_sum3A_721 : vector<16xf32>, vector<16xi1> -> vector<16xf32>
    %reduce_sum3A_723 = vector.extract %reduce_sum3A_722[15] : f32 from vector<16xf32>
    %eq3A_724 = arith.constant 13 : i32
    %eq3A_725 = vector.broadcast %eq3A_724 : i32 to vector<16xi32>
    %eq3A_726 = arith.cmpi eq, %iota3A, %eq3A_725 : vector<16xi32>
    %broadcast_in_dim3A_727 = vector.broadcast %reduce_sum3A_723 : f32 to vector<16xf32>
    %select_n3A_728 = arith.select %eq3A_726, %broadcast_in_dim3A_727, %select_n3A_713 : vector<16xi1>, vector<16xf32>
    %get3A_729 = arith.constant 1 : i32
    %get3A_730 = arith.constant 14 : i32
    %get3A_731 = arith.index_cast %get3A_729 : i32 to index
    %get3A_732 = arith.index_cast %get3A_730 : i32 to index
    %get3A_733 = arith.constant 0 : index
    %get3A_734 = tpu.vector_load %arg13[%get3A_731, %get3A_732, %get3A_733] {strides = array<i32>} : memref<2x16x16xf32, #tpu.memory_space<vmem>>, vector<16xf32>,
    %reduce_sum3A_735 = arith.constant true
    %reduce_sum3A_736 = vector.broadcast %reduce_sum3A_735 : i1 to vector<16xi1>
    %reduce_sum3A_737 = tpu.scan <sum>, %get3A_734 masked %reduce_sum3A_736 : vector<16xf32>, vector<16xi1> -> vector<16xf32>
    %reduce_sum3A_738 = vector.extract %reduce_sum3A_737[15] : f32 from vector<16xf32>
    %eq3A_739 = arith.constant 14 : i32
    %eq3A_740 = vector.broadcast %eq3A_739 : i32 to vector<16xi32>
    %eq3A_741 = arith.cmpi eq, %iota3A, %eq3A_740 : vector<16xi32>
    %broadcast_in_dim3A_742 = vector.broadcast %reduce_sum3A_738 : f32 to vector<16xf32>
    %select_n3A_743 = arith.select %eq3A_741, %broadcast_in_dim3A_742, %select_n3A_728 : vector<16xi1>, vector<16xf32>
    %get3A_744 = arith.constant 1 : i32
    %get3A_745 = arith.constant 15 : i32
    %get3A_746 = arith.index_cast %get3A_744 : i32 to index
    %get3A_747 = arith.index_cast %get3A_745 : i32 to index
    %get3A_748 = arith.constant 0 : index
    %get3A_749 = tpu.vector_load %arg13[%get3A_746, %get3A_747, %get3A_748] {strides = array<i32>} : memref<2x16x16xf32, #tpu.memory_space<vmem>>, vector<16xf32>,
    %reduce_sum3A_750 = arith.constant true
    %reduce_sum3A_751 = vector.broadcast %reduce_sum3A_750 : i1 to vector<16xi1>
    %reduce_sum3A_752 = tpu.scan <sum>, %get3A_749 masked %reduce_sum3A_751 : vector<16xf32>, vector<16xi1> -> vector<16xf32>
    %reduce_sum3A_753 = vector.extract %reduce_sum3A_752[15] : f32 from vector<16xf32>
    %eq3A_754 = arith.constant 15 : i32
    %eq3A_755 = vector.broadcast %eq3A_754 : i32 to vector<16xi32>
    %eq3A_756 = arith.cmpi eq, %iota3A, %eq3A_755 : vector<16xi32>
    %broadcast_in_dim3A_757 = vector.broadcast %reduce_sum3A_753 : f32 to vector<16xf32>
    %select_n3A_758 = arith.select %eq3A_756, %broadcast_in_dim3A_757, %select_n3A_743 : vector<16xi1>, vector<16xf32>
    %swap3A_759 = arith.constant 16 : index
    %swap3A_760 = tpu.vector_load %arg14[%swap3A_759] {strides = array<i32>} : memref<32xf32, #tpu.memory_space<vmem>>, vector<16xf32>,
    tpu.vector_store %arg14[%swap3A_759], %select_n3A_758 {strides = array<i32>} : memref<32xf32, #tpu.memory_space<vmem>>, vector<16xf32>,
    %mul3A_761 = arith.constant 2 : i32
    %mul3A_762 = arith.muli %arg1, %mul3A_761 : i32
    %mul3A_763 = arith.constant 16 : i32
    %mul3A_764 = arith.muli %mul3A_762, %mul3A_763 : i32
    "tpu.region"() ({
      %run_scoped3A = tpu.sem_alloc : memref<!tpu.dma_semaphore, #tpu.memory_space<semaphore_mem>>
      %dma_start3A = tpu.memref_slice %arg17[%mul3A_764] : memref<512xf32, #tpu.memory_space<vmem_shared>> -> memref<32xf32, #tpu.memory_space<vmem_shared>>
      %dma_start3A_780 = tpu.memref_slice %arg17[%mul3A_764] : memref<512xf32, #tpu.memory_space<vmem_shared>> -> memref<32xf32, #tpu.memory_space<vmem_shared>>
      tpu.enqueue_dma source(%arg14 : memref<32xf32, #tpu.memory_space<vmem>>) target(%dma_start3A_780 : memref<32xf32, #tpu.memory_space<vmem_shared>>) target_semaphore(%run_scoped3A : memref<!tpu.dma_semaphore, #tpu.memory_space<semaphore_mem>>)
      %dma_wait3A = tpu.memref_slice %arg17[%mul3A_764] : memref<512xf32, #tpu.memory_space<vmem_shared>> -> memref<32xf32, #tpu.memory_space<vmem_shared>>
      %dma_wait3A_781 = tpu.memref_slice %arg17[%mul3A_764] : memref<512xf32, #tpu.memory_space<vmem_shared>> -> memref<32xf32, #tpu.memory_space<vmem_shared>>
      tpu.wait_dma2 semaphore(%run_scoped3A : memref<!tpu.dma_semaphore, #tpu.memory_space<semaphore_mem>>) src(%arg14 : memref<32xf32, #tpu.memory_space<vmem>>) dst(%dma_wait3A_781 : memref<32xf32, #tpu.memory_space<vmem_shared>>)
      tpu.yield
    }) : () -> ()
    %barrier3A = arith.constant 0 : index
    tpu.barrier barrier_id(%barrier3A)
    %ne3A_765 = arith.constant 15 : i32
    %ne3A_766 = arith.cmpi ne, %arg1, %ne3A_765 : i32
    %convert_element_type3A_767 = arith.extui %ne3A_766 : i1 to i32
    %cond3A_768 = arith.constant 0 : i32
    %cond3A_769 = arith.cmpi ne, %convert_element_type3A_767, %cond3A_768 : i32
    scf.if %cond3A_769 {
      "tpu.region"() ({
        %run_scoped3A = tpu.sem_alloc : memref<!tpu.dma_semaphore, #tpu.memory_space<semaphore_mem>>
        %dma_start3A = tpu.memref_slice %arg6[%mul3A_0] : memref<100000xf32, #tpu.memory_space<hbm>> -> memref<6256xf32, #tpu.memory_space<hbm>>
        %dma_start3A_780 = tpu.memref_slice %arg6[%mul3A_0] : memref<100000xf32, #tpu.memory_space<hbm>> -> memref<6256xf32, #tpu.memory_space<hbm>>
        tpu.enqueue_dma source(%arg12 : memref<6256xf32, #tpu.memory_space<vmem>>) target(%dma_start3A_780 : memref<6256xf32, #tpu.memory_space<hbm>>) target_semaphore(%run_scoped3A : memref<!tpu.dma_semaphore, #tpu.memory_space<semaphore_mem>>)
        %dma_wait3A = tpu.memref_slice %arg6[%mul3A_0] : memref<100000xf32, #tpu.memory_space<hbm>> -> memref<6256xf32, #tpu.memory_space<hbm>>
        %dma_wait3A_781 = tpu.memref_slice %arg6[%mul3A_0] : memref<100000xf32, #tpu.memory_space<hbm>> -> memref<6256xf32, #tpu.memory_space<hbm>>
        tpu.wait_dma2 semaphore(%run_scoped3A : memref<!tpu.dma_semaphore, #tpu.memory_space<semaphore_mem>>) src(%arg12 : memref<6256xf32, #tpu.memory_space<vmem>>) dst(%dma_wait3A_781 : memref<6256xf32, #tpu.memory_space<hbm>>)
        tpu.yield
      }) : () -> ()
    } else {
    }
    %eq3A_770 = arith.constant 15 : i32
    %eq3A_771 = arith.cmpi eq, %arg1, %eq3A_770 : i32
    %convert_element_type3A_772 = arith.extui %eq3A_771 : i1 to i32
    %cond3A_773 = arith.constant 0 : i32
    %cond3A_774 = arith.cmpi ne, %convert_element_type3A_772, %cond3A_773 : i32
    scf.if %cond3A_774 {
      "tpu.region"() ({
        %run_scoped3A = tpu.sem_alloc : memref<!tpu.dma_semaphore, #tpu.memory_space<semaphore_mem>>
        %dma_start3A = arith.constant 0 : i32
        %dma_start3A_780 = tpu.memref_slice %arg12[%dma_start3A] : memref<6256xf32, #tpu.memory_space<vmem>> -> memref<6160xf32, #tpu.memory_space<vmem>>
        %dma_start3A_781 = tpu.memref_slice %arg6[%mul3A_0] : memref<100000xf32, #tpu.memory_space<hbm>> -> memref<6160xf32, #tpu.memory_space<hbm>>
        %dma_start3A_782 = tpu.memref_slice %arg6[%mul3A_0] : memref<100000xf32, #tpu.memory_space<hbm>> -> memref<6160xf32, #tpu.memory_space<hbm>>
        %dma_start3A_783 = arith.constant 0 : i32
        %dma_start3A_784 = tpu.memref_slice %arg12[%dma_start3A_783] : memref<6256xf32, #tpu.memory_space<vmem>> -> memref<6160xf32, #tpu.memory_space<vmem>>
        tpu.enqueue_dma source(%dma_start3A_784 : memref<6160xf32, #tpu.memory_space<vmem>>) target(%dma_start3A_782 : memref<6160xf32, #tpu.memory_space<hbm>>) target_semaphore(%run_scoped3A : memref<!tpu.dma_semaphore, #tpu.memory_space<semaphore_mem>>)
        %dma_wait3A = arith.constant 0 : i32
        %dma_wait3A_785 = tpu.memref_slice %arg12[%dma_wait3A] : memref<6256xf32, #tpu.memory_space<vmem>> -> memref<6160xf32, #tpu.memory_space<vmem>>
        %dma_wait3A_786 = tpu.memref_slice %arg6[%mul3A_0] : memref<100000xf32, #tpu.memory_space<hbm>> -> memref<6160xf32, #tpu.memory_space<hbm>>
        %dma_wait3A_787 = tpu.memref_slice %arg6[%mul3A_0] : memref<100000xf32, #tpu.memory_space<hbm>> -> memref<6160xf32, #tpu.memory_space<hbm>>
        %dma_wait3A_788 = arith.constant 0 : i32
        %dma_wait3A_789 = tpu.memref_slice %arg12[%dma_wait3A_788] : memref<6256xf32, #tpu.memory_space<vmem>> -> memref<6160xf32, #tpu.memory_space<vmem>>
        tpu.wait_dma2 semaphore(%run_scoped3A : memref<!tpu.dma_semaphore, #tpu.memory_space<semaphore_mem>>) src(%dma_wait3A_789 : memref<6160xf32, #tpu.memory_space<vmem>>) dst(%dma_wait3A_787 : memref<6160xf32, #tpu.memory_space<hbm>>)
        tpu.yield
      }) : () -> ()
    } else {
    }
    %eq3A_775 = arith.constant 0 : i32
    %eq3A_776 = arith.cmpi eq, %arg1, %eq3A_775 : i32
    %convert_element_type3A_777 = arith.extui %eq3A_776 : i1 to i32
    %cond3A_778 = arith.constant 0 : i32
    %cond3A_779 = arith.cmpi ne, %convert_element_type3A_777, %cond3A_778 : i32
    scf.if %cond3A_779 {
      "tpu.region"() ({
        %run_scoped3A = tpu.sem_alloc : memref<!tpu.dma_semaphore, #tpu.memory_space<semaphore_mem>>
        tpu.enqueue_dma source(%arg17 : memref<512xf32, #tpu.memory_space<vmem_shared>>) target(%arg15 : memref<512xf32, #tpu.memory_space<vmem>>) target_semaphore(%run_scoped3A : memref<!tpu.dma_semaphore, #tpu.memory_space<semaphore_mem>>)
        tpu.wait_dma2 semaphore(%run_scoped3A : memref<!tpu.dma_semaphore, #tpu.memory_space<semaphore_mem>>) src(%arg17 : memref<512xf32, #tpu.memory_space<vmem_shared>>) dst(%arg15 : memref<512xf32, #tpu.memory_space<vmem>>)
        tpu.yield
      }) : () -> ()
      %broadcast_in_dim3A_780 = arith.constant 0.000000e+00 : f32
      %broadcast_in_dim3A_781 = vector.broadcast %broadcast_in_dim3A_780 : f32 to vector<16xf32>
      %broadcast_in_dim3A_782 = arith.constant 0.000000e+00 : f32
      %broadcast_in_dim3A_783 = vector.broadcast %broadcast_in_dim3A_782 : f32 to vector<16xf32>
      %get3A_784 = arith.constant 0 : index
      %get3A_785 = tpu.vector_load %arg15[%get3A_784] {strides = array<i32>} : memref<512xf32, #tpu.memory_space<vmem>>, vector<16xf32>,
      %add3A = arith.addf %broadcast_in_dim3A_781, %get3A_785 : vector<16xf32>
      %get3A_786 = arith.constant 16 : index
      %get3A_787 = tpu.vector_load %arg15[%get3A_786] {strides = array<i32>} : memref<512xf32, #tpu.memory_space<vmem>>, vector<16xf32>,
      %add3A_788 = arith.addf %broadcast_in_dim3A_783, %get3A_787 : vector<16xf32>
      %get3A_789 = arith.constant 32 : index
      %get3A_790 = tpu.vector_load %arg15[%get3A_789] {strides = array<i32>} : memref<512xf32, #tpu.memory_space<vmem>>, vector<16xf32>,
      %add3A_791 = arith.addf %add3A, %get3A_790 : vector<16xf32>
      %get3A_792 = arith.constant 48 : index
      %get3A_793 = tpu.vector_load %arg15[%get3A_792] {strides = array<i32>} : memref<512xf32, #tpu.memory_space<vmem>>, vector<16xf32>,
      %add3A_794 = arith.addf %add3A_788, %get3A_793 : vector<16xf32>
      %get3A_795 = arith.constant 64 : index
      %get3A_796 = tpu.vector_load %arg15[%get3A_795] {strides = array<i32>} : memref<512xf32, #tpu.memory_space<vmem>>, vector<16xf32>,
      %add3A_797 = arith.addf %add3A_791, %get3A_796 : vector<16xf32>
      %get3A_798 = arith.constant 80 : index
      %get3A_799 = tpu.vector_load %arg15[%get3A_798] {strides = array<i32>} : memref<512xf32, #tpu.memory_space<vmem>>, vector<16xf32>,
      %add3A_800 = arith.addf %add3A_794, %get3A_799 : vector<16xf32>
      %get3A_801 = arith.constant 96 : index
      %get3A_802 = tpu.vector_load %arg15[%get3A_801] {strides = array<i32>} : memref<512xf32, #tpu.memory_space<vmem>>, vector<16xf32>,
      %add3A_803 = arith.addf %add3A_797, %get3A_802 : vector<16xf32>
      %get3A_804 = arith.constant 112 : index
      %get3A_805 = tpu.vector_load %arg15[%get3A_804] {strides = array<i32>} : memref<512xf32, #tpu.memory_space<vmem>>, vector<16xf32>,
      %add3A_806 = arith.addf %add3A_800, %get3A_805 : vector<16xf32>
      %get3A_807 = arith.constant 128 : index
      %get3A_808 = tpu.vector_load %arg15[%get3A_807] {strides = array<i32>} : memref<512xf32, #tpu.memory_space<vmem>>, vector<16xf32>,
      %add3A_809 = arith.addf %add3A_803, %get3A_808 : vector<16xf32>
      %get3A_810 = arith.constant 144 : index
      %get3A_811 = tpu.vector_load %arg15[%get3A_810] {strides = array<i32>} : memref<512xf32, #tpu.memory_space<vmem>>, vector<16xf32>,
      %add3A_812 = arith.addf %add3A_806, %get3A_811 : vector<16xf32>
      %get3A_813 = arith.constant 160 : index
      %get3A_814 = tpu.vector_load %arg15[%get3A_813] {strides = array<i32>} : memref<512xf32, #tpu.memory_space<vmem>>, vector<16xf32>,
      %add3A_815 = arith.addf %add3A_809, %get3A_814 : vector<16xf32>
      %get3A_816 = arith.constant 176 : index
      %get3A_817 = tpu.vector_load %arg15[%get3A_816] {strides = array<i32>} : memref<512xf32, #tpu.memory_space<vmem>>, vector<16xf32>,
      %add3A_818 = arith.addf %add3A_812, %get3A_817 : vector<16xf32>
      %get3A_819 = arith.constant 192 : index
      %get3A_820 = tpu.vector_load %arg15[%get3A_819] {strides = array<i32>} : memref<512xf32, #tpu.memory_space<vmem>>, vector<16xf32>,
      %add3A_821 = arith.addf %add3A_815, %get3A_820 : vector<16xf32>
      %get3A_822 = arith.constant 208 : index
      %get3A_823 = tpu.vector_load %arg15[%get3A_822] {strides = array<i32>} : memref<512xf32, #tpu.memory_space<vmem>>, vector<16xf32>,
      %add3A_824 = arith.addf %add3A_818, %get3A_823 : vector<16xf32>
      %get3A_825 = arith.constant 224 : index
      %get3A_826 = tpu.vector_load %arg15[%get3A_825] {strides = array<i32>} : memref<512xf32, #tpu.memory_space<vmem>>, vector<16xf32>,
      %add3A_827 = arith.addf %add3A_821, %get3A_826 : vector<16xf32>
      %get3A_828 = arith.constant 240 : index
      %get3A_829 = tpu.vector_load %arg15[%get3A_828] {strides = array<i32>} : memref<512xf32, #tpu.memory_space<vmem>>, vector<16xf32>,
      %add3A_830 = arith.addf %add3A_824, %get3A_829 : vector<16xf32>
      %get3A_831 = arith.constant 256 : index
      %get3A_832 = tpu.vector_load %arg15[%get3A_831] {strides = array<i32>} : memref<512xf32, #tpu.memory_space<vmem>>, vector<16xf32>,
      %add3A_833 = arith.addf %add3A_827, %get3A_832 : vector<16xf32>
      %get3A_834 = arith.constant 272 : index
      %get3A_835 = tpu.vector_load %arg15[%get3A_834] {strides = array<i32>} : memref<512xf32, #tpu.memory_space<vmem>>, vector<16xf32>,
      %add3A_836 = arith.addf %add3A_830, %get3A_835 : vector<16xf32>
      %get3A_837 = arith.constant 288 : index
      %get3A_838 = tpu.vector_load %arg15[%get3A_837] {strides = array<i32>} : memref<512xf32, #tpu.memory_space<vmem>>, vector<16xf32>,
      %add3A_839 = arith.addf %add3A_833, %get3A_838 : vector<16xf32>
      %get3A_840 = arith.constant 304 : index
      %get3A_841 = tpu.vector_load %arg15[%get3A_840] {strides = array<i32>} : memref<512xf32, #tpu.memory_space<vmem>>, vector<16xf32>,
      %add3A_842 = arith.addf %add3A_836, %get3A_841 : vector<16xf32>
      %get3A_843 = arith.constant 320 : index
      %get3A_844 = tpu.vector_load %arg15[%get3A_843] {strides = array<i32>} : memref<512xf32, #tpu.memory_space<vmem>>, vector<16xf32>,
      %add3A_845 = arith.addf %add3A_839, %get3A_844 : vector<16xf32>
      %get3A_846 = arith.constant 336 : index
      %get3A_847 = tpu.vector_load %arg15[%get3A_846] {strides = array<i32>} : memref<512xf32, #tpu.memory_space<vmem>>, vector<16xf32>,
      %add3A_848 = arith.addf %add3A_842, %get3A_847 : vector<16xf32>
      %get3A_849 = arith.constant 352 : index
      %get3A_850 = tpu.vector_load %arg15[%get3A_849] {strides = array<i32>} : memref<512xf32, #tpu.memory_space<vmem>>, vector<16xf32>,
      %add3A_851 = arith.addf %add3A_845, %get3A_850 : vector<16xf32>
      %get3A_852 = arith.constant 368 : index
      %get3A_853 = tpu.vector_load %arg15[%get3A_852] {strides = array<i32>} : memref<512xf32, #tpu.memory_space<vmem>>, vector<16xf32>,
      %add3A_854 = arith.addf %add3A_848, %get3A_853 : vector<16xf32>
      %get3A_855 = arith.constant 384 : index
      %get3A_856 = tpu.vector_load %arg15[%get3A_855] {strides = array<i32>} : memref<512xf32, #tpu.memory_space<vmem>>, vector<16xf32>,
      %add3A_857 = arith.addf %add3A_851, %get3A_856 : vector<16xf32>
      %get3A_858 = arith.constant 400 : index
      %get3A_859 = tpu.vector_load %arg15[%get3A_858] {strides = array<i32>} : memref<512xf32, #tpu.memory_space<vmem>>, vector<16xf32>,
      %add3A_860 = arith.addf %add3A_854, %get3A_859 : vector<16xf32>
      %get3A_861 = arith.constant 416 : index
      %get3A_862 = tpu.vector_load %arg15[%get3A_861] {strides = array<i32>} : memref<512xf32, #tpu.memory_space<vmem>>, vector<16xf32>,
      %add3A_863 = arith.addf %add3A_857, %get3A_862 : vector<16xf32>
      %get3A_864 = arith.constant 432 : index
      %get3A_865 = tpu.vector_load %arg15[%get3A_864] {strides = array<i32>} : memref<512xf32, #tpu.memory_space<vmem>>, vector<16xf32>,
      %add3A_866 = arith.addf %add3A_860, %get3A_865 : vector<16xf32>
      %get3A_867 = arith.constant 448 : index
      %get3A_868 = tpu.vector_load %arg15[%get3A_867] {strides = array<i32>} : memref<512xf32, #tpu.memory_space<vmem>>, vector<16xf32>,
      %add3A_869 = arith.addf %add3A_863, %get3A_868 : vector<16xf32>
      %get3A_870 = arith.constant 464 : index
      %get3A_871 = tpu.vector_load %arg15[%get3A_870] {strides = array<i32>} : memref<512xf32, #tpu.memory_space<vmem>>, vector<16xf32>,
      %add3A_872 = arith.addf %add3A_866, %get3A_871 : vector<16xf32>
      %get3A_873 = arith.constant 480 : index
      %get3A_874 = tpu.vector_load %arg15[%get3A_873] {strides = array<i32>} : memref<512xf32, #tpu.memory_space<vmem>>, vector<16xf32>,
      %add3A_875 = arith.addf %add3A_869, %get3A_874 : vector<16xf32>
      %get3A_876 = arith.constant 496 : index
      %get3A_877 = tpu.vector_load %arg15[%get3A_876] {strides = array<i32>} : memref<512xf32, #tpu.memory_space<vmem>>, vector<16xf32>,
      %add3A_878 = arith.addf %add3A_872, %get3A_877 : vector<16xf32>
      "tpu.region"() ({
        %run_scoped3A = tpu.sem_alloc : memref<!tpu.dma_semaphore, #tpu.memory_space<semaphore_mem>>
        %dma_start3A = arith.constant 99984 : i32
        %dma_start3A_923 = tpu.memref_slice %arg5[%dma_start3A] : memref<100000xi32, #tpu.memory_space<hbm>> -> memref<16xi32, #tpu.memory_space<hbm>>
        %dma_start3A_924 = arith.constant 99984 : i32
        %dma_start3A_925 = tpu.memref_slice %arg5[%dma_start3A_924] : memref<100000xi32, #tpu.memory_space<hbm>> -> memref<16xi32, #tpu.memory_space<hbm>>
        tpu.enqueue_dma source(%dma_start3A_925 : memref<16xi32, #tpu.memory_space<hbm>>) target(%arg16 : memref<16xi32, #tpu.memory_space<vmem>>) target_semaphore(%run_scoped3A : memref<!tpu.dma_semaphore, #tpu.memory_space<semaphore_mem>>)
        %dma_wait3A = arith.constant 99984 : i32
        %dma_wait3A_926 = tpu.memref_slice %arg5[%dma_wait3A] : memref<100000xi32, #tpu.memory_space<hbm>> -> memref<16xi32, #tpu.memory_space<hbm>>
        %dma_wait3A_927 = arith.constant 99984 : i32
        %dma_wait3A_928 = tpu.memref_slice %arg5[%dma_wait3A_927] : memref<100000xi32, #tpu.memory_space<hbm>> -> memref<16xi32, #tpu.memory_space<hbm>>
        tpu.wait_dma2 semaphore(%run_scoped3A : memref<!tpu.dma_semaphore, #tpu.memory_space<semaphore_mem>>) src(%dma_wait3A_928 : memref<16xi32, #tpu.memory_space<hbm>>) dst(%arg16 : memref<16xi32, #tpu.memory_space<vmem>>)
        tpu.yield
      }) : () -> ()
      %get3A_879 = arith.constant 0 : index
      %get3A_880 = tpu.vector_load %arg16[%get3A_879] {strides = array<i32>} : memref<16xi32, #tpu.memory_space<vmem>>, vector<16xi32>,
      %reduce_max3A = arith.constant true
      %reduce_max3A_881 = vector.broadcast %reduce_max3A : i1 to vector<16xi1>
      %reduce_max3A_882 = arith.constant -2147483648 : i32
      %reduce_max3A_883 = vector.broadcast %reduce_max3A_882 : i32 to vector<16xi32>
      %reduce_max3A_884 = arith.xori %get3A_880, %reduce_max3A_883 : vector<16xi32>
      %reduce_max3A_885 = tpu.scan <max>, %reduce_max3A_884 masked %reduce_max3A_881 : vector<16xi32>, vector<16xi1> -> vector<16xi32>
      %reduce_max3A_886 = arith.xori %reduce_max3A_885, %reduce_max3A_883 : vector<16xi32>
      %reduce_max3A_887 = vector.extract %reduce_max3A_886[15] : i32 from vector<16xi32>
      %add3A_888 = arith.constant 1 : i32
      %add3A_889 = arith.addi %reduce_max3A_887, %add3A_888 : i32
      %jit3A_890 = arith.constant 16 : i32
      %div3A = arith.divsi %add3A_889, %jit3A_890 : i32
      %sign3A = arith.constant 0 : i32
      %sign3A_891 = arith.cmpi sgt, %add3A_889, %sign3A : i32
      %sign3A_892 = arith.extui %sign3A_891 : i1 to i32
      %sign3A_893 = arith.constant 0 : i32
      %sign3A_894 = arith.cmpi slt, %add3A_889, %sign3A_893 : i32
      %sign3A_895 = arith.extui %sign3A_894 : i1 to i32
      %sign3A_896 = arith.subi %sign3A_892, %sign3A_895 : i32
      %sign3A_897 = arith.constant 0 : i32
      %sign3A_898 = arith.cmpi sgt, %jit3A_890, %sign3A_897 : i32
      %sign3A_899 = arith.extui %sign3A_898 : i1 to i32
      %sign3A_900 = arith.constant 0 : i32
      %sign3A_901 = arith.cmpi slt, %jit3A_890, %sign3A_900 : i32
      %sign3A_902 = arith.extui %sign3A_901 : i1 to i32
      %sign3A_903 = arith.subi %sign3A_899, %sign3A_902 : i32
      %ne3A_904 = arith.cmpi ne, %sign3A_896, %sign3A_903 : i32
      %rem3A = arith.remsi %add3A_889, %jit3A_890 : i32
      %ne3A_905 = arith.constant 0 : i32
      %ne3A_906 = arith.cmpi ne, %rem3A, %ne3A_905 : i32
      %and3A = arith.andi %ne3A_904, %ne3A_906 : i1
      %sub3A = arith.constant 1 : i32
      %sub3A_907 = arith.subi %div3A, %sub3A : i32
      %select_n3A_908 = arith.select %and3A, %sub3A_907, %div3A : i32
      %convert_element_type3A_909 = arith.sitofp %select_n3A_908 : i32 to f32
      %mul3A_910 = vector.broadcast %convert_element_type3A_909 : f32 to vector<16xf32>
      %mul3A_911 = arith.mulf %mul3A_910, %add3A_878 : vector<16xf32>
      %eq3A_912 = arith.cmpf oeq, %mul3A_911, %add3A_875 : vector<16xf32>
      %jit3A_913 = arith.constant 1.000000e+00 : f32
      %jit3A_914 = arith.constant 0.000000e+00 : f32
      %broadcast_in_dim3A_915 = vector.broadcast %jit3A_913 : f32 to vector<16xf32>
      %broadcast_in_dim3A_916 = vector.broadcast %jit3A_914 : f32 to vector<16xf32>
      %select_n3A_917 = arith.select %eq3A_912, %broadcast_in_dim3A_915, %broadcast_in_dim3A_916 : vector<16xi1>, vector<16xf32>
      %sub3A_918 = arith.subf %mul3A_911, %add3A_875 : vector<16xf32>
      %swap3A_919 = arith.constant 0 : index
      %swap3A_920 = tpu.vector_load %arg14[%swap3A_919] {strides = array<i32>} : memref<32xf32, #tpu.memory_space<vmem>>, vector<16xf32>,
      tpu.vector_store %arg14[%swap3A_919], %select_n3A_917 {strides = array<i32>} : memref<32xf32, #tpu.memory_space<vmem>>, vector<16xf32>,
      %swap3A_921 = arith.constant 16 : index
      %swap3A_922 = tpu.vector_load %arg14[%swap3A_921] {strides = array<i32>} : memref<32xf32, #tpu.memory_space<vmem>>, vector<16xf32>,
      tpu.vector_store %arg14[%swap3A_921], %sub3A_918 {strides = array<i32>} : memref<32xf32, #tpu.memory_space<vmem>>, vector<16xf32>,
      "tpu.region"() ({
        %run_scoped3A = tpu.sem_alloc : memref<!tpu.dma_semaphore, #tpu.memory_space<semaphore_mem>>
        %dma_start3A = arith.constant 0 : i32
        %dma_start3A_923 = tpu.memref_slice %arg14[%dma_start3A] : memref<32xf32, #tpu.memory_space<vmem>> -> memref<16xf32, #tpu.memory_space<vmem>>
        %dma_start3A_924 = arith.constant 0 : i32
        %dma_start3A_925 = tpu.memref_slice %arg14[%dma_start3A_924] : memref<32xf32, #tpu.memory_space<vmem>> -> memref<16xf32, #tpu.memory_space<vmem>>
        tpu.enqueue_dma source(%dma_start3A_925 : memref<16xf32, #tpu.memory_space<vmem>>) target(%arg7 : memref<16xf32, #tpu.memory_space<hbm>>) target_semaphore(%run_scoped3A : memref<!tpu.dma_semaphore, #tpu.memory_space<semaphore_mem>>)
        %dma_wait3A = arith.constant 0 : i32
        %dma_wait3A_926 = tpu.memref_slice %arg14[%dma_wait3A] : memref<32xf32, #tpu.memory_space<vmem>> -> memref<16xf32, #tpu.memory_space<vmem>>
        %dma_wait3A_927 = arith.constant 0 : i32
        %dma_wait3A_928 = tpu.memref_slice %arg14[%dma_wait3A_927] : memref<32xf32, #tpu.memory_space<vmem>> -> memref<16xf32, #tpu.memory_space<vmem>>
        tpu.wait_dma2 semaphore(%run_scoped3A : memref<!tpu.dma_semaphore, #tpu.memory_space<semaphore_mem>>) src(%dma_wait3A_928 : memref<16xf32, #tpu.memory_space<vmem>>) dst(%arg7 : memref<16xf32, #tpu.memory_space<hbm>>)
        tpu.yield
      }) : () -> ()
      "tpu.region"() ({
        %run_scoped3A = tpu.sem_alloc : memref<!tpu.dma_semaphore, #tpu.memory_space<semaphore_mem>>
        %dma_start3A = arith.constant 16 : i32
        %dma_start3A_923 = tpu.memref_slice %arg14[%dma_start3A] : memref<32xf32, #tpu.memory_space<vmem>> -> memref<16xf32, #tpu.memory_space<vmem>>
        %dma_start3A_924 = arith.constant 16 : i32
        %dma_start3A_925 = tpu.memref_slice %arg14[%dma_start3A_924] : memref<32xf32, #tpu.memory_space<vmem>> -> memref<16xf32, #tpu.memory_space<vmem>>
        tpu.enqueue_dma source(%dma_start3A_925 : memref<16xf32, #tpu.memory_space<vmem>>) target(%arg8 : memref<16xf32, #tpu.memory_space<hbm>>) target_semaphore(%run_scoped3A : memref<!tpu.dma_semaphore, #tpu.memory_space<semaphore_mem>>)
        %dma_wait3A = arith.constant 16 : i32
        %dma_wait3A_926 = tpu.memref_slice %arg14[%dma_wait3A] : memref<32xf32, #tpu.memory_space<vmem>> -> memref<16xf32, #tpu.memory_space<vmem>>
        %dma_wait3A_927 = arith.constant 16 : i32
        %dma_wait3A_928 = tpu.memref_slice %arg14[%dma_wait3A_927] : memref<32xf32, #tpu.memory_space<vmem>> -> memref<16xf32, #tpu.memory_space<vmem>>
        tpu.wait_dma2 semaphore(%run_scoped3A : memref<!tpu.dma_semaphore, #tpu.memory_space<semaphore_mem>>) src(%dma_wait3A_928 : memref<16xf32, #tpu.memory_space<vmem>>) dst(%arg8 : memref<16xf32, #tpu.memory_space<hbm>>)
        tpu.yield
      }) : () -> ()
    } else {
    }
    return
  }
}

</mosaic_0001>

<sc_bundles>
// kernel: kernel.4.cloned.1.call-start
scs
__scs_entry_jumppad:
0x0: {  	(pc) =	sbr.rel $0x88, $3  }
0x1: {  	(tag) =	ssettag $0x0;
	lr =	simm.s32 $0x1  }
0x2: {  	[smem:$0x3F9C] =	sst lr;
	_ =	strace $0xD0000000  }
0x3: {  	_ = 	snop  }
0x4: {  	_ = 	snop  }
0x5: {  	_ = 	snop  }
0x6: {  	_ = 	snop  }
0x7: {  	_ = 	snop  }
__scs_overlays_trampoline_lowered:
0x8: {  	[smem:$0x3FAB] =	sst s0  }
0x9: {  	[smem:$0x3FAC] =	sst s1  }
0xa: {  	[smem:$0x3FAD] =	sst s2  }
0xb: {  	[smem:$0x3FAE] =	sst s3  }
0xc: {  	[smem:$0x3FAF] =	sst s4  }
0xd: {  	[smem:$0x3FB0] =	sst s5  }
0xe: {  	[smem:$0x3FB1] =	sst s6  }
0xf: {  	[smem:$0x3FB2] =	sst s7  }
0x10: {  	[smem:$0x3FB3] =	sst s8  }
0x11: {  	[smem:$0x3FB4] =	sst s9;
	s0 =	simm.s32 @!p0 $0x0  }
0x12: {  	s1 =	sld [smem:$0x3F9A];
	s0 =	simm.s32 @p0 $0x1  }
0x13: {  	[smem:$0x3FB5] =	sst s0;
	s0 =	simm.s32 @!p1 $0x0  }
0x14: {  	s2 =	sld [smem:$0x3F99];
	s0 =	simm.s32 @p1 $0x1  }
0x15: {  	[smem:$0x3FB6] =	sst s0;
	s0 =	simm.s32 @!p2 $0x0  }
0x16: {  	s3 =	sld [smem:$0x3FDB];
	s0 =	simm.s32 @p2 $0x1  }
0x17: {  	s4 =	simm.s32 $0x1BF5;
	[smem:$0x3FB8] =	sst s0  }
0x18: {  	s0 =	sld [smem:$0x3F9B];
	_ =	swait.ge [sflag:s4], $0x0  }
0x19: {  	s7 =	sld [smem:$0x3F9C]  }
0x1a: {  	s8 =	sadd.s32 $0xFFFFE003, lr  }
0x1b: {  	s9 =	sadd.s32 $0xFFFFFEF7, lr;
	s5 =	simm.s32 $0xFFFFFFFF;
	p2 =	slt.u32 s8, $0xFFFFF086  }
0x1c: {  	p1 =	slt.u32 s9, $0xF7A;
	s5 =	simm.s32 @!p2 $0x0  }
0x1d: {  	s5 =	simm.s32 @p1 $0x1;
	p0 =	seq.s32 s7, s2  }
0x1e: {  	s7 =	smul.u32 @!p0 $0xF7A, s2;
	p2 =	seq.s32 @!p0 s5, $0x0  }
0x1f: {  	s9 =	smul.u32 $0xF7A, s1;
	s8 =	simm.s32 @!p0 $0x1BF5;
	p2 =	por !p2, p0  }
0x20: {  	[sflag:s8] =	ssyncset.s32 @!p0 $0xFFFFF086;
	s6 =	sadd.s32 @!p0 s3, s7;
	s7 =	simm.s32 @!p0 $0x108  }
0x21: {  	s3 =	sadd.s32 s3, s9;
	s6 =	sadd.s32 @!p0 $0x88, s6;
	s7 =	simm.s32 @p2 $0x1082  }
0x22: {  	[simem:s7], [sflag:s8] =	dma.local @!p0 [hbm:s6], $0xF7A  }
0x23: {  	s9 =	sor.u32 $0xD0000000, s2;
	s6 =	simm.s32 $0x108;
	_ =	swait.ge @!p0 [sflag:s8], $0x0  }
0x24: {  	s3 =	sadd.s32 $0x88, s3;
	s6 =	simm.s32 @!p1 $0x1082;
	[sflag:s4] =	ssyncset.s32 $0xFFFFF086  }
0x25: {  	[simem:s6], [sflag:s4] =	dma.local [hbm:s3], $0xF7A  }
0x26: {  	[smem:$0x3F9C] =	sst s1;
	(tag) =	ssettag s2;
	_ =	strace s9  }
0x27: {  	s1 =	sld [smem:$0x3FAC]  }
0x28: {  	s2 =	sld [smem:$0x3FAD]  }
0x29: {  	s4 =	sld [smem:$0x3FAF]  }
0x2a: {  	p0 =	seq.s32 s5, $0x0;
	s5 =	sld [smem:$0x3FB0]  }
0x2b: {  	s6 =	sld [smem:$0x3FB1]  }
0x2c: {  	s7 =	sld [smem:$0x3FB2]  }
0x2d: {  	s3 =	simm.s32 $0x108;
	s8 =	sld [smem:$0x3FB3]  }
0x2e: {  	s3 =	simm.s32 @!p0 $0x1082;
	s9 =	sld [smem:$0x3FB4]  }
0x2f: {  	lr =	sadd.s32 s0, s3;
	s0 =	sld [smem:$0x3FAB]  }
0x30: {  	s3 =	sld [smem:$0x3FAE]  }
0x31: {  	[smem:$0x3FB7] =	sst s10  }
0x32: {  	s10 =	sld [smem:$0x3FB5];
	_ =	sdelay $0x3  }
0x33: {  	p0 =	seq.s32 s10, $0x1;
	s10 =	sld [smem:$0x3FB7];
	_ =	sdelay $0x3  }
0x34: {  	[smem:$0x3FB7] =	sst s10  }
0x35: {  	s10 =	sld [smem:$0x3FB6];
	_ =	sdelay $0x3  }
0x36: {  	p1 =	seq.s32 s10, $0x1;
	s10 =	sld [smem:$0x3FB7];
	_ =	sdelay $0x3  }
0x37: {  	[smem:$0x3FB7] =	sst s10  }
0x38: {  	s10 =	sld [smem:$0x3FB8]  }
0x39: {  	_ = 	snop;
	(pc) =	sbr.ind lr, $3  }
0x3a: {  	_ = 	snop  }
0x3b: {  	_ = 	snop  }
0x3c: {  	p2 =	seq.s32 s10, $0x1;
	s10 =	sld [smem:$0x3FB7]  }
0x3d: {  	_ =	shalt  }
0x3e: {  	_ =	shalt  }
0x3f: {  	_ =	shalt  }
0x40: {  	_ =	shalt  }
0x41: {  	_ =	shalt  }
0x42: {  	_ =	shalt  }
0x43: {  	_ =	shalt  }
0x44: {  	_ =	shalt  }
0x45: {  	_ =	shalt  }
0x46: {  	_ =	shalt  }
0x47: {  	_ =	shalt  }
0x48: {  	_ =	shalt  }
0x49: {  	_ =	shalt  }
0x4a: {  	_ =	shalt  }
0x4b: {  	_ =	shalt  }
0x4c: {  	_ =	shalt  }
0x4d: {  	_ =	shalt  }
0x4e: {  	_ =	shalt  }
0x4f: {  	_ =	shalt  }
0x50: {  	_ =	shalt  }
0x51: {  	_ =	shalt  }
0x52: {  	_ =	shalt  }
0x53: {  	_ =	shalt  }
0x54: {  	_ =	shalt  }
0x55: {  	_ =	shalt  }
0x56: {  	_ =	shalt  }
0x57: {  	_ =	shalt  }
0x58: {  	_ =	shalt  }
0x59: {  	_ =	shalt  }
0x5a: {  	_ =	shalt  }
0x5b: {  	_ =	shalt  }
0x5c: {  	_ =	shalt  }
0x5d: {  	_ =	shalt  }
0x5e: {  	_ =	shalt  }
0x5f: {  	_ =	shalt  }
0x60: {  	_ =	shalt  }
0x61: {  	_ =	shalt  }
0x62: {  	_ =	shalt  }
0x63: {  	_ =	shalt  }
0x64: {  	_ =	shalt  }
0x65: {  	_ =	shalt  }
0x66: {  	_ =	shalt  }
0x67: {  	_ =	shalt  }
0x68: {  	_ =	shalt  }
0x69: {  	_ =	shalt  }
0x6a: {  	_ =	shalt  }
0x6b: {  	_ =	shalt  }
0x6c: {  	_ =	shalt  }
0x6d: {  	_ =	shalt  }
0x6e: {  	_ =	shalt  }
0x6f: {  	_ =	shalt  }
0x70: {  	_ =	shalt  }
0x71: {  	_ =	shalt  }
0x72: {  	_ =	shalt  }
0x73: {  	_ =	shalt  }
0x74: {  	_ =	shalt  }
0x75: {  	_ =	shalt  }
0x76: {  	_ =	shalt  }
0x77: {  	_ =	shalt  }
0x78: {  	_ =	shalt  }
0x79: {  	_ =	shalt  }
0x7a: {  	_ =	shalt  }
0x7b: {  	_ =	shalt  }
0x7c: {  	_ =	shalt  }
0x7d: {  	_ =	shalt  }
0x7e: {  	_ =	shalt  }
0x7f: {  	_ =	shalt  }
0x80: {  	_ =	shalt  }
0x81: {  	_ =	shalt  }
0x82: {  	_ =	shalt  }
0x83: {  	_ =	shalt  }
0x84: {  	_ =	shalt  }
0x85: {  	_ =	shalt  }
0x86: {  	_ =	shalt  }
0x87: {  	_ =	shalt  }
.Lfunc_end0:
.L_simem_size_0:
called_computation_lowered:
.L_overlay_start_0:
0x88: {  	s2 =	sld [smem:$0x3FD9]  }
0x89: {  	s3 =	sld [smem:$0x3FFE];
	_ =	sdelay $0x1  }
0x8a: {  	s1 =	srdreg.scid  }
0x8b: {  	s0 =	sand.u32 $0x1, s1  }
0x8c: {  	s14 =	sshll.u32 s0, $0xA;
	s2 =	sadd.s32 s3, s2  }
0x8d: {  	s2 =	sadd.s32 s2, s14  }
0x8e: {  	[smem:$0x3FC3] =	sst s2  }
0x8f: {  	_ = 	snop  }
0x90: {  	s2 =	sld [smem:$0x3FD0];
	_ =	sdelay $0x1  }
0x91: {  	s15 =	sld [smem:$0x3FC8]  }
0x92: {  	s5 =	simm.s32 $0xA;
	s6 =	simm.s32 $0x10;
	s4 =	sld [smem:$0x3FC5]  }
0x93: {  	[smem:s6], [sflag:s5] =	dma.local [hbm:s2], $0x1  }
0x94: {  	_ =	swait.eq [sflag:s5], $0x1  }
0x95: {  	[sflag:s5] =	ssyncset.done $0x0  }
0x96: {  	[sflag:s5] =	ssyncadd.s32 $0xFFFFFFFF  }
0x97: {  	s16 =	sld [smem:$0x12];
	(tm) =	ssettm $0x1  }
0x98: {  	s17 =	sld [smem:$0x3FFB];
	_ =	sdelay $0x3  }
0x99: {  	_ =	strace s17  }
0x9a: {  	s5 =	sld [smem:$0x3FFC];
	_ =	sdelay $0x3  }
0x9b: {  	_ =	strace s5  }
0x9c: {  	s5 =	sld [smem:$0x3FFD];
	_ =	sdelay $0x3  }
0x9d: {  	_ =	strace s5  }
0x9e: {  	_ =	strace $0x8FFFFFFF  }
0x9f: {  	s18 =	sld [smem:$0x3FDB];
	_ =	sdelay $0x1  }
0xa0: {  	s19 =	simm.s32 $_scs_section_size  }
0xa1: {  	s7 =	simm.s32 $_size__tile_overlayer_lowered;
	s8 =	simm.s32 $_tile_overlayer_lowered  }
0xa2: {  	s22 =	simm.s32 $0x1BFF;
	s21 =	sshll.u32 s8, $0x1;
	s5 =	sadd.s32 s19, s18  }
0xa3: {  	s9 =	simm.s32 $0x0;
	s20 =	sshll.u32 s7, $0x1;
	s7 =	sadd.s32 s21, s5  }
0xa4: {  	[timem:s9], [sflag:s22] =	dma.local [hbm:s7], s20  }
0xa5: {  	_ =	swait.ge [sflag:s22], s20  }
0xa6: {  	s6 =	ssub.s32 $0x0, s20;
	[sflag:s22] =	ssyncset.done $0x0  }
0xa7: {  	[sflag:s22] =	ssyncadd.s32 s6;
	_ =	sdelay $0x1  }
0xa8: {  	s23 =	simm.s32 $0x1B8B  }
0xa9: {  	_ =	swait.ge [sflag:s23], $0x1  }
0xaa: {  	[sflag:s23] =	ssyncset.done $0x0  }
0xab: {  	s25 =	simm.s32 $0x1B8E;
	s24 =	sld [smem:$0x3FFE];
	[sflag:s23] =	ssyncadd.s32 $0xFFFFFFFF  }
0xac: {  	s26 =	simm.s32 $execute0_lowered;
	[smem:$0x3FD2] =	sst s25  }
0xad: {  	s7 =	sshll.u32 s26, $0x1;
	_ =	strace $0x80000046;
	[dreg:$0x1] =	wrdreg $0xFFFFFFFF  }
0xae: {  	s28 =	simm.s32 $_size_execute0_lowered;
	s5 =	sadd.s32 s5, s7;
	[dreg:$0x0] =	wrdreg $0x0  }
0xaf: {  	s7 =	sshll.u32 s28, $0x1;
	[dreg:$0x2] =	wrdreg s5  }
0xb0: {  	[dreg:$0x3] =	wrdreg s7  }
0xb1: {  	[dreg:$0x4] =	wrdreg $0xC0  }
0xb2: {  	_ =	task [dreg:s9], $0x5FFFF  }
0xb3: {  	[dreg:$0x1] =	wrdreg $0xFFFFFFFF  }
0xb4: {  	[dreg:$0x0] =	wrdreg $0x60  }
0xb5: {  	[dreg:$0x2] =	wrdreg s16  }
0xb6: {  	[dreg:$0x3] =	wrdreg s15  }
0xb7: {  	[dreg:$0x4] =	wrdreg s4  }
0xb8: {  	[dreg:$0x5] =	wrdreg s24  }
0xb9: {  	[dreg:$0x6] =	wrdreg $0x1D3000  }
0xba: {  	[dreg:$0x7] =	wrdreg $0x9  }
0xbb: {  	_ =	task.clear_ibuf [dreg:s9], $0x8FFFF;
	_ =	strace $0x90000046  }
0xbc: {  	s29 =	simm.s32 $0x9;
	_ =	strace $0x80000048  }
0xbd: {  	_ =	swait.ge [sflag:s29], $0x1  }
0xbe: {  	[sflag:s29] =	ssyncadd.s32 $0xFFFFFFFF  }
0xbf: {  	_ =	strace $0x90000048  }
0xc0: {  	_ =	sfence  }
0xc1: {  	s30 =	sld [smem:$0x0];
	_ =	sdelay $0x2  }
0xc2: {  	s31 =	sshll.u32 s1, $0xD;
	s1 =	sshrl.u32 s1, $0x2  }
0xc3: {  	s3 =	sand.u32 $0x4000, s31;
	s1 =	sadd.s32 s1, s30  }
0xc4: {  	s0 =	sor.u32 s3, s0;
	s1 =	sshll.u32 s1, $0x11  }
0xc5: {  	s0 =	sor.u32 s1, s0  }
0xc6: {  	s0 =	sadd.s32 $0x8F2B, s0  }
0xc7: {  	[sflag:s0] =	ssyncadd.remote.s32 $0x1  }
0xc8: {  	_ =	sfence.sel $0xFFFF  }
0xc9: {  	[dreg:$0x0] =	wrdreg $0xFFFFFFFF;
	(pc) =	sbr.abs _section_cstart, $3  }
0xca: {  	[dreg:$0x1] =	wrdreg $0xFFFFFFFF  }
0xcb: {  	_ =	task.clear_ibuf [dreg:s9], $0x2FFFF;
	_ =	strace $0x9FFFFFFF  }
0xcc: {  	(tm) =	ssettm $0x7FFFFFFF  }
0xcd: {  	_ =	shalt  }
tec
execute0_lowered:
.L_overlay_start_1:
0x0: {  	(tag) =	ssettag $0x1  }
0x1: {  	s0 =	rddreg [dreg:$0x3];
	s1 =	simm.s32 $0x0;
	s2 =	srdreg.scid  }
0x2: {  	s23 =	stileid.u32;
	[smem:$0x7FF] =	sst s1;
	s3 =	sand.u32 $0x1, s2  }
0x3: {  	s18 =	sshll.u32 s23, $0x1;
	s4 =	sadd.s32 $0xE00, s0;
	s6 =	smul.u32 $0x1870, s23  }
0x4: {  	s7 =	sadd.s32 $0x4000, s0;
	s5 =	sor.u32 s3, s18;
	s19 =	ssub.s32 $0x2, s3  }
0x5: {  	p0 =	seq.s32 s3, $0x1;
	s8 =	smul.u32 $0x41, s5;
	s9 =	sshrl.u32 s19, $0x1  }
0x6: {  	s10 =	smin.u32 s5, $0x3;
	s11 =	sadd.s32 $0x1800, s6;
	s24 =	sshrl.u32 s6, $0x3  }
0x7: {  	s16 =	sadd.s32 $0x1000, s6;
	s20 =	sshrl.u32 s11, $0x3;
	s12 =	sadd.s32 s4, s24  }
0x8: {  	s30 =	sshrl.u32 s16, $0x3;
	s3 =	sadd.s32 s7, s24;
	[dreg:$0x8] =	wrdreg s12  }
0x9: {  	s2 =	sadd.s32 s10, s8;
	s21 =	sadd.s32 s4, s20;
	[dreg:$0xe] =	wrdreg s3  }
0xa: {  	s22 =	sadd.s32 s7, s20;
	s8 =	sadd.s32 $0x400, s6;
	[dreg:$0x6] =	wrdreg s21  }
0xb: {  	s10 =	sadd.s32 $0x800, s6;
	s20 =	sadd.s32 s4, s30;
	[dreg:$0x7] =	wrdreg s22  }
0xc: {  	s24 =	sadd.s32 s7, s30;
	s25 =	sshrl.u32 s8, $0x3;
	[dreg:$0xc] =	wrdreg s20  }
0xd: {  	s13 =	sshrl.u32 s10, $0x3;
	[dreg:$0x12] =	wrdreg s24;
	s14 =	sadd.s32 s4, s25  }
0xe: {  	s18 =	sadd.s32 $0x1400, s6;
	s26 =	sadd.s32 s4, s13;
	[dreg:$0x9] =	wrdreg s14  }
0xf: {  	s9 =	ssub.s32 s19, s9;
	s20 =	sadd.s32 s7, s25;
	[dreg:$0xa] =	wrdreg s26  }
0x10: {  	s19 =	sshrl.u32 s18, $0x3;
	s21 =	sadd.s32 s7, s13;
	[dreg:$0xf] =	wrdreg s20  }
0x11: {  	s25 =	sadd.s32 s7, s19;
	[dreg:$0x10] =	wrdreg s21  }
0x12: {  	s14 =	sadd.s32 $0xC00, s6;
	[dreg:$0x13] =	wrdreg s25  }
0x13: {  	s20 =	rddreg [dreg:$0x2];
	s15 =	sshrl.u32 s14, $0x3  }
0x14: {  	s21 =	rddreg [dreg:$0x4];
	s17 =	sadd.s32 s4, s15  }
0x15: {  	p3 =	slt.u32 s5, $0x3;
	s4 =	sadd.s32 s4, s19;
	[dreg:$0xb] =	wrdreg s17  }
0x16: {  	s30 =	smul.u32 $0xC0, s2;
	s22 =	sadd.s32 s7, s15;
	[dreg:$0xd] =	wrdreg s4  }
0x17: {  	p1 =	sgt.u32 s5, $0x2;
	p2 =	sne.s32 s5, $0x1F;
	[dreg:$0x11] =	wrdreg s22  }
0x18: {  	s5 =	sadd.s32 s6, s21;
	s17 =	rddreg [dreg:$0x1];
	s4 =	sadd.s32 s20, s30  }
0x19: {  	s6 =	sadd.s32 s11, s21;
	_ =	strace $0x80000047;
	[dreg:$0x15] =	wrdreg s4  }
0x1a: {  	s7 =	sadd.s32 $0x3ED2, s0;
	[dreg:$0x17] =	wrdreg s6  }
0x1b: {  	s0 =	sadd.s32 $0x70D2, s0;
	[dreg:$0x18] =	wrdreg s7  }
0x1c: {  	s31 =	simm.s32 $0x1C280;
	s9 =	smax.u32 s9, $0x1;
	[dreg:$0x19] =	wrdreg s0  }
0x1d: {  	s28 =	simm.s32 $0x19D80;
	s11 =	sadd.s32 s8, s21;
	[dreg:$0x1a] =	wrdreg s9  }
0x1e: {  	s29 =	simm.s32 $0x19E80;
	s12 =	sadd.s32 s10, s21;
	[dreg:$0x1b] =	wrdreg s11  }
0x1f: {  	s26 =	smul.u32 $0x180, s2;
	s13 =	sadd.s32 s14, s21;
	[dreg:$0x1c] =	wrdreg s12  }
0x20: {  	s14 =	sadd.s32 s16, s21;
	s8 =	simm.s32 $0x1C880;
	[dreg:$0x1d] =	wrdreg s13  }
0x21: {  	s10 =	simm.s32 $0x1;
	s15 =	sadd.s32 s18, s21;
	[dreg:$0x1e] =	wrdreg s14  }
0x22: {  	s16 =	sadd.s32 $0x1800, s5;
	s19 =	sadd.s32 $0x61A40, s20;
	[dreg:$0x1f] =	wrdreg s15  }
0x23: {  	s24 =	sadd.s32 $0x800, s5;
	s25 =	sadd.s32 $0xC00, s5;
	[smem:$0x7F6] =	sst s16  }
0x24: {  	s22 =	simm.s32 $0x42;
	s30 =	sadd.s32 $0x1400, s5;
	[smem:$0x7F8] =	sst s19  }
0x25: {  	s22 =	simm.s32 @!p3 $0x41;
	s3 =	sadd.s32 s17, s26;
	[smem:$0x7FA] =	sst s24  }
0x26: {  	p3 =	seq.s32 s23, $0xF;
	s18 =	sadd.s32 $0xC3480, s17;
	[smem:$0x7FB] =	sst s25  }
0x27: {  	s23 =	sadd.s32 $0x400, s5;
	s26 =	sadd.s32 $0x1000, s5;
	[dreg:$0x16] =	wrdreg s5  }
0x28: {  	[smem:$0x7FD] =	sst s30;
	s12 =	simm.s32 $0x1CF00;
	s13 =	simm.s32 $0x8  }
.Ltmp0:
0x29: {  	s16 =	simm.s32 $0x4;
	s19 =	simm.s32 $0x3;
	(pc) =	sbr.rel .LBB2_1-.Ltmp0, $4  }
0x2a: {  	s11 =	simm.s32 $0x80;
	s25 =	simm.s32 $0x19B80;
	[dreg:$0x14] =	wrdreg s3  }
0x2b: {  	s4 =	simm.s32 $0x19C80;
	s7 =	simm.s32 $0x1C780;
	[smem:$0x7F7] =	sst s18  }
0x2c: {  	s0 =	simm.s32 $0x1C800;
	s5 =	simm.s32 $0x0;
	[smem:$0x7F9] =	sst s23  }
0x2d: {  	v0 =	vimm.f32 $0.0e+00;
	[smem:$0x7FC] =	sst s26;
	s18 =	simm.s32 $0x2;
	s3 =	simm.s32 $0x1C700  }
.LBB2_25:
0x2e: {  	s6 =	rddreg [dreg:$0xe]  }
0x2f: {  	[hbm4b:s6+s1] =	stream.linear.scatter [tilespmem:s12], [sflag:$0x8], $0x400, $0x38;
	[tilespmem:$0x1EB70] =	vst v63  }
0x30: {  	_ =	swait.ge [sflag:s13], $0x400  }
0x31: {  	[sflag:s13] =	ssyncset.done $0x0  }
0x32: {  	s24 =	rddreg [dreg:$0x1b];
	[sflag:s13] =	ssyncadd.s32 $0xFFFFFC00  }
0x33: {  	[tilespmem:s12], [sflag:$0x8] =	stream.linear.gather [spmem:s24], $0x400, $0x38;
	[tilespmem:$0x1EB70] =	vst v63  }
0x34: {  	_ =	swait.ge [sflag:s13], $0x400  }
0x35: {  	[sflag:s13] =	ssyncset.done $0x0  }
0x36: {  	s26 =	rddreg [dreg:$0xf];
	[sflag:s13] =	ssyncadd.s32 $0xFFFFFC00  }
0x37: {  	[hbm4b:s26+s1] =	stream.linear.scatter [tilespmem:s12], [sflag:$0x8], $0x400, $0x38;
	[tilespmem:$0x1EB70] =	vst v63  }
0x38: {  	_ =	swait.ge [sflag:s13], $0x400  }
0x39: {  	[sflag:s13] =	ssyncset.done $0x0  }
0x3a: {  	s30 =	rddreg [dreg:$0x1c];
	[sflag:s13] =	ssyncadd.s32 $0xFFFFFC00  }
0x3b: {  	[tilespmem:s12], [sflag:$0x8] =	stream.linear.gather [spmem:s30], $0x400, $0x38;
	[tilespmem:$0x1EB70] =	vst v63  }
0x3c: {  	_ =	swait.ge [sflag:s13], $0x400  }
0x3d: {  	[sflag:s13] =	ssyncset.done $0x0  }
0x3e: {  	s9 =	rddreg [dreg:$0x10];
	[sflag:s13] =	ssyncadd.s32 $0xFFFFFC00  }
0x3f: {  	[hbm4b:s9+s1] =	stream.linear.scatter [tilespmem:s12], [sflag:$0x8], $0x400, $0x38;
	[tilespmem:$0x1EB70] =	vst v63  }
0x40: {  	_ =	swait.ge [sflag:s13], $0x400  }
0x41: {  	[sflag:s13] =	ssyncset.done $0x0  }
0x42: {  	s14 =	rddreg [dreg:$0x1d];
	[sflag:s13] =	ssyncadd.s32 $0xFFFFFC00  }
0x43: {  	[tilespmem:s12], [sflag:$0x8] =	stream.linear.gather [spmem:s14], $0x400, $0x38;
	[tilespmem:$0x1EB70] =	vst v63  }
0x44: {  	_ =	swait.ge [sflag:s13], $0x400  }
0x45: {  	[sflag:s13] =	ssyncset.done $0x0  }
0x46: {  	s15 =	rddreg [dreg:$0x11];
	[sflag:s13] =	ssyncadd.s32 $0xFFFFFC00  }
0x47: {  	[hbm4b:s15+s1] =	stream.linear.scatter [tilespmem:s12], [sflag:$0x8], $0x400, $0x38;
	[tilespmem:$0x1EB70] =	vst v63  }
0x48: {  	_ =	swait.ge [sflag:s13], $0x400  }
0x49: {  	[sflag:s13] =	ssyncset.done $0x0  }
0x4a: {  	s23 =	rddreg [dreg:$0x1e];
	[sflag:s13] =	ssyncadd.s32 $0xFFFFFC00  }
0x4b: {  	[tilespmem:s12], [sflag:$0x8] =	stream.linear.gather [spmem:s23], $0x400, $0x38;
	[tilespmem:$0x1EB70] =	vst v63  }
0x4c: {  	_ =	swait.ge [sflag:s13], $0x400  }
0x4d: {  	[sflag:s13] =	ssyncset.done $0x0  }
0x4e: {  	s24 =	rddreg [dreg:$0x12];
	[sflag:s13] =	ssyncadd.s32 $0xFFFFFC00  }
0x4f: {  	[hbm4b:s24+s1] =	stream.linear.scatter [tilespmem:s12], [sflag:$0x8], $0x400, $0x38;
	[tilespmem:$0x1EB70] =	vst v63  }
0x50: {  	_ =	swait.ge [sflag:s13], $0x400  }
0x51: {  	[sflag:s13] =	ssyncset.done $0x0  }
0x52: {  	s26 =	rddreg [dreg:$0x1f];
	[sflag:s13] =	ssyncadd.s32 $0xFFFFFC00  }
0x53: {  	[tilespmem:s12], [sflag:$0x8] =	stream.linear.gather [spmem:s26], $0x400, $0x38;
	[tilespmem:$0x1EB70] =	vst v63  }
0x54: {  	_ =	swait.ge [sflag:s13], $0x400  }
0x55: {  	[sflag:s13] =	ssyncset.done $0x0  }
0x56: {  	s30 =	rddreg [dreg:$0x13];
	[sflag:s13] =	ssyncadd.s32 $0xFFFFFC00  }
0x57: {  	[hbm4b:s30+s1] =	stream.linear.scatter [tilespmem:s12], [sflag:$0x8], $0x400, $0x38;
	[tilespmem:$0x1EB70] =	vst v63  }
0x58: {  	_ =	swait.ge [sflag:s13], $0x400  }
0x59: {  	s9 =	sld [smem:$0x7F6]  }
0x5a: {  	[sflag:s13] =	ssyncset.done $0x0  }
0x5b: {  	s6 =	simm.s32 @p3 $0x1CF00;
	[sflag:s13] =	ssyncadd.s32 $0xFFFFFC00  }
0x5c: {  	[tilespmem:s6], [sflag:$0x8] =	stream.linear.gather @p3 [spmem:s9], $0x10, $0x38;
	[tilespmem:$0x1EB70] =	vst v63  }
0x5d: {  	s9 =	simm.s32 @p3 $0x8  }
0x5e: {  	_ =	swait.ge @p3 [sflag:s9], $0x10  }
0x5f: {  	[sflag:s9] =	ssyncset.done @p3 $0x0  }
0x60: {  	s14 =	simm.s32 @p3 $0x0;
	s15 =	rddreg [dreg:$0x19];
	[sflag:s9] =	ssyncadd.s32 @p3 $0xFFFFFFF0  }
0x61: {  	[hbm4b:s15+s14] =	stream.linear.scatter @p3 [tilespmem:s6], [sflag:$0x8], $0x10, $0x38;
	[tilespmem:$0x1EB70] =	vst v63  }
0x62: {  	_ =	swait.ge @p3 [sflag:s9], $0x10  }
0x63: {  	[sflag:s9] =	ssyncset.done @p3 $0x0  }
0x64: {  	s6 =	simm.s32 @!p3 $0x1CF00;
	[sflag:s9] =	ssyncadd.s32 @p3 $0xFFFFFFF0;
	s9 =	rddreg [dreg:$0x17]  }
0x65: {  	[tilespmem:s6], [sflag:$0x8] =	stream.linear.gather @!p3 [spmem:s9], $0x70, $0x38;
	[tilespmem:$0x1EB70] =	vst v63  }
0x66: {  	s9 =	simm.s32 @!p3 $0x8  }
0x67: {  	_ =	swait.ge @!p3 [sflag:s9], $0x70  }
0x68: {  	[sflag:s9] =	ssyncset.done @!p3 $0x0  }
0x69: {  	s14 =	simm.s32 @!p3 $0x0;
	s15 =	rddreg [dreg:$0x7];
	[sflag:s9] =	ssyncadd.s32 @!p3 $0xFFFFFF90  }
0x6a: {  	[hbm4b:s15+s14] =	stream.linear.scatter @!p3 [tilespmem:s6], [sflag:$0x8], $0x70, $0x38;
	[tilespmem:$0x1EB70] =	vst v63  }
0x6b: {  	_ =	swait.ge @!p3 [sflag:s9], $0x70  }
0x6c: {  	[sflag:s9] =	ssyncset.done @!p3 $0x0  }
0x6d: {  	[sflag:s9] =	ssyncadd.s32 @!p3 $0xFFFFFF90  }
.LBB2_26:
0x6e: {  	s5 =	sadd.s32 $0x1, s5;
	s6 =	rddreg [dreg:$0x1a]  }
0x6f: {  	p4 =	sne.s32 s5, s6  }
.Ltmp1:
0x70: {  	_ = 	snop;
	(pc) =	sbr.rel @!p4 .LBB2_27-.Ltmp1, $1  }
0x71: {  	_ =	sdelay $0x3  }
.LBB2_1:
0x72: {  	s6 =	rddreg [dreg:$0x14];
	s9 =	simm.s32 $0x18700  }
0x73: {  	[tilespmem:s9], [sflag:$0x1] =	stream.linear.gather [hbm4b:s6+s1], $0xC00, $0x38;
	[tilespmem:$0x1EB70] =	vst v63  }
0x74: {  	s24 =	rddreg [dreg:$0x15];
	s26 =	simm.s32 $0x1AB00  }
0x75: {  	[tilespmem:s26], [sflag:$0x1] =	stream.linear.gather [hbm4b:s24+s1], $0x600, $0x38;
	[tilespmem:$0x1EB70] =	vst v63  }
0x76: {  	s30 =	rddreg [dreg:$0x0];
	s14 =	simm.s32 $0x0;
	s9 =	simm.s32 $0x40  }
0x77: {  	[tilespmem:s1], [sflag:$0x7] =	stream.linear.gather [hbm4b:s30+s1], $0x18700, $0x38;
	[tilespmem:$0x1EB70] =	vst v63  }
.LBB2_2:
0x78: {  	p4 =	sne.s32 s9, $0xFC0;
	[tilespmem:s14+$0x1CF00] =	vst v0;
	s14 =	smov.u32 s9;
	s9 =	sadd.s32 $0x40, s9  }
.Ltmp2:
0x79: {  	(pc) =	sbr.rel @p4 .LBB2_2-.Ltmp2, $2  }
0x7a: {  	_ =	sdelay $0x2  }
0x7b: {  	s14 =	sshra.s32 s14, $0x2  }
0x7c: {  	[tilespmem:s14+$0x1CF00] =	vst v0;
	s6 =	rddreg [dreg:$0x16]  }
0x7d: {  	[spmem:s6] =	stream.linear.scatter [tilespmem:s12], [sflag:$0x8], $0x400, $0x38;
	[tilespmem:$0x1EB70] =	vst v63  }
0x7e: {  	_ =	swait.ge [sflag:s13], $0x400  }
0x7f: {  	s14 =	sld [smem:$0x7F9]  }
0x80: {  	[sflag:s13] =	ssyncset.done $0x0  }
0x81: {  	[sflag:s13] =	ssyncadd.s32 $0xFFFFFC00  }
0x82: {  	[spmem:s14] =	stream.linear.scatter [tilespmem:s12], [sflag:$0x8], $0x400, $0x38;
	[tilespmem:$0x1EB70] =	vst v63  }
0x83: {  	_ =	swait.ge [sflag:s13], $0x400  }
0x84: {  	s15 =	sld [smem:$0x7FA]  }
0x85: {  	[sflag:s13] =	ssyncset.done $0x0  }
0x86: {  	[sflag:s13] =	ssyncadd.s32 $0xFFFFFC00  }
0x87: {  	[spmem:s15] =	stream.linear.scatter [tilespmem:s12], [sflag:$0x8], $0x400, $0x38;
	[tilespmem:$0x1EB70] =	vst v63  }
0x88: {  	_ =	swait.ge [sflag:s13], $0x400  }
0x89: {  	s23 =	sld [smem:$0x7FB]  }
0x8a: {  	[sflag:s13] =	ssyncset.done $0x0  }
0x8b: {  	[sflag:s13] =	ssyncadd.s32 $0xFFFFFC00  }
0x8c: {  	[spmem:s23] =	stream.linear.scatter [tilespmem:s12], [sflag:$0x8], $0x400, $0x38;
	[tilespmem:$0x1EB70] =	vst v63  }
0x8d: {  	_ =	swait.ge [sflag:s13], $0x400  }
0x8e: {  	s24 =	sld [smem:$0x7FC]  }
0x8f: {  	[sflag:s13] =	ssyncset.done $0x0  }
0x90: {  	[sflag:s13] =	ssyncadd.s32 $0xFFFFFC00  }
0x91: {  	[spmem:s24] =	stream.linear.scatter [tilespmem:s12], [sflag:$0x8], $0x400, $0x38;
	[tilespmem:$0x1EB70] =	vst v63  }
0x92: {  	_ =	swait.ge [sflag:s13], $0x400  }
0x93: {  	s26 =	sld [smem:$0x7FD]  }
0x94: {  	[sflag:s13] =	ssyncset.done $0x0  }
0x95: {  	[sflag:s13] =	ssyncadd.s32 $0xFFFFFC00  }
0x96: {  	[spmem:s26] =	stream.linear.scatter [tilespmem:s12], [sflag:$0x8], $0x400, $0x38;
	[tilespmem:$0x1EB70] =	vst v63  }
0x97: {  	_ =	swait.ge [sflag:s13], $0x400  }
0x98: {  	s6 =	sld [smem:$0x7F6]  }
0x99: {  	[sflag:s13] =	ssyncset.done $0x0  }
0x9a: {  	s9 =	simm.s32 @p3 $0x1CF00;
	[sflag:s13] =	ssyncadd.s32 $0xFFFFFC00  }
0x9b: {  	[spmem:s6] =	stream.linear.scatter @p3 [tilespmem:s9], [sflag:$0x8], $0x10, $0x38;
	[tilespmem:$0x1EB70] =	vst v63  }
0x9c: {  	s9 =	simm.s32 @p3 $0x8  }
0x9d: {  	_ =	swait.ge @p3 [sflag:s9], $0x10  }
0x9e: {  	[sflag:s9] =	ssyncset.done @p3 $0x0  }
0x9f: {  	[sflag:s9] =	ssyncadd.s32 @p3 $0xFFFFFFF0;
	s9 =	simm.s32 @!p3 $0x1CF00  }
0xa0: {  	[spmem:s6] =	stream.linear.scatter @!p3 [tilespmem:s9], [sflag:$0x8], $0x70, $0x38;
	[tilespmem:$0x1EB70] =	vst v63  }
0xa1: {  	s9 =	simm.s32 @!p3 $0x8  }
0xa2: {  	_ =	swait.ge @!p3 [sflag:s9], $0x70  }
0xa3: {  	[sflag:s9] =	ssyncset.done @!p3 $0x0  }
0xa4: {  	s30 =	simm.s32 $0x7;
	[sflag:s9] =	ssyncadd.s32 @!p3 $0xFFFFFF90  }
.Ltmp3:
0xa5: {  	_ =	swait.ge [sflag:s30], $0x18700;
	(pc) =	sbr.rel .LBB2_4-.Ltmp3, $4  }
0xa6: {  	[sflag:s30] =	ssyncset.done $0x0  }
0xa7: {  	[sflag:s30] =	ssyncadd.s32 $0xFFFE7900  }
0xa8: {  	[bflag:$0x0] =	sbarrier.arrive $0xFFFF  }
0xa9: {  	s23 =	simm.s32 $0x0;
	s6 =	simm.s32 $0x19F80  }
.LBB2_15:
0xaa: {  	p4 =	sne.s32 s23, s22  }
.Ltmp4:
0xab: {  	_ = 	snop;
	(pc) =	sbr.rel @!p4 .LBB2_16-.Ltmp4, $1  }
0xac: {  	_ =	sdelay $0x3  }
.LBB2_4:
0xad: {  	s9 =	smulhi.u32 $0xAAAAAAAB, s23;
	_ =	sdelay $0x1  }
0xae: {  	s9 =	sshrl.u32 s9, $0x1  }
0xaf: {  	s9 =	smul.u32 $0x3, s9;
	_ =	sdelay $0x1  }
0xb0: {  	s9 =	ssub.s32 s23, s9  }
0xb1: {  	p4 =	seq.s32 s9, $0x2  }
.Ltmp5:
0xb2: {  	_ = 	snop;
	(pc) =	sbr.rel @p4 .LBB2_12-.Ltmp5, $1  }
0xb3: {  	_ =	sdelay $0x3  }
0xb4: {  	p5 =	seq.s32 s9, $0x1  }
.Ltmp6:
0xb5: {  	_ = 	snop;
	(pc) =	sbr.rel @!p5 .LBB2_6-.Ltmp6, $2  }
0xb6: {  	_ =	sdelay $0x2  }
0xb7: {  	p4 =	slt.u32 s23, $0x2;
	s23 =	sadd.s32 $0x1, s23  }
0xb8: {  	p5 =	sge.u32 s23, s22  }
0xb9: {  	s9 =	simm.s32 @!p4 $0x6;
	s14 =	sadd.s32 @!p5 s2, s23  }
0xba: {  	_ =	swait.ge @!p4 [sflag:s9], $0x600;
	s15 =	smul.u32 @!p5 $0x180, s14  }
0xbb: {  	s24 =	simm.s32 @!p5 $0x19F00;
	[sflag:s9] =	ssyncset.done @!p4 $0x0;
	s14 =	smul.u32 @!p5 $0xC0, s14  }
0xbc: {  	[sflag:s9] =	ssyncadd.s32 @!p4 $0xFFFFFA00;
	s9 =	sadd.s32 @!p5 s17, s15;
	s15 =	simm.s32 @!p5 $0x0  }
0xbd: {  	[tilespmem:s24], [sflag:$0x3] =	stream.linear.gather @!p5 [hbm4b:s9+s15], $0xC00, $0x38;
	[tilespmem:$0x1EB70] =	vst v63  }
0xbe: {  	s9 =	sadd.s32 @!p5 s20, s14;
	s14 =	simm.s32 @!p5 $0x1B700  }
0xbf: {  	[tilespmem:s14], [sflag:$0x3] =	stream.linear.gather @!p5 [hbm4b:s9+s15], $0x600, $0x38;
	[tilespmem:$0x1EB70] =	vst v63  }
0xc0: {  	_ =	swait.ge [sflag:s18], $0xC00  }
0xc1: {  	[sflag:s18] =	ssyncset.done $0x0  }
0xc2: {  	s24 =	simm.s32 $0x0;
	[sflag:s18] =	ssyncadd.s32 $0xFFFFF400  }
0xc3: {  	s26 =	sand.u32 $0x3C00, s24;
	_ =	swait.ge [sflag:s18], $0x600  }
0xc4: {  	s9 =	sand.u32 $0x70, s24;
	s14 =	sshrl.u32 s26, $0x2;
	[sflag:s18] =	ssyncset.done $0x0  }
0xc5: {  	s9 =	sor.u32 s9, s14;
	[sflag:s18] =	ssyncadd.s32 $0xFFFFFA00  }
0xc6: {  	v1 =	vld [tilespmem:s9+$0x19300];
	_ =	sdelay $0x4  }
0xc7: {  	s24 =	simm.s32 $0x1B100  }
0xc8: {  	v2 =	vld [tilespmem:s24+$0x0];
	_ =	sdelay $0x1  }
0xc9: {  	v1 =	vld.idx.msk [tilespmem:v1+s1+$0x0], $0xffff;
	_ =	sdelay $0x2  }
0xca: {  	v3 =	vsub.f32 $1.000000000e+00, v2;
	_ =	sdelay $0x1  }
0xcb: {  	v1 =	vmul.f32 v2, v1;
	v2 =	vmul.f32 $5.000000000e-01, v3;
	_ =	sdelay $0x1  }
0xcc: {  	v1 =	vadd.f32 v2, v1  }
0xcd: {  	s26 =	simm.s32 $0x10;
	s14 =	simm.s32 $0x80  }
0xce: {  	s15 =	simm.s32 $0x20;
	s30 =	sand.u32 $0x3C00, s14;
	s9 =	simm.s32 $0x1C300;
	vm0 =	vgt.f32 v1, $5.000000000e-01  }
.LBB2_10:
0xcf: {  	p4 =	sne.s32 s15, $0x5F0;
	s26 =	sand.u32 $0x70, s26;
	s30 =	sshrl.u32 s30, $0x2;
	v1 =	vsel vm0, $0x3F800000, v0  }
0xd0: {  	s30 =	sor.u32 s26, s30;
	[tilespmem:s9+$0x0] =	vst v1;
	s26 =	smov.u32 s15  }
0xd1: {  	v1 =	vld [tilespmem:s30+$0x19300];
	_ =	sdelay $0x5  }
0xd2: {  	s24 =	sadd.s32 $0x10, s24  }
0xd3: {  	v2 =	vld [tilespmem:s24+$0x0]  }
0xd4: {  	v1 =	vld.idx.msk [tilespmem:v1+s1+$0x0], $0xffff;
	_ =	sdelay $0x3  }
0xd5: {  	v3 =	vsub.f32 $1.000000000e+00, v2;
	_ =	sdelay $0x1  }
.Ltmp7:
0xd6: {  	v1 =	vmul.f32 v2, v1;
	v2 =	vmul.f32 $5.000000000e-01, v3;
	(pc) =	sbr.rel @p4 .LBB2_10-.Ltmp7, $4  }
0xd7: {  	_ = 	snop  }
0xd8: {  	v1 =	vadd.f32 v2, v1  }
0xd9: {  	s14 =	sadd.s32 $0x80, s14  }
0xda: {  	s15 =	sadd.s32 $0x10, s15;
	s9 =	sadd.s32 $0x10, s9;
	s30 =	sand.u32 $0x3C00, s14;
	vm0 =	vgt.f32 v1, $5.000000000e-01  }
0xdb: {  	s14 =	sand.u32 $0x70, s26;
	s15 =	sshrl.u32 s30, $0x2;
	v1 =	vsel vm0, $0x3F800000, v0  }
0xdc: {  	s14 =	sor.u32 s14, s15;
	[tilespmem:s9+$0x0] =	vst v1  }
0xdd: {  	v1 =	vld [tilespmem:s14+$0x19300];
	_ =	sdelay $0x4  }
0xde: {  	s30 =	sadd.s32 $0x10, s24  }
0xdf: {  	v2 =	vld [tilespmem:s30+$0x0];
	_ =	sdelay $0x1  }
0xe0: {  	v1 =	vld.idx.msk [tilespmem:v1+s1+$0x0], $0xffff;
	_ =	sdelay $0x2  }
0xe1: {  	v3 =	vsub.f32 $1.000000000e+00, v2;
	_ =	sdelay $0x1  }
0xe2: {  	v1 =	vmul.f32 v2, v1;
	v2 =	vmul.f32 $5.000000000e-01, v3;
	_ =	sdelay $0x1  }
0xe3: {  	v1 =	vadd.f32 v2, v1;
	_ =	sdelay $0x1  }
0xe4: {  	vm15 =	vgt.f32 v1, $5.000000000e-01  }
0xe5: {  	s14 =	sadd.s32 $0x10, s9;
	v1 =	vsel vm15, $0x3F800000, v0  }
0xe6: {  	s24 =	simm.s32 $0x1C300;
	s15 =	simm.s32 $0x19380;
	[tilespmem:s14+$0x0] =	vst v1  }
0xe7: {  	[spmem:s21] =	stream.indirect.scatter.add.f32 [tilespmem:s24], [sflag:$0x5], $0x1, s15, s11, $0xb8;
	[tilespmem:$0x1EB70] =	vst v63  }
0xe8: {  	s26 =	simm.s32 $0x19480;
	s30 =	simm.s32 $0x1C380  }
0xe9: {  	[spmem:s21] =	stream.indirect.scatter.add.f32 [tilespmem:s30], [sflag:$0x5], $0x1, s26, s11, $0xb8;
	[tilespmem:$0x1EB70] =	vst v63  }
0xea: {  	s15 =	simm.s32 $0x19580;
	s24 =	simm.s32 $0x1C400  }
0xeb: {  	[spmem:s21] =	stream.indirect.scatter.add.f32 [tilespmem:s24], [sflag:$0x5], $0x1, s15, s11, $0xb8;
	[tilespmem:$0x1EB70] =	vst v63  }
0xec: {  	s26 =	simm.s32 $0x19680;
	s30 =	simm.s32 $0x1C480  }
0xed: {  	[spmem:s21] =	stream.indirect.scatter.add.f32 [tilespmem:s30], [sflag:$0x5], $0x1, s26, s11, $0xb8;
	[tilespmem:$0x1EB70] =	vst v63  }
0xee: {  	s15 =	simm.s32 $0x19780;
	s24 =	simm.s32 $0x1C500  }
0xef: {  	[spmem:s21] =	stream.indirect.scatter.add.f32 [tilespmem:s24], [sflag:$0x5], $0x1, s15, s11, $0xb8;
	[tilespmem:$0x1EB70] =	vst v63  }
0xf0: {  	s26 =	simm.s32 $0x19880;
	s30 =	simm.s32 $0x1C580  }
0xf1: {  	[spmem:s21] =	stream.indirect.scatter.add.f32 [tilespmem:s30], [sflag:$0x5], $0x1, s26, s11, $0xb8;
	[tilespmem:$0x1EB70] =	vst v63  }
0xf2: {  	s15 =	simm.s32 $0x19980;
	s24 =	simm.s32 $0x1C600  }
0xf3: {  	[spmem:s21] =	stream.indirect.scatter.add.f32 [tilespmem:s24], [sflag:$0x5], $0x1, s15, s11, $0xb8;
	[tilespmem:$0x1EB70] =	vst v63  }
0xf4: {  	s26 =	simm.s32 $0x19A80;
	s30 =	simm.s32 $0x1C680  }
0xf5: {  	[spmem:s21] =	stream.indirect.scatter.add.f32 [tilespmem:s30], [sflag:$0x5], $0x1, s26, s11, $0xb8;
	[tilespmem:$0x1EB70] =	vst v63  }
0xf6: {  	_ = 	snop  }
0xf7: {  	[spmem:s21] =	stream.indirect.scatter.add.f32 [tilespmem:s3], [sflag:$0x5], $0x1, s25, s11, $0xb8;
	[tilespmem:$0x1EB70] =	vst v63  }
0xf8: {  	_ = 	snop  }
0xf9: {  	[spmem:s21] =	stream.indirect.scatter.add.f32 [tilespmem:s7], [sflag:$0x5], $0x1, s4, s11, $0xb8;
	[tilespmem:$0x1EB70] =	vst v63  }
.Ltmp8:
0xfa: {  	_ = 	snop;
	(pc) =	sbr.rel .LBB2_15-.Ltmp8, $4  }
0xfb: {  	_ = 	snop  }
0xfc: {  	[spmem:s21] =	stream.indirect.scatter.add.f32 [tilespmem:s0], [sflag:$0x5], $0x1, s28, s11, $0xb8;
	[tilespmem:$0x1EB70] =	vst v63  }
0xfd: {  	_ = 	snop  }
0xfe: {  	[spmem:s21] =	stream.indirect.scatter.add.f32 [tilespmem:s8], [sflag:$0x5], $0x1, s29, s11, $0xb8;
	[tilespmem:$0x1EB70] =	vst v63  }
.LBB2_12:
0xff: {  	s23 =	sadd.s32 $0x1, s23  }
0x100: {  	p4 =	sge.u32 s23, s22  }
0x101: {  	_ =	swait.ge [sflag:s16], $0x600;
	s9 =	sadd.s32 @!p4 s2, s23  }
0x102: {  	[sflag:s16] =	ssyncset.done $0x0;
	s14 =	smul.u32 @!p4 $0x180, s9  }
0x103: {  	[sflag:s16] =	ssyncadd.s32 $0xFFFFFA00;
	s15 =	simm.s32 @!p4 $0x0  }
0x104: {  	s24 =	simm.s32 @!p4 $0x18700;
	s9 =	smul.u32 @!p4 $0xC0, s9;
	s14 =	sadd.s32 @!p4 s17, s14  }
0x105: {  	[tilespmem:s24], [sflag:$0x1] =	stream.linear.gather @!p4 [hbm4b:s14+s15], $0xC00, $0x38;
	[tilespmem:$0x1EB70] =	vst v63  }
0x106: {  	s9 =	sadd.s32 @!p4 s20, s9;
	s14 =	simm.s32 @!p4 $0x1AB00  }
0x107: {  	[tilespmem:s14], [sflag:$0x1] =	stream.linear.gather @!p4 [hbm4b:s9+s15], $0x600, $0x38;
	[tilespmem:$0x1EB70] =	vst v63  }
0x108: {  	_ =	swait.ge [sflag:s19], $0xC00  }
0x109: {  	[sflag:s19] =	ssyncset.done $0x0  }
0x10a: {  	s24 =	simm.s32 $0x0;
	[sflag:s19] =	ssyncadd.s32 $0xFFFFF400  }
0x10b: {  	s26 =	sand.u32 $0x3C00, s24;
	_ =	swait.ge [sflag:s19], $0x600  }
0x10c: {  	s9 =	sand.u32 $0x70, s24;
	s14 =	sshrl.u32 s26, $0x2;
	[sflag:s19] =	ssyncset.done $0x0  }
0x10d: {  	s9 =	sor.u32 s9, s14;
	[sflag:s19] =	ssyncadd.s32 $0xFFFFFA00  }
0x10e: {  	v1 =	vld [tilespmem:s9+$0x19F00];
	_ =	sdelay $0x4  }
0x10f: {  	s24 =	simm.s32 $0x1B700  }
0x110: {  	v2 =	vld [tilespmem:s24+$0x0];
	_ =	sdelay $0x1  }
0x111: {  	v1 =	vld.idx.msk [tilespmem:v1+s1+$0x0], $0xffff;
	_ =	sdelay $0x2  }
0x112: {  	v3 =	vsub.f32 $1.000000000e+00, v2;
	_ =	sdelay $0x1  }
0x113: {  	v1 =	vmul.f32 v2, v1;
	v2 =	vmul.f32 $5.000000000e-01, v3;
	_ =	sdelay $0x1  }
0x114: {  	v1 =	vadd.f32 v2, v1  }
0x115: {  	s26 =	simm.s32 $0x10;
	s14 =	simm.s32 $0x80  }
0x116: {  	s15 =	simm.s32 $0x20;
	s30 =	sand.u32 $0x3C00, s14;
	s9 =	simm.s32 $0x1C900;
	vm0 =	vgt.f32 v1, $5.000000000e-01  }
.LBB2_13:
0x117: {  	p4 =	sne.s32 s15, $0x5F0;
	s26 =	sand.u32 $0x70, s26;
	s30 =	sshrl.u32 s30, $0x2;
	v1 =	vsel vm0, $0x3F800000, v0  }
0x118: {  	s30 =	sor.u32 s26, s30;
	[tilespmem:s9+$0x0] =	vst v1;
	s26 =	smov.u32 s15  }
0x119: {  	v1 =	vld [tilespmem:s30+$0x19F00];
	_ =	sdelay $0x5  }
0x11a: {  	s24 =	sadd.s32 $0x10, s24  }
0x11b: {  	v2 =	vld [tilespmem:s24+$0x0]  }
0x11c: {  	v1 =	vld.idx.msk [tilespmem:v1+s1+$0x0], $0xffff;
	_ =	sdelay $0x3  }
0x11d: {  	v3 =	vsub.f32 $1.000000000e+00, v2;
	_ =	sdelay $0x1  }
.Ltmp9:
0x11e: {  	v1 =	vmul.f32 v2, v1;
	v2 =	vmul.f32 $5.000000000e-01, v3;
	(pc) =	sbr.rel @p4 .LBB2_13-.Ltmp9, $4  }
0x11f: {  	_ = 	snop  }
0x120: {  	v1 =	vadd.f32 v2, v1  }
0x121: {  	s14 =	sadd.s32 $0x80, s14  }
0x122: {  	s15 =	sadd.s32 $0x10, s15;
	s9 =	sadd.s32 $0x10, s9;
	s30 =	sand.u32 $0x3C00, s14;
	vm0 =	vgt.f32 v1, $5.000000000e-01  }
0x123: {  	s14 =	sand.u32 $0x70, s26;
	s15 =	sshrl.u32 s30, $0x2;
	v1 =	vsel vm0, $0x3F800000, v0  }
0x124: {  	s14 =	sor.u32 s14, s15;
	[tilespmem:s9+$0x0] =	vst v1  }
0x125: {  	v1 =	vld [tilespmem:s14+$0x19F00];
	_ =	sdelay $0x4  }
0x126: {  	s30 =	sadd.s32 $0x10, s24  }
0x127: {  	v2 =	vld [tilespmem:s30+$0x0];
	_ =	sdelay $0x1  }
0x128: {  	v1 =	vld.idx.msk [tilespmem:v1+s1+$0x0], $0xffff;
	_ =	sdelay $0x2  }
0x129: {  	v3 =	vsub.f32 $1.000000000e+00, v2;
	_ =	sdelay $0x1  }
0x12a: {  	v1 =	vmul.f32 v2, v1;
	v2 =	vmul.f32 $5.000000000e-01, v3;
	_ =	sdelay $0x1  }
0x12b: {  	v1 =	vadd.f32 v2, v1;
	_ =	sdelay $0x1  }
0x12c: {  	vm15 =	vgt.f32 v1, $5.000000000e-01  }
0x12d: {  	s15 =	sadd.s32 $0x10, s9;
	v1 =	vsel vm15, $0x3F800000, v0  }
0x12e: {  	s24 =	simm.s32 $0x1C900;
	[tilespmem:s15+$0x0] =	vst v1  }
0x12f: {  	[spmem:s21] =	stream.indirect.scatter.add.f32 [tilespmem:s24], [sflag:$0x6], $0x1, s6, s11, $0xb8;
	[tilespmem:$0x1EB70] =	vst v63  }
0x130: {  	s26 =	simm.s32 $0x1A080;
	s30 =	simm.s32 $0x1C980  }
0x131: {  	[spmem:s21] =	stream.indirect.scatter.add.f32 [tilespmem:s30], [sflag:$0x6], $0x1, s26, s11, $0xb8;
	[tilespmem:$0x1EB70] =	vst v63  }
0x132: {  	s15 =	simm.s32 $0x1A180;
	s24 =	simm.s32 $0x1CA00  }
0x133: {  	[spmem:s21] =	stream.indirect.scatter.add.f32 [tilespmem:s24], [sflag:$0x6], $0x1, s15, s11, $0xb8;
	[tilespmem:$0x1EB70] =	vst v63  }
0x134: {  	s26 =	simm.s32 $0x1A280;
	s30 =	simm.s32 $0x1CA80  }
0x135: {  	[spmem:s21] =	stream.indirect.scatter.add.f32 [tilespmem:s30], [sflag:$0x6], $0x1, s26, s11, $0xb8;
	[tilespmem:$0x1EB70] =	vst v63  }
0x136: {  	s15 =	simm.s32 $0x1A380;
	s24 =	simm.s32 $0x1CB00  }
0x137: {  	[spmem:s21] =	stream.indirect.scatter.add.f32 [tilespmem:s24], [sflag:$0x6], $0x1, s15, s11, $0xb8;
	[tilespmem:$0x1EB70] =	vst v63  }
0x138: {  	s26 =	simm.s32 $0x1A480;
	s30 =	simm.s32 $0x1CB80  }
0x139: {  	[spmem:s21] =	stream.indirect.scatter.add.f32 [tilespmem:s30], [sflag:$0x6], $0x1, s26, s11, $0xb8;
	[tilespmem:$0x1EB70] =	vst v63  }
0x13a: {  	s15 =	simm.s32 $0x1A580;
	s24 =	simm.s32 $0x1CC00  }
0x13b: {  	[spmem:s21] =	stream.indirect.scatter.add.f32 [tilespmem:s24], [sflag:$0x6], $0x1, s15, s11, $0xb8;
	[tilespmem:$0x1EB70] =	vst v63  }
0x13c: {  	s26 =	simm.s32 $0x1A680;
	s30 =	simm.s32 $0x1CC80  }
0x13d: {  	[spmem:s21] =	stream.indirect.scatter.add.f32 [tilespmem:s30], [sflag:$0x6], $0x1, s26, s11, $0xb8;
	[tilespmem:$0x1EB70] =	vst v63  }
0x13e: {  	s15 =	simm.s32 $0x1A780;
	s24 =	simm.s32 $0x1CD00  }
0x13f: {  	[spmem:s21] =	stream.indirect.scatter.add.f32 [tilespmem:s24], [sflag:$0x6], $0x1, s15, s11, $0xb8;
	[tilespmem:$0x1EB70] =	vst v63  }
0x140: {  	s26 =	simm.s32 $0x1A880;
	s30 =	simm.s32 $0x1CD80  }
0x141: {  	[spmem:s21] =	stream.indirect.scatter.add.f32 [tilespmem:s30], [sflag:$0x6], $0x1, s26, s11, $0xb8;
	[tilespmem:$0x1EB70] =	vst v63  }
.Ltmp10:
0x142: {  	_ = 	snop;
	(pc) =	sbr.rel .LBB2_15-.Ltmp10, $4  }
0x143: {  	s15 =	simm.s32 $0x1A980;
	s24 =	simm.s32 $0x1CE00  }
0x144: {  	[spmem:s21] =	stream.indirect.scatter.add.f32 [tilespmem:s24], [sflag:$0x6], $0x1, s15, s11, $0xb8;
	[tilespmem:$0x1EB70] =	vst v63  }
0x145: {  	s26 =	simm.s32 $0x1AA80;
	s30 =	simm.s32 $0x1CE80  }
0x146: {  	[spmem:s21] =	stream.indirect.scatter.add.f32 [tilespmem:s30], [sflag:$0x6], $0x1, s26, s11, $0xb8;
	[tilespmem:$0x1EB70] =	vst v63  }
.LBB2_6:
0x147: {  	p5 =	sge.u32 s23, s22  }
0x148: {  	s9 =	simm.s32 @!p4 $0x5;
	s14 =	sadd.s32 @!p5 s2, s23  }
0x149: {  	_ =	swait.ge @!p4 [sflag:s9], $0x600;
	s15 =	smul.u32 @!p5 $0x180, s14  }
0x14a: {  	s24 =	simm.s32 @!p5 $0x19300;
	[sflag:s9] =	ssyncset.done @!p4 $0x0;
	s14 =	smul.u32 @!p5 $0xC0, s14  }
0x14b: {  	[sflag:s9] =	ssyncadd.s32 @!p4 $0xFFFFFA00;
	s9 =	sadd.s32 @!p5 s17, s15;
	s15 =	simm.s32 @!p5 $0x0  }
0x14c: {  	[tilespmem:s24], [sflag:$0x2] =	stream.linear.gather @!p5 [hbm4b:s9+s15], $0xC00, $0x38;
	[tilespmem:$0x1EB70] =	vst v63  }
0x14d: {  	s9 =	sadd.s32 @!p5 s20, s14;
	s14 =	simm.s32 @!p5 $0x1B100  }
0x14e: {  	[tilespmem:s14], [sflag:$0x2] =	stream.linear.gather @!p5 [hbm4b:s9+s15], $0x600, $0x38;
	[tilespmem:$0x1EB70] =	vst v63  }
0x14f: {  	_ =	swait.ge [sflag:s10], $0xC00  }
0x150: {  	[sflag:s10] =	ssyncset.done $0x0  }
0x151: {  	s24 =	simm.s32 $0x0;
	[sflag:s10] =	ssyncadd.s32 $0xFFFFF400  }
0x152: {  	s26 =	sand.u32 $0x3C00, s24;
	_ =	swait.ge [sflag:s10], $0x600  }
0x153: {  	s9 =	sand.u32 $0x70, s24;
	s14 =	sshrl.u32 s26, $0x2;
	[sflag:s10] =	ssyncset.done $0x0  }
0x154: {  	s9 =	sor.u32 s9, s14;
	[sflag:s10] =	ssyncadd.s32 $0xFFFFFA00  }
0x155: {  	v1 =	vld [tilespmem:s9+$0x18700];
	_ =	sdelay $0x4  }
0x156: {  	s24 =	simm.s32 $0x1AB00  }
0x157: {  	v2 =	vld [tilespmem:s24+$0x0];
	_ =	sdelay $0x1  }
0x158: {  	v1 =	vld.idx.msk [tilespmem:v1+s1+$0x0], $0xffff;
	_ =	sdelay $0x2  }
0x159: {  	v3 =	vsub.f32 $1.000000000e+00, v2;
	_ =	sdelay $0x1  }
0x15a: {  	v1 =	vmul.f32 v2, v1;
	v2 =	vmul.f32 $5.000000000e-01, v3;
	_ =	sdelay $0x1  }
0x15b: {  	v1 =	vadd.f32 v2, v1  }
0x15c: {  	s26 =	simm.s32 $0x10;
	s14 =	simm.s32 $0x80  }
0x15d: {  	s15 =	simm.s32 $0x20;
	s30 =	sand.u32 $0x3C00, s14;
	s9 =	simm.s32 $0x1BD00;
	vm0 =	vgt.f32 v1, $5.000000000e-01  }
.LBB2_7:
0x15e: {  	p4 =	sne.s32 s15, $0x5F0;
	s26 =	sand.u32 $0x70, s26;
	s30 =	sshrl.u32 s30, $0x2;
	v1 =	vsel vm0, $0x3F800000, v0  }
0x15f: {  	s30 =	sor.u32 s26, s30;
	[tilespmem:s9+$0x0] =	vst v1;
	s26 =	smov.u32 s15  }
0x160: {  	v1 =	vld [tilespmem:s30+$0x18700];
	_ =	sdelay $0x5  }
0x161: {  	s24 =	sadd.s32 $0x10, s24  }
0x162: {  	v2 =	vld [tilespmem:s24+$0x0]  }
0x163: {  	v1 =	vld.idx.msk [tilespmem:v1+s1+$0x0], $0xffff;
	_ =	sdelay $0x3  }
0x164: {  	v3 =	vsub.f32 $1.000000000e+00, v2;
	_ =	sdelay $0x1  }
.Ltmp11:
0x165: {  	v1 =	vmul.f32 v2, v1;
	v2 =	vmul.f32 $5.000000000e-01, v3;
	(pc) =	sbr.rel @p4 .LBB2_7-.Ltmp11, $4  }
0x166: {  	_ = 	snop  }
0x167: {  	v1 =	vadd.f32 v2, v1  }
0x168: {  	s14 =	sadd.s32 $0x80, s14  }
0x169: {  	s15 =	sadd.s32 $0x10, s15;
	s9 =	sadd.s32 $0x10, s9;
	s30 =	sand.u32 $0x3C00, s14;
	vm0 =	vgt.f32 v1, $5.000000000e-01  }
0x16a: {  	s14 =	sand.u32 $0x70, s26;
	s15 =	sshrl.u32 s30, $0x2;
	v1 =	vsel vm0, $0x3F800000, v0  }
0x16b: {  	s14 =	sor.u32 s14, s15;
	[tilespmem:s9+$0x0] =	vst v1  }
0x16c: {  	v1 =	vld [tilespmem:s14+$0x18700];
	_ =	sdelay $0x4  }
0x16d: {  	s15 =	sadd.s32 $0x10, s24  }
0x16e: {  	v2 =	vld [tilespmem:s15+$0x0];
	_ =	sdelay $0x1  }
0x16f: {  	v1 =	vld.idx.msk [tilespmem:v1+s1+$0x0], $0xffff;
	_ =	sdelay $0x2  }
0x170: {  	v3 =	vsub.f32 $1.000000000e+00, v2;
	_ =	sdelay $0x1  }
0x171: {  	v1 =	vmul.f32 v2, v1;
	v2 =	vmul.f32 $5.000000000e-01, v3;
	_ =	sdelay $0x1  }
0x172: {  	v1 =	vadd.f32 v2, v1;
	_ =	sdelay $0x1  }
0x173: {  	vm15 =	vgt.f32 v1, $5.000000000e-01  }
0x174: {  	s24 =	sadd.s32 $0x10, s9;
	v1 =	vsel vm15, $0x3F800000, v0  }
0x175: {  	s26 =	simm.s32 $0x18780;
	s30 =	simm.s32 $0x1BD00;
	[tilespmem:s24+$0x0] =	vst v1  }
0x176: {  	[spmem:s21] =	stream.indirect.scatter.add.f32 [tilespmem:s30], [sflag:$0x4], $0x1, s26, s11, $0xb8;
	[tilespmem:$0x1EB70] =	vst v63  }
0x177: {  	s15 =	simm.s32 $0x18880;
	s24 =	simm.s32 $0x1BD80  }
0x178: {  	[spmem:s21] =	stream.indirect.scatter.add.f32 [tilespmem:s24], [sflag:$0x4], $0x1, s15, s11, $0xb8;
	[tilespmem:$0x1EB70] =	vst v63  }
0x179: {  	s26 =	simm.s32 $0x18980;
	s30 =	simm.s32 $0x1BE00  }
0x17a: {  	[spmem:s21] =	stream.indirect.scatter.add.f32 [tilespmem:s30], [sflag:$0x4], $0x1, s26, s11, $0xb8;
	[tilespmem:$0x1EB70] =	vst v63  }
0x17b: {  	s15 =	simm.s32 $0x18A80;
	s24 =	simm.s32 $0x1BE80  }
0x17c: {  	[spmem:s21] =	stream.indirect.scatter.add.f32 [tilespmem:s24], [sflag:$0x4], $0x1, s15, s11, $0xb8;
	[tilespmem:$0x1EB70] =	vst v63  }
0x17d: {  	s26 =	simm.s32 $0x18B80;
	s30 =	simm.s32 $0x1BF00  }
0x17e: {  	[spmem:s21] =	stream.indirect.scatter.add.f32 [tilespmem:s30], [sflag:$0x4], $0x1, s26, s11, $0xb8;
	[tilespmem:$0x1EB70] =	vst v63  }
0x17f: {  	s15 =	simm.s32 $0x18C80;
	s24 =	simm.s32 $0x1BF80  }
0x180: {  	[spmem:s21] =	stream.indirect.scatter.add.f32 [tilespmem:s24], [sflag:$0x4], $0x1, s15, s11, $0xb8;
	[tilespmem:$0x1EB70] =	vst v63  }
0x181: {  	s26 =	simm.s32 $0x18D80;
	s30 =	simm.s32 $0x1C000  }
0x182: {  	[spmem:s21] =	stream.indirect.scatter.add.f32 [tilespmem:s30], [sflag:$0x4], $0x1, s26, s11, $0xb8;
	[tilespmem:$0x1EB70] =	vst v63  }
0x183: {  	s15 =	simm.s32 $0x18E80;
	s24 =	simm.s32 $0x1C080  }
0x184: {  	[spmem:s21] =	stream.indirect.scatter.add.f32 [tilespmem:s24], [sflag:$0x4], $0x1, s15, s11, $0xb8;
	[tilespmem:$0x1EB70] =	vst v63  }
0x185: {  	s26 =	simm.s32 $0x18F80;
	s30 =	simm.s32 $0x1C100  }
0x186: {  	[spmem:s21] =	stream.indirect.scatter.add.f32 [tilespmem:s30], [sflag:$0x4], $0x1, s26, s11, $0xb8;
	[tilespmem:$0x1EB70] =	vst v63  }
0x187: {  	s14 =	simm.s32 $0x19080;
	s15 =	simm.s32 $0x1C180  }
0x188: {  	[spmem:s21] =	stream.indirect.scatter.add.f32 [tilespmem:s15], [sflag:$0x4], $0x1, s14, s11, $0xb8;
	[tilespmem:$0x1EB70] =	vst v63  }
.Ltmp12:
0x189: {  	_ = 	snop;
	(pc) =	sbr.rel .LBB2_15-.Ltmp12, $4  }
0x18a: {  	s24 =	simm.s32 $0x19180;
	s26 =	simm.s32 $0x1C200  }
0x18b: {  	[spmem:s21] =	stream.indirect.scatter.add.f32 [tilespmem:s26], [sflag:$0x4], $0x1, s24, s11, $0xb8;
	[tilespmem:$0x1EB70] =	vst v63  }
0x18c: {  	s30 =	simm.s32 $0x19280  }
0x18d: {  	[spmem:s21] =	stream.indirect.scatter.add.f32 [tilespmem:s31], [sflag:$0x4], $0x1, s30, s11, $0xb8;
	[tilespmem:$0x1EB70] =	vst v63  }
.LBB2_16:
.Ltmp13:
0x18e: {  	(pc) =	sbr.rel @p1 .LBB2_18-.Ltmp13, $1  }
0x18f: {  	_ =	sdelay $0x3  }
.Ltmp14:
0x190: {  	(pc) =	sbr.rel .LBB2_22-.Ltmp14, $4  }
0x191: {  	s6 =	simm.s32 $0x5  }
0x192: {  	_ =	swait.ge [sflag:s6], $0x600  }
0x193: {  	[sflag:s6] =	ssyncset.done $0x0  }
0x194: {  	s9 =	simm.s32 $0x6;
	[sflag:s6] =	ssyncadd.s32 $0xFFFFFA00  }
.LBB2_18:
0x195: {  	_ =	swait.ge [sflag:s16], $0x600  }
.Ltmp15:
0x196: {  	[sflag:s16] =	ssyncset.done $0x0;
	(pc) =	sbr.rel @p2 .LBB2_23-.Ltmp15, $4  }
0x197: {  	s6 =	simm.s32 $0x5;
	[sflag:s16] =	ssyncadd.s32 $0xFFFFFA00  }
0x198: {  	_ =	swait.ge [sflag:s6], $0x600  }
0x199: {  	[sflag:s6] =	ssyncset.done $0x0  }
0x19a: {  	[sflag:s6] =	ssyncadd.s32 $0xFFFFFA00  }
0x19b: {  	s6 =	sld [smem:$0x7F7];
	_ =	sdelay $0x1  }
0x19c: {  	s9 =	simm.s32 $0x0;
	s14 =	simm.s32 $0x18700  }
0x19d: {  	[tilespmem:s14], [sflag:$0x8] =	stream.linear.gather [hbm4b:s6+s9], $0x400, $0x38;
	[tilespmem:$0x1EB70] =	vst v63  }
0x19e: {  	_ =	swait.ge [sflag:s13], $0x400  }
0x19f: {  	s24 =	sld [smem:$0x7F8]  }
0x1a0: {  	[sflag:s13] =	ssyncset.done $0x0  }
0x1a1: {  	s23 =	simm.s32 $0x1AB00;
	[sflag:s13] =	ssyncadd.s32 $0xFFFFFC00  }
0x1a2: {  	[tilespmem:s23], [sflag:$0x8] =	stream.linear.gather [hbm4b:s24+s9], $0x200, $0x38;
	[tilespmem:$0x1EB70] =	vst v63  }
0x1a3: {  	s26 =	sand.u32 $0x3C00, s9;
	_ =	swait.ge [sflag:s13], $0x200  }
0x1a4: {  	s14 =	sshrl.u32 s26, $0x2;
	s9 =	sand.u32 $0x70, s9;
	[sflag:s13] =	ssyncset.done $0x0  }
0x1a5: {  	s9 =	sor.u32 s9, s14;
	[sflag:s13] =	ssyncadd.s32 $0xFFFFFE00  }
0x1a6: {  	v1 =	vld [tilespmem:s9+$0x18700];
	_ =	sdelay $0x5  }
0x1a7: {  	v2 =	vld [tilespmem:s23+$0x0];
	_ =	sdelay $0x1  }
0x1a8: {  	v1 =	vld.idx.msk [tilespmem:v1+s1+$0x0], $0xffff;
	_ =	sdelay $0x2  }
0x1a9: {  	v3 =	vsub.f32 $1.000000000e+00, v2;
	_ =	sdelay $0x1  }
0x1aa: {  	v1 =	vmul.f32 v2, v1;
	v2 =	vmul.f32 $5.000000000e-01, v3  }
0x1ab: {  	p4 =	por $0x1, $0x1;
	s15 =	simm.f32 $1.000000000e+00  }
0x1ac: {  	s15 =	simm.s32 @!p4 $0x0;
	v1 =	vadd.f32 v2, v1  }
0x1ad: {  	s26 =	simm.s32 $0x2;
	s24 =	simm.s32 $0x1;
	s14 =	simm.s32 $0x80  }
0x1ae: {  	s30 =	sand.u32 $0x3C00, s14;
	s9 =	simm.s32 $0x1BD00;
	vm0 =	vgt.f32 v1, $5.000000000e-01;
	v1 =	vmov s15;
	s15 =	simm.s32 $0x10  }
.LBB2_20:
0x1af: {  	p4 =	sne.s32 s26, $0x5F;
	s6 =	sand.u32 $0x70, s15;
	s30 =	sshrl.u32 s30, $0x2;
	v1 =	vnsel vm0, $0x0, v1  }
0x1b0: {  	s6 =	sor.u32 s6, s30;
	[tilespmem:s9+$0x0] =	vst v1  }
0x1b1: {  	v1 =	vld [tilespmem:s6+$0x18700];
	_ =	sdelay $0x5  }
0x1b2: {  	s23 =	sadd.s32 $0x10, s23  }
0x1b3: {  	v2 =	vld [tilespmem:s23+$0x0]  }
0x1b4: {  	v1 =	vld.idx.msk [tilespmem:v1+s1+$0x0], $0xffff;
	_ =	sdelay $0x3  }
0x1b5: {  	v3 =	vsub.f32 $1.000000000e+00, v2;
	_ =	sdelay $0x1  }
.Ltmp16:
0x1b6: {  	v1 =	vmul.f32 v2, v1;
	v2 =	vmul.f32 $5.000000000e-01, v3;
	(pc) =	sbr.rel @p4 .LBB2_20-.Ltmp16, $4  }
0x1b7: {  	_ = 	snop  }
0x1b8: {  	p5 =	slt.u32 s24, $0x20;
	s24 =	smov.u32 s26;
	s6 =	simm.f32 $1.000000000e+00;
	v1 =	vadd.f32 v2, v1  }
0x1b9: {  	s14 =	sadd.s32 $0x80, s14;
	s9 =	sadd.s32 $0x10, s9;
	s6 =	simm.s32 @!p5 $0x0  }
0x1ba: {  	s26 =	sadd.s32 $0x1, s26;
	s15 =	sadd.s32 $0x10, s15;
	s30 =	sand.u32 $0x3C00, s14;
	vm0 =	vgt.f32 v1, $5.000000000e-01;
	v1 =	vmov s6  }
0x1bb: {  	s6 =	sand.u32 $0x70, s15;
	s14 =	sshrl.u32 s30, $0x2;
	v1 =	vnsel vm0, $0x0, v1  }
0x1bc: {  	s6 =	sor.u32 s6, s14;
	[tilespmem:s9+$0x0] =	vst v1  }
0x1bd: {  	v1 =	vld [tilespmem:s6+$0x18700];
	_ =	sdelay $0x4  }
0x1be: {  	s14 =	sadd.s32 $0x10, s23  }
0x1bf: {  	v2 =	vld [tilespmem:s14+$0x0];
	_ =	sdelay $0x1  }
0x1c0: {  	v1 =	vld.idx.msk [tilespmem:v1+s1+$0x0], $0xffff;
	_ =	sdelay $0x2  }
0x1c1: {  	v3 =	vsub.f32 $1.000000000e+00, v2;
	_ =	sdelay $0x1  }
0x1c2: {  	v1 =	vmul.f32 v2, v1;
	v2 =	vmul.f32 $5.000000000e-01, v3;
	_ =	sdelay $0x1  }
0x1c3: {  	p4 =	slt.u32 s24, $0x20;
	s6 =	simm.f32 $1.000000000e+00;
	v1 =	vadd.f32 v2, v1  }
0x1c4: {  	s6 =	simm.s32 @!p4 $0x0  }
0x1c5: {  	v2 =	vmov s6;
	vm15 =	vgt.f32 v1, $5.000000000e-01  }
0x1c6: {  	s15 =	sadd.s32 $0x10, s9;
	v1 =	vnsel vm15, $0x0, v2  }
0x1c7: {  	s24 =	simm.s32 $0x1BD00;
	s23 =	simm.s32 $0x18780;
	[tilespmem:s15+$0x0] =	vst v1  }
0x1c8: {  	[spmem:s21] =	stream.indirect.scatter.add.f32 [tilespmem:s24], [sflag:$0x4], $0x1, s23, s11, $0xb8;
	[tilespmem:$0x1EB70] =	vst v63  }
0x1c9: {  	s26 =	simm.s32 $0x18880;
	s30 =	simm.s32 $0x1BD80  }
0x1ca: {  	[spmem:s21] =	stream.indirect.scatter.add.f32 [tilespmem:s30], [sflag:$0x4], $0x1, s26, s11, $0xb8;
	[tilespmem:$0x1EB70] =	vst v63  }
0x1cb: {  	s14 =	simm.s32 $0x18980;
	s15 =	simm.s32 $0x1BE00  }
0x1cc: {  	[spmem:s21] =	stream.indirect.scatter.add.f32 [tilespmem:s15], [sflag:$0x4], $0x1, s14, s11, $0xb8;
	[tilespmem:$0x1EB70] =	vst v63  }
0x1cd: {  	s23 =	simm.s32 $0x18A80;
	s24 =	simm.s32 $0x1BE80  }
0x1ce: {  	[spmem:s21] =	stream.indirect.scatter.add.f32 [tilespmem:s24], [sflag:$0x4], $0x1, s23, s11, $0xb8;
	[tilespmem:$0x1EB70] =	vst v63  }
0x1cf: {  	s26 =	simm.s32 $0x18B80;
	s30 =	simm.s32 $0x1BF00  }
0x1d0: {  	[spmem:s21] =	stream.indirect.scatter.add.f32 [tilespmem:s30], [sflag:$0x4], $0x1, s26, s11, $0xb8;
	[tilespmem:$0x1EB70] =	vst v63  }
0x1d1: {  	s14 =	simm.s32 $0x18C80;
	s15 =	simm.s32 $0x1BF80  }
0x1d2: {  	[spmem:s21] =	stream.indirect.scatter.add.f32 [tilespmem:s15], [sflag:$0x4], $0x1, s14, s11, $0xb8;
	[tilespmem:$0x1EB70] =	vst v63  }
0x1d3: {  	s23 =	simm.s32 $0x18D80;
	s24 =	simm.s32 $0x1C000  }
0x1d4: {  	[spmem:s21] =	stream.indirect.scatter.add.f32 [tilespmem:s24], [sflag:$0x4], $0x1, s23, s11, $0xb8;
	[tilespmem:$0x1EB70] =	vst v63  }
0x1d5: {  	s26 =	simm.s32 $0x18E80;
	s30 =	simm.s32 $0x1C080  }
0x1d6: {  	[spmem:s21] =	stream.indirect.scatter.add.f32 [tilespmem:s30], [sflag:$0x4], $0x1, s26, s11, $0xb8;
	[tilespmem:$0x1EB70] =	vst v63  }
0x1d7: {  	s9 =	simm.s32 $0x18F80;
	s14 =	simm.s32 $0x1C100  }
0x1d8: {  	[spmem:s21] =	stream.indirect.scatter.add.f32 [tilespmem:s14], [sflag:$0x4], $0x1, s9, s11, $0xb8;
	[tilespmem:$0x1EB70] =	vst v63  }
0x1d9: {  	s15 =	simm.s32 $0x19080;
	s23 =	simm.s32 $0x1C180  }
0x1da: {  	[spmem:s21] =	stream.indirect.scatter.add.f32 [tilespmem:s23], [sflag:$0x4], $0x1, s15, s11, $0xb8;
	[tilespmem:$0x1EB70] =	vst v63  }
0x1db: {  	s24 =	simm.s32 $0x19180;
	s26 =	simm.s32 $0x1C200  }
0x1dc: {  	[spmem:s21] =	stream.indirect.scatter.add.f32 [tilespmem:s26], [sflag:$0x4], $0x1, s24, s11, $0xb8;
	[tilespmem:$0x1EB70] =	vst v63  }
0x1dd: {  	s30 =	simm.s32 $0x19280;
	s9 =	simm.s32 $0x4  }
0x1de: {  	[spmem:s21] =	stream.indirect.scatter.add.f32 [tilespmem:s31], [sflag:$0x4], $0x1, s30, s11, $0xb8;
	[tilespmem:$0x1EB70] =	vst v63  }
.LBB2_22:
0x1df: {  	_ =	swait.ge [sflag:s9], $0x600  }
0x1e0: {  	[sflag:s9] =	ssyncset.done $0x0  }
0x1e1: {  	[sflag:s9] =	ssyncadd.s32 $0xFFFFFA00  }
.LBB2_23:
0x1e2: {  	[bflag:$0x0] =	sbarrier.arrive $0xFFFF  }
.Ltmp17:
0x1e3: {  	s6 =	rddreg [dreg:$0x16];
	(pc) =	sbr.rel @p0 .LBB2_25-.Ltmp17, $4  }
0x1e4: {  	[tilespmem:s12], [sflag:$0x8] =	stream.linear.gather [spmem:s6], $0x400, $0x38;
	[tilespmem:$0x1EB70] =	vst v63  }
0x1e5: {  	_ =	swait.ge [sflag:s13], $0x400  }
0x1e6: {  	[sflag:s13] =	ssyncset.done $0x0  }
0x1e7: {  	[sflag:s13] =	ssyncadd.s32 $0xFFFFFC00  }
0x1e8: {  	s6 =	rddreg [dreg:$0x8]  }
0x1e9: {  	[hbm4b:s6+s1] =	stream.linear.scatter [tilespmem:s12], [sflag:$0x8], $0x400, $0x38;
	[tilespmem:$0x1EB70] =	vst v63  }
0x1ea: {  	_ =	swait.ge [sflag:s13], $0x400  }
0x1eb: {  	[sflag:s13] =	ssyncset.done $0x0  }
0x1ec: {  	s24 =	rddreg [dreg:$0x1b];
	[sflag:s13] =	ssyncadd.s32 $0xFFFFFC00  }
0x1ed: {  	[tilespmem:s12], [sflag:$0x8] =	stream.linear.gather [spmem:s24], $0x400, $0x38;
	[tilespmem:$0x1EB70] =	vst v63  }
0x1ee: {  	_ =	swait.ge [sflag:s13], $0x400  }
0x1ef: {  	[sflag:s13] =	ssyncset.done $0x0  }
0x1f0: {  	s26 =	rddreg [dreg:$0x9];
	[sflag:s13] =	ssyncadd.s32 $0xFFFFFC00  }
0x1f1: {  	[hbm4b:s26+s1] =	stream.linear.scatter [tilespmem:s12], [sflag:$0x8], $0x400, $0x38;
	[tilespmem:$0x1EB70] =	vst v63  }
0x1f2: {  	_ =	swait.ge [sflag:s13], $0x400  }
0x1f3: {  	[sflag:s13] =	ssyncset.done $0x0  }
0x1f4: {  	s30 =	rddreg [dreg:$0x1c];
	[sflag:s13] =	ssyncadd.s32 $0xFFFFFC00  }
0x1f5: {  	[tilespmem:s12], [sflag:$0x8] =	stream.linear.gather [spmem:s30], $0x400, $0x38;
	[tilespmem:$0x1EB70] =	vst v63  }
0x1f6: {  	_ =	swait.ge [sflag:s13], $0x400  }
0x1f7: {  	[sflag:s13] =	ssyncset.done $0x0  }
0x1f8: {  	s9 =	rddreg [dreg:$0xa];
	[sflag:s13] =	ssyncadd.s32 $0xFFFFFC00  }
0x1f9: {  	[hbm4b:s9+s1] =	stream.linear.scatter [tilespmem:s12], [sflag:$0x8], $0x400, $0x38;
	[tilespmem:$0x1EB70] =	vst v63  }
0x1fa: {  	_ =	swait.ge [sflag:s13], $0x400  }
0x1fb: {  	[sflag:s13] =	ssyncset.done $0x0  }
0x1fc: {  	s14 =	rddreg [dreg:$0x1d];
	[sflag:s13] =	ssyncadd.s32 $0xFFFFFC00  }
0x1fd: {  	[tilespmem:s12], [sflag:$0x8] =	stream.linear.gather [spmem:s14], $0x400, $0x38;
	[tilespmem:$0x1EB70] =	vst v63  }
0x1fe: {  	_ =	swait.ge [sflag:s13], $0x400  }
0x1ff: {  	[sflag:s13] =	ssyncset.done $0x0  }
0x200: {  	s15 =	rddreg [dreg:$0xb];
	[sflag:s13] =	ssyncadd.s32 $0xFFFFFC00  }
0x201: {  	[hbm4b:s15+s1] =	stream.linear.scatter [tilespmem:s12], [sflag:$0x8], $0x400, $0x38;
	[tilespmem:$0x1EB70] =	vst v63  }
0x202: {  	_ =	swait.ge [sflag:s13], $0x400  }
0x203: {  	[sflag:s13] =	ssyncset.done $0x0  }
0x204: {  	s23 =	rddreg [dreg:$0x1e];
	[sflag:s13] =	ssyncadd.s32 $0xFFFFFC00  }
0x205: {  	[tilespmem:s12], [sflag:$0x8] =	stream.linear.gather [spmem:s23], $0x400, $0x38;
	[tilespmem:$0x1EB70] =	vst v63  }
0x206: {  	_ =	swait.ge [sflag:s13], $0x400  }
0x207: {  	[sflag:s13] =	ssyncset.done $0x0  }
0x208: {  	s24 =	rddreg [dreg:$0xc];
	[sflag:s13] =	ssyncadd.s32 $0xFFFFFC00  }
0x209: {  	[hbm4b:s24+s1] =	stream.linear.scatter [tilespmem:s12], [sflag:$0x8], $0x400, $0x38;
	[tilespmem:$0x1EB70] =	vst v63  }
0x20a: {  	_ =	swait.ge [sflag:s13], $0x400  }
0x20b: {  	[sflag:s13] =	ssyncset.done $0x0  }
0x20c: {  	s26 =	rddreg [dreg:$0x1f];
	[sflag:s13] =	ssyncadd.s32 $0xFFFFFC00  }
0x20d: {  	[tilespmem:s12], [sflag:$0x8] =	stream.linear.gather [spmem:s26], $0x400, $0x38;
	[tilespmem:$0x1EB70] =	vst v63  }
0x20e: {  	_ =	swait.ge [sflag:s13], $0x400  }
0x20f: {  	[sflag:s13] =	ssyncset.done $0x0  }
0x210: {  	s30 =	rddreg [dreg:$0xd];
	[sflag:s13] =	ssyncadd.s32 $0xFFFFFC00  }
0x211: {  	[hbm4b:s30+s1] =	stream.linear.scatter [tilespmem:s12], [sflag:$0x8], $0x400, $0x38;
	[tilespmem:$0x1EB70] =	vst v63  }
0x212: {  	_ =	swait.ge [sflag:s13], $0x400  }
0x213: {  	s9 =	sld [smem:$0x7F6]  }
0x214: {  	[sflag:s13] =	ssyncset.done $0x0  }
0x215: {  	s6 =	simm.s32 @p3 $0x1CF00;
	[sflag:s13] =	ssyncadd.s32 $0xFFFFFC00  }
0x216: {  	[tilespmem:s6], [sflag:$0x8] =	stream.linear.gather @p3 [spmem:s9], $0x10, $0x38;
	[tilespmem:$0x1EB70] =	vst v63  }
0x217: {  	s9 =	simm.s32 @p3 $0x8  }
0x218: {  	_ =	swait.ge @p3 [sflag:s9], $0x10  }
0x219: {  	[sflag:s9] =	ssyncset.done @p3 $0x0  }
0x21a: {  	s14 =	simm.s32 @p3 $0x0;
	s15 =	rddreg [dreg:$0x18];
	[sflag:s9] =	ssyncadd.s32 @p3 $0xFFFFFFF0  }
0x21b: {  	[hbm4b:s15+s14] =	stream.linear.scatter @p3 [tilespmem:s6], [sflag:$0x8], $0x10, $0x38;
	[tilespmem:$0x1EB70] =	vst v63  }
0x21c: {  	_ =	swait.ge @p3 [sflag:s9], $0x10  }
0x21d: {  	[sflag:s9] =	ssyncset.done @p3 $0x0  }
0x21e: {  	s6 =	simm.s32 @!p3 $0x1CF00;
	[sflag:s9] =	ssyncadd.s32 @p3 $0xFFFFFFF0;
	s9 =	rddreg [dreg:$0x17]  }
0x21f: {  	[tilespmem:s6], [sflag:$0x8] =	stream.linear.gather @!p3 [spmem:s9], $0x70, $0x38;
	[tilespmem:$0x1EB70] =	vst v63  }
0x220: {  	s9 =	simm.s32 @!p3 $0x8  }
0x221: {  	_ =	swait.ge @!p3 [sflag:s9], $0x70  }
0x222: {  	s14 =	simm.s32 @!p3 $0x0;
	[sflag:s9] =	ssyncset.done @!p3 $0x0  }
.Ltmp18:
0x223: {  	s15 =	rddreg [dreg:$0x6];
	[sflag:s9] =	ssyncadd.s32 @!p3 $0xFFFFFF90;
	(pc) =	sbr.rel .LBB2_26-.Ltmp18, $4  }
0x224: {  	[hbm4b:s15+s14] =	stream.linear.scatter @!p3 [tilespmem:s6], [sflag:$0x8], $0x70, $0x38;
	[tilespmem:$0x1EB70] =	vst v63  }
0x225: {  	_ =	swait.ge @!p3 [sflag:s9], $0x70  }
0x226: {  	[sflag:s9] =	ssyncset.done @!p3 $0x0  }
0x227: {  	[sflag:s9] =	ssyncadd.s32 @!p3 $0xFFFFFF90  }
.LBB2_27:
0x228: {  	_ =	sfence.sel $0x180000  }
0x229: {  	[bflag:$0x0] =	sbarrier.arrive $0xFFFF  }
0x22a: {  	_ =	strace $0x90000047  }
0x22b: {  	s0 =	stileid.u32;
	[bflag:$0x2] =	sbarrier.arrive $0xFFFF  }
0x22c: {  	p0 =	sne.s32 s0, $0x0;
	s0 =	rddreg [dreg:$0x5]  }
0x22d: {  	s0 =	sadd.s32 @!p0 $0x100000, s0  }
0x22e: {  	[sflag:s0] =	ssyncadd.tile.s32 @!p0 $0x1;
	_ =	shalt  }
.Lfunc_end2:
_tile_overlayer_lowered:
.L_overlay_start_2:
0x22f: {  	(tag) =	ssettag $0x2  }
0x230: {  	s0 =	rddreg [dreg:$0x0];
	s2 =	stileid.u32  }
0x231: {  	s1 =	rddreg [dreg:$0x1];
	p0 =	sne.s32 s2, $0x0  }
0x232: {  	s3 =	rddreg [dreg:$0x2];
	[bflag:$0x3] =	sbarrier.arrive $0xFFFF;
	s2 =	simm.s32 @!p0 $0x1C08  }
0x233: {  	[timem:s3], [sflag:s2] =	dma.local @!p0 [hbm:s0], s1  }
0x234: {  	s0 =	simm.s32 @!p0 $0x8  }
0x235: {  	_ =	swait.ge @!p0 [sflag:s0], s1  }
0x236: {  	s1 =	ssub.s32 @!p0 $0x0, s1;
	[sflag:s0] =	ssyncset.done @!p0 $0x0  }
0x237: {  	[sflag:s0] =	ssyncadd.s32 @!p0 s1  }
0x238: {  	[bflag:$0x3] =	sbarrier.arrive $0xFFFF  }
0x239: {  	_ =	shalt  }

// kernel: kernel.7.cloned.1.call-start
scs
__scs_entry_jumppad:
0x0: {  	(pc) =	sbr.rel $0x88, $3  }
0x1: {  	(tag) =	ssettag $0x0;
	lr =	simm.s32 $0x1  }
0x2: {  	[smem:$0x3F9C] =	sst lr;
	_ =	strace $0xD0000000  }
0x3: {  	_ = 	snop  }
0x4: {  	_ = 	snop  }
0x5: {  	_ = 	snop  }
0x6: {  	_ = 	snop  }
0x7: {  	_ = 	snop  }
__scs_overlays_trampoline_lowered:
0x8: {  	[smem:$0x3FAB] =	sst s0  }
0x9: {  	[smem:$0x3FAC] =	sst s1  }
0xa: {  	[smem:$0x3FAD] =	sst s2  }
0xb: {  	[smem:$0x3FAE] =	sst s3  }
0xc: {  	[smem:$0x3FAF] =	sst s4  }
0xd: {  	[smem:$0x3FB0] =	sst s5  }
0xe: {  	[smem:$0x3FB1] =	sst s6  }
0xf: {  	[smem:$0x3FB2] =	sst s7  }
0x10: {  	[smem:$0x3FB3] =	sst s8  }
0x11: {  	[smem:$0x3FB4] =	sst s9;
	s0 =	simm.s32 @!p0 $0x0  }
0x12: {  	s1 =	sld [smem:$0x3F9A];
	s0 =	simm.s32 @p0 $0x1  }
0x13: {  	[smem:$0x3FB5] =	sst s0;
	s0 =	simm.s32 @!p1 $0x0  }
0x14: {  	s2 =	sld [smem:$0x3F99];
	s0 =	simm.s32 @p1 $0x1  }
0x15: {  	[smem:$0x3FB6] =	sst s0;
	s0 =	simm.s32 @!p2 $0x0  }
0x16: {  	s3 =	sld [smem:$0x3FDB];
	s0 =	simm.s32 @p2 $0x1  }
0x17: {  	s4 =	simm.s32 $0x1BF5;
	[smem:$0x3FB8] =	sst s0  }
0x18: {  	s0 =	sld [smem:$0x3F9B];
	_ =	swait.ge [sflag:s4], $0x0  }
0x19: {  	s7 =	sld [smem:$0x3F9C]  }
0x1a: {  	s8 =	sadd.s32 $0xFFFFE003, lr  }
0x1b: {  	s9 =	sadd.s32 $0xFFFFFEF7, lr;
	s5 =	simm.s32 $0xFFFFFFFF;
	p2 =	slt.u32 s8, $0xFFFFF086  }
0x1c: {  	p1 =	slt.u32 s9, $0xF7A;
	s5 =	simm.s32 @!p2 $0x0  }
0x1d: {  	s5 =	simm.s32 @p1 $0x1;
	p0 =	seq.s32 s7, s2  }
0x1e: {  	s7 =	smul.u32 @!p0 $0xF7A, s2;
	p2 =	seq.s32 @!p0 s5, $0x0  }
0x1f: {  	s9 =	smul.u32 $0xF7A, s1;
	s8 =	simm.s32 @!p0 $0x1BF5;
	p2 =	por !p2, p0  }
0x20: {  	[sflag:s8] =	ssyncset.s32 @!p0 $0xFFFFF086;
	s6 =	sadd.s32 @!p0 s3, s7;
	s7 =	simm.s32 @!p0 $0x108  }
0x21: {  	s3 =	sadd.s32 s3, s9;
	s6 =	sadd.s32 @!p0 $0x88, s6;
	s7 =	simm.s32 @p2 $0x1082  }
0x22: {  	[simem:s7], [sflag:s8] =	dma.local @!p0 [hbm:s6], $0xF7A  }
0x23: {  	s9 =	sor.u32 $0xD0000000, s2;
	s6 =	simm.s32 $0x108;
	_ =	swait.ge @!p0 [sflag:s8], $0x0  }
0x24: {  	s3 =	sadd.s32 $0x88, s3;
	s6 =	simm.s32 @!p1 $0x1082;
	[sflag:s4] =	ssyncset.s32 $0xFFFFF086  }
0x25: {  	[simem:s6], [sflag:s4] =	dma.local [hbm:s3], $0xF7A  }
0x26: {  	[smem:$0x3F9C] =	sst s1;
	(tag) =	ssettag s2;
	_ =	strace s9  }
0x27: {  	s1 =	sld [smem:$0x3FAC]  }
0x28: {  	s2 =	sld [smem:$0x3FAD]  }
0x29: {  	s4 =	sld [smem:$0x3FAF]  }
0x2a: {  	p0 =	seq.s32 s5, $0x0;
	s5 =	sld [smem:$0x3FB0]  }
0x2b: {  	s6 =	sld [smem:$0x3FB1]  }
0x2c: {  	s7 =	sld [smem:$0x3FB2]  }
0x2d: {  	s3 =	simm.s32 $0x108;
	s8 =	sld [smem:$0x3FB3]  }
0x2e: {  	s3 =	simm.s32 @!p0 $0x1082;
	s9 =	sld [smem:$0x3FB4]  }
0x2f: {  	lr =	sadd.s32 s0, s3;
	s0 =	sld [smem:$0x3FAB]  }
0x30: {  	s3 =	sld [smem:$0x3FAE]  }
0x31: {  	[smem:$0x3FB7] =	sst s10  }
0x32: {  	s10 =	sld [smem:$0x3FB5];
	_ =	sdelay $0x3  }
0x33: {  	p0 =	seq.s32 s10, $0x1;
	s10 =	sld [smem:$0x3FB7];
	_ =	sdelay $0x3  }
0x34: {  	[smem:$0x3FB7] =	sst s10  }
0x35: {  	s10 =	sld [smem:$0x3FB6];
	_ =	sdelay $0x3  }
0x36: {  	p1 =	seq.s32 s10, $0x1;
	s10 =	sld [smem:$0x3FB7];
	_ =	sdelay $0x3  }
0x37: {  	[smem:$0x3FB7] =	sst s10  }
0x38: {  	s10 =	sld [smem:$0x3FB8]  }
0x39: {  	_ = 	snop;
	(pc) =	sbr.ind lr, $3  }
0x3a: {  	_ = 	snop  }
0x3b: {  	_ = 	snop  }
0x3c: {  	p2 =	seq.s32 s10, $0x1;
	s10 =	sld [smem:$0x3FB7]  }
0x3d: {  	_ =	shalt  }
0x3e: {  	_ =	shalt  }
0x3f: {  	_ =	shalt  }
0x40: {  	_ =	shalt  }
0x41: {  	_ =	shalt  }
0x42: {  	_ =	shalt  }
0x43: {  	_ =	shalt  }
0x44: {  	_ =	shalt  }
0x45: {  	_ =	shalt  }
0x46: {  	_ =	shalt  }
0x47: {  	_ =	shalt  }
0x48: {  	_ =	shalt  }
0x49: {  	_ =	shalt  }
0x4a: {  	_ =	shalt  }
0x4b: {  	_ =	shalt  }
0x4c: {  	_ =	shalt  }
0x4d: {  	_ =	shalt  }
0x4e: {  	_ =	shalt  }
0x4f: {  	_ =	shalt  }
0x50: {  	_ =	shalt  }
0x51: {  	_ =	shalt  }
0x52: {  	_ =	shalt  }
0x53: {  	_ =	shalt  }
0x54: {  	_ =	shalt  }
0x55: {  	_ =	shalt  }
0x56: {  	_ =	shalt  }
0x57: {  	_ =	shalt  }
0x58: {  	_ =	shalt  }
0x59: {  	_ =	shalt  }
0x5a: {  	_ =	shalt  }
0x5b: {  	_ =	shalt  }
0x5c: {  	_ =	shalt  }
0x5d: {  	_ =	shalt  }
0x5e: {  	_ =	shalt  }
0x5f: {  	_ =	shalt  }
0x60: {  	_ =	shalt  }
0x61: {  	_ =	shalt  }
0x62: {  	_ =	shalt  }
0x63: {  	_ =	shalt  }
0x64: {  	_ =	shalt  }
0x65: {  	_ =	shalt  }
0x66: {  	_ =	shalt  }
0x67: {  	_ =	shalt  }
0x68: {  	_ =	shalt  }
0x69: {  	_ =	shalt  }
0x6a: {  	_ =	shalt  }
0x6b: {  	_ =	shalt  }
0x6c: {  	_ =	shalt  }
0x6d: {  	_ =	shalt  }
0x6e: {  	_ =	shalt  }
0x6f: {  	_ =	shalt  }
0x70: {  	_ =	shalt  }
0x71: {  	_ =	shalt  }
0x72: {  	_ =	shalt  }
0x73: {  	_ =	shalt  }
0x74: {  	_ =	shalt  }
0x75: {  	_ =	shalt  }
0x76: {  	_ =	shalt  }
0x77: {  	_ =	shalt  }
0x78: {  	_ =	shalt  }
0x79: {  	_ =	shalt  }
0x7a: {  	_ =	shalt  }
0x7b: {  	_ =	shalt  }
0x7c: {  	_ =	shalt  }
0x7d: {  	_ =	shalt  }
0x7e: {  	_ =	shalt  }
0x7f: {  	_ =	shalt  }
0x80: {  	_ =	shalt  }
0x81: {  	_ =	shalt  }
0x82: {  	_ =	shalt  }
0x83: {  	_ =	shalt  }
0x84: {  	_ =	shalt  }
0x85: {  	_ =	shalt  }
0x86: {  	_ =	shalt  }
0x87: {  	_ =	shalt  }
.Lfunc_end0:
.L_simem_size_0:
called_computation.1_lowered:
.L_overlay_start_0:
0x88: {  	s0 =	sld [smem:$0x3FD9]  }
0x89: {  	s1 =	sld [smem:$0x3FFE];
	_ =	sdelay $0x3  }
0x8a: {  	s0 =	sadd.s32 s1, s0  }
0x8b: {  	[smem:$0x3FC3] =	sst s0  }
0x8c: {  	_ = 	snop  }
0x8d: {  	s0 =	sld [smem:$0x3FD0];
	_ =	sdelay $0x1  }
0x8e: {  	s13 =	sld [smem:$0x3FC7]  }
0x8f: {  	s3 =	simm.s32 $0xA;
	s4 =	simm.s32 $0x10;
	s2 =	sld [smem:$0x3FC6]  }
0x90: {  	[smem:s4], [sflag:s3] =	dma.local [hbm:s0], $0x1  }
0x91: {  	_ =	swait.eq [sflag:s3], $0x1  }
0x92: {  	s14 =	sld [smem:$0x10];
	[sflag:s3] =	ssyncset.done $0x0  }
0x93: {  	s15 =	sld [smem:$0x11];
	[sflag:s3] =	ssyncadd.s32 $0xFFFFFFFF  }
0x94: {  	s16 =	sld [smem:$0x12];
	(tm) =	ssettm $0x1  }
0x95: {  	s5 =	sld [smem:$0x3FFB];
	_ =	sdelay $0x3  }
0x96: {  	_ =	strace s5  }
0x97: {  	s5 =	sld [smem:$0x3FFC];
	_ =	sdelay $0x3  }
0x98: {  	_ =	strace s5  }
0x99: {  	s5 =	sld [smem:$0x3FFD];
	_ =	sdelay $0x3  }
0x9a: {  	_ =	strace s5  }
0x9b: {  	_ =	strace $0x8FFFFFFF  }
0x9c: {  	s17 =	sld [smem:$0x3FDB];
	_ =	sdelay $0x1  }
0x9d: {  	s6 =	simm.s32 $_scs_section_size  }
0x9e: {  	s7 =	simm.s32 $_size__tile_overlayer_lowered;
	s8 =	simm.s32 $_tile_overlayer_lowered  }
0x9f: {  	s20 =	simm.s32 $0x1BFF;
	s19 =	sshll.u32 s8, $0x1;
	s5 =	sadd.s32 s6, s17  }
0xa0: {  	s9 =	simm.s32 $0x0;
	s18 =	sshll.u32 s7, $0x1;
	s7 =	sadd.s32 s19, s5  }
0xa1: {  	[timem:s9], [sflag:s20] =	dma.local [hbm:s7], s18  }
0xa2: {  	_ =	swait.ge [sflag:s20], s18  }
0xa3: {  	s6 =	ssub.s32 $0x0, s18;
	[sflag:s20] =	ssyncset.done $0x0  }
0xa4: {  	[sflag:s20] =	ssyncadd.s32 s6;
	_ =	sdelay $0x1  }
0xa5: {  	s21 =	simm.s32 $0x1B8B  }
0xa6: {  	_ =	swait.ge [sflag:s21], $0x1  }
0xa7: {  	[sflag:s21] =	ssyncset.done $0x0  }
0xa8: {  	s23 =	simm.s32 $0x1B8E;
	s22 =	sld [smem:$0x3FFE];
	[sflag:s21] =	ssyncadd.s32 $0xFFFFFFFF  }
0xa9: {  	s24 =	simm.s32 $execute0_lowered;
	[smem:$0x3FD2] =	sst s23  }
0xaa: {  	s7 =	sshll.u32 s24, $0x1;
	_ =	strace $0x80000049;
	[dreg:$0x1] =	wrdreg $0xFFFFFFFF  }
0xab: {  	s25 =	simm.s32 $_size_execute0_lowered;
	s5 =	sadd.s32 s5, s7;
	[dreg:$0x0] =	wrdreg $0x0  }
0xac: {  	s7 =	sshll.u32 s25, $0x1;
	[dreg:$0x2] =	wrdreg s5  }
0xad: {  	[dreg:$0x3] =	wrdreg s7  }
0xae: {  	[dreg:$0x4] =	wrdreg $0xC0  }
0xaf: {  	_ =	task [dreg:s9], $0x5FFFF  }
0xb0: {  	[dreg:$0x1] =	wrdreg $0xFFFFFFFF  }
0xb1: {  	[dreg:$0x0] =	wrdreg $0x60  }
0xb2: {  	[dreg:$0x2] =	wrdreg s22  }
0xb3: {  	[dreg:$0x3] =	wrdreg s2  }
0xb4: {  	[dreg:$0x4] =	wrdreg s13  }
0xb5: {  	[dreg:$0x5] =	wrdreg s16  }
0xb6: {  	[dreg:$0x6] =	wrdreg s14  }
0xb7: {  	[dreg:$0x7] =	wrdreg s15  }
0xb8: {  	[dreg:$0x8] =	wrdreg $0x75000  }
0xb9: {  	[dreg:$0x9] =	wrdreg $0x9  }
0xba: {  	_ =	task.clear_ibuf [dreg:s9], $0xAFFFF;
	_ =	strace $0x90000049  }
0xbb: {  	s26 =	simm.s32 $0x9;
	_ =	strace $0x8000004B  }
0xbc: {  	_ =	swait.ge [sflag:s26], $0x1  }
0xbd: {  	[sflag:s26] =	ssyncadd.s32 $0xFFFFFFFF  }
0xbe: {  	_ =	strace $0x9000004B  }
0xbf: {  	_ =	sfence  }
0xc0: {  	s28 =	sld [smem:$0x0];
	_ =	sdelay $0x1  }
0xc1: {  	s29 =	srdreg.scid  }
0xc2: {  	s30 =	sshll.u32 s29, $0xD;
	s31 =	sshrl.u32 s29, $0x2  }
0xc3: {  	s1 =	sand.u32 $0x1, s29;
	s2 =	sand.u32 $0x4000, s30;
	s0 =	sadd.s32 s31, s28  }
0xc4: {  	s1 =	sor.u32 s2, s1;
	s0 =	sshll.u32 s0, $0x11  }
0xc5: {  	s0 =	sor.u32 s0, s1  }
0xc6: {  	s0 =	sadd.s32 $0x8F2B, s0  }
0xc7: {  	[sflag:s0] =	ssyncadd.remote.s32 $0x1  }
0xc8: {  	_ =	sfence.sel $0xFFFF  }
0xc9: {  	[dreg:$0x0] =	wrdreg $0xFFFFFFFF;
	(pc) =	sbr.abs _section_cstart, $3  }
0xca: {  	[dreg:$0x1] =	wrdreg $0xFFFFFFFF  }
0xcb: {  	_ =	task.clear_ibuf [dreg:s9], $0x2FFFF;
	_ =	strace $0x9FFFFFFF  }
0xcc: {  	(tm) =	ssettm $0x7FFFFFFF  }
0xcd: {  	_ =	shalt  }
tec
execute0_lowered:
.L_overlay_start_1:
0x0: {  	(tag) =	ssettag $0x1  }
0x1: {  	s0 =	rddreg [dreg:$0x0]  }
0x2: {  	s2 =	rddreg [dreg:$0x1]  }
0x3: {  	s5 =	rddreg [dreg:$0x2]  }
0x4: {  	s9 =	rddreg [dreg:$0x3]  }
0x5: {  	s29 =	rddreg [dreg:$0x6];
	s6 =	simm.s32 $0x0;
	s1 =	stileid.u32  }
0x6: {  	[smem:$0x7FF] =	sst s6;
	s3 =	sadd.s32 $0xE00, s0;
	p0 =	seq.s32 s1, $0xF  }
0x7: {  	_ =	strace $0x8000004A;
	s4 =	sadd.s32 @p0 $0x2DD2, s3;
	s7 =	simm.s32 @p0 $0x0  }
0x8: {  	[tilespmem:s7], [sflag:$0x1] =	stream.linear.gather @p0 [hbm4b:s4+s7], $0x1810, $0x38;
	[tilespmem:$0x7520] =	vst v63  }
0x9: {  	s4 =	simm.s32 @p0 $0x1  }
0xa: {  	_ =	swait.ge @p0 [sflag:s4], $0x1810  }
0xb: {  	s0 =	sadd.s32 $0x4000, s0;
	[sflag:s4] =	ssyncset.done @p0 $0x0  }
0xc: {  	s8 =	sadd.s32 @p0 $0x2DD2, s0;
	s10 =	simm.s32 @p0 $0x1880;
	[sflag:s4] =	ssyncadd.s32 @p0 $0xFFFFE7F0  }
0xd: {  	[tilespmem:s10], [sflag:$0x1] =	stream.linear.gather @p0 [hbm4b:s8+s7], $0x1810, $0x38;
	[tilespmem:$0x7520] =	vst v63  }
0xe: {  	_ =	swait.ge @p0 [sflag:s4], $0x1810  }
0xf: {  	[sflag:s4] =	ssyncset.done @p0 $0x0  }
0x10: {  	s8 =	sadd.s32 @p0 $0x2DD2, s2;
	s10 =	simm.s32 @p0 $0x3100;
	[sflag:s4] =	ssyncadd.s32 @p0 $0xFFFFE7F0  }
0x11: {  	[tilespmem:s10], [sflag:$0x1] =	stream.linear.gather @p0 [hbm4b:s8+s7], $0x1810, $0x38;
	[tilespmem:$0x7520] =	vst v63  }
0x12: {  	s7 =	smul.u32 $0x30E, s1;
	_ =	swait.ge @p0 [sflag:s4], $0x1810  }
0x13: {  	[sflag:s4] =	ssyncset.done @p0 $0x0  }
0x14: {  	s3 =	sadd.s32 @!p0 s3, s7;
	[sflag:s4] =	ssyncadd.s32 @p0 $0xFFFFE7F0;
	s4 =	simm.s32 @!p0 $0x0  }
0x15: {  	[tilespmem:s4], [sflag:$0x1] =	stream.linear.gather @!p0 [hbm4b:s3+s4], $0x1870, $0x38;
	[tilespmem:$0x7520] =	vst v63  }
0x16: {  	s3 =	simm.s32 @!p0 $0x1  }
0x17: {  	_ =	swait.ge @!p0 [sflag:s3], $0x1870  }
0x18: {  	[sflag:s3] =	ssyncset.done @!p0 $0x0  }
0x19: {  	s8 =	simm.s32 @!p0 $0x1880;
	s0 =	sadd.s32 @!p0 s0, s7;
	[sflag:s3] =	ssyncadd.s32 @!p0 $0xFFFFE790  }
0x1a: {  	[tilespmem:s8], [sflag:$0x1] =	stream.linear.gather @!p0 [hbm4b:s0+s4], $0x1870, $0x38;
	[tilespmem:$0x7520] =	vst v63  }
0x1b: {  	_ =	swait.ge @!p0 [sflag:s3], $0x1870  }
0x1c: {  	[sflag:s3] =	ssyncset.done @!p0 $0x0  }
0x1d: {  	s0 =	sadd.s32 @!p0 s2, s7;
	s2 =	simm.s32 @!p0 $0x3100;
	[sflag:s3] =	ssyncadd.s32 @!p0 $0xFFFFE790  }
0x1e: {  	[tilespmem:s2], [sflag:$0x1] =	stream.linear.gather @!p0 [hbm4b:s0+s4], $0x1870, $0x38;
	[tilespmem:$0x7520] =	vst v63  }
0x1f: {  	_ =	swait.ge @!p0 [sflag:s3], $0x1870  }
0x20: {  	[sflag:s3] =	ssyncset.done @!p0 $0x0  }
0x21: {  	v0 =	vimm.f32 $0.0e+00;
	[sflag:s3] =	ssyncadd.s32 @!p0 $0xFFFFE790  }
0x22: {  	[tilespmem:$0x6200] =	vst v0  }
0x23: {  	[tilespmem:$0x6280] =	vst v0  }
0x24: {  	[tilespmem:$0x6300] =	vst v0  }
0x25: {  	[tilespmem:$0x6380] =	vst v0  }
0x26: {  	[tilespmem:$0x6400] =	vst v0  }
0x27: {  	[tilespmem:$0x6480] =	vst v0  }
0x28: {  	[tilespmem:$0x6500] =	vst v0  }
0x29: {  	[tilespmem:$0x6580] =	vst v0  }
0x2a: {  	[tilespmem:$0x6600] =	vst v0  }
0x2b: {  	[tilespmem:$0x6680] =	vst v0  }
0x2c: {  	[tilespmem:$0x6700] =	vst v0  }
0x2d: {  	[tilespmem:$0x6780] =	vst v0  }
0x2e: {  	[tilespmem:$0x6800] =	vst v0  }
0x2f: {  	[tilespmem:$0x6880] =	vst v0  }
0x30: {  	[tilespmem:$0x6900] =	vst v0  }
0x31: {  	[tilespmem:$0x6980] =	vst v0  }
0x32: {  	[tilespmem:$0x6A00] =	vst v0  }
0x33: {  	[tilespmem:$0x6A80] =	vst v0  }
0x34: {  	[tilespmem:$0x6B00] =	vst v0  }
0x35: {  	[tilespmem:$0x6B80] =	vst v0  }
0x36: {  	[tilespmem:$0x6C00] =	vst v0  }
0x37: {  	[tilespmem:$0x6C80] =	vst v0  }
0x38: {  	[tilespmem:$0x6D00] =	vst v0  }
0x39: {  	[tilespmem:$0x6D80] =	vst v0  }
0x3a: {  	[tilespmem:$0x6E00] =	vst v0  }
0x3b: {  	[tilespmem:$0x6E80] =	vst v0  }
0x3c: {  	[tilespmem:$0x6F00] =	vst v0  }
0x3d: {  	[tilespmem:$0x6F80] =	vst v0  }
0x3e: {  	[tilespmem:$0x7000] =	vst v0  }
0x3f: {  	[tilespmem:$0x7080] =	vst v0  }
0x40: {  	[tilespmem:$0x7100] =	vst v0  }
0x41: {  	[tilespmem:$0x7180] =	vst v0  }
0x42: {  	s10 =	simm.s32 $0x1880;
	v1 =	vld [tilespmem:s6+$0x0]  }
0x43: {  	v2 =	vld [tilespmem:s10+$0x0];
	_ =	sdelay $0x4  }
0x44: {  	v1 =	vadd.f32 v2, v1  }
0x45: {  	s23 =	simm.s32 $0x6200  }
0x46: {  	s24 =	simm.s32 $0x6A00;
	[dreg:$0x8] =	wrdreg s23;
	vm0 =	vgt.f32 v1, $0.0e+00  }
0x47: {  	s25 =	simm.s32 $0x6280;
	s11 =	simm.s32 $0x4980;
	[dreg:$0x9] =	wrdreg s24;
	v1 =	vsel vm0, $0x3F800000, v0  }
0x48: {  	s26 =	simm.s32 $0x6A80;
	[dreg:$0xa] =	wrdreg s25;
	s3 =	simm.s32 $0x3100;
	[tilespmem:s11+$0x0] =	vst v1  }
0x49: {  	s2 =	simm.s32 $0x6300;
	[dreg:$0xb] =	wrdreg s26;
	v2 =	vld [tilespmem:s3+$0x0]  }
0x4a: {  	s4 =	simm.s32 $0x6B00;
	[dreg:$0xc] =	wrdreg s2  }
0x4b: {  	s8 =	simm.s32 $0x6380;
	[dreg:$0xd] =	wrdreg s4  }
0x4c: {  	s12 =	simm.s32 $0x6B80;
	[dreg:$0xe] =	wrdreg s8  }
0x4d: {  	s13 =	simm.s32 $0x6400;
	[dreg:$0xf] =	wrdreg s12  }
0x4e: {  	s14 =	simm.s32 $0x6C00;
	[dreg:$0x10] =	wrdreg s13;
	vm12 =	veq.s32 v2, $0x0  }
0x4f: {  	s15 =	simm.s32 $0x6480;
	[dreg:$0x11] =	wrdreg s14;
	v3 =	vsel vm12, $0x3F800000, v0  }
0x50: {  	[dreg:$0x12] =	wrdreg s15;
	vm13 =	veq.s32 v2, $0x1;
	v4 =	vmul.f32 v3, v1  }
0x51: {  	s16 =	rddreg [dreg:$0x8];
	v5 =	vsel vm13, $0x3F800000, v0  }
0x52: {  	s17 =	rddreg [dreg:$0x9];
	vm14 =	veq.s32 v2, $0x2;
	v44 =	vmul.f32 v5, v1;
	[tilespmem:s16+$0x0] =	vst.add.f32.msk $0xffff, v4  }
0x53: {  	s18 =	rddreg [dreg:$0xa];
	[tilespmem:s17+$0x0] =	vst.add.f32.msk $0xffff, v3;
	v3 =	vsel vm14, $0x3F800000, v0  }
0x54: {  	s19 =	rddreg [dreg:$0xb];
	vm15 =	veq.s32 v2, $0x3;
	[tilespmem:s18+$0x0] =	vst.add.f32.msk $0xffff, v44;
	v45 =	vmul.f32 v3, v1  }
0x55: {  	s20 =	rddreg [dreg:$0xc];
	v46 =	vsel vm15, $0x3F800000, v0;
	[tilespmem:s19+$0x0] =	vst.add.f32.msk $0xffff, v5  }
0x56: {  	s21 =	rddreg [dreg:$0xd];
	vm4 =	veq.s32 v2, $0x4;
	v47 =	vmul.f32 v46, v1;
	[tilespmem:s20+$0x0] =	vst.add.f32.msk $0xffff, v45  }
0x57: {  	s22 =	rddreg [dreg:$0xe];
	[tilespmem:s21+$0x0] =	vst.add.f32.msk $0xffff, v3;
	v3 =	vsel vm4, $0x3F800000, v0  }
0x58: {  	s23 =	rddreg [dreg:$0xf];
	vm5 =	veq.s32 v2, $0x5;
	[tilespmem:s22+$0x0] =	vst.add.f32.msk $0xffff, v47;
	v48 =	vmul.f32 v3, v1  }
0x59: {  	s24 =	rddreg [dreg:$0x10];
	v49 =	vsel vm5, $0x3F800000, v0;
	[tilespmem:s23+$0x0] =	vst.add.f32.msk $0xffff, v46  }
0x5a: {  	s25 =	rddreg [dreg:$0x11];
	vm6 =	veq.s32 v2, $0x6;
	v50 =	vmul.f32 v49, v1;
	[tilespmem:s24+$0x0] =	vst.add.f32.msk $0xffff, v48  }
0x5b: {  	s26 =	rddreg [dreg:$0x12];
	[tilespmem:s25+$0x0] =	vst.add.f32.msk $0xffff, v3;
	v3 =	vsel vm6, $0x3F800000, v0  }
0x5c: {  	s12 =	simm.s32 $0x6C80;
	vm7 =	veq.s32 v2, $0x7;
	[tilespmem:s26+$0x0] =	vst.add.f32.msk $0xffff, v50;
	v51 =	vmul.f32 v3, v1  }
0x5d: {  	s13 =	simm.s32 $0x6500;
	v52 =	vsel vm7, $0x3F800000, v0;
	[tilespmem:s12+$0x0] =	vst.add.f32.msk $0xffff, v49  }
0x5e: {  	s14 =	simm.s32 $0x6D00;
	vm8 =	veq.s32 v2, $0x8;
	v53 =	vmul.f32 v52, v1;
	[tilespmem:s13+$0x0] =	vst.add.f32.msk $0xffff, v51  }
0x5f: {  	s15 =	simm.s32 $0x6580;
	[tilespmem:s14+$0x0] =	vst.add.f32.msk $0xffff, v3;
	v3 =	vsel vm8, $0x3F800000, v0  }
0x60: {  	vm9 =	veq.s32 v2, $0x9;
	s16 =	simm.s32 $0x6D80;
	[tilespmem:s15+$0x0] =	vst.add.f32.msk $0xffff, v53;
	v54 =	vmul.f32 v3, v1  }
0x61: {  	v55 =	vsel vm9, $0x3F800000, v0;
	s17 =	simm.s32 $0x6600;
	[tilespmem:s16+$0x0] =	vst.add.f32.msk $0xffff, v52  }
0x62: {  	vm10 =	veq.s32 v2, $0xA;
	v56 =	vmul.f32 v55, v1;
	s18 =	simm.s32 $0x6E00;
	[tilespmem:s17+$0x0] =	vst.add.f32.msk $0xffff, v54  }
0x63: {  	s19 =	simm.s32 $0x6680;
	[tilespmem:s18+$0x0] =	vst.add.f32.msk $0xffff, v3;
	v3 =	vsel vm10, $0x3F800000, v0  }
0x64: {  	vm11 =	veq.s32 v2, $0xB;
	s20 =	simm.s32 $0x6E80;
	[tilespmem:s19+$0x0] =	vst.add.f32.msk $0xffff, v56;
	v57 =	vmul.f32 v3, v1  }
0x65: {  	v58 =	vsel vm11, $0x3F800000, v0;
	s21 =	simm.s32 $0x6700;
	[tilespmem:s20+$0x0] =	vst.add.f32.msk $0xffff, v55  }
0x66: {  	vm12 =	veq.s32 v2, $0xC;
	v59 =	vmul.f32 v58, v1;
	s22 =	simm.s32 $0x6F00;
	[tilespmem:s21+$0x0] =	vst.add.f32.msk $0xffff, v57  }
0x67: {  	s23 =	simm.s32 $0x6780;
	[tilespmem:s22+$0x0] =	vst.add.f32.msk $0xffff, v3;
	v3 =	vsel vm12, $0x3F800000, v0  }
0x68: {  	vm13 =	veq.s32 v2, $0xD;
	s24 =	simm.s32 $0x6F80;
	[tilespmem:s23+$0x0] =	vst.add.f32.msk $0xffff, v59;
	v60 =	vmul.f32 v3, v1  }
0x69: {  	s0 =	simm.s32 @!p0 $0x187;
	v61 =	vsel vm13, $0x3F800000, v0;
	s25 =	simm.s32 $0x6800;
	[tilespmem:s24+$0x0] =	vst.add.f32.msk $0xffff, v58  }
0x6a: {  	s28 =	simm.s32 $0x6880;
	s0 =	simm.s32 @p0 $0x181;
	v62 =	vmul.f32 v61, v1;
	vm14 =	veq.s32 v2, $0xE;
	s26 =	simm.s32 $0x7000;
	[tilespmem:s25+$0x0] =	vst.add.f32.msk $0xffff, v60  }
0x6b: {  	s4 =	sadd.s32 s9, s7;
	p0 =	sne.s32 s0, $0x1;
	s3 =	sshll.u32 s1, $0x5;
	[tilespmem:s26+$0x0] =	vst.add.f32.msk $0xffff, v3;
	v3 =	vsel vm14, $0x3F800000, v0  }
.Ltmp0:
0x6c: {  	s8 =	sadd.s32 s3, s29;
	s29 =	simm.s32 $0x7080;
	vm15 =	veq.s32 v2, $0xF;
	[tilespmem:s28+$0x0] =	vst.add.f32.msk $0xffff, v62;
	v63 =	vmul.f32 v3, v1;
	(pc) =	sbr.rel @!p0 .LBB2_2-.Ltmp0, $4  }
0x6d: {  	s30 =	simm.s32 $0x6900;
	s7 =	sadd.s32 $0x30D2, s5;
	[dreg:$0x14] =	wrdreg s4;
	v2 =	vsel vm15, $0x3F800000, v0;
	[tilespmem:s29+$0x0] =	vst.add.f32.msk $0xffff, v61  }
0x6e: {  	s31 =	simm.s32 $0x7100;
	s9 =	sadd.s32 $0x2DD2, s9;
	[dreg:$0x13] =	wrdreg s7;
	v1 =	vmul.f32 v2, v1;
	[tilespmem:s30+$0x0] =	vst.add.f32.msk $0xffff, v63  }
0x6f: {  	s2 =	simm.s32 $0x6980;
	[dreg:$0x15] =	wrdreg s9;
	[tilespmem:s31+$0x0] =	vst.add.f32.msk $0xffff, v3  }
0x70: {  	s4 =	simm.s32 $0x3110;
	s3 =	sadd.s32 $0xFFFFFFFF, s0;
	s0 =	simm.s32 $0x7180;
	[tilespmem:s2+$0x0] =	vst.add.f32.msk $0xffff, v1  }
.LBB2_1:
0x71: {  	[tilespmem:s0+$0x0] =	vst.add.f32.msk $0xffff, v2;
	s6 =	sadd.s32 $0x10, s6  }
0x72: {  	s10 =	sadd.s32 $0x10, s10;
	v1 =	vld [tilespmem:s6+$0x0]  }
0x73: {  	v2 =	vld [tilespmem:s10+$0x0];
	_ =	sdelay $0x4  }
0x74: {  	v1 =	vadd.f32 v2, v1;
	_ =	sdelay $0x1  }
0x75: {  	vm0 =	vgt.f32 v1, $0.0e+00  }
0x76: {  	s11 =	sadd.s32 $0x10, s11;
	v1 =	vsel vm0, $0x3F800000, v0  }
0x77: {  	[tilespmem:s11+$0x0] =	vst v1  }
0x78: {  	v2 =	vld [tilespmem:s4+$0x0];
	_ =	sdelay $0x4  }
0x79: {  	vm11 =	veq.s32 v2, $0x0  }
0x7a: {  	vm1 =	veq.s32 v2, $0x1;
	v3 =	vsel vm11, $0x3F800000, v0  }
0x7b: {  	vm2 =	veq.s32 v2, $0x2;
	vm12 =	veq.s32 v2, $0x3;
	v4 =	vmul.f32 v3, v1  }
0x7c: {  	s5 =	rddreg [dreg:$0x8];
	vm10 =	veq.s32 v2, $0x5;
	vm9 =	veq.s32 v2, $0x6;
	v5 =	vsel vm1, $0x3F800000, v0  }
0x7d: {  	s7 =	rddreg [dreg:$0x9];
	vm8 =	veq.s32 v2, $0x7;
	vm7 =	veq.s32 v2, $0x8;
	v55 =	vmul.f32 v5, v1;
	[tilespmem:s5+$0x0] =	vst.add.f32.msk $0xffff, v4  }
0x7e: {  	s9 =	rddreg [dreg:$0xa];
	vm6 =	veq.s32 v2, $0x9;
	vm5 =	veq.s32 v2, $0xA;
	[tilespmem:s7+$0x0] =	vst.add.f32.msk $0xffff, v3;
	v3 =	vsel vm2, $0x3F800000, v0  }
0x7f: {  	vm4 =	veq.s32 v2, $0xB;
	vm3 =	veq.s32 v2, $0xC;
	s5 =	rddreg [dreg:$0xb];
	[tilespmem:s9+$0x0] =	vst.add.f32.msk $0xffff, v55;
	v56 =	vmul.f32 v3, v1  }
0x80: {  	vm13 =	veq.s32 v2, $0xD;
	vm14 =	veq.s32 v2, $0xE;
	v57 =	vsel vm12, $0x3F800000, v0;
	s7 =	rddreg [dreg:$0xc];
	[tilespmem:s5+$0x0] =	vst.add.f32.msk $0xffff, v5  }
0x81: {  	vm15 =	veq.s32 v2, $0xF;
	vm11 =	veq.s32 v2, $0x4;
	v2 =	vmul.f32 v57, v1;
	s9 =	rddreg [dreg:$0xd];
	[tilespmem:s7+$0x0] =	vst.add.f32.msk $0xffff, v56  }
0x82: {  	s5 =	rddreg [dreg:$0xe];
	[tilespmem:s9+$0x0] =	vst.add.f32.msk $0xffff, v3;
	v3 =	vsel vm11, $0x3F800000, v0  }
0x83: {  	s7 =	rddreg [dreg:$0xf];
	[tilespmem:s5+$0x0] =	vst.add.f32.msk $0xffff, v2;
	v2 =	vmul.f32 v3, v1  }
0x84: {  	v58 =	vsel vm10, $0x3F800000, v0;
	s9 =	rddreg [dreg:$0x10];
	[tilespmem:s7+$0x0] =	vst.add.f32.msk $0xffff, v57  }
0x85: {  	s5 =	rddreg [dreg:$0x11];
	[tilespmem:s9+$0x0] =	vst.add.f32.msk $0xffff, v2;
	v2 =	vmul.f32 v58, v1  }
0x86: {  	s7 =	rddreg [dreg:$0x12];
	[tilespmem:s5+$0x0] =	vst.add.f32.msk $0xffff, v3;
	v3 =	vsel vm9, $0x3F800000, v0  }
0x87: {  	[tilespmem:s7+$0x0] =	vst.add.f32.msk $0xffff, v2;
	v2 =	vmul.f32 v3, v1  }
0x88: {  	v59 =	vsel vm8, $0x3F800000, v0;
	[tilespmem:s12+$0x0] =	vst.add.f32.msk $0xffff, v58  }
0x89: {  	[tilespmem:s13+$0x0] =	vst.add.f32.msk $0xffff, v2;
	v2 =	vmul.f32 v59, v1  }
0x8a: {  	[tilespmem:s14+$0x0] =	vst.add.f32.msk $0xffff, v3;
	v3 =	vsel vm7, $0x3F800000, v0  }
0x8b: {  	[tilespmem:s15+$0x0] =	vst.add.f32.msk $0xffff, v2;
	v2 =	vmul.f32 v3, v1  }
0x8c: {  	v60 =	vsel vm6, $0x3F800000, v0;
	[tilespmem:s16+$0x0] =	vst.add.f32.msk $0xffff, v59  }
0x8d: {  	[tilespmem:s17+$0x0] =	vst.add.f32.msk $0xffff, v2;
	v2 =	vmul.f32 v60, v1  }
0x8e: {  	[tilespmem:s18+$0x0] =	vst.add.f32.msk $0xffff, v3;
	v3 =	vsel vm5, $0x3F800000, v0  }
0x8f: {  	[tilespmem:s19+$0x0] =	vst.add.f32.msk $0xffff, v2;
	v2 =	vmul.f32 v3, v1  }
0x90: {  	v61 =	vsel vm4, $0x3F800000, v0;
	[tilespmem:s20+$0x0] =	vst.add.f32.msk $0xffff, v60  }
0x91: {  	[tilespmem:s21+$0x0] =	vst.add.f32.msk $0xffff, v2;
	v2 =	vmul.f32 v61, v1  }
0x92: {  	[tilespmem:s22+$0x0] =	vst.add.f32.msk $0xffff, v3;
	v3 =	vsel vm3, $0x3F800000, v0  }
0x93: {  	[tilespmem:s23+$0x0] =	vst.add.f32.msk $0xffff, v2;
	v2 =	vmul.f32 v3, v1  }
0x94: {  	v62 =	vsel vm13, $0x3F800000, v0;
	[tilespmem:s24+$0x0] =	vst.add.f32.msk $0xffff, v61  }
0x95: {  	[tilespmem:s25+$0x0] =	vst.add.f32.msk $0xffff, v2;
	v2 =	vmul.f32 v62, v1  }
0x96: {  	p0 =	sne.s32 s3, $0x1;
	[tilespmem:s26+$0x0] =	vst.add.f32.msk $0xffff, v3;
	v3 =	vsel vm14, $0x3F800000, v0  }
.Ltmp1:
0x97: {  	[tilespmem:s28+$0x0] =	vst.add.f32.msk $0xffff, v2;
	v63 =	vmul.f32 v3, v1;
	(pc) =	sbr.rel @p0 .LBB2_1-.Ltmp1, $4  }
0x98: {  	v2 =	vsel vm15, $0x3F800000, v0;
	[tilespmem:s29+$0x0] =	vst.add.f32.msk $0xffff, v62  }
0x99: {  	v1 =	vmul.f32 v2, v1;
	[tilespmem:s30+$0x0] =	vst.add.f32.msk $0xffff, v63  }
0x9a: {  	[tilespmem:s31+$0x0] =	vst.add.f32.msk $0xffff, v3  }
0x9b: {  	s3 =	sadd.s32 $0xFFFFFFFF, s3;
	s4 =	sadd.s32 $0x10, s4;
	[tilespmem:s2+$0x0] =	vst.add.f32.msk $0xffff, v1  }
.LBB2_2:
0x9c: {  	[tilespmem:s0+$0x0] =	vst.add.f32.msk $0xffff, v2  }
0x9d: {  	v0 =	vld [tilespmem:$0x6200]  }
0x9e: {  	v1 =	vld [tilespmem:$0x6280]  }
0x9f: {  	v2 =	vld [tilespmem:$0x6300]  }
0xa0: {  	v3 =	vld [tilespmem:$0x6380]  }
0xa1: {  	v4 =	vld [tilespmem:$0x6400]  }
0xa2: {  	v44 =	vld [tilespmem:$0x6480];
	(xrf2) =	vadd.scan.msk.f32 $0xffff, v0  }
0xa3: {  	v45 =	vld [tilespmem:$0x6500];
	(xrf2) =	vadd.scan.msk.f32 $0xffff, v1  }
0xa4: {  	v46 =	vld [tilespmem:$0x6580];
	(xrf2) =	vadd.scan.msk.f32 $0xffff, v2  }
0xa5: {  	v47 =	vld [tilespmem:$0x6600];
	(xrf2) =	vadd.scan.msk.f32 $0xffff, v3  }
0xa6: {  	v48 =	vld [tilespmem:$0x6680];
	(xrf2) =	vadd.scan.msk.f32 $0xffff, v4  }
0xa7: {  	v49 =	vld [tilespmem:$0x6700];
	(xrf2) =	vadd.scan.msk.f32 $0xffff, v44  }
0xa8: {  	v50 =	vld [tilespmem:$0x6780];
	(xrf2) =	vadd.scan.msk.f32 $0xffff, v45  }
0xa9: {  	v51 =	vld [tilespmem:$0x6800];
	(xrf2) =	vadd.scan.msk.f32 $0xffff, v46  }
0xaa: {  	v52 =	vld [tilespmem:$0x6880];
	(xrf2) =	vadd.scan.msk.f32 $0xffff, v47  }
0xab: {  	v53 =	vld [tilespmem:$0x6900];
	(xrf2) =	vadd.scan.msk.f32 $0xffff, v48  }
0xac: {  	v54 =	vld [tilespmem:$0x6980];
	v5, _, _ =	vpop (xrf2);
	(xrf2) =	vadd.scan.msk.f32 $0xffff, v49  }
0xad: {  	v55 =	vld [tilespmem:$0x6A00];
	v6, _, _ =	vpop (xrf2);
	(xrf2) =	vadd.scan.msk.f32 $0xffff, v50  }
0xae: {  	v7, _, _ =	vpop (xrf2);
	(xrf2) =	vadd.scan.msk.f32 $0xffff, v51  }
0xaf: {  	v56 =	vld [tilespmem:$0x6A80];
	v8, _, _ =	vpop (xrf2);
	(xrf2) =	vadd.scan.msk.f32 $0xffff, v52  }
0xb0: {  	v57 =	vld [tilespmem:$0x6B00];
	v9, _, _ =	vpop (xrf2);
	(xrf2) =	vadd.scan.msk.f32 $0xffff, v53  }
0xb1: {  	v59 =	vld [tilespmem:$0x6B80];
	v58, _, _ =	vpop (xrf2);
	(xrf2) =	vadd.scan.msk.f32 $0xffff, v54  }
0xb2: {  	v60 =	vld [tilespmem:$0x6C00];
	v10, _, _ =	vpop (xrf2);
	(xrf2) =	vadd.scan.msk.f32 $0xffff, v55  }
0xb3: {  	v61 =	vld [tilespmem:$0x6C80];
	v11, _, _ =	vpop (xrf2)  }
0xb4: {  	v62 =	vld [tilespmem:$0x6D00];
	(xrf2) =	vadd.scan.msk.f32 $0xffff, v56;
	v12, _, _ =	vpop (xrf2)  }
0xb5: {  	v14 =	vld [tilespmem:$0x6D80];
	(xrf2) =	vadd.scan.msk.f32 $0xffff, v57;
	v13, _, _ =	vpop (xrf2)  }
0xb6: {  	vm2 =	vmmov $0x1;
	vm4 =	vmmov $0x3;
	vm0 =	vmmov $0x7;
	v63 =	vld [tilespmem:$0x6E00];
	(xrf2) =	vadd.scan.msk.f32 $0xffff, v59;
	v15, _, _ =	vpop (xrf2)  }
0xb7: {  	vm3 =	vmmov $0xf;
	vm1 =	vmmov $0x1f;
	vm5 =	vmmov $0x3f;
	v18 =	vld [tilespmem:$0x6E80];
	(xrf2) =	vadd.scan.msk.f32 $0xffff, v60;
	v17, _, _ =	vpop (xrf2)  }
0xb8: {  	vm6 =	vmmov $0x7f;
	v21 =	vld [tilespmem:$0x6F00];
	v5 =	vbroadcast v5, $0xF;
	v6 =	vbroadcast v6, $0xF;
	(xrf2) =	vadd.scan.msk.f32 $0xffff, v61;
	v20, _, _ =	vpop (xrf2)  }
0xb9: {  	vm7 =	vmmov $0xff;
	vm8 =	vmmov $0x1ff;
	v23 =	vld [tilespmem:$0x6F80];
	v7 =	vbroadcast v7, $0xF;
	(xrf2) =	vadd.scan.msk.f32 $0xffff, v62;
	v22, _, _ =	vpop (xrf2)  }
0xba: {  	vm10 =	vmmov $0x3ff;
	v26 =	vld [tilespmem:$0x7000];
	v5 =	vsel vm2, v5, v6;
	v16 =	vbroadcast v8, $0xF;
	v25, _, _ =	vpop (xrf2);
	(xrf2) =	vadd.scan.msk.f32 $0xffff, v14  }
0xbb: {  	vm11 =	vmmov $0x7ff;
	v29 =	vld [tilespmem:$0x7080];
	v5 =	vsel vm4, v5, v7;
	v19 =	vbroadcast v9, $0xF;
	v28, _, _ =	vpop (xrf2);
	(xrf2) =	vadd.scan.msk.f32 $0xffff, v63  }
0xbc: {  	vm12 =	vmmov $0xfff;
	v31 =	vld [tilespmem:$0x7100];
	v5 =	vsel vm0, v5, v16;
	v4 =	vbroadcast v58, $0xF;
	v30, _, _ =	vpop (xrf2);
	(xrf2) =	vadd.scan.msk.f32 $0xffff, v18  }
0xbd: {  	vm13 =	vmmov $0x1fff;
	v5 =	vsel vm3, v5, v19;
	v24 =	vbroadcast v10, $0xF;
	(xrf2) =	vadd.scan.msk.f32 $0xffff, v21  }
0xbe: {  	vm14 =	vmmov $0x3fff;
	v4 =	vsel vm1, v5, v4;
	v27 =	vbroadcast v11, $0xF;
	v34, _, _ =	vpop (xrf2);
	(xrf2) =	vadd.scan.msk.f32 $0xffff, v23  }
0xbf: {  	v36 =	vld [tilespmem:$0x7180];
	v4 =	vsel vm5, v4, v24;
	v7 =	vbroadcast v30, $0xF;
	v2 =	vbroadcast v34, $0xF;
	v35, _, _ =	vpop (xrf2);
	(xrf2) =	vadd.scan.msk.f32 $0xffff, v26  }
0xc0: {  	v32 =	vbroadcast v12, $0xF;
	v4 =	vsel vm6, v4, v27;
	v3 =	vbroadcast v35, $0xF;
	v37, _, _ =	vpop (xrf2);
	(xrf2) =	vadd.scan.msk.f32 $0xffff, v29  }
0xc1: {  	v33 =	vbroadcast v13, $0xF;
	v2 =	vsel vm2, v7, v2;
	v39 =	vbroadcast v37, $0xF;
	v40, _, _ =	vpop (xrf2);
	(xrf2) =	vadd.scan.msk.f32 $0xffff, v31  }
0xc2: {  	v4 =	vsel vm7, v4, v32;
	v2 =	vsel vm4, v2, v3;
	v41, _, _ =	vpop (xrf2);
	v7 =	vbroadcast v40, $0xF  }
0xc3: {  	v38 =	vbroadcast v15, $0xF;
	v43, _, _ =	vpop (xrf2);
	v2 =	vsel vm0, v2, v39;
	v1 =	vbroadcast v41, $0xF  }
0xc4: {  	v4 =	vsel vm8, v4, v33;
	v2 =	vsel vm3, v2, v7;
	v44 =	vbroadcast v43, $0xF;
	v45, _, _ =	vpop (xrf2);
	(xrf2) =	vadd.scan.msk.f32 $0xffff, v36  }
0xc5: {  	v42 =	vbroadcast v17, $0xF;
	v1 =	vsel vm1, v2, v1;
	v46, _, _ =	vpop (xrf2);
	v48 =	vbroadcast v45, $0xF  }
0xc6: {  	v0 =	vsel vm10, v4, v38;
	v1 =	vsel vm5, v1, v44;
	v49, _, _ =	vpop (xrf2);
	v50 =	vbroadcast v46, $0xF  }
0xc7: {  	v47 =	vbroadcast v20, $0xF;
	v51, _, _ =	vpop (xrf2);
	v1 =	vsel vm6, v1, v48;
	v52 =	vbroadcast v49, $0xF  }
0xc8: {  	v0 =	vsel vm11, v0, v42;
	v53, _, _ =	vpop (xrf2);
	v1 =	vsel vm7, v1, v50;
	v54 =	vbroadcast v51, $0xF  }
0xc9: {  	v6 =	vbroadcast v22, $0xF;
	v55, _, _ =	vpop (xrf2);
	v1 =	vsel vm8, v1, v52;
	v56 =	vbroadcast v53, $0xF  }
0xca: {  	v0 =	vsel vm12, v0, v47;
	v57, _, _ =	vpop (xrf2);
	v1 =	vsel vm10, v1, v54;
	v58 =	vbroadcast v55, $0xF  }
0xcb: {  	v60 =	vbroadcast v25, $0xF;
	v59, _, _ =	vpop (xrf2);
	v1 =	vsel vm11, v1, v56;
	v4 =	vbroadcast v57, $0xF  }
0xcc: {  	v0 =	vsel vm13, v0, v6;
	v1 =	vsel vm12, v1, v58;
	v61 =	vbroadcast v59, $0xF  }
0xcd: {  	vm15 =	vmmov $0x7fff;
	v0 =	vsel vm14, v0, v60;
	v1 =	vsel vm13, v1, v4  }
0xce: {  	v0 =	vsel vm15, v0, v28;
	v1 =	vsel vm14, v1, v61;
	v62, _, _ =	vpop (xrf2)  }
0xcf: {  	[tilespmem:$0x7200] =	vst v0;
	v63 =	vsel vm15, v1, v62  }
0xd0: {  	s31 =	simm.s32 $0x7200;
	s2 =	simm.s32 $0x1;
	p0 =	sne.s32 s1, $0xF;
	[tilespmem:$0x7210] =	vst v63  }
0xd1: {  	[spmem:s8] =	stream.linear.scatter [tilespmem:s31], [sflag:$0x1], $0x20, $0x38;
	[tilespmem:$0x7520] =	vst v63  }
.Ltmp2:
0xd2: {  	_ =	swait.ge [sflag:s2], $0x20;
	(pc) =	sbr.rel @p0 .LBB2_4-.Ltmp2, $4  }
0xd3: {  	[sflag:s2] =	ssyncset.done $0x0  }
0xd4: {  	[sflag:s2] =	ssyncadd.s32 $0xFFFFFFE0  }
0xd5: {  	[bflag:$0x0] =	sbarrier.arrive $0xFFFF  }
0xd6: {  	s0 =	simm.s32 $0x0;
	s3 =	simm.s32 $0x4980  }
.Ltmp3:
0xd7: {  	s4 =	rddreg [dreg:$0x15];
	(pc) =	sbr.rel .LBB2_6-.Ltmp3, $4  }
0xd8: {  	[hbm4b:s4+s0] =	stream.linear.scatter [tilespmem:s3], [sflag:$0x1], $0x1810, $0x38;
	[tilespmem:$0x7520] =	vst v63  }
0xd9: {  	_ =	swait.ge [sflag:s2], $0x1810  }
0xda: {  	[sflag:s2] =	ssyncset.done $0x0  }
0xdb: {  	[sflag:s2] =	ssyncadd.s32 $0xFFFFE7F0  }
.LBB2_4:
0xdc: {  	s4 =	rddreg [dreg:$0x14]  }
0xdd: {  	[hbm4b:s4+s0] =	stream.linear.scatter [tilespmem:s3], [sflag:$0x1], $0x1870, $0x38;
	[tilespmem:$0x7520] =	vst v63  }
0xde: {  	_ =	swait.ge [sflag:s2], $0x1870  }
0xdf: {  	[sflag:s2] =	ssyncset.done $0x0  }
0xe0: {  	p0 =	sne.s32 s1, $0x0;
	[sflag:s2] =	ssyncadd.s32 $0xFFFFE790  }
0xe1: {  	_ =	sfence.sel @p0 $0x180000  }
0xe2: {  	[bflag:$0x0] =	sbarrier.arrive @p0 $0xFFFF  }
0xe3: {  	_ =	strace @p0 $0x9000004A  }
0xe4: {  	[bflag:$0x2] =	sbarrier.arrive @p0 $0xFFFF  }
0xe5: {  	_ =	shalt @p0  }
.LBB2_5:
0xe6: {  	s2 =	simm.s32 $0x7280;
	s3 =	rddreg [dreg:$0x6];
	s22 =	simm.s32 $0x1  }
0xe7: {  	[tilespmem:s2], [sflag:$0x1] =	stream.linear.gather [spmem:s3], $0x200, $0x38;
	[tilespmem:$0x7520] =	vst v63  }
0xe8: {  	_ =	swait.ge [sflag:s22], $0x200  }
0xe9: {  	[sflag:s22] =	ssyncset.done $0x0  }
0xea: {  	[sflag:s22] =	ssyncadd.s32 $0xFFFFFE00  }
0xeb: {  	v0 =	vld [tilespmem:$0x7290]  }
0xec: {  	v1 =	vld [tilespmem:$0x72B0]  }
0xed: {  	v2 =	vld [tilespmem:$0x72D0]  }
0xee: {  	v3 =	vld [tilespmem:$0x72F0]  }
0xef: {  	v4 =	vld [tilespmem:$0x7310]  }
0xf0: {  	v5 =	vld [tilespmem:$0x7330]  }
0xf1: {  	v6 =	vld [tilespmem:$0x7350]  }
0xf2: {  	v7 =	vld [tilespmem:$0x7370]  }
0xf3: {  	v8 =	vld [tilespmem:$0x7390]  }
0xf4: {  	v9 =	vld [tilespmem:$0x73B0]  }
0xf5: {  	v10 =	vld [tilespmem:$0x73D0]  }
0xf6: {  	v11 =	vld [tilespmem:$0x73F0]  }
0xf7: {  	v12 =	vld [tilespmem:$0x7410]  }
0xf8: {  	v13 =	vld [tilespmem:$0x7430]  }
0xf9: {  	v14 =	vld [tilespmem:$0x7450]  }
0xfa: {  	v15 =	vld [tilespmem:$0x7470]  }
0xfb: {  	v16 =	vld [tilespmem:$0x7280]  }
0xfc: {  	v17 =	vld [tilespmem:$0x72A0]  }
0xfd: {  	v18 =	vld [tilespmem:$0x72C0]  }
0xfe: {  	v19 =	vld [tilespmem:$0x72E0]  }
0xff: {  	v20 =	vld [tilespmem:$0x7300]  }
0x100: {  	v21 =	vld [tilespmem:$0x7320]  }
0x101: {  	v22 =	vld [tilespmem:$0x7340]  }
0x102: {  	v23 =	vld [tilespmem:$0x7360]  }
0x103: {  	v24 =	vld [tilespmem:$0x7380]  }
0x104: {  	v25 =	vld [tilespmem:$0x73A0]  }
0x105: {  	v26 =	vld [tilespmem:$0x73C0]  }
0x106: {  	v27 =	vld [tilespmem:$0x73E0]  }
0x107: {  	v28 =	vld [tilespmem:$0x7400]  }
0x108: {  	v29 =	vld [tilespmem:$0x7420]  }
0x109: {  	s23 =	simm.s32 $0x7480;
	s4 =	rddreg [dreg:$0x13];
	v30 =	vld [tilespmem:$0x7440]  }
0x10a: {  	v31 =	vld [tilespmem:$0x7460];
	[tilespmem:s23], [sflag:$0x1] =	stream.linear.gather [hbm4b:s4+s0], $0x10, $0x38  }
0x10b: {  	_ =	swait.ge [sflag:s22], $0x10  }
0x10c: {  	[sflag:s22] =	ssyncset.done $0x0  }
0x10d: {  	[sflag:s22] =	ssyncadd.s32 $0xFFFFFFF0  }
0x10e: {  	v32 =	vld [tilespmem:$0x7480];
	_ =	sdelay $0x4  }
0x10f: {  	v32 =	vxor.u32 $0x80000000, v32  }
0x110: {  	(xrf0) =	vmax.scan.msk.u32 $0xffff, v32  }
0x111: {  	v0 =	vadd.f32 $0.0e+00, v0  }
0x112: {  	v61 =	vadd.f32 $0.0e+00, v16  }
0x113: {  	v0 =	vadd.f32 v1, v0  }
0x114: {  	v1 =	vadd.f32 v17, v61  }
0x115: {  	v0 =	vadd.f32 v2, v0  }
0x116: {  	v1 =	vadd.f32 v18, v1;
	v62, _, _ =	vpop (xrf0)  }
0x117: {  	v0 =	vadd.f32 v3, v0;
	(v2sf) =	vpush v62, $0xF;
	_ =	sdelay $0x1  }
0x118: {  	v1 =	vadd.f32 v19, v1;
	v0 =	vadd.f32 v4, v0;
	_ =	sdelay $0x1  }
0x119: {  	v1 =	vadd.f32 v20, v1;
	v0 =	vadd.f32 v5, v0;
	_ =	sdelay $0x1  }
0x11a: {  	v1 =	vadd.f32 v21, v1;
	v0 =	vadd.f32 v6, v0;
	_ =	sdelay $0x1  }
0x11b: {  	v1 =	vadd.f32 v22, v1;
	v0 =	vadd.f32 v7, v0;
	_ =	sdelay $0x1  }
0x11c: {  	v1 =	vadd.f32 v23, v1;
	v0 =	vadd.f32 v8, v0;
	_ =	sdelay $0x1  }
0x11d: {  	v1 =	vadd.f32 v24, v1;
	v0 =	vadd.f32 v9, v0;
	_ =	sdelay $0x1  }
0x11e: {  	v1 =	vadd.f32 v25, v1;
	v0 =	vadd.f32 v10, v0  }
0x11f: {  	s24 =	spop (v2sf)  }
0x120: {  	s3 =	simm.s32 $0x1;
	v1 =	vadd.f32 v26, v1;
	v0 =	vadd.f32 v11, v0;
	s25 =	sadd.s32 $0x80000001, s24;
	p0 =	slt.s32 s24, $0xFFFFFFFF  }
0x121: {  	s5 =	sshra.s32 s25, $0x1F;
	s3 =	simm.s32 @!p0 $0x0  }
0x122: {  	v1 =	vadd.f32 v27, v1;
	v0 =	vadd.f32 v12, v0;
	s6 =	sand.u32 $0xF, s25;
	s3 =	sadd.s32 s3, s5  }
0x123: {  	p1 =	sne.s32 s6, $0x0;
	p6 =	sne.s32 s3, $0x1  }
0x124: {  	v1 =	vadd.f32 v28, v1;
	v0 =	vadd.f32 v13, v0;
	s26 =	sshrl.u32 s5, $0x1C;
	p0 =	por !p1, !p6  }
0x125: {  	s4 =	simm.s32 $0x1;
	s3 =	sadd.s32 s26, s25;
	p0 =	por !p0, !p0  }
0x126: {  	v1 =	vadd.f32 v29, v1;
	v0 =	vadd.f32 v14, v0;
	s3 =	sshra.s32 s3, $0x4;
	s4 =	simm.s32 @!p0 $0x0  }
0x127: {  	s3 =	ssub.s32 s3, s4  }
0x128: {  	v1 =	vadd.f32 v30, v1;
	v0 =	vadd.f32 v15, v0;
	s3 =	scvt.s32.f32 s3;
	_ =	sdelay $0x1  }
0x129: {  	v1 =	vadd.f32 v31, v1;
	v0 =	vmul.f32 s3, v0;
	_ =	sdelay $0x1  }
0x12a: {  	v63 =	vimm.f32 $0.0e+00;
	vm0 =	veq.f32 v0, v1  }
0x12b: {  	v0 =	vsub.f32 v0, v1;
	v2 =	vsel vm0, $0x3F800000, v63  }
0x12c: {  	[tilespmem:$0x7200] =	vst v2  }
0x12d: {  	s28 =	simm.s32 $0x7200;
	s29 =	rddreg [dreg:$0x4];
	[tilespmem:$0x7210] =	vst v0  }
0x12e: {  	[hbm4b:s29+s0] =	stream.linear.scatter [tilespmem:s28], [sflag:$0x1], $0x10, $0x38;
	[tilespmem:$0x7520] =	vst v63  }
0x12f: {  	_ =	swait.ge [sflag:s22], $0x10  }
0x130: {  	[sflag:s22] =	ssyncset.done $0x0  }
0x131: {  	[sflag:s22] =	ssyncadd.s32 $0xFFFFFFF0  }
0x132: {  	s30 =	simm.s32 $0x7210;
	s31 =	rddreg [dreg:$0x5]  }
0x133: {  	[hbm4b:s31+s0] =	stream.linear.scatter [tilespmem:s30], [sflag:$0x1], $0x10, $0x38;
	[tilespmem:$0x7520] =	vst v63  }
0x134: {  	_ =	swait.ge [sflag:s22], $0x10  }
0x135: {  	[sflag:s22] =	ssyncset.done $0x0  }
0x136: {  	[sflag:s22] =	ssyncadd.s32 $0xFFFFFFF0  }
.LBB2_6:
0x137: {  	_ =	sfence.sel $0x180000  }
0x138: {  	[bflag:$0x0] =	sbarrier.arrive $0xFFFF  }
0x139: {  	_ =	strace $0x9000004A  }
0x13a: {  	[bflag:$0x2] =	sbarrier.arrive $0xFFFF  }
0x13b: {  	p0 =	sne.s32 s1, $0x0;
	s0 =	rddreg [dreg:$0x7]  }
0x13c: {  	s0 =	sadd.s32 @!p0 $0x100000, s0  }
0x13d: {  	[sflag:s0] =	ssyncadd.tile.s32 @!p0 $0x1;
	_ =	shalt  }
.Lfunc_end2:
_tile_overlayer_lowered:
.L_overlay_start_2:
0x13e: {  	(tag) =	ssettag $0x2  }
0x13f: {  	s0 =	rddreg [dreg:$0x0];
	s2 =	stileid.u32  }
0x140: {  	s1 =	rddreg [dreg:$0x1];
	p0 =	sne.s32 s2, $0x0  }
0x141: {  	s3 =	rddreg [dreg:$0x2];
	[bflag:$0x3] =	sbarrier.arrive $0xFFFF;
	s2 =	simm.s32 @!p0 $0x1C01  }
0x142: {  	[timem:s3], [sflag:s2] =	dma.local @!p0 [hbm:s0], s1  }
0x143: {  	s0 =	simm.s32 @!p0 $0x1  }
0x144: {  	_ =	swait.ge @!p0 [sflag:s0], s1  }
0x145: {  	s1 =	ssub.s32 @!p0 $0x0, s1;
	[sflag:s0] =	ssyncset.done @!p0 $0x0  }
0x146: {  	[sflag:s0] =	ssyncadd.s32 @!p0 s1  }
0x147: {  	[bflag:$0x3] =	sbarrier.arrive $0xFFFF  }
0x148: {  	_ =	shalt  }

</sc_bundles>
